<compile_context>
chip_gen: v7x
topology: tpu7x:2x2x1
jax: 0.10.2.dev20260603
libtpu: 0.0.44.dev20260713+nightly
codegen_flags: <defaults>
</compile_context>

<pallas_src>
import functools

import jax
import jax.numpy as jnp
from jax import lax
from jax.experimental import pallas as pl
from jax.experimental.pallas import tpu as pltpu
from jax.experimental.pallas import tpu_sc as plsc

N = 10000
E = 160000
X = 256
H = 256
HH = 128
C = 5

NW = 32
NP = 10240
GCH = 80
EPS = E // 16
EC = 40
NCH = EPS // EC
NP2 = NCH // 2
ECA = 80
NPA = EPS // ECA
NPA2 = (NPA - 1) // 2
RPS = 624
RB = 1000
GRID = N // RB


def _sc_mesh():
    return plsc.VectorSubcoreMesh(core_axis_name="c", subcore_axis_name="s")


def _emb_gather_body(emb_hbm, xpad_hbm, out_hbm, idx_v, rows_v, sem):
    cid = lax.axis_index("c")
    sid = lax.axis_index("s")
    wid = sid * 2 + cid
    base = wid * (NP // NW)
    for k in range(NP // NW // GCH):
        off = base + k * GCH
        pltpu.sync_copy(xpad_hbm.at[pl.ds(off, GCH)], idx_v)
        pltpu.async_copy(emb_hbm.at[idx_v], rows_v, sem).wait()
        pltpu.sync_copy(rows_v, out_hbm.at[pl.ds(off, GCH)])


def _emb_gather(emb, x_pad):
    return pl.kernel(
        _emb_gather_body,
        out_type=jax.ShapeDtypeStruct((NP, X), jnp.float32),
        mesh=_sc_mesh(),
        scratch_types=[
            pltpu.VMEM((GCH,), jnp.int32),
            pltpu.VMEM((GCH, X), jnp.float32),
            pltpu.SemaphoreType.DMA,
        ],
    )(emb, x_pad)


def _edge_body(h_hbm, hfc_hbm, xf_hbm, idx3_hbm, idxa_hbm,
               zeros_hbm, ht_hbm, fc_hbm,
               acc, ib0, ib1, ga0, ga1,
               hfc0, hfc1, xfb, pa0, pa1,
               sg0, sg1, sgx, ss0, ss1):
    cid = lax.axis_index("c")
    sid = lax.axis_index("s")
    noff = cid * N
    rbase = sid * RPS
    tail = 16 * RPS

    def _zero_acc():
        pltpu.sync_copy(zeros_hbm.at[pl.ds(rbase, RPS)],
                        acc.at[pl.ds(rbase, RPS)])

        @pl.when(sid == 15)
        def _():
            pltpu.sync_copy(zeros_hbm.at[pl.ds(tail, N - tail)],
                            acc.at[pl.ds(tail, N - tail)])

    def _flush_acc(out_hbm):
        pltpu.sync_copy(acc.at[pl.ds(rbase, RPS)],
                        out_hbm.at[pl.ds(noff + rbase, RPS)])

        @pl.when(sid == 15)
        def _():
            pltpu.sync_copy(acc.at[pl.ds(tail, N - tail)],
                            out_hbm.at[pl.ds(noff + tail, N - tail)])

    def _wait_scat(buf, ib, sem):
        pltpu.make_async_copy(buf, acc.at[ib.at[2]], sem).wait()

    def _load_idx(k, ib):
        pltpu.sync_copy(idx3_hbm.at[cid, sid, k], ib)

    def _load_a(k, ga):
        pltpu.sync_copy(idxa_hbm.at[cid, sid, k], ga)

    def _wait_scat_a(pa, ga, sem):
        pltpu.make_async_copy(pa, acc.at[ga.at[1]], sem).wait()

    _zero_acc()
    plsc.subcore_barrier()

    _load_a(0, ga0)
    pltpu.async_copy(h_hbm.at[ga0.at[0]], pa0, sg0)

    def pass_a(t, carry):
        o = 2 * t + 1

        @pl.when(t > 0)
        def _():
            _wait_scat_a(pa1, ga1, ss1)

        _load_a(o, ga1)
        pltpu.async_copy(h_hbm.at[ga1.at[0]], pa1, sg1)

        pltpu.make_async_copy(h_hbm.at[ga0.at[0]], pa0, sg0).wait()
        pltpu.async_copy(pa0, acc.at[ga0.at[1]], ss0, add=True)

        @pl.when(t < NPA2 - 1)
        def _():
            _wait_scat_a(pa0, ga0, ss0)
            _load_a(o + 1, ga0)
            pltpu.async_copy(h_hbm.at[ga0.at[0]], pa0, sg0)

        pltpu.make_async_copy(h_hbm.at[ga1.at[0]], pa1, sg1).wait()
        pltpu.async_copy(pa1, acc.at[ga1.at[1]], ss1, add=True)
        return carry

    lax.fori_loop(0, NPA2, pass_a, 0)
    _wait_scat_a(pa0, ga0, ss0)
    _load_a(NPA - 1, ga0)
    pltpu.async_copy(h_hbm.at[ga0.at[0]], pa0, sg0)
    pltpu.make_async_copy(h_hbm.at[ga0.at[0]], pa0, sg0).wait()
    pltpu.async_copy(pa0, acc.at[ga0.at[1]], ss0, add=True)
    _wait_scat_a(pa0, ga0, ss0)
    _wait_scat_a(pa1, ga1, ss1)
    plsc.subcore_barrier()
    _flush_acc(ht_hbm)
    _zero_acc()
    plsc.subcore_barrier()

    p0 = pa0.at[pl.ds(0, EC)]
    p1 = pa1.at[pl.ds(0, EC)]

    def _fire_hfc(ib, hfcb, sg):
        pltpu.async_copy(hfc_hbm.at[ib.at[0]], hfcb, sg)

    def _wait_hfc(ib, hfcb, sg):
        pltpu.make_async_copy(hfc_hbm.at[ib.at[0]], hfcb, sg).wait()

    def _fire_xf(ib):
        pltpu.async_copy(xf_hbm.at[ib.at[1]], xfb, sgx)

    def _wait_xf(ib):
        pltpu.make_async_copy(xf_hbm.at[ib.at[1]], xfb, sgx).wait()

    def _compute(hfcb, prod):
        @functools.partial(plsc.parallel_loop, 0, EC, unroll=2)
        def _(r):
            for j in range(HH // 16):
                sl = pl.ds(j * 16, 16)
                z = hfcb[r, pl.ds(j * 16, 16)] + xfb[r, sl]
                prod[r, sl] = hfcb[r, pl.ds(HH + j * 16, 16)] / (1.0 + jnp.exp(-z))

    _load_idx(0, ib0)
    _fire_hfc(ib0, hfc0, sg0)
    _fire_xf(ib0)

    def pass_b(t, carry):
        o = 2 * t + 1

        @pl.when(t > 0)
        def _():
            _wait_scat(p1, ib1, ss1)

        _load_idx(o, ib1)
        _fire_hfc(ib1, hfc1, sg1)

        _wait_hfc(ib0, hfc0, sg0)
        _wait_xf(ib0)
        _compute(hfc0, p0)
        _fire_xf(ib1)
        pltpu.async_copy(p0, acc.at[ib0.at[2]], ss0, add=True)

        @pl.when(t < NP2 - 1)
        def _():
            _wait_scat(p0, ib0, ss0)
            _load_idx(o + 1, ib0)
            _fire_hfc(ib0, hfc0, sg0)

        _wait_hfc(ib1, hfc1, sg1)
        _wait_xf(ib1)
        _compute(hfc1, p1)

        @pl.when(t < NP2 - 1)
        def _():
            _fire_xf(ib0)

        pltpu.async_copy(p1, acc.at[ib1.at[2]], ss1, add=True)
        return carry

    lax.fori_loop(0, NP2, pass_b, 0)
    _wait_scat(p0, ib0, ss0)
    _wait_scat(p1, ib1, ss1)
    plsc.subcore_barrier()
    _flush_acc(fc_hbm)


def _edge_phase(h2, hfc2, xf2, idx3, idxa, zeros_half):
    return pl.kernel(
        _edge_body,
        out_type=(jax.ShapeDtypeStruct((2 * N, HH), jnp.float32),
                  jax.ShapeDtypeStruct((2 * N, HH), jnp.float32)),
        mesh=_sc_mesh(),
        scratch_types=[
            pltpu.VMEM_SHARED((N, HH), jnp.float32),
            pltpu.VMEM((3, EC), jnp.int32), pltpu.VMEM((3, EC), jnp.int32),
            pltpu.VMEM((2, ECA), jnp.int32), pltpu.VMEM((2, ECA), jnp.int32),
            pltpu.VMEM((EC, H), jnp.float32), pltpu.VMEM((EC, H), jnp.float32),
            pltpu.VMEM((EC, HH), jnp.float32),
            pltpu.VMEM((ECA, HH), jnp.float32), pltpu.VMEM((ECA, HH), jnp.float32),
            pltpu.SemaphoreType.DMA, pltpu.SemaphoreType.DMA,
            pltpu.SemaphoreType.DMA, pltpu.SemaphoreType.DMA,
            pltpu.SemaphoreType.DMA,
        ],
    )(h2, hfc2, xf2, idx3, idxa, zeros_half)


def _split_store(ref, full):
    ref[0] = full[:, :HH]
    ref[1] = full[:, HH:]


def _hfc_store(ref, hf, c):
    ref[0, :, :HH] = hf[:, :HH]
    ref[0, :, HH:] = c[:, :HH]
    ref[1, :, :HH] = hf[:, HH:]
    ref[1, :, HH:] = c[:, HH:]


def _pre_body(xe_ref, wiou_ref, biou_ref, wf_ref, bf_ref, uf_ref,
              xiou_ref, xf_ref, h0_ref, hfc1_ref):
    xe = xe_ref[...]
    xiou = jnp.dot(xe, wiou_ref[...]) + biou_ref[...]
    xiou_ref[...] = xiou
    xf = jnp.dot(xe, wf_ref[...]) + bf_ref[...]
    _split_store(xf_ref, xf)
    i = jax.nn.sigmoid(xiou[:, :H])
    o = jax.nn.sigmoid(xiou[:, H:2 * H])
    u = jnp.tanh(xiou[:, 2 * H:])
    c0 = i * u
    h0 = o * jnp.tanh(c0)
    _split_store(h0_ref, h0)
    _hfc_store(hfc1_ref, jnp.dot(h0, uf_ref[...]), c0)


def _tc_pre(xe_pad, W_iou, b_iou, W_f, b_f, U_f):
    out3 = jax.ShapeDtypeStruct((2, N, HH), jnp.float32)
    out6 = jax.ShapeDtypeStruct((2, N, H), jnp.float32)
    full = lambda *_: (0, 0)
    split3 = pl.BlockSpec((2, RB, HH), lambda i: (0, i, 0))
    split6 = pl.BlockSpec((2, RB, H), lambda i: (0, i, 0))
    return pl.pallas_call(
        _pre_body,
        grid=(GRID,),
        in_specs=[
            pl.BlockSpec((RB, X), lambda i: (i, 0)),
            pl.BlockSpec((X, 3 * H), full),
            pl.BlockSpec((1, 3 * H), full),
            pl.BlockSpec((X, H), full),
            pl.BlockSpec((1, H), full),
            pl.BlockSpec((H, H), full),
        ],
        out_specs=[
            pl.BlockSpec((RB, 3 * H), lambda i: (i, 0)),
            split3, split3, split6,
        ],
        out_shape=[jax.ShapeDtypeStruct((N, 3 * H), jnp.float32),
                   out3, out3, out6],
    )(xe_pad, W_iou, b_iou, W_f, b_f, U_f)


def _gate_update(ht_ref, fc_ref, xiou_ref, uiou_ref):
    htil = jnp.concatenate([ht_ref[0], ht_ref[1]], axis=1)
    iou = xiou_ref[...] + jnp.dot(htil, uiou_ref[...])
    i = jax.nn.sigmoid(iou[:, :H])
    o = jax.nn.sigmoid(iou[:, H:2 * H])
    u = jnp.tanh(iou[:, 2 * H:])
    c = i * u + jnp.concatenate([fc_ref[0], fc_ref[1]], axis=1)
    h = o * jnp.tanh(c)
    return h, c


def _step_body(ht_ref, fc_ref, xiou_ref, uiou_ref, uf_ref,
               h_ref, hfc_ref):
    h, c = _gate_update(ht_ref, fc_ref, xiou_ref, uiou_ref)
    _split_store(h_ref, h)
    _hfc_store(hfc_ref, jnp.dot(h, uf_ref[...]), c)


def _tc_step(ht2, fc2, xiou, U_iou, U_f):
    out3 = jax.ShapeDtypeStruct((2, N, HH), jnp.float32)
    out6 = jax.ShapeDtypeStruct((2, N, H), jnp.float32)
    full = lambda *_: (0, 0)
    split3 = pl.BlockSpec((2, RB, HH), lambda i: (0, i, 0))
    split6 = pl.BlockSpec((2, RB, H), lambda i: (0, i, 0))
    return pl.pallas_call(
        _step_body,
        grid=(GRID,),
        in_specs=[
            split3, split3,
            pl.BlockSpec((RB, 3 * H), lambda i: (i, 0)),
            pl.BlockSpec((H, 3 * H), full),
            pl.BlockSpec((H, H), full),
        ],
        out_specs=[split3, split6],
        out_shape=[out3, out6],
    )(ht2, fc2, xiou, U_iou, U_f)


def _final_body(ht_ref, fc_ref, xiou_ref, y_ref, uiou_ref, wlin_ref, blin_ref,
                loss_ref):
    h, _ = _gate_update(ht_ref, fc_ref, xiou_ref, uiou_ref)
    logits = jnp.dot(h, wlin_ref[...]) + blin_ref[...]
    m = jnp.max(logits, axis=1, keepdims=True)
    lse = m + jnp.log(jnp.sum(jnp.exp(logits - m), axis=1, keepdims=True))
    y = y_ref[...]
    sel = lax.broadcasted_iota(jnp.int32, (RB, 128), 1) == y
    ly = jnp.sum(jnp.where(sel, logits, 0.0), axis=1, keepdims=True)
    part = jnp.sum(lse - ly, keepdims=True).reshape(1, 1) * (1.0 / N)

    @pl.when(pl.program_id(0) == 0)
    def _():
        loss_ref[...] = jnp.zeros((1, 1), jnp.float32)

    loss_ref[...] += part


def _tc_final(ht2, fc2, xiou, y2d, U_iou, W_lin_pad, b_lin_pad):
    full = lambda *_: (0, 0)
    split3 = pl.BlockSpec((2, RB, HH), lambda i: (0, i, 0))
    return pl.pallas_call(
        _final_body,
        grid=(GRID,),
        in_specs=[
            split3, split3,
            pl.BlockSpec((RB, 3 * H), lambda i: (i, 0)),
            pl.BlockSpec((RB, 1), lambda i: (i, 0)),
            pl.BlockSpec((H, 3 * H), full),
            pl.BlockSpec((H, 128), full),
            pl.BlockSpec((1, 128), full),
        ],
        out_specs=pl.BlockSpec((1, 1), full),
        out_shape=jax.ShapeDtypeStruct((1, 1), jnp.float32),
    )(ht2, fc2, xiou, y2d, U_iou, W_lin_pad, b_lin_pad)


def kernel(x, edge_index, y, emb, W_iou, U_iou, b_iou, W_f, U_f, b_f,
           W_lin, b_lin):
    src = edge_index[0].astype(jnp.int32)
    dst = edge_index[1].astype(jnp.int32)
    offs = jnp.array([0, N], jnp.int32).reshape(2, 1, 1, 1)
    src_r = src.reshape(1, 16, NCH, EC)
    dst_r = dst.reshape(1, 16, NCH, EC)
    idx3 = jnp.stack([src_r + offs, dst_r + offs,
                      jnp.broadcast_to(dst_r, (2, 16, NCH, EC))], axis=3)
    src_a = src.reshape(1, 16, NPA, ECA) + jnp.array([0, N], jnp.int32).reshape(
        2, 1, 1, 1)
    dst_a = jnp.broadcast_to(dst.reshape(1, 16, NPA, ECA), (2, 16, NPA, ECA))
    idxa = jnp.stack([src_a, dst_a], axis=3)
    x_pad = jnp.concatenate([x.astype(jnp.int32),
                             jnp.zeros((NP - N,), jnp.int32)])
    zeros_half = jnp.zeros((N, HH), jnp.float32)
    W_lin_pad = jnp.concatenate(
        [W_lin, jnp.zeros((H, 128 - C), jnp.float32)], axis=1)
    b_lin_pad = jnp.concatenate(
        [b_lin, jnp.full((128 - C,), -1e30, jnp.float32)]).reshape(1, 128)
    y2d = y.astype(jnp.int32).reshape(N, 1)

    xe_pad = _emb_gather(emb, x_pad)
    xiou, xf2, h2, hfc2 = _tc_pre(
        xe_pad, W_iou, b_iou.reshape(1, -1), W_f, b_f.reshape(1, -1), U_f)

    xf_flat = xf2.reshape(2 * N, HH)
    for _ in range(2):
        ht, fc = _edge_phase(h2.reshape(2 * N, HH), hfc2.reshape(2 * N, H),
                             xf_flat, idx3, idxa, zeros_half)
        h2, hfc2 = _tc_step(ht.reshape(2, N, HH), fc.reshape(2, N, HH),
                            xiou, U_iou, U_f)

    ht, fc = _edge_phase(h2.reshape(2 * N, HH), hfc2.reshape(2 * N, H),
                         xf_flat, idx3, idxa, zeros_half)
    loss = _tc_final(ht.reshape(2, N, HH), fc.reshape(2, N, HH),
                     xiou, y2d, U_iou, W_lin_pad, b_lin_pad)
    return loss[0, 0]

# --- scband reference (transcript-rebuilt; emitter-appended) ---
"""Pipeline reference for scband-tree-lstm-1975684956849 (READ-ONLY COPY).

The authoritative reference and input builder live on the scoring server;
editing this copy changes nothing except your own understanding.
"""

import jax, jax.numpy as jnp
import numpy as np

N = 10000
E = 160000
X = 256
H = 256
C = 5
VOCAB = 100000
STEPS = 4


def setup_inputs(seed: int = 0) -> dict:
    key = jax.random.key(seed)
    ks = jax.random.split(key, 12)
    x = jax.random.randint(ks[0], (N,), 0, VOCAB, dtype=jnp.int64) if jax.config.jax_enable_x64 else jax.random.randint(ks[0], (N,), 0, VOCAB)
    edge_index = jax.random.randint(ks[1], (2, E), 0, N)
    y = jax.random.randint(ks[2], (N,), 0, C)
    emb = jax.random.normal(ks[3], (VOCAB, X), jnp.float32) * 0.02
    W_iou = jax.random.normal(ks[4], (X, 3 * H), jnp.float32) * 0.02
    U_iou = jax.random.normal(ks[5], (H, 3 * H), jnp.float32) * 0.02
    b_iou = jnp.zeros((3 * H,), jnp.float32)
    W_f = jax.random.normal(ks[6], (X, H), jnp.float32) * 0.02
    U_f = jax.random.normal(ks[7], (H, H), jnp.float32) * 0.02
    b_f = jnp.zeros((H,), jnp.float32)
    W_lin = jax.random.normal(ks[8], (H, C), jnp.float32) * 0.02
    b_lin = jnp.zeros((C,), jnp.float32)
    return {"x": x, "edge_index": edge_index, "y": y, "emb": emb,
            "W_iou": W_iou, "U_iou": U_iou, "b_iou": b_iou,
            "W_f": W_f, "U_f": U_f, "b_f": b_f,
            "W_lin": W_lin, "b_lin": b_lin}


def reference(x, edge_index, y, emb, W_iou, U_iou, b_iou, W_f, U_f, b_f, W_lin, b_lin):
    # Child-sum TreeLSTM, level-wise propagation flattened to STEPS rounds of
    # message passing over (child=src -> parent=dst) edges.
    src = edge_index[0]
    dst = edge_index[1]
    xe = jnp.take(emb, x, axis=0)  # embedding lookup
    h = jnp.zeros((N, H), jnp.float32)
    c = jnp.zeros((N, H), jnp.float32)
    for _ in range(STEPS):
        h_src = jnp.take(h, src, axis=0)
        c_src = jnp.take(c, src, axis=0)
        # child-sum of hidden states (scatter-add into parents)
        h_tilde = jax.ops.segment_sum(h_src, dst, num_segments=N)
        iou = xe @ W_iou + h_tilde @ U_iou + b_iou
        i, o, u = jnp.split(iou, 3, axis=1)
        i = jax.nn.sigmoid(i)
        o = jax.nn.sigmoid(o)
        u = jnp.tanh(u)
        # per-child forget gates
        f = jax.nn.sigmoid(jnp.take(xe, dst, axis=0) @ W_f + h_src @ U_f + b_f)
        c_tilde = jax.ops.segment_sum(f * c_src, dst, num_segments=N)
        c = i * u + c_tilde
        h = o * jnp.tanh(c)
    # readout: NLL over labelled nodes (all nodes here)
    logits = h @ W_lin + b_lin
    log_p = jax.nn.log_softmax(logits, axis=1)
    y_onehot = jax.nn.one_hot(y, C, dtype=jnp.float32)
    loss = -jnp.sum(y_onehot * log_p) / N
    return loss

if __name__ == "__main__":
    import jax
    _d = setup_inputs()
    print(jax.jit(kernel)(*tuple(_d.values())))

</pallas_src>

<mosaic_0001>
#map = affine_map<(d0, d1) -> (0, 0)>
#map1 = affine_map<(d0, d1) -> (0, 0, 0, 0, 0)>
module attributes {stable_mosaic.version = 14 : i64} {
  func.func @_edge_body(%arg0: i32, %arg1: i32, %arg2: memref<20000x128xf32, #tpu.memory_space<hbm>>, %arg3: memref<20000x256xf32, #tpu.memory_space<hbm>>, %arg4: memref<20000x128xf32, #tpu.memory_space<hbm>>, %arg5: memref<2x16x250x3x40xi32, #tpu.memory_space<hbm>>, %arg6: memref<2x16x125x2x80xi32, #tpu.memory_space<hbm>>, %arg7: memref<10000x128xf32, #tpu.memory_space<hbm>>, %arg8: memref<20000x128xf32, #tpu.memory_space<hbm>>, %arg9: memref<20000x128xf32, #tpu.memory_space<hbm>>, %arg10: memref<10000x128xf32, #tpu.memory_space<vmem_shared>>, %arg11: memref<3x40xi32, #tpu.memory_space<vmem>>, %arg12: memref<3x40xi32, #tpu.memory_space<vmem>>, %arg13: memref<2x80xi32, #tpu.memory_space<vmem>>, %arg14: memref<2x80xi32, #tpu.memory_space<vmem>>, %arg15: memref<40x256xf32, #tpu.memory_space<vmem>>, %arg16: memref<40x256xf32, #tpu.memory_space<vmem>>, %arg17: memref<40x128xf32, #tpu.memory_space<vmem>>, %arg18: memref<80x128xf32, #tpu.memory_space<vmem>>, %arg19: memref<80x128xf32, #tpu.memory_space<vmem>>, %arg20: memref<!tpu.dma_semaphore, #tpu.memory_space<semaphore_mem>>, %arg21: memref<!tpu.dma_semaphore, #tpu.memory_space<semaphore_mem>>, %arg22: memref<!tpu.dma_semaphore, #tpu.memory_space<semaphore_mem>>, %arg23: memref<!tpu.dma_semaphore, #tpu.memory_space<semaphore_mem>>, %arg24: memref<!tpu.dma_semaphore, #tpu.memory_space<semaphore_mem>>) attributes {dimension_semantics = [#tpu.dimension_semantics<core_parallel>, #tpu.dimension_semantics<subcore_parallel>], iteration_bounds = array<i64: 2, 16>, scalar_prefetch = 0 : i64, scratch_operands = 15 : i64, tpu.core_type = #tpu.core_type<sc_vector_subcore>, window_params = [{transform_indices = #map}, {transform_indices = #map}, {transform_indices = #map}, {transform_indices = #map1}, {transform_indices = #map1}, {transform_indices = #map}, {transform_indices = #map}, {transform_indices = #map}]} {
    %mul3A = arith.constant 10000 : i32
    %mul3A_0 = arith.muli %arg0, %mul3A : i32
    %mul3A_1 = arith.constant 624 : i32
    %mul3A_2 = arith.muli %arg1, %mul3A_1 : i32
    "tpu.region"() ({
      %run_scoped3A_118 = tpu.sem_alloc : memref<!tpu.dma_semaphore, #tpu.memory_space<semaphore_mem>>
      %dma_start3A_119 = arith.constant 0 : i32
      %dma_start3A_120 = tpu.memref_slice %arg10[%mul3A_2, %dma_start3A_119] : memref<10000x128xf32, #tpu.memory_space<vmem_shared>> -> memref<624x128xf32, #tpu.memory_space<vmem_shared>>
      %dma_start3A_121 = arith.constant 0 : i32
      %dma_start3A_122 = tpu.memref_slice %arg7[%mul3A_2, %dma_start3A_121] : memref<10000x128xf32, #tpu.memory_space<hbm>> -> memref<624x128xf32, #tpu.memory_space<hbm>>
      tpu.enqueue_dma source(%dma_start3A_122 : memref<624x128xf32, #tpu.memory_space<hbm>>) target(%dma_start3A_120 : memref<624x128xf32, #tpu.memory_space<vmem_shared>>) target_semaphore(%run_scoped3A_118 : memref<!tpu.dma_semaphore, #tpu.memory_space<semaphore_mem>>)
      %dma_wait3A_123 = arith.constant 0 : i32
      %dma_wait3A_124 = tpu.memref_slice %arg10[%mul3A_2, %dma_wait3A_123] : memref<10000x128xf32, #tpu.memory_space<vmem_shared>> -> memref<624x128xf32, #tpu.memory_space<vmem_shared>>
      %dma_wait3A_125 = arith.constant 0 : i32
      %dma_wait3A_126 = tpu.memref_slice %arg7[%mul3A_2, %dma_wait3A_125] : memref<10000x128xf32, #tpu.memory_space<hbm>> -> memref<624x128xf32, #tpu.memory_space<hbm>>
      tpu.wait_dma2 semaphore(%run_scoped3A_118 : memref<!tpu.dma_semaphore, #tpu.memory_space<semaphore_mem>>) src(%dma_wait3A_126 : memref<624x128xf32, #tpu.memory_space<hbm>>) dst(%dma_wait3A_124 : memref<624x128xf32, #tpu.memory_space<vmem_shared>>)
      tpu.yield
    }) : () -> ()
    %eq3A = arith.constant 15 : i32
    %eq3A_3 = arith.cmpi eq, %arg1, %eq3A : i32
    %convert_element_type3A = arith.extui %eq3A_3 : i1 to i32
    %cond3A = arith.constant 0 : i32
    %cond3A_4 = arith.cmpi ne, %convert_element_type3A, %cond3A : i32
    scf.if %cond3A_4 {
      "tpu.region"() ({
        %run_scoped3A_118 = tpu.sem_alloc : memref<!tpu.dma_semaphore, #tpu.memory_space<semaphore_mem>>
        %dma_start3A_119 = arith.constant 9984 : i32
        %dma_start3A_120 = arith.constant 0 : i32
        %dma_start3A_121 = tpu.memref_slice %arg10[%dma_start3A_119, %dma_start3A_120] : memref<10000x128xf32, #tpu.memory_space<vmem_shared>> -> memref<16x128xf32, #tpu.memory_space<vmem_shared>>
        %dma_start3A_122 = arith.constant 9984 : i32
        %dma_start3A_123 = arith.constant 0 : i32
        %dma_start3A_124 = tpu.memref_slice %arg7[%dma_start3A_122, %dma_start3A_123] : memref<10000x128xf32, #tpu.memory_space<hbm>> -> memref<16x128xf32, #tpu.memory_space<hbm>>
        tpu.enqueue_dma source(%dma_start3A_124 : memref<16x128xf32, #tpu.memory_space<hbm>>) target(%dma_start3A_121 : memref<16x128xf32, #tpu.memory_space<vmem_shared>>) target_semaphore(%run_scoped3A_118 : memref<!tpu.dma_semaphore, #tpu.memory_space<semaphore_mem>>)
        %dma_wait3A_125 = arith.constant 9984 : i32
        %dma_wait3A_126 = arith.constant 0 : i32
        %dma_wait3A_127 = tpu.memref_slice %arg10[%dma_wait3A_125, %dma_wait3A_126] : memref<10000x128xf32, #tpu.memory_space<vmem_shared>> -> memref<16x128xf32, #tpu.memory_space<vmem_shared>>
        %dma_wait3A_128 = arith.constant 9984 : i32
        %dma_wait3A_129 = arith.constant 0 : i32
        %dma_wait3A_130 = tpu.memref_slice %arg7[%dma_wait3A_128, %dma_wait3A_129] : memref<10000x128xf32, #tpu.memory_space<hbm>> -> memref<16x128xf32, #tpu.memory_space<hbm>>
        tpu.wait_dma2 semaphore(%run_scoped3A_118 : memref<!tpu.dma_semaphore, #tpu.memory_space<semaphore_mem>>) src(%dma_wait3A_130 : memref<16x128xf32, #tpu.memory_space<hbm>>) dst(%dma_wait3A_127 : memref<16x128xf32, #tpu.memory_space<vmem_shared>>)
        tpu.yield
      }) : () -> ()
    } else {
    }
    %barrier3A = arith.constant 0 : index
    tpu.barrier barrier_id(%barrier3A)
    %run_scoped3A = arith.constant 0 : i32
    "tpu.region"() ({
      %run_scoped3A_118 = tpu.sem_alloc : memref<!tpu.dma_semaphore, #tpu.memory_space<semaphore_mem>>
      %dma_start3A_119 = arith.constant 0 : i32
      %dma_start3A_120 = arith.constant 0 : i32
      %dma_start3A_121 = tpu.memref_slice %arg6[%arg0, %arg1, %run_scoped3A, %dma_start3A_119, %dma_start3A_120] : memref<2x16x125x2x80xi32, #tpu.memory_space<hbm>> -> memref<1x1x1x2x80xi32, #tpu.memory_space<hbm>>
      %dma_start3A_122 = tpu.memref_squeeze %dma_start3A_121 : memref<1x1x1x2x80xi32, #tpu.memory_space<hbm>> -> memref<2x80xi32, #tpu.memory_space<hbm>>
      %dma_start3A_123 = arith.constant 0 : i32
      %dma_start3A_124 = arith.constant 0 : i32
      %dma_start3A_125 = tpu.memref_slice %arg6[%arg0, %arg1, %run_scoped3A, %dma_start3A_123, %dma_start3A_124] : memref<2x16x125x2x80xi32, #tpu.memory_space<hbm>> -> memref<1x1x1x2x80xi32, #tpu.memory_space<hbm>>
      %dma_start3A_126 = tpu.memref_squeeze %dma_start3A_125 : memref<1x1x1x2x80xi32, #tpu.memory_space<hbm>> -> memref<2x80xi32, #tpu.memory_space<hbm>>
      tpu.enqueue_dma source(%dma_start3A_126 : memref<2x80xi32, #tpu.memory_space<hbm>>) target(%arg13 : memref<2x80xi32, #tpu.memory_space<vmem>>) target_semaphore(%run_scoped3A_118 : memref<!tpu.dma_semaphore, #tpu.memory_space<semaphore_mem>>)
      %dma_wait3A_127 = arith.constant 0 : i32
      %dma_wait3A_128 = arith.constant 0 : i32
      %dma_wait3A_129 = tpu.memref_slice %arg6[%arg0, %arg1, %run_scoped3A, %dma_wait3A_127, %dma_wait3A_128] : memref<2x16x125x2x80xi32, #tpu.memory_space<hbm>> -> memref<1x1x1x2x80xi32, #tpu.memory_space<hbm>>
      %dma_wait3A_130 = tpu.memref_squeeze %dma_wait3A_129 : memref<1x1x1x2x80xi32, #tpu.memory_space<hbm>> -> memref<2x80xi32, #tpu.memory_space<hbm>>
      %dma_wait3A_131 = arith.constant 0 : i32
      %dma_wait3A_132 = arith.constant 0 : i32
      %dma_wait3A_133 = tpu.memref_slice %arg6[%arg0, %arg1, %run_scoped3A, %dma_wait3A_131, %dma_wait3A_132] : memref<2x16x125x2x80xi32, #tpu.memory_space<hbm>> -> memref<1x1x1x2x80xi32, #tpu.memory_space<hbm>>
      %dma_wait3A_134 = tpu.memref_squeeze %dma_wait3A_133 : memref<1x1x1x2x80xi32, #tpu.memory_space<hbm>> -> memref<2x80xi32, #tpu.memory_space<hbm>>
      tpu.wait_dma2 semaphore(%run_scoped3A_118 : memref<!tpu.dma_semaphore, #tpu.memory_space<semaphore_mem>>) src(%dma_wait3A_134 : memref<2x80xi32, #tpu.memory_space<hbm>>) dst(%arg13 : memref<2x80xi32, #tpu.memory_space<vmem>>)
      tpu.yield
    }) : () -> ()
    %dma_start3A = arith.constant 0 : i32
    %dma_start3A_5 = arith.constant 0 : i32
    %dma_start3A_6 = tpu.memref_slice %arg13[%dma_start3A, %dma_start3A_5] : memref<2x80xi32, #tpu.memory_space<vmem>> -> memref<1x80xi32, #tpu.memory_space<vmem>>
    %dma_start3A_7 = tpu.memref_squeeze %dma_start3A_6 : memref<1x80xi32, #tpu.memory_space<vmem>> -> memref<80xi32, #tpu.memory_space<vmem>>
    %dma_start3A_8 = arith.constant 0 : i32
    %dma_start3A_9 = arith.constant 0 : i32
    %dma_start3A_10 = tpu.memref_slice %arg2[%dma_start3A_8, %dma_start3A_9] : memref<20000x128xf32, #tpu.memory_space<hbm>> -> memref<20000x128xf32, #tpu.memory_space<hbm>>
    tpu.enqueue_indirect_dma source(%dma_start3A_10 : memref<20000x128xf32, #tpu.memory_space<hbm>>) target(%arg18 : memref<80x128xf32, #tpu.memory_space<vmem>>) offsets(%dma_start3A_7 : memref<80xi32, #tpu.memory_space<vmem>>) semaphore(%arg20 : memref<!tpu.dma_semaphore, #tpu.memory_space<semaphore_mem>>)
    %scan3A = arith.constant 0 : i32
    %scan3A_11 = arith.constant 0 : i32
    %scan3A_12 = arith.constant 62 : i32
    %scan3A_13 = arith.addi %scan3A_11, %scan3A_12 : i32
    %scan3A_14 = arith.constant 1 : i32
    scf.for %scan3A_118 = %scan3A_11 to %scan3A_13 step %scan3A_14  : i32 {
      %mul3A_119 = arith.constant 2 : i32
      %mul3A_120 = arith.muli %mul3A_119, %scan3A_118 : i32
      %add3A_121 = arith.constant 1 : i32
      %add3A_122 = arith.addi %mul3A_120, %add3A_121 : i32
      %gt3A = arith.constant 0 : i32
      %gt3A_123 = arith.cmpi sgt, %scan3A_118, %gt3A : i32
      %convert_element_type3A_124 = arith.extui %gt3A_123 : i1 to i32
      %cond3A_125 = arith.constant 0 : i32
      %cond3A_126 = arith.cmpi ne, %convert_element_type3A_124, %cond3A_125 : i32
      scf.if %cond3A_126 {
        %dma_wait3A_166 = arith.constant 1 : i32
        %dma_wait3A_167 = arith.constant 0 : i32
        %dma_wait3A_168 = tpu.memref_slice %arg14[%dma_wait3A_166, %dma_wait3A_167] : memref<2x80xi32, #tpu.memory_space<vmem>> -> memref<1x80xi32, #tpu.memory_space<vmem>>
        %dma_wait3A_169 = tpu.memref_squeeze %dma_wait3A_168 : memref<1x80xi32, #tpu.memory_space<vmem>> -> memref<80xi32, #tpu.memory_space<vmem>>
        %dma_wait3A_170 = arith.constant 0 : i32
        %dma_wait3A_171 = arith.constant 0 : i32
        %dma_wait3A_172 = tpu.memref_slice %arg10[%dma_wait3A_170, %dma_wait3A_171] : memref<10000x128xf32, #tpu.memory_space<vmem_shared>> -> memref<10000x128xf32, #tpu.memory_space<vmem_shared>>
        tpu.wait_indirect_dma semaphore(%arg24 : memref<!tpu.dma_semaphore, #tpu.memory_space<semaphore_mem>>) src(%arg19 : memref<80x128xf32, #tpu.memory_space<vmem>>) dst(%dma_wait3A_172 : memref<10000x128xf32, #tpu.memory_space<vmem_shared>>)
      } else {
      }
      "tpu.region"() ({
        %run_scoped3A_166 = tpu.sem_alloc : memref<!tpu.dma_semaphore, #tpu.memory_space<semaphore_mem>>
        %dma_start3A_167 = arith.constant 0 : i32
        %dma_start3A_168 = arith.constant 0 : i32
        %dma_start3A_169 = tpu.memref_slice %arg6[%arg0, %arg1, %add3A_122, %dma_start3A_167, %dma_start3A_168] : memref<2x16x125x2x80xi32, #tpu.memory_space<hbm>> -> memref<1x1x1x2x80xi32, #tpu.memory_space<hbm>>
        %dma_start3A_170 = tpu.memref_squeeze %dma_start3A_169 : memref<1x1x1x2x80xi32, #tpu.memory_space<hbm>> -> memref<2x80xi32, #tpu.memory_space<hbm>>
        %dma_start3A_171 = arith.constant 0 : i32
        %dma_start3A_172 = arith.constant 0 : i32
        %dma_start3A_173 = tpu.memref_slice %arg6[%arg0, %arg1, %add3A_122, %dma_start3A_171, %dma_start3A_172] : memref<2x16x125x2x80xi32, #tpu.memory_space<hbm>> -> memref<1x1x1x2x80xi32, #tpu.memory_space<hbm>>
        %dma_start3A_174 = tpu.memref_squeeze %dma_start3A_173 : memref<1x1x1x2x80xi32, #tpu.memory_space<hbm>> -> memref<2x80xi32, #tpu.memory_space<hbm>>
        tpu.enqueue_dma source(%dma_start3A_174 : memref<2x80xi32, #tpu.memory_space<hbm>>) target(%arg14 : memref<2x80xi32, #tpu.memory_space<vmem>>) target_semaphore(%run_scoped3A_166 : memref<!tpu.dma_semaphore, #tpu.memory_space<semaphore_mem>>)
        %dma_wait3A_175 = arith.constant 0 : i32
        %dma_wait3A_176 = arith.constant 0 : i32
        %dma_wait3A_177 = tpu.memref_slice %arg6[%arg0, %arg1, %add3A_122, %dma_wait3A_175, %dma_wait3A_176] : memref<2x16x125x2x80xi32, #tpu.memory_space<hbm>> -> memref<1x1x1x2x80xi32, #tpu.memory_space<hbm>>
        %dma_wait3A_178 = tpu.memref_squeeze %dma_wait3A_177 : memref<1x1x1x2x80xi32, #tpu.memory_space<hbm>> -> memref<2x80xi32, #tpu.memory_space<hbm>>
        %dma_wait3A_179 = arith.constant 0 : i32
        %dma_wait3A_180 = arith.constant 0 : i32
        %dma_wait3A_181 = tpu.memref_slice %arg6[%arg0, %arg1, %add3A_122, %dma_wait3A_179, %dma_wait3A_180] : memref<2x16x125x2x80xi32, #tpu.memory_space<hbm>> -> memref<1x1x1x2x80xi32, #tpu.memory_space<hbm>>
        %dma_wait3A_182 = tpu.memref_squeeze %dma_wait3A_181 : memref<1x1x1x2x80xi32, #tpu.memory_space<hbm>> -> memref<2x80xi32, #tpu.memory_space<hbm>>
        tpu.wait_dma2 semaphore(%run_scoped3A_166 : memref<!tpu.dma_semaphore, #tpu.memory_space<semaphore_mem>>) src(%dma_wait3A_182 : memref<2x80xi32, #tpu.memory_space<hbm>>) dst(%arg14 : memref<2x80xi32, #tpu.memory_space<vmem>>)
        tpu.yield
      }) : () -> ()
      %dma_start3A_127 = arith.constant 0 : i32
      %dma_start3A_128 = arith.constant 0 : i32
      %dma_start3A_129 = tpu.memref_slice %arg14[%dma_start3A_127, %dma_start3A_128] : memref<2x80xi32, #tpu.memory_space<vmem>> -> memref<1x80xi32, #tpu.memory_space<vmem>>
      %dma_start3A_130 = tpu.memref_squeeze %dma_start3A_129 : memref<1x80xi32, #tpu.memory_space<vmem>> -> memref<80xi32, #tpu.memory_space<vmem>>
      %dma_start3A_131 = arith.constant 0 : i32
      %dma_start3A_132 = arith.constant 0 : i32
      %dma_start3A_133 = tpu.memref_slice %arg2[%dma_start3A_131, %dma_start3A_132] : memref<20000x128xf32, #tpu.memory_space<hbm>> -> memref<20000x128xf32, #tpu.memory_space<hbm>>
      tpu.enqueue_indirect_dma source(%dma_start3A_133 : memref<20000x128xf32, #tpu.memory_space<hbm>>) target(%arg19 : memref<80x128xf32, #tpu.memory_space<vmem>>) offsets(%dma_start3A_130 : memref<80xi32, #tpu.memory_space<vmem>>) semaphore(%arg21 : memref<!tpu.dma_semaphore, #tpu.memory_space<semaphore_mem>>)
      %dma_wait3A_134 = arith.constant 0 : i32
      %dma_wait3A_135 = arith.constant 0 : i32
      %dma_wait3A_136 = tpu.memref_slice %arg13[%dma_wait3A_134, %dma_wait3A_135] : memref<2x80xi32, #tpu.memory_space<vmem>> -> memref<1x80xi32, #tpu.memory_space<vmem>>
      %dma_wait3A_137 = tpu.memref_squeeze %dma_wait3A_136 : memref<1x80xi32, #tpu.memory_space<vmem>> -> memref<80xi32, #tpu.memory_space<vmem>>
      %dma_wait3A_138 = arith.constant 0 : i32
      %dma_wait3A_139 = arith.constant 0 : i32
      %dma_wait3A_140 = tpu.memref_slice %arg2[%dma_wait3A_138, %dma_wait3A_139] : memref<20000x128xf32, #tpu.memory_space<hbm>> -> memref<20000x128xf32, #tpu.memory_space<hbm>>
      tpu.wait_indirect_dma semaphore(%arg20 : memref<!tpu.dma_semaphore, #tpu.memory_space<semaphore_mem>>) src(%dma_wait3A_140 : memref<20000x128xf32, #tpu.memory_space<hbm>>) dst(%arg18 : memref<80x128xf32, #tpu.memory_space<vmem>>)
      %dma_start3A_141 = arith.constant 1 : i32
      %dma_start3A_142 = arith.constant 0 : i32
      %dma_start3A_143 = tpu.memref_slice %arg13[%dma_start3A_141, %dma_start3A_142] : memref<2x80xi32, #tpu.memory_space<vmem>> -> memref<1x80xi32, #tpu.memory_space<vmem>>
      %dma_start3A_144 = tpu.memref_squeeze %dma_start3A_143 : memref<1x80xi32, #tpu.memory_space<vmem>> -> memref<80xi32, #tpu.memory_space<vmem>>
      %dma_start3A_145 = arith.constant 0 : i32
      %dma_start3A_146 = arith.constant 0 : i32
      %dma_start3A_147 = tpu.memref_slice %arg10[%dma_start3A_145, %dma_start3A_146] : memref<10000x128xf32, #tpu.memory_space<vmem_shared>> -> memref<10000x128xf32, #tpu.memory_space<vmem_shared>>
      tpu.enqueue_indirect_dma source(%arg18 : memref<80x128xf32, #tpu.memory_space<vmem>>) target(%dma_start3A_147 : memref<10000x128xf32, #tpu.memory_space<vmem_shared>>) offsets(%dma_start3A_144 : memref<80xi32, #tpu.memory_space<vmem>>) semaphore(%arg23 : memref<!tpu.dma_semaphore, #tpu.memory_space<semaphore_mem>>) {add = true}
      %lt3A = arith.constant 61 : i32
      %lt3A_148 = arith.cmpi slt, %scan3A_118, %lt3A : i32
      %convert_element_type3A_149 = arith.extui %lt3A_148 : i1 to i32
      %cond3A_150 = arith.constant 0 : i32
      %cond3A_151 = arith.cmpi ne, %convert_element_type3A_149, %cond3A_150 : i32
      scf.if %cond3A_151 {
        %dma_wait3A_166 = arith.constant 1 : i32
        %dma_wait3A_167 = arith.constant 0 : i32
        %dma_wait3A_168 = tpu.memref_slice %arg13[%dma_wait3A_166, %dma_wait3A_167] : memref<2x80xi32, #tpu.memory_space<vmem>> -> memref<1x80xi32, #tpu.memory_space<vmem>>
        %dma_wait3A_169 = tpu.memref_squeeze %dma_wait3A_168 : memref<1x80xi32, #tpu.memory_space<vmem>> -> memref<80xi32, #tpu.memory_space<vmem>>
        %dma_wait3A_170 = arith.constant 0 : i32
        %dma_wait3A_171 = arith.constant 0 : i32
        %dma_wait3A_172 = tpu.memref_slice %arg10[%dma_wait3A_170, %dma_wait3A_171] : memref<10000x128xf32, #tpu.memory_space<vmem_shared>> -> memref<10000x128xf32, #tpu.memory_space<vmem_shared>>
        tpu.wait_indirect_dma semaphore(%arg23 : memref<!tpu.dma_semaphore, #tpu.memory_space<semaphore_mem>>) src(%arg18 : memref<80x128xf32, #tpu.memory_space<vmem>>) dst(%dma_wait3A_172 : memref<10000x128xf32, #tpu.memory_space<vmem_shared>>)
        %add3A_173 = arith.constant 1 : i32
        %add3A_174 = arith.addi %add3A_122, %add3A_173 : i32
        "tpu.region"() ({
          %run_scoped3A_182 = tpu.sem_alloc : memref<!tpu.dma_semaphore, #tpu.memory_space<semaphore_mem>>
          %dma_start3A_183 = arith.constant 0 : i32
          %dma_start3A_184 = arith.constant 0 : i32
          %dma_start3A_185 = tpu.memref_slice %arg6[%arg0, %arg1, %add3A_174, %dma_start3A_183, %dma_start3A_184] : memref<2x16x125x2x80xi32, #tpu.memory_space<hbm>> -> memref<1x1x1x2x80xi32, #tpu.memory_space<hbm>>
          %dma_start3A_186 = tpu.memref_squeeze %dma_start3A_185 : memref<1x1x1x2x80xi32, #tpu.memory_space<hbm>> -> memref<2x80xi32, #tpu.memory_space<hbm>>
          %dma_start3A_187 = arith.constant 0 : i32
          %dma_start3A_188 = arith.constant 0 : i32
          %dma_start3A_189 = tpu.memref_slice %arg6[%arg0, %arg1, %add3A_174, %dma_start3A_187, %dma_start3A_188] : memref<2x16x125x2x80xi32, #tpu.memory_space<hbm>> -> memref<1x1x1x2x80xi32, #tpu.memory_space<hbm>>
          %dma_start3A_190 = tpu.memref_squeeze %dma_start3A_189 : memref<1x1x1x2x80xi32, #tpu.memory_space<hbm>> -> memref<2x80xi32, #tpu.memory_space<hbm>>
          tpu.enqueue_dma source(%dma_start3A_190 : memref<2x80xi32, #tpu.memory_space<hbm>>) target(%arg13 : memref<2x80xi32, #tpu.memory_space<vmem>>) target_semaphore(%run_scoped3A_182 : memref<!tpu.dma_semaphore, #tpu.memory_space<semaphore_mem>>)
          %dma_wait3A_191 = arith.constant 0 : i32
          %dma_wait3A_192 = arith.constant 0 : i32
          %dma_wait3A_193 = tpu.memref_slice %arg6[%arg0, %arg1, %add3A_174, %dma_wait3A_191, %dma_wait3A_192] : memref<2x16x125x2x80xi32, #tpu.memory_space<hbm>> -> memref<1x1x1x2x80xi32, #tpu.memory_space<hbm>>
          %dma_wait3A_194 = tpu.memref_squeeze %dma_wait3A_193 : memref<1x1x1x2x80xi32, #tpu.memory_space<hbm>> -> memref<2x80xi32, #tpu.memory_space<hbm>>
          %dma_wait3A_195 = arith.constant 0 : i32
          %dma_wait3A_196 = arith.constant 0 : i32
          %dma_wait3A_197 = tpu.memref_slice %arg6[%arg0, %arg1, %add3A_174, %dma_wait3A_195, %dma_wait3A_196] : memref<2x16x125x2x80xi32, #tpu.memory_space<hbm>> -> memref<1x1x1x2x80xi32, #tpu.memory_space<hbm>>
          %dma_wait3A_198 = tpu.memref_squeeze %dma_wait3A_197 : memref<1x1x1x2x80xi32, #tpu.memory_space<hbm>> -> memref<2x80xi32, #tpu.memory_space<hbm>>
          tpu.wait_dma2 semaphore(%run_scoped3A_182 : memref<!tpu.dma_semaphore, #tpu.memory_space<semaphore_mem>>) src(%dma_wait3A_198 : memref<2x80xi32, #tpu.memory_space<hbm>>) dst(%arg13 : memref<2x80xi32, #tpu.memory_space<vmem>>)
          tpu.yield
        }) : () -> ()
        %dma_start3A_175 = arith.constant 0 : i32
        %dma_start3A_176 = arith.constant 0 : i32
        %dma_start3A_177 = tpu.memref_slice %arg13[%dma_start3A_175, %dma_start3A_176] : memref<2x80xi32, #tpu.memory_space<vmem>> -> memref<1x80xi32, #tpu.memory_space<vmem>>
        %dma_start3A_178 = tpu.memref_squeeze %dma_start3A_177 : memref<1x80xi32, #tpu.memory_space<vmem>> -> memref<80xi32, #tpu.memory_space<vmem>>
        %dma_start3A_179 = arith.constant 0 : i32
        %dma_start3A_180 = arith.constant 0 : i32
        %dma_start3A_181 = tpu.memref_slice %arg2[%dma_start3A_179, %dma_start3A_180] : memref<20000x128xf32, #tpu.memory_space<hbm>> -> memref<20000x128xf32, #tpu.memory_space<hbm>>
        tpu.enqueue_indirect_dma source(%dma_start3A_181 : memref<20000x128xf32, #tpu.memory_space<hbm>>) target(%arg18 : memref<80x128xf32, #tpu.memory_space<vmem>>) offsets(%dma_start3A_178 : memref<80xi32, #tpu.memory_space<vmem>>) semaphore(%arg20 : memref<!tpu.dma_semaphore, #tpu.memory_space<semaphore_mem>>)
      } else {
      }
      %dma_wait3A_152 = arith.constant 0 : i32
      %dma_wait3A_153 = arith.constant 0 : i32
      %dma_wait3A_154 = tpu.memref_slice %arg14[%dma_wait3A_152, %dma_wait3A_153] : memref<2x80xi32, #tpu.memory_space<vmem>> -> memref<1x80xi32, #tpu.memory_space<vmem>>
      %dma_wait3A_155 = tpu.memref_squeeze %dma_wait3A_154 : memref<1x80xi32, #tpu.memory_space<vmem>> -> memref<80xi32, #tpu.memory_space<vmem>>
      %dma_wait3A_156 = arith.constant 0 : i32
      %dma_wait3A_157 = arith.constant 0 : i32
      %dma_wait3A_158 = tpu.memref_slice %arg2[%dma_wait3A_156, %dma_wait3A_157] : memref<20000x128xf32, #tpu.memory_space<hbm>> -> memref<20000x128xf32, #tpu.memory_space<hbm>>
      tpu.wait_indirect_dma semaphore(%arg21 : memref<!tpu.dma_semaphore, #tpu.memory_space<semaphore_mem>>) src(%dma_wait3A_158 : memref<20000x128xf32, #tpu.memory_space<hbm>>) dst(%arg19 : memref<80x128xf32, #tpu.memory_space<vmem>>)
      %dma_start3A_159 = arith.constant 1 : i32
      %dma_start3A_160 = arith.constant 0 : i32
      %dma_start3A_161 = tpu.memref_slice %arg14[%dma_start3A_159, %dma_start3A_160] : memref<2x80xi32, #tpu.memory_space<vmem>> -> memref<1x80xi32, #tpu.memory_space<vmem>>
      %dma_start3A_162 = tpu.memref_squeeze %dma_start3A_161 : memref<1x80xi32, #tpu.memory_space<vmem>> -> memref<80xi32, #tpu.memory_space<vmem>>
      %dma_start3A_163 = arith.constant 0 : i32
      %dma_start3A_164 = arith.constant 0 : i32
      %dma_start3A_165 = tpu.memref_slice %arg10[%dma_start3A_163, %dma_start3A_164] : memref<10000x128xf32, #tpu.memory_space<vmem_shared>> -> memref<10000x128xf32, #tpu.memory_space<vmem_shared>>
      tpu.enqueue_indirect_dma source(%arg19 : memref<80x128xf32, #tpu.memory_space<vmem>>) target(%dma_start3A_165 : memref<10000x128xf32, #tpu.memory_space<vmem_shared>>) offsets(%dma_start3A_162 : memref<80xi32, #tpu.memory_space<vmem>>) semaphore(%arg24 : memref<!tpu.dma_semaphore, #tpu.memory_space<semaphore_mem>>) {add = true}
    }
    %scan3A_15 = arith.constant 62 : i32
    %dma_wait3A = arith.constant 1 : i32
    %dma_wait3A_16 = arith.constant 0 : i32
    %dma_wait3A_17 = tpu.memref_slice %arg13[%dma_wait3A, %dma_wait3A_16] : memref<2x80xi32, #tpu.memory_space<vmem>> -> memref<1x80xi32, #tpu.memory_space<vmem>>
    %dma_wait3A_18 = tpu.memref_squeeze %dma_wait3A_17 : memref<1x80xi32, #tpu.memory_space<vmem>> -> memref<80xi32, #tpu.memory_space<vmem>>
    %dma_wait3A_19 = arith.constant 0 : i32
    %dma_wait3A_20 = arith.constant 0 : i32
    %dma_wait3A_21 = tpu.memref_slice %arg10[%dma_wait3A_19, %dma_wait3A_20] : memref<10000x128xf32, #tpu.memory_space<vmem_shared>> -> memref<10000x128xf32, #tpu.memory_space<vmem_shared>>
    tpu.wait_indirect_dma semaphore(%arg23 : memref<!tpu.dma_semaphore, #tpu.memory_space<semaphore_mem>>) src(%arg18 : memref<80x128xf32, #tpu.memory_space<vmem>>) dst(%dma_wait3A_21 : memref<10000x128xf32, #tpu.memory_space<vmem_shared>>)
    %run_scoped3A_22 = arith.constant 124 : i32
    "tpu.region"() ({
      %run_scoped3A_118 = tpu.sem_alloc : memref<!tpu.dma_semaphore, #tpu.memory_space<semaphore_mem>>
      %dma_start3A_119 = arith.constant 0 : i32
      %dma_start3A_120 = arith.constant 0 : i32
      %dma_start3A_121 = tpu.memref_slice %arg6[%arg0, %arg1, %run_scoped3A_22, %dma_start3A_119, %dma_start3A_120] : memref<2x16x125x2x80xi32, #tpu.memory_space<hbm>> -> memref<1x1x1x2x80xi32, #tpu.memory_space<hbm>>
      %dma_start3A_122 = tpu.memref_squeeze %dma_start3A_121 : memref<1x1x1x2x80xi32, #tpu.memory_space<hbm>> -> memref<2x80xi32, #tpu.memory_space<hbm>>
      %dma_start3A_123 = arith.constant 0 : i32
      %dma_start3A_124 = arith.constant 0 : i32
      %dma_start3A_125 = tpu.memref_slice %arg6[%arg0, %arg1, %run_scoped3A_22, %dma_start3A_123, %dma_start3A_124] : memref<2x16x125x2x80xi32, #tpu.memory_space<hbm>> -> memref<1x1x1x2x80xi32, #tpu.memory_space<hbm>>
      %dma_start3A_126 = tpu.memref_squeeze %dma_start3A_125 : memref<1x1x1x2x80xi32, #tpu.memory_space<hbm>> -> memref<2x80xi32, #tpu.memory_space<hbm>>
      tpu.enqueue_dma source(%dma_start3A_126 : memref<2x80xi32, #tpu.memory_space<hbm>>) target(%arg13 : memref<2x80xi32, #tpu.memory_space<vmem>>) target_semaphore(%run_scoped3A_118 : memref<!tpu.dma_semaphore, #tpu.memory_space<semaphore_mem>>)
      %dma_wait3A_127 = arith.constant 0 : i32
      %dma_wait3A_128 = arith.constant 0 : i32
      %dma_wait3A_129 = tpu.memref_slice %arg6[%arg0, %arg1, %run_scoped3A_22, %dma_wait3A_127, %dma_wait3A_128] : memref<2x16x125x2x80xi32, #tpu.memory_space<hbm>> -> memref<1x1x1x2x80xi32, #tpu.memory_space<hbm>>
      %dma_wait3A_130 = tpu.memref_squeeze %dma_wait3A_129 : memref<1x1x1x2x80xi32, #tpu.memory_space<hbm>> -> memref<2x80xi32, #tpu.memory_space<hbm>>
      %dma_wait3A_131 = arith.constant 0 : i32
      %dma_wait3A_132 = arith.constant 0 : i32
      %dma_wait3A_133 = tpu.memref_slice %arg6[%arg0, %arg1, %run_scoped3A_22, %dma_wait3A_131, %dma_wait3A_132] : memref<2x16x125x2x80xi32, #tpu.memory_space<hbm>> -> memref<1x1x1x2x80xi32, #tpu.memory_space<hbm>>
      %dma_wait3A_134 = tpu.memref_squeeze %dma_wait3A_133 : memref<1x1x1x2x80xi32, #tpu.memory_space<hbm>> -> memref<2x80xi32, #tpu.memory_space<hbm>>
      tpu.wait_dma2 semaphore(%run_scoped3A_118 : memref<!tpu.dma_semaphore, #tpu.memory_space<semaphore_mem>>) src(%dma_wait3A_134 : memref<2x80xi32, #tpu.memory_space<hbm>>) dst(%arg13 : memref<2x80xi32, #tpu.memory_space<vmem>>)
      tpu.yield
    }) : () -> ()
    %dma_start3A_23 = arith.constant 0 : i32
    %dma_start3A_24 = arith.constant 0 : i32
    %dma_start3A_25 = tpu.memref_slice %arg13[%dma_start3A_23, %dma_start3A_24] : memref<2x80xi32, #tpu.memory_space<vmem>> -> memref<1x80xi32, #tpu.memory_space<vmem>>
    %dma_start3A_26 = tpu.memref_squeeze %dma_start3A_25 : memref<1x80xi32, #tpu.memory_space<vmem>> -> memref<80xi32, #tpu.memory_space<vmem>>
    %dma_start3A_27 = arith.constant 0 : i32
    %dma_start3A_28 = arith.constant 0 : i32
    %dma_start3A_29 = tpu.memref_slice %arg2[%dma_start3A_27, %dma_start3A_28] : memref<20000x128xf32, #tpu.memory_space<hbm>> -> memref<20000x128xf32, #tpu.memory_space<hbm>>
    tpu.enqueue_indirect_dma source(%dma_start3A_29 : memref<20000x128xf32, #tpu.memory_space<hbm>>) target(%arg18 : memref<80x128xf32, #tpu.memory_space<vmem>>) offsets(%dma_start3A_26 : memref<80xi32, #tpu.memory_space<vmem>>) semaphore(%arg20 : memref<!tpu.dma_semaphore, #tpu.memory_space<semaphore_mem>>)
    %dma_wait3A_30 = arith.constant 0 : i32
    %dma_wait3A_31 = arith.constant 0 : i32
    %dma_wait3A_32 = tpu.memref_slice %arg13[%dma_wait3A_30, %dma_wait3A_31] : memref<2x80xi32, #tpu.memory_space<vmem>> -> memref<1x80xi32, #tpu.memory_space<vmem>>
    %dma_wait3A_33 = tpu.memref_squeeze %dma_wait3A_32 : memref<1x80xi32, #tpu.memory_space<vmem>> -> memref<80xi32, #tpu.memory_space<vmem>>
    %dma_wait3A_34 = arith.constant 0 : i32
    %dma_wait3A_35 = arith.constant 0 : i32
    %dma_wait3A_36 = tpu.memref_slice %arg2[%dma_wait3A_34, %dma_wait3A_35] : memref<20000x128xf32, #tpu.memory_space<hbm>> -> memref<20000x128xf32, #tpu.memory_space<hbm>>
    tpu.wait_indirect_dma semaphore(%arg20 : memref<!tpu.dma_semaphore, #tpu.memory_space<semaphore_mem>>) src(%dma_wait3A_36 : memref<20000x128xf32, #tpu.memory_space<hbm>>) dst(%arg18 : memref<80x128xf32, #tpu.memory_space<vmem>>)
    %dma_start3A_37 = arith.constant 1 : i32
    %dma_start3A_38 = arith.constant 0 : i32
    %dma_start3A_39 = tpu.memref_slice %arg13[%dma_start3A_37, %dma_start3A_38] : memref<2x80xi32, #tpu.memory_space<vmem>> -> memref<1x80xi32, #tpu.memory_space<vmem>>
    %dma_start3A_40 = tpu.memref_squeeze %dma_start3A_39 : memref<1x80xi32, #tpu.memory_space<vmem>> -> memref<80xi32, #tpu.memory_space<vmem>>
    %dma_start3A_41 = arith.constant 0 : i32
    %dma_start3A_42 = arith.constant 0 : i32
    %dma_start3A_43 = tpu.memref_slice %arg10[%dma_start3A_41, %dma_start3A_42] : memref<10000x128xf32, #tpu.memory_space<vmem_shared>> -> memref<10000x128xf32, #tpu.memory_space<vmem_shared>>
    tpu.enqueue_indirect_dma source(%arg18 : memref<80x128xf32, #tpu.memory_space<vmem>>) target(%dma_start3A_43 : memref<10000x128xf32, #tpu.memory_space<vmem_shared>>) offsets(%dma_start3A_40 : memref<80xi32, #tpu.memory_space<vmem>>) semaphore(%arg23 : memref<!tpu.dma_semaphore, #tpu.memory_space<semaphore_mem>>) {add = true}
    %dma_wait3A_44 = arith.constant 1 : i32
    %dma_wait3A_45 = arith.constant 0 : i32
    %dma_wait3A_46 = tpu.memref_slice %arg13[%dma_wait3A_44, %dma_wait3A_45] : memref<2x80xi32, #tpu.memory_space<vmem>> -> memref<1x80xi32, #tpu.memory_space<vmem>>
    %dma_wait3A_47 = tpu.memref_squeeze %dma_wait3A_46 : memref<1x80xi32, #tpu.memory_space<vmem>> -> memref<80xi32, #tpu.memory_space<vmem>>
    %dma_wait3A_48 = arith.constant 0 : i32
    %dma_wait3A_49 = arith.constant 0 : i32
    %dma_wait3A_50 = tpu.memref_slice %arg10[%dma_wait3A_48, %dma_wait3A_49] : memref<10000x128xf32, #tpu.memory_space<vmem_shared>> -> memref<10000x128xf32, #tpu.memory_space<vmem_shared>>
    tpu.wait_indirect_dma semaphore(%arg23 : memref<!tpu.dma_semaphore, #tpu.memory_space<semaphore_mem>>) src(%arg18 : memref<80x128xf32, #tpu.memory_space<vmem>>) dst(%dma_wait3A_50 : memref<10000x128xf32, #tpu.memory_space<vmem_shared>>)
    %dma_wait3A_51 = arith.constant 1 : i32
    %dma_wait3A_52 = arith.constant 0 : i32
    %dma_wait3A_53 = tpu.memref_slice %arg14[%dma_wait3A_51, %dma_wait3A_52] : memref<2x80xi32, #tpu.memory_space<vmem>> -> memref<1x80xi32, #tpu.memory_space<vmem>>
    %dma_wait3A_54 = tpu.memref_squeeze %dma_wait3A_53 : memref<1x80xi32, #tpu.memory_space<vmem>> -> memref<80xi32, #tpu.memory_space<vmem>>
    %dma_wait3A_55 = arith.constant 0 : i32
    %dma_wait3A_56 = arith.constant 0 : i32
    %dma_wait3A_57 = tpu.memref_slice %arg10[%dma_wait3A_55, %dma_wait3A_56] : memref<10000x128xf32, #tpu.memory_space<vmem_shared>> -> memref<10000x128xf32, #tpu.memory_space<vmem_shared>>
    tpu.wait_indirect_dma semaphore(%arg24 : memref<!tpu.dma_semaphore, #tpu.memory_space<semaphore_mem>>) src(%arg19 : memref<80x128xf32, #tpu.memory_space<vmem>>) dst(%dma_wait3A_57 : memref<10000x128xf32, #tpu.memory_space<vmem_shared>>)
    %barrier3A_58 = arith.constant 0 : index
    tpu.barrier barrier_id(%barrier3A_58)
    %add3A = arith.addi %mul3A_0, %mul3A_2 : i32
    "tpu.region"() ({
      %run_scoped3A_118 = tpu.sem_alloc : memref<!tpu.dma_semaphore, #tpu.memory_space<semaphore_mem>>
      %dma_start3A_119 = arith.constant 0 : i32
      %dma_start3A_120 = tpu.memref_slice %arg8[%add3A, %dma_start3A_119] : memref<20000x128xf32, #tpu.memory_space<hbm>> -> memref<624x128xf32, #tpu.memory_space<hbm>>
      %dma_start3A_121 = arith.constant 0 : i32
      %dma_start3A_122 = tpu.memref_slice %arg10[%mul3A_2, %dma_start3A_121] : memref<10000x128xf32, #tpu.memory_space<vmem_shared>> -> memref<624x128xf32, #tpu.memory_space<vmem_shared>>
      tpu.enqueue_dma source(%dma_start3A_122 : memref<624x128xf32, #tpu.memory_space<vmem_shared>>) target(%dma_start3A_120 : memref<624x128xf32, #tpu.memory_space<hbm>>) target_semaphore(%run_scoped3A_118 : memref<!tpu.dma_semaphore, #tpu.memory_space<semaphore_mem>>)
      %dma_wait3A_123 = arith.constant 0 : i32
      %dma_wait3A_124 = tpu.memref_slice %arg8[%add3A, %dma_wait3A_123] : memref<20000x128xf32, #tpu.memory_space<hbm>> -> memref<624x128xf32, #tpu.memory_space<hbm>>
      %dma_wait3A_125 = arith.constant 0 : i32
      %dma_wait3A_126 = tpu.memref_slice %arg10[%mul3A_2, %dma_wait3A_125] : memref<10000x128xf32, #tpu.memory_space<vmem_shared>> -> memref<624x128xf32, #tpu.memory_space<vmem_shared>>
      tpu.wait_dma2 semaphore(%run_scoped3A_118 : memref<!tpu.dma_semaphore, #tpu.memory_space<semaphore_mem>>) src(%dma_wait3A_126 : memref<624x128xf32, #tpu.memory_space<vmem_shared>>) dst(%dma_wait3A_124 : memref<624x128xf32, #tpu.memory_space<hbm>>)
      tpu.yield
    }) : () -> ()
    %eq3A_59 = arith.constant 15 : i32
    %eq3A_60 = arith.cmpi eq, %arg1, %eq3A_59 : i32
    %convert_element_type3A_61 = arith.extui %eq3A_60 : i1 to i32
    %cond3A_62 = arith.constant 0 : i32
    %cond3A_63 = arith.cmpi ne, %convert_element_type3A_61, %cond3A_62 : i32
    scf.if %cond3A_63 {
      %add3A_118 = arith.constant 9984 : i32
      %add3A_119 = arith.addi %mul3A_0, %add3A_118 : i32
      "tpu.region"() ({
        %run_scoped3A_120 = tpu.sem_alloc : memref<!tpu.dma_semaphore, #tpu.memory_space<semaphore_mem>>
        %dma_start3A_121 = arith.constant 0 : i32
        %dma_start3A_122 = tpu.memref_slice %arg8[%add3A_119, %dma_start3A_121] : memref<20000x128xf32, #tpu.memory_space<hbm>> -> memref<16x128xf32, #tpu.memory_space<hbm>>
        %dma_start3A_123 = arith.constant 9984 : i32
        %dma_start3A_124 = arith.constant 0 : i32
        %dma_start3A_125 = tpu.memref_slice %arg10[%dma_start3A_123, %dma_start3A_124] : memref<10000x128xf32, #tpu.memory_space<vmem_shared>> -> memref<16x128xf32, #tpu.memory_space<vmem_shared>>
        tpu.enqueue_dma source(%dma_start3A_125 : memref<16x128xf32, #tpu.memory_space<vmem_shared>>) target(%dma_start3A_122 : memref<16x128xf32, #tpu.memory_space<hbm>>) target_semaphore(%run_scoped3A_120 : memref<!tpu.dma_semaphore, #tpu.memory_space<semaphore_mem>>)
        %dma_wait3A_126 = arith.constant 0 : i32
        %dma_wait3A_127 = tpu.memref_slice %arg8[%add3A_119, %dma_wait3A_126] : memref<20000x128xf32, #tpu.memory_space<hbm>> -> memref<16x128xf32, #tpu.memory_space<hbm>>
        %dma_wait3A_128 = arith.constant 9984 : i32
        %dma_wait3A_129 = arith.constant 0 : i32
        %dma_wait3A_130 = tpu.memref_slice %arg10[%dma_wait3A_128, %dma_wait3A_129] : memref<10000x128xf32, #tpu.memory_space<vmem_shared>> -> memref<16x128xf32, #tpu.memory_space<vmem_shared>>
        tpu.wait_dma2 semaphore(%run_scoped3A_120 : memref<!tpu.dma_semaphore, #tpu.memory_space<semaphore_mem>>) src(%dma_wait3A_130 : memref<16x128xf32, #tpu.memory_space<vmem_shared>>) dst(%dma_wait3A_127 : memref<16x128xf32, #tpu.memory_space<hbm>>)
        tpu.yield
      }) : () -> ()
    } else {
    }
    "tpu.region"() ({
      %run_scoped3A_118 = tpu.sem_alloc : memref<!tpu.dma_semaphore, #tpu.memory_space<semaphore_mem>>
      %dma_start3A_119 = arith.constant 0 : i32
      %dma_start3A_120 = tpu.memref_slice %arg10[%mul3A_2, %dma_start3A_119] : memref<10000x128xf32, #tpu.memory_space<vmem_shared>> -> memref<624x128xf32, #tpu.memory_space<vmem_shared>>
      %dma_start3A_121 = arith.constant 0 : i32
      %dma_start3A_122 = tpu.memref_slice %arg7[%mul3A_2, %dma_start3A_121] : memref<10000x128xf32, #tpu.memory_space<hbm>> -> memref<624x128xf32, #tpu.memory_space<hbm>>
      tpu.enqueue_dma source(%dma_start3A_122 : memref<624x128xf32, #tpu.memory_space<hbm>>) target(%dma_start3A_120 : memref<624x128xf32, #tpu.memory_space<vmem_shared>>) target_semaphore(%run_scoped3A_118 : memref<!tpu.dma_semaphore, #tpu.memory_space<semaphore_mem>>)
      %dma_wait3A_123 = arith.constant 0 : i32
      %dma_wait3A_124 = tpu.memref_slice %arg10[%mul3A_2, %dma_wait3A_123] : memref<10000x128xf32, #tpu.memory_space<vmem_shared>> -> memref<624x128xf32, #tpu.memory_space<vmem_shared>>
      %dma_wait3A_125 = arith.constant 0 : i32
      %dma_wait3A_126 = tpu.memref_slice %arg7[%mul3A_2, %dma_wait3A_125] : memref<10000x128xf32, #tpu.memory_space<hbm>> -> memref<624x128xf32, #tpu.memory_space<hbm>>
      tpu.wait_dma2 semaphore(%run_scoped3A_118 : memref<!tpu.dma_semaphore, #tpu.memory_space<semaphore_mem>>) src(%dma_wait3A_126 : memref<624x128xf32, #tpu.memory_space<hbm>>) dst(%dma_wait3A_124 : memref<624x128xf32, #tpu.memory_space<vmem_shared>>)
      tpu.yield
    }) : () -> ()
    %eq3A_64 = arith.constant 15 : i32
    %eq3A_65 = arith.cmpi eq, %arg1, %eq3A_64 : i32
    %convert_element_type3A_66 = arith.extui %eq3A_65 : i1 to i32
    %cond3A_67 = arith.constant 0 : i32
    %cond3A_68 = arith.cmpi ne, %convert_element_type3A_66, %cond3A_67 : i32
    scf.if %cond3A_68 {
      "tpu.region"() ({
        %run_scoped3A_118 = tpu.sem_alloc : memref<!tpu.dma_semaphore, #tpu.memory_space<semaphore_mem>>
        %dma_start3A_119 = arith.constant 9984 : i32
        %dma_start3A_120 = arith.constant 0 : i32
        %dma_start3A_121 = tpu.memref_slice %arg10[%dma_start3A_119, %dma_start3A_120] : memref<10000x128xf32, #tpu.memory_space<vmem_shared>> -> memref<16x128xf32, #tpu.memory_space<vmem_shared>>
        %dma_start3A_122 = arith.constant 9984 : i32
        %dma_start3A_123 = arith.constant 0 : i32
        %dma_start3A_124 = tpu.memref_slice %arg7[%dma_start3A_122, %dma_start3A_123] : memref<10000x128xf32, #tpu.memory_space<hbm>> -> memref<16x128xf32, #tpu.memory_space<hbm>>
        tpu.enqueue_dma source(%dma_start3A_124 : memref<16x128xf32, #tpu.memory_space<hbm>>) target(%dma_start3A_121 : memref<16x128xf32, #tpu.memory_space<vmem_shared>>) target_semaphore(%run_scoped3A_118 : memref<!tpu.dma_semaphore, #tpu.memory_space<semaphore_mem>>)
        %dma_wait3A_125 = arith.constant 9984 : i32
        %dma_wait3A_126 = arith.constant 0 : i32
        %dma_wait3A_127 = tpu.memref_slice %arg10[%dma_wait3A_125, %dma_wait3A_126] : memref<10000x128xf32, #tpu.memory_space<vmem_shared>> -> memref<16x128xf32, #tpu.memory_space<vmem_shared>>
        %dma_wait3A_128 = arith.constant 9984 : i32
        %dma_wait3A_129 = arith.constant 0 : i32
        %dma_wait3A_130 = tpu.memref_slice %arg7[%dma_wait3A_128, %dma_wait3A_129] : memref<10000x128xf32, #tpu.memory_space<hbm>> -> memref<16x128xf32, #tpu.memory_space<hbm>>
        tpu.wait_dma2 semaphore(%run_scoped3A_118 : memref<!tpu.dma_semaphore, #tpu.memory_space<semaphore_mem>>) src(%dma_wait3A_130 : memref<16x128xf32, #tpu.memory_space<hbm>>) dst(%dma_wait3A_127 : memref<16x128xf32, #tpu.memory_space<vmem_shared>>)
        tpu.yield
      }) : () -> ()
    } else {
    }
    %barrier3A_69 = arith.constant 0 : index
    tpu.barrier barrier_id(%barrier3A_69)
    %run_scoped3A_70 = arith.constant 0 : i32
    "tpu.region"() ({
      %run_scoped3A_118 = tpu.sem_alloc : memref<!tpu.dma_semaphore, #tpu.memory_space<semaphore_mem>>
      %dma_start3A_119 = arith.constant 0 : i32
      %dma_start3A_120 = arith.constant 0 : i32
      %dma_start3A_121 = tpu.memref_slice %arg5[%arg0, %arg1, %run_scoped3A_70, %dma_start3A_119, %dma_start3A_120] : memref<2x16x250x3x40xi32, #tpu.memory_space<hbm>> -> memref<1x1x1x3x40xi32, #tpu.memory_space<hbm>>
      %dma_start3A_122 = tpu.memref_squeeze %dma_start3A_121 : memref<1x1x1x3x40xi32, #tpu.memory_space<hbm>> -> memref<3x40xi32, #tpu.memory_space<hbm>>
      %dma_start3A_123 = arith.constant 0 : i32
      %dma_start3A_124 = arith.constant 0 : i32
      %dma_start3A_125 = tpu.memref_slice %arg5[%arg0, %arg1, %run_scoped3A_70, %dma_start3A_123, %dma_start3A_124] : memref<2x16x250x3x40xi32, #tpu.memory_space<hbm>> -> memref<1x1x1x3x40xi32, #tpu.memory_space<hbm>>
      %dma_start3A_126 = tpu.memref_squeeze %dma_start3A_125 : memref<1x1x1x3x40xi32, #tpu.memory_space<hbm>> -> memref<3x40xi32, #tpu.memory_space<hbm>>
      tpu.enqueue_dma source(%dma_start3A_126 : memref<3x40xi32, #tpu.memory_space<hbm>>) target(%arg11 : memref<3x40xi32, #tpu.memory_space<vmem>>) target_semaphore(%run_scoped3A_118 : memref<!tpu.dma_semaphore, #tpu.memory_space<semaphore_mem>>)
      %dma_wait3A_127 = arith.constant 0 : i32
      %dma_wait3A_128 = arith.constant 0 : i32
      %dma_wait3A_129 = tpu.memref_slice %arg5[%arg0, %arg1, %run_scoped3A_70, %dma_wait3A_127, %dma_wait3A_128] : memref<2x16x250x3x40xi32, #tpu.memory_space<hbm>> -> memref<1x1x1x3x40xi32, #tpu.memory_space<hbm>>
      %dma_wait3A_130 = tpu.memref_squeeze %dma_wait3A_129 : memref<1x1x1x3x40xi32, #tpu.memory_space<hbm>> -> memref<3x40xi32, #tpu.memory_space<hbm>>
      %dma_wait3A_131 = arith.constant 0 : i32
      %dma_wait3A_132 = arith.constant 0 : i32
      %dma_wait3A_133 = tpu.memref_slice %arg5[%arg0, %arg1, %run_scoped3A_70, %dma_wait3A_131, %dma_wait3A_132] : memref<2x16x250x3x40xi32, #tpu.memory_space<hbm>> -> memref<1x1x1x3x40xi32, #tpu.memory_space<hbm>>
      %dma_wait3A_134 = tpu.memref_squeeze %dma_wait3A_133 : memref<1x1x1x3x40xi32, #tpu.memory_space<hbm>> -> memref<3x40xi32, #tpu.memory_space<hbm>>
      tpu.wait_dma2 semaphore(%run_scoped3A_118 : memref<!tpu.dma_semaphore, #tpu.memory_space<semaphore_mem>>) src(%dma_wait3A_134 : memref<3x40xi32, #tpu.memory_space<hbm>>) dst(%arg11 : memref<3x40xi32, #tpu.memory_space<vmem>>)
      tpu.yield
    }) : () -> ()
    %dma_start3A_71 = arith.constant 0 : i32
    %dma_start3A_72 = arith.constant 0 : i32
    %dma_start3A_73 = tpu.memref_slice %arg11[%dma_start3A_71, %dma_start3A_72] : memref<3x40xi32, #tpu.memory_space<vmem>> -> memref<1x40xi32, #tpu.memory_space<vmem>>
    %dma_start3A_74 = tpu.memref_squeeze %dma_start3A_73 : memref<1x40xi32, #tpu.memory_space<vmem>> -> memref<40xi32, #tpu.memory_space<vmem>>
    %dma_start3A_75 = arith.constant 0 : i32
    %dma_start3A_76 = arith.constant 0 : i32
    %dma_start3A_77 = tpu.memref_slice %arg3[%dma_start3A_75, %dma_start3A_76] : memref<20000x256xf32, #tpu.memory_space<hbm>> -> memref<20000x256xf32, #tpu.memory_space<hbm>>
    tpu.enqueue_indirect_dma source(%dma_start3A_77 : memref<20000x256xf32, #tpu.memory_space<hbm>>) target(%arg15 : memref<40x256xf32, #tpu.memory_space<vmem>>) offsets(%dma_start3A_74 : memref<40xi32, #tpu.memory_space<vmem>>) semaphore(%arg20 : memref<!tpu.dma_semaphore, #tpu.memory_space<semaphore_mem>>)
    %dma_start3A_78 = arith.constant 1 : i32
    %dma_start3A_79 = arith.constant 0 : i32
    %dma_start3A_80 = tpu.memref_slice %arg11[%dma_start3A_78, %dma_start3A_79] : memref<3x40xi32, #tpu.memory_space<vmem>> -> memref<1x40xi32, #tpu.memory_space<vmem>>
    %dma_start3A_81 = tpu.memref_squeeze %dma_start3A_80 : memref<1x40xi32, #tpu.memory_space<vmem>> -> memref<40xi32, #tpu.memory_space<vmem>>
    %dma_start3A_82 = arith.constant 0 : i32
    %dma_start3A_83 = arith.constant 0 : i32
    %dma_start3A_84 = tpu.memref_slice %arg4[%dma_start3A_82, %dma_start3A_83] : memref<20000x128xf32, #tpu.memory_space<hbm>> -> memref<20000x128xf32, #tpu.memory_space<hbm>>
    tpu.enqueue_indirect_dma source(%dma_start3A_84 : memref<20000x128xf32, #tpu.memory_space<hbm>>) target(%arg17 : memref<40x128xf32, #tpu.memory_space<vmem>>) offsets(%dma_start3A_81 : memref<40xi32, #tpu.memory_space<vmem>>) semaphore(%arg22 : memref<!tpu.dma_semaphore, #tpu.memory_space<semaphore_mem>>)
    %scan3A_85 = arith.constant 0 : i32
    %scan3A_86 = arith.constant 0 : i32
    %scan3A_87 = arith.constant 125 : i32
    %scan3A_88 = arith.addi %scan3A_86, %scan3A_87 : i32
    %scan3A_89 = arith.constant 1 : i32
    scf.for %scan3A_118 = %scan3A_86 to %scan3A_88 step %scan3A_89  : i32 {
      %mul3A_119 = arith.constant 2 : i32
      %mul3A_120 = arith.muli %mul3A_119, %scan3A_118 : i32
      %add3A_121 = arith.constant 1 : i32
      %add3A_122 = arith.addi %mul3A_120, %add3A_121 : i32
      %gt3A = arith.constant 0 : i32
      %gt3A_123 = arith.cmpi sgt, %scan3A_118, %gt3A : i32
      %convert_element_type3A_124 = arith.extui %gt3A_123 : i1 to i32
      %cond3A_125 = arith.constant 0 : i32
      %cond3A_126 = arith.cmpi ne, %convert_element_type3A_124, %cond3A_125 : i32
      scf.if %cond3A_126 {
        %dma_wait3A_198 = arith.constant 2 : i32
        %dma_wait3A_199 = arith.constant 0 : i32
        %dma_wait3A_200 = arith.constant 0 : i32
        %dma_wait3A_201 = tpu.memref_slice %arg19[%dma_wait3A_199, %dma_wait3A_200] : memref<80x128xf32, #tpu.memory_space<vmem>> -> memref<40x128xf32, #tpu.memory_space<vmem>>
        %dma_wait3A_202 = arith.constant 0 : i32
        %dma_wait3A_203 = tpu.memref_slice %arg12[%dma_wait3A_198, %dma_wait3A_202] : memref<3x40xi32, #tpu.memory_space<vmem>> -> memref<1x40xi32, #tpu.memory_space<vmem>>
        %dma_wait3A_204 = tpu.memref_squeeze %dma_wait3A_203 : memref<1x40xi32, #tpu.memory_space<vmem>> -> memref<40xi32, #tpu.memory_space<vmem>>
        %dma_wait3A_205 = arith.constant 0 : i32
        %dma_wait3A_206 = arith.constant 0 : i32
        %dma_wait3A_207 = tpu.memref_slice %arg10[%dma_wait3A_205, %dma_wait3A_206] : memref<10000x128xf32, #tpu.memory_space<vmem_shared>> -> memref<10000x128xf32, #tpu.memory_space<vmem_shared>>
        tpu.wait_indirect_dma semaphore(%arg24 : memref<!tpu.dma_semaphore, #tpu.memory_space<semaphore_mem>>) src(%dma_wait3A_201 : memref<40x128xf32, #tpu.memory_space<vmem>>) dst(%dma_wait3A_207 : memref<10000x128xf32, #tpu.memory_space<vmem_shared>>)
      } else {
      }
      "tpu.region"() ({
        %run_scoped3A_198 = tpu.sem_alloc : memref<!tpu.dma_semaphore, #tpu.memory_space<semaphore_mem>>
        %dma_start3A_199 = arith.constant 0 : i32
        %dma_start3A_200 = arith.constant 0 : i32
        %dma_start3A_201 = tpu.memref_slice %arg5[%arg0, %arg1, %add3A_122, %dma_start3A_199, %dma_start3A_200] : memref<2x16x250x3x40xi32, #tpu.memory_space<hbm>> -> memref<1x1x1x3x40xi32, #tpu.memory_space<hbm>>
        %dma_start3A_202 = tpu.memref_squeeze %dma_start3A_201 : memref<1x1x1x3x40xi32, #tpu.memory_space<hbm>> -> memref<3x40xi32, #tpu.memory_space<hbm>>
        %dma_start3A_203 = arith.constant 0 : i32
        %dma_start3A_204 = arith.constant 0 : i32
        %dma_start3A_205 = tpu.memref_slice %arg5[%arg0, %arg1, %add3A_122, %dma_start3A_203, %dma_start3A_204] : memref<2x16x250x3x40xi32, #tpu.memory_space<hbm>> -> memref<1x1x1x3x40xi32, #tpu.memory_space<hbm>>
        %dma_start3A_206 = tpu.memref_squeeze %dma_start3A_205 : memref<1x1x1x3x40xi32, #tpu.memory_space<hbm>> -> memref<3x40xi32, #tpu.memory_space<hbm>>
        tpu.enqueue_dma source(%dma_start3A_206 : memref<3x40xi32, #tpu.memory_space<hbm>>) target(%arg12 : memref<3x40xi32, #tpu.memory_space<vmem>>) target_semaphore(%run_scoped3A_198 : memref<!tpu.dma_semaphore, #tpu.memory_space<semaphore_mem>>)
        %dma_wait3A_207 = arith.constant 0 : i32
        %dma_wait3A_208 = arith.constant 0 : i32
        %dma_wait3A_209 = tpu.memref_slice %arg5[%arg0, %arg1, %add3A_122, %dma_wait3A_207, %dma_wait3A_208] : memref<2x16x250x3x40xi32, #tpu.memory_space<hbm>> -> memref<1x1x1x3x40xi32, #tpu.memory_space<hbm>>
        %dma_wait3A_210 = tpu.memref_squeeze %dma_wait3A_209 : memref<1x1x1x3x40xi32, #tpu.memory_space<hbm>> -> memref<3x40xi32, #tpu.memory_space<hbm>>
        %dma_wait3A_211 = arith.constant 0 : i32
        %dma_wait3A_212 = arith.constant 0 : i32
        %dma_wait3A_213 = tpu.memref_slice %arg5[%arg0, %arg1, %add3A_122, %dma_wait3A_211, %dma_wait3A_212] : memref<2x16x250x3x40xi32, #tpu.memory_space<hbm>> -> memref<1x1x1x3x40xi32, #tpu.memory_space<hbm>>
        %dma_wait3A_214 = tpu.memref_squeeze %dma_wait3A_213 : memref<1x1x1x3x40xi32, #tpu.memory_space<hbm>> -> memref<3x40xi32, #tpu.memory_space<hbm>>
        tpu.wait_dma2 semaphore(%run_scoped3A_198 : memref<!tpu.dma_semaphore, #tpu.memory_space<semaphore_mem>>) src(%dma_wait3A_214 : memref<3x40xi32, #tpu.memory_space<hbm>>) dst(%arg12 : memref<3x40xi32, #tpu.memory_space<vmem>>)
        tpu.yield
      }) : () -> ()
      %dma_start3A_127 = arith.constant 0 : i32
      %dma_start3A_128 = arith.constant 0 : i32
      %dma_start3A_129 = tpu.memref_slice %arg12[%dma_start3A_127, %dma_start3A_128] : memref<3x40xi32, #tpu.memory_space<vmem>> -> memref<1x40xi32, #tpu.memory_space<vmem>>
      %dma_start3A_130 = tpu.memref_squeeze %dma_start3A_129 : memref<1x40xi32, #tpu.memory_space<vmem>> -> memref<40xi32, #tpu.memory_space<vmem>>
      %dma_start3A_131 = arith.constant 0 : i32
      %dma_start3A_132 = arith.constant 0 : i32
      %dma_start3A_133 = tpu.memref_slice %arg3[%dma_start3A_131, %dma_start3A_132] : memref<20000x256xf32, #tpu.memory_space<hbm>> -> memref<20000x256xf32, #tpu.memory_space<hbm>>
      tpu.enqueue_indirect_dma source(%dma_start3A_133 : memref<20000x256xf32, #tpu.memory_space<hbm>>) target(%arg16 : memref<40x256xf32, #tpu.memory_space<vmem>>) offsets(%dma_start3A_130 : memref<40xi32, #tpu.memory_space<vmem>>) semaphore(%arg21 : memref<!tpu.dma_semaphore, #tpu.memory_space<semaphore_mem>>)
      %dma_wait3A_134 = arith.constant 0 : i32
      %dma_wait3A_135 = arith.constant 0 : i32
      %dma_wait3A_136 = tpu.memref_slice %arg11[%dma_wait3A_134, %dma_wait3A_135] : memref<3x40xi32, #tpu.memory_space<vmem>> -> memref<1x40xi32, #tpu.memory_space<vmem>>
      %dma_wait3A_137 = tpu.memref_squeeze %dma_wait3A_136 : memref<1x40xi32, #tpu.memory_space<vmem>> -> memref<40xi32, #tpu.memory_space<vmem>>
      %dma_wait3A_138 = arith.constant 0 : i32
      %dma_wait3A_139 = arith.constant 0 : i32
      %dma_wait3A_140 = tpu.memref_slice %arg3[%dma_wait3A_138, %dma_wait3A_139] : memref<20000x256xf32, #tpu.memory_space<hbm>> -> memref<20000x256xf32, #tpu.memory_space<hbm>>
      tpu.wait_indirect_dma semaphore(%arg20 : memref<!tpu.dma_semaphore, #tpu.memory_space<semaphore_mem>>) src(%dma_wait3A_140 : memref<20000x256xf32, #tpu.memory_space<hbm>>) dst(%arg15 : memref<40x256xf32, #tpu.memory_space<vmem>>)
      %dma_wait3A_141 = arith.constant 1 : i32
      %dma_wait3A_142 = arith.constant 0 : i32
      %dma_wait3A_143 = tpu.memref_slice %arg11[%dma_wait3A_141, %dma_wait3A_142] : memref<3x40xi32, #tpu.memory_space<vmem>> -> memref<1x40xi32, #tpu.memory_space<vmem>>
      %dma_wait3A_144 = tpu.memref_squeeze %dma_wait3A_143 : memref<1x40xi32, #tpu.memory_space<vmem>> -> memref<40xi32, #tpu.memory_space<vmem>>
      %dma_wait3A_145 = arith.constant 0 : i32
      %dma_wait3A_146 = arith.constant 0 : i32
      %dma_wait3A_147 = tpu.memref_slice %arg4[%dma_wait3A_145, %dma_wait3A_146] : memref<20000x128xf32, #tpu.memory_space<hbm>> -> memref<20000x128xf32, #tpu.memory_space<hbm>>
      tpu.wait_indirect_dma semaphore(%arg22 : memref<!tpu.dma_semaphore, #tpu.memory_space<semaphore_mem>>) src(%dma_wait3A_147 : memref<20000x128xf32, #tpu.memory_space<hbm>>) dst(%arg17 : memref<40x128xf32, #tpu.memory_space<vmem>>)
      %dma_start3A_148 = arith.constant 1 : i32
      %dma_start3A_149 = arith.constant 0 : i32
      %dma_start3A_150 = tpu.memref_slice %arg12[%dma_start3A_148, %dma_start3A_149] : memref<3x40xi32, #tpu.memory_space<vmem>> -> memref<1x40xi32, #tpu.memory_space<vmem>>
      %dma_start3A_151 = tpu.memref_squeeze %dma_start3A_150 : memref<1x40xi32, #tpu.memory_space<vmem>> -> memref<40xi32, #tpu.memory_space<vmem>>
      %dma_start3A_152 = arith.constant 0 : i32
      %dma_start3A_153 = arith.constant 0 : i32
      %dma_start3A_154 = tpu.memref_slice %arg4[%dma_start3A_152, %dma_start3A_153] : memref<20000x128xf32, #tpu.memory_space<hbm>> -> memref<20000x128xf32, #tpu.memory_space<hbm>>
      tpu.enqueue_indirect_dma source(%dma_start3A_154 : memref<20000x128xf32, #tpu.memory_space<hbm>>) target(%arg17 : memref<40x128xf32, #tpu.memory_space<vmem>>) offsets(%dma_start3A_151 : memref<40xi32, #tpu.memory_space<vmem>>) semaphore(%arg22 : memref<!tpu.dma_semaphore, #tpu.memory_space<semaphore_mem>>)
      %dma_start3A_155 = arith.constant 2 : i32
      %dma_start3A_156 = arith.constant 0 : i32
      %dma_start3A_157 = arith.constant 0 : i32
      %dma_start3A_158 = tpu.memref_slice %arg18[%dma_start3A_156, %dma_start3A_157] : memref<80x128xf32, #tpu.memory_space<vmem>> -> memref<40x128xf32, #tpu.memory_space<vmem>>
      %dma_start3A_159 = arith.constant 0 : i32
      %dma_start3A_160 = tpu.memref_slice %arg11[%dma_start3A_155, %dma_start3A_159] : memref<3x40xi32, #tpu.memory_space<vmem>> -> memref<1x40xi32, #tpu.memory_space<vmem>>
      %dma_start3A_161 = tpu.memref_squeeze %dma_start3A_160 : memref<1x40xi32, #tpu.memory_space<vmem>> -> memref<40xi32, #tpu.memory_space<vmem>>
      %dma_start3A_162 = arith.constant 0 : i32
      %dma_start3A_163 = arith.constant 0 : i32
      %dma_start3A_164 = tpu.memref_slice %arg10[%dma_start3A_162, %dma_start3A_163] : memref<10000x128xf32, #tpu.memory_space<vmem_shared>> -> memref<10000x128xf32, #tpu.memory_space<vmem_shared>>
      tpu.enqueue_indirect_dma source(%dma_start3A_158 : memref<40x128xf32, #tpu.memory_space<vmem>>) target(%dma_start3A_164 : memref<10000x128xf32, #tpu.memory_space<vmem_shared>>) offsets(%dma_start3A_161 : memref<40xi32, #tpu.memory_space<vmem>>) semaphore(%arg23 : memref<!tpu.dma_semaphore, #tpu.memory_space<semaphore_mem>>) {add = true}
      %lt3A = arith.constant 124 : i32
      %lt3A_165 = arith.cmpi slt, %scan3A_118, %lt3A : i32
      %convert_element_type3A_166 = arith.extui %lt3A_165 : i1 to i32
      %cond3A_167 = arith.constant 0 : i32
      %cond3A_168 = arith.cmpi ne, %convert_element_type3A_166, %cond3A_167 : i32
      scf.if %cond3A_168 {
        %dma_wait3A_198 = arith.constant 2 : i32
        %dma_wait3A_199 = arith.constant 0 : i32
        %dma_wait3A_200 = arith.constant 0 : i32
        %dma_wait3A_201 = tpu.memref_slice %arg18[%dma_wait3A_199, %dma_wait3A_200] : memref<80x128xf32, #tpu.memory_space<vmem>> -> memref<40x128xf32, #tpu.memory_space<vmem>>
        %dma_wait3A_202 = arith.constant 0 : i32
        %dma_wait3A_203 = tpu.memref_slice %arg11[%dma_wait3A_198, %dma_wait3A_202] : memref<3x40xi32, #tpu.memory_space<vmem>> -> memref<1x40xi32, #tpu.memory_space<vmem>>
        %dma_wait3A_204 = tpu.memref_squeeze %dma_wait3A_203 : memref<1x40xi32, #tpu.memory_space<vmem>> -> memref<40xi32, #tpu.memory_space<vmem>>
        %dma_wait3A_205 = arith.constant 0 : i32
        %dma_wait3A_206 = arith.constant 0 : i32
        %dma_wait3A_207 = tpu.memref_slice %arg10[%dma_wait3A_205, %dma_wait3A_206] : memref<10000x128xf32, #tpu.memory_space<vmem_shared>> -> memref<10000x128xf32, #tpu.memory_space<vmem_shared>>
        tpu.wait_indirect_dma semaphore(%arg23 : memref<!tpu.dma_semaphore, #tpu.memory_space<semaphore_mem>>) src(%dma_wait3A_201 : memref<40x128xf32, #tpu.memory_space<vmem>>) dst(%dma_wait3A_207 : memref<10000x128xf32, #tpu.memory_space<vmem_shared>>)
        %add3A_208 = arith.constant 1 : i32
        %add3A_209 = arith.addi %add3A_122, %add3A_208 : i32
        "tpu.region"() ({
          %run_scoped3A_217 = tpu.sem_alloc : memref<!tpu.dma_semaphore, #tpu.memory_space<semaphore_mem>>
          %dma_start3A_218 = arith.constant 0 : i32
          %dma_start3A_219 = arith.constant 0 : i32
          %dma_start3A_220 = tpu.memref_slice %arg5[%arg0, %arg1, %add3A_209, %dma_start3A_218, %dma_start3A_219] : memref<2x16x250x3x40xi32, #tpu.memory_space<hbm>> -> memref<1x1x1x3x40xi32, #tpu.memory_space<hbm>>
          %dma_start3A_221 = tpu.memref_squeeze %dma_start3A_220 : memref<1x1x1x3x40xi32, #tpu.memory_space<hbm>> -> memref<3x40xi32, #tpu.memory_space<hbm>>
          %dma_start3A_222 = arith.constant 0 : i32
          %dma_start3A_223 = arith.constant 0 : i32
          %dma_start3A_224 = tpu.memref_slice %arg5[%arg0, %arg1, %add3A_209, %dma_start3A_222, %dma_start3A_223] : memref<2x16x250x3x40xi32, #tpu.memory_space<hbm>> -> memref<1x1x1x3x40xi32, #tpu.memory_space<hbm>>
          %dma_start3A_225 = tpu.memref_squeeze %dma_start3A_224 : memref<1x1x1x3x40xi32, #tpu.memory_space<hbm>> -> memref<3x40xi32, #tpu.memory_space<hbm>>
          tpu.enqueue_dma source(%dma_start3A_225 : memref<3x40xi32, #tpu.memory_space<hbm>>) target(%arg11 : memref<3x40xi32, #tpu.memory_space<vmem>>) target_semaphore(%run_scoped3A_217 : memref<!tpu.dma_semaphore, #tpu.memory_space<semaphore_mem>>)
          %dma_wait3A_226 = arith.constant 0 : i32
          %dma_wait3A_227 = arith.constant 0 : i32
          %dma_wait3A_228 = tpu.memref_slice %arg5[%arg0, %arg1, %add3A_209, %dma_wait3A_226, %dma_wait3A_227] : memref<2x16x250x3x40xi32, #tpu.memory_space<hbm>> -> memref<1x1x1x3x40xi32, #tpu.memory_space<hbm>>
          %dma_wait3A_229 = tpu.memref_squeeze %dma_wait3A_228 : memref<1x1x1x3x40xi32, #tpu.memory_space<hbm>> -> memref<3x40xi32, #tpu.memory_space<hbm>>
          %dma_wait3A_230 = arith.constant 0 : i32
          %dma_wait3A_231 = arith.constant 0 : i32
          %dma_wait3A_232 = tpu.memref_slice %arg5[%arg0, %arg1, %add3A_209, %dma_wait3A_230, %dma_wait3A_231] : memref<2x16x250x3x40xi32, #tpu.memory_space<hbm>> -> memref<1x1x1x3x40xi32, #tpu.memory_space<hbm>>
          %dma_wait3A_233 = tpu.memref_squeeze %dma_wait3A_232 : memref<1x1x1x3x40xi32, #tpu.memory_space<hbm>> -> memref<3x40xi32, #tpu.memory_space<hbm>>
          tpu.wait_dma2 semaphore(%run_scoped3A_217 : memref<!tpu.dma_semaphore, #tpu.memory_space<semaphore_mem>>) src(%dma_wait3A_233 : memref<3x40xi32, #tpu.memory_space<hbm>>) dst(%arg11 : memref<3x40xi32, #tpu.memory_space<vmem>>)
          tpu.yield
        }) : () -> ()
        %dma_start3A_210 = arith.constant 0 : i32
        %dma_start3A_211 = arith.constant 0 : i32
        %dma_start3A_212 = tpu.memref_slice %arg11[%dma_start3A_210, %dma_start3A_211] : memref<3x40xi32, #tpu.memory_space<vmem>> -> memref<1x40xi32, #tpu.memory_space<vmem>>
        %dma_start3A_213 = tpu.memref_squeeze %dma_start3A_212 : memref<1x40xi32, #tpu.memory_space<vmem>> -> memref<40xi32, #tpu.memory_space<vmem>>
        %dma_start3A_214 = arith.constant 0 : i32
        %dma_start3A_215 = arith.constant 0 : i32
        %dma_start3A_216 = tpu.memref_slice %arg3[%dma_start3A_214, %dma_start3A_215] : memref<20000x256xf32, #tpu.memory_space<hbm>> -> memref<20000x256xf32, #tpu.memory_space<hbm>>
        tpu.enqueue_indirect_dma source(%dma_start3A_216 : memref<20000x256xf32, #tpu.memory_space<hbm>>) target(%arg15 : memref<40x256xf32, #tpu.memory_space<vmem>>) offsets(%dma_start3A_213 : memref<40xi32, #tpu.memory_space<vmem>>) semaphore(%arg20 : memref<!tpu.dma_semaphore, #tpu.memory_space<semaphore_mem>>)
      } else {
      }
      %dma_wait3A_169 = arith.constant 0 : i32
      %dma_wait3A_170 = arith.constant 0 : i32
      %dma_wait3A_171 = tpu.memref_slice %arg12[%dma_wait3A_169, %dma_wait3A_170] : memref<3x40xi32, #tpu.memory_space<vmem>> -> memref<1x40xi32, #tpu.memory_space<vmem>>
      %dma_wait3A_172 = tpu.memref_squeeze %dma_wait3A_171 : memref<1x40xi32, #tpu.memory_space<vmem>> -> memref<40xi32, #tpu.memory_space<vmem>>
      %dma_wait3A_173 = arith.constant 0 : i32
      %dma_wait3A_174 = arith.constant 0 : i32
      %dma_wait3A_175 = tpu.memref_slice %arg3[%dma_wait3A_173, %dma_wait3A_174] : memref<20000x256xf32, #tpu.memory_space<hbm>> -> memref<20000x256xf32, #tpu.memory_space<hbm>>
      tpu.wait_indirect_dma semaphore(%arg21 : memref<!tpu.dma_semaphore, #tpu.memory_space<semaphore_mem>>) src(%dma_wait3A_175 : memref<20000x256xf32, #tpu.memory_space<hbm>>) dst(%arg16 : memref<40x256xf32, #tpu.memory_space<vmem>>)
      %dma_wait3A_176 = arith.constant 1 : i32
      %dma_wait3A_177 = arith.constant 0 : i32
      %dma_wait3A_178 = tpu.memref_slice %arg12[%dma_wait3A_176, %dma_wait3A_177] : memref<3x40xi32, #tpu.memory_space<vmem>> -> memref<1x40xi32, #tpu.memory_space<vmem>>
      %dma_wait3A_179 = tpu.memref_squeeze %dma_wait3A_178 : memref<1x40xi32, #tpu.memory_space<vmem>> -> memref<40xi32, #tpu.memory_space<vmem>>
      %dma_wait3A_180 = arith.constant 0 : i32
      %dma_wait3A_181 = arith.constant 0 : i32
      %dma_wait3A_182 = tpu.memref_slice %arg4[%dma_wait3A_180, %dma_wait3A_181] : memref<20000x128xf32, #tpu.memory_space<hbm>> -> memref<20000x128xf32, #tpu.memory_space<hbm>>
      tpu.wait_indirect_dma semaphore(%arg22 : memref<!tpu.dma_semaphore, #tpu.memory_space<semaphore_mem>>) src(%dma_wait3A_182 : memref<20000x128xf32, #tpu.memory_space<hbm>>) dst(%arg17 : memref<40x128xf32, #tpu.memory_space<vmem>>)
      %lt3A_183 = arith.constant 124 : i32
      %lt3A_184 = arith.cmpi slt, %scan3A_118, %lt3A_183 : i32
      %convert_element_type3A_185 = arith.extui %lt3A_184 : i1 to i32
      %cond3A_186 = arith.constant 0 : i32
      %cond3A_187 = arith.cmpi ne, %convert_element_type3A_185, %cond3A_186 : i32
      scf.if %cond3A_187 {
        %dma_start3A_198 = arith.constant 1 : i32
        %dma_start3A_199 = arith.constant 0 : i32
        %dma_start3A_200 = tpu.memref_slice %arg11[%dma_start3A_198, %dma_start3A_199] : memref<3x40xi32, #tpu.memory_space<vmem>> -> memref<1x40xi32, #tpu.memory_space<vmem>>
        %dma_start3A_201 = tpu.memref_squeeze %dma_start3A_200 : memref<1x40xi32, #tpu.memory_space<vmem>> -> memref<40xi32, #tpu.memory_space<vmem>>
        %dma_start3A_202 = arith.constant 0 : i32
        %dma_start3A_203 = arith.constant 0 : i32
        %dma_start3A_204 = tpu.memref_slice %arg4[%dma_start3A_202, %dma_start3A_203] : memref<20000x128xf32, #tpu.memory_space<hbm>> -> memref<20000x128xf32, #tpu.memory_space<hbm>>
        tpu.enqueue_indirect_dma source(%dma_start3A_204 : memref<20000x128xf32, #tpu.memory_space<hbm>>) target(%arg17 : memref<40x128xf32, #tpu.memory_space<vmem>>) offsets(%dma_start3A_201 : memref<40xi32, #tpu.memory_space<vmem>>) semaphore(%arg22 : memref<!tpu.dma_semaphore, #tpu.memory_space<semaphore_mem>>)
      } else {
      }
      %dma_start3A_188 = arith.constant 2 : i32
      %dma_start3A_189 = arith.constant 0 : i32
      %dma_start3A_190 = arith.constant 0 : i32
      %dma_start3A_191 = tpu.memref_slice %arg19[%dma_start3A_189, %dma_start3A_190] : memref<80x128xf32, #tpu.memory_space<vmem>> -> memref<40x128xf32, #tpu.memory_space<vmem>>
      %dma_start3A_192 = arith.constant 0 : i32
      %dma_start3A_193 = tpu.memref_slice %arg12[%dma_start3A_188, %dma_start3A_192] : memref<3x40xi32, #tpu.memory_space<vmem>> -> memref<1x40xi32, #tpu.memory_space<vmem>>
      %dma_start3A_194 = tpu.memref_squeeze %dma_start3A_193 : memref<1x40xi32, #tpu.memory_space<vmem>> -> memref<40xi32, #tpu.memory_space<vmem>>
      %dma_start3A_195 = arith.constant 0 : i32
      %dma_start3A_196 = arith.constant 0 : i32
      %dma_start3A_197 = tpu.memref_slice %arg10[%dma_start3A_195, %dma_start3A_196] : memref<10000x128xf32, #tpu.memory_space<vmem_shared>> -> memref<10000x128xf32, #tpu.memory_space<vmem_shared>>
      tpu.enqueue_indirect_dma source(%dma_start3A_191 : memref<40x128xf32, #tpu.memory_space<vmem>>) target(%dma_start3A_197 : memref<10000x128xf32, #tpu.memory_space<vmem_shared>>) offsets(%dma_start3A_194 : memref<40xi32, #tpu.memory_space<vmem>>) semaphore(%arg24 : memref<!tpu.dma_semaphore, #tpu.memory_space<semaphore_mem>>) {add = true}
    }
    %scan3A_90 = arith.constant 125 : i32
    %dma_wait3A_91 = arith.constant 2 : i32
    %dma_wait3A_92 = arith.constant 0 : i32
    %dma_wait3A_93 = arith.constant 0 : i32
    %dma_wait3A_94 = tpu.memref_slice %arg18[%dma_wait3A_92, %dma_wait3A_93] : memref<80x128xf32, #tpu.memory_space<vmem>> -> memref<40x128xf32, #tpu.memory_space<vmem>>
    %dma_wait3A_95 = arith.constant 0 : i32
    %dma_wait3A_96 = tpu.memref_slice %arg11[%dma_wait3A_91, %dma_wait3A_95] : memref<3x40xi32, #tpu.memory_space<vmem>> -> memref<1x40xi32, #tpu.memory_space<vmem>>
    %dma_wait3A_97 = tpu.memref_squeeze %dma_wait3A_96 : memref<1x40xi32, #tpu.memory_space<vmem>> -> memref<40xi32, #tpu.memory_space<vmem>>
    %dma_wait3A_98 = arith.constant 0 : i32
    %dma_wait3A_99 = arith.constant 0 : i32
    %dma_wait3A_100 = tpu.memref_slice %arg10[%dma_wait3A_98, %dma_wait3A_99] : memref<10000x128xf32, #tpu.memory_space<vmem_shared>> -> memref<10000x128xf32, #tpu.memory_space<vmem_shared>>
    tpu.wait_indirect_dma semaphore(%arg23 : memref<!tpu.dma_semaphore, #tpu.memory_space<semaphore_mem>>) src(%dma_wait3A_94 : memref<40x128xf32, #tpu.memory_space<vmem>>) dst(%dma_wait3A_100 : memref<10000x128xf32, #tpu.memory_space<vmem_shared>>)
    %dma_wait3A_101 = arith.constant 2 : i32
    %dma_wait3A_102 = arith.constant 0 : i32
    %dma_wait3A_103 = arith.constant 0 : i32
    %dma_wait3A_104 = tpu.memref_slice %arg19[%dma_wait3A_102, %dma_wait3A_103] : memref<80x128xf32, #tpu.memory_space<vmem>> -> memref<40x128xf32, #tpu.memory_space<vmem>>
    %dma_wait3A_105 = arith.constant 0 : i32
    %dma_wait3A_106 = tpu.memref_slice %arg12[%dma_wait3A_101, %dma_wait3A_105] : memref<3x40xi32, #tpu.memory_space<vmem>> -> memref<1x40xi32, #tpu.memory_space<vmem>>
    %dma_wait3A_107 = tpu.memref_squeeze %dma_wait3A_106 : memref<1x40xi32, #tpu.memory_space<vmem>> -> memref<40xi32, #tpu.memory_space<vmem>>
    %dma_wait3A_108 = arith.constant 0 : i32
    %dma_wait3A_109 = arith.constant 0 : i32
    %dma_wait3A_110 = tpu.memref_slice %arg10[%dma_wait3A_108, %dma_wait3A_109] : memref<10000x128xf32, #tpu.memory_space<vmem_shared>> -> memref<10000x128xf32, #tpu.memory_space<vmem_shared>>
    tpu.wait_indirect_dma semaphore(%arg24 : memref<!tpu.dma_semaphore, #tpu.memory_space<semaphore_mem>>) src(%dma_wait3A_104 : memref<40x128xf32, #tpu.memory_space<vmem>>) dst(%dma_wait3A_110 : memref<10000x128xf32, #tpu.memory_space<vmem_shared>>)
    %barrier3A_111 = arith.constant 0 : index
    tpu.barrier barrier_id(%barrier3A_111)
    %add3A_112 = arith.addi %mul3A_0, %mul3A_2 : i32
    "tpu.region"() ({
      %run_scoped3A_118 = tpu.sem_alloc : memref<!tpu.dma_semaphore, #tpu.memory_space<semaphore_mem>>
      %dma_start3A_119 = arith.constant 0 : i32
      %dma_start3A_120 = tpu.memref_slice %arg9[%add3A_112, %dma_start3A_119] : memref<20000x128xf32, #tpu.memory_space<hbm>> -> memref<624x128xf32, #tpu.memory_space<hbm>>
      %dma_start3A_121 = arith.constant 0 : i32
      %dma_start3A_122 = tpu.memref_slice %arg10[%mul3A_2, %dma_start3A_121] : memref<10000x128xf32, #tpu.memory_space<vmem_shared>> -> memref<624x128xf32, #tpu.memory_space<vmem_shared>>
      tpu.enqueue_dma source(%dma_start3A_122 : memref<624x128xf32, #tpu.memory_space<vmem_shared>>) target(%dma_start3A_120 : memref<624x128xf32, #tpu.memory_space<hbm>>) target_semaphore(%run_scoped3A_118 : memref<!tpu.dma_semaphore, #tpu.memory_space<semaphore_mem>>)
      %dma_wait3A_123 = arith.constant 0 : i32
      %dma_wait3A_124 = tpu.memref_slice %arg9[%add3A_112, %dma_wait3A_123] : memref<20000x128xf32, #tpu.memory_space<hbm>> -> memref<624x128xf32, #tpu.memory_space<hbm>>
      %dma_wait3A_125 = arith.constant 0 : i32
      %dma_wait3A_126 = tpu.memref_slice %arg10[%mul3A_2, %dma_wait3A_125] : memref<10000x128xf32, #tpu.memory_space<vmem_shared>> -> memref<624x128xf32, #tpu.memory_space<vmem_shared>>
      tpu.wait_dma2 semaphore(%run_scoped3A_118 : memref<!tpu.dma_semaphore, #tpu.memory_space<semaphore_mem>>) src(%dma_wait3A_126 : memref<624x128xf32, #tpu.memory_space<vmem_shared>>) dst(%dma_wait3A_124 : memref<624x128xf32, #tpu.memory_space<hbm>>)
      tpu.yield
    }) : () -> ()
    %eq3A_113 = arith.constant 15 : i32
    %eq3A_114 = arith.cmpi eq, %arg1, %eq3A_113 : i32
    %convert_element_type3A_115 = arith.extui %eq3A_114 : i1 to i32
    %cond3A_116 = arith.constant 0 : i32
    %cond3A_117 = arith.cmpi ne, %convert_element_type3A_115, %cond3A_116 : i32
    scf.if %cond3A_117 {
      %add3A_118 = arith.constant 9984 : i32
      %add3A_119 = arith.addi %mul3A_0, %add3A_118 : i32
      "tpu.region"() ({
        %run_scoped3A_120 = tpu.sem_alloc : memref<!tpu.dma_semaphore, #tpu.memory_space<semaphore_mem>>
        %dma_start3A_121 = arith.constant 0 : i32
        %dma_start3A_122 = tpu.memref_slice %arg9[%add3A_119, %dma_start3A_121] : memref<20000x128xf32, #tpu.memory_space<hbm>> -> memref<16x128xf32, #tpu.memory_space<hbm>>
        %dma_start3A_123 = arith.constant 9984 : i32
        %dma_start3A_124 = arith.constant 0 : i32
        %dma_start3A_125 = tpu.memref_slice %arg10[%dma_start3A_123, %dma_start3A_124] : memref<10000x128xf32, #tpu.memory_space<vmem_shared>> -> memref<16x128xf32, #tpu.memory_space<vmem_shared>>
        tpu.enqueue_dma source(%dma_start3A_125 : memref<16x128xf32, #tpu.memory_space<vmem_shared>>) target(%dma_start3A_122 : memref<16x128xf32, #tpu.memory_space<hbm>>) target_semaphore(%run_scoped3A_120 : memref<!tpu.dma_semaphore, #tpu.memory_space<semaphore_mem>>)
        %dma_wait3A_126 = arith.constant 0 : i32
        %dma_wait3A_127 = tpu.memref_slice %arg9[%add3A_119, %dma_wait3A_126] : memref<20000x128xf32, #tpu.memory_space<hbm>> -> memref<16x128xf32, #tpu.memory_space<hbm>>
        %dma_wait3A_128 = arith.constant 9984 : i32
        %dma_wait3A_129 = arith.constant 0 : i32
        %dma_wait3A_130 = tpu.memref_slice %arg10[%dma_wait3A_128, %dma_wait3A_129] : memref<10000x128xf32, #tpu.memory_space<vmem_shared>> -> memref<16x128xf32, #tpu.memory_space<vmem_shared>>
        tpu.wait_dma2 semaphore(%run_scoped3A_120 : memref<!tpu.dma_semaphore, #tpu.memory_space<semaphore_mem>>) src(%dma_wait3A_130 : memref<16x128xf32, #tpu.memory_space<vmem_shared>>) dst(%dma_wait3A_127 : memref<16x128xf32, #tpu.memory_space<hbm>>)
        tpu.yield
      }) : () -> ()
    } else {
    }
    return
  }
}

#map = affine_map<(d0, d1) -> (0, 0)>
#map1 = affine_map<(d0, d1) -> (0, 0, 0, 0, 0)>
module attributes {stable_mosaic.version = 14 : i64} {
  func.func @_edge_body(%arg0: i32, %arg1: i32, %arg2: memref<20000x128xf32, #tpu.memory_space<hbm>>, %arg3: memref<20000x256xf32, #tpu.memory_space<hbm>>, %arg4: memref<20000x128xf32, #tpu.memory_space<hbm>>, %arg5: memref<2x16x250x3x40xi32, #tpu.memory_space<hbm>>, %arg6: memref<2x16x125x2x80xi32, #tpu.memory_space<hbm>>, %arg7: memref<10000x128xf32, #tpu.memory_space<hbm>>, %arg8: memref<20000x128xf32, #tpu.memory_space<hbm>>, %arg9: memref<20000x128xf32, #tpu.memory_space<hbm>>, %arg10: memref<10000x128xf32, #tpu.memory_space<vmem_shared>>, %arg11: memref<3x40xi32, #tpu.memory_space<vmem>>, %arg12: memref<3x40xi32, #tpu.memory_space<vmem>>, %arg13: memref<2x80xi32, #tpu.memory_space<vmem>>, %arg14: memref<2x80xi32, #tpu.memory_space<vmem>>, %arg15: memref<40x256xf32, #tpu.memory_space<vmem>>, %arg16: memref<40x256xf32, #tpu.memory_space<vmem>>, %arg17: memref<40x128xf32, #tpu.memory_space<vmem>>, %arg18: memref<80x128xf32, #tpu.memory_space<vmem>>, %arg19: memref<80x128xf32, #tpu.memory_space<vmem>>, %arg20: memref<!tpu.dma_semaphore, #tpu.memory_space<semaphore_mem>>, %arg21: memref<!tpu.dma_semaphore, #tpu.memory_space<semaphore_mem>>, %arg22: memref<!tpu.dma_semaphore, #tpu.memory_space<semaphore_mem>>, %arg23: memref<!tpu.dma_semaphore, #tpu.memory_space<semaphore_mem>>, %arg24: memref<!tpu.dma_semaphore, #tpu.memory_space<semaphore_mem>>) attributes {dimension_semantics = [#tpu.dimension_semantics<core_parallel>, #tpu.dimension_semantics<subcore_parallel>], iteration_bounds = array<i64: 2, 16>, scalar_prefetch = 0 : i64, scratch_operands = 15 : i64, tpu.core_type = #tpu.core_type<sc_vector_subcore>, window_params = [{transform_indices = #map}, {transform_indices = #map}, {transform_indices = #map}, {transform_indices = #map1}, {transform_indices = #map1}, {transform_indices = #map}, {transform_indices = #map}, {transform_indices = #map}]} {
    %mul3A = arith.constant 10000 : i32
    %mul3A_0 = arith.muli %arg0, %mul3A : i32
    %mul3A_1 = arith.constant 624 : i32
    %mul3A_2 = arith.muli %arg1, %mul3A_1 : i32
    "tpu.region"() ({
      %run_scoped3A_118 = tpu.sem_alloc : memref<!tpu.dma_semaphore, #tpu.memory_space<semaphore_mem>>
      %dma_start3A_119 = arith.constant 0 : i32
      %dma_start3A_120 = tpu.memref_slice %arg10[%mul3A_2, %dma_start3A_119] : memref<10000x128xf32, #tpu.memory_space<vmem_shared>> -> memref<624x128xf32, #tpu.memory_space<vmem_shared>>
      %dma_start3A_121 = arith.constant 0 : i32
      %dma_start3A_122 = tpu.memref_slice %arg7[%mul3A_2, %dma_start3A_121] : memref<10000x128xf32, #tpu.memory_space<hbm>> -> memref<624x128xf32, #tpu.memory_space<hbm>>
      tpu.enqueue_dma source(%dma_start3A_122 : memref<624x128xf32, #tpu.memory_space<hbm>>) target(%dma_start3A_120 : memref<624x128xf32, #tpu.memory_space<vmem_shared>>) target_semaphore(%run_scoped3A_118 : memref<!tpu.dma_semaphore, #tpu.memory_space<semaphore_mem>>)
      %dma_wait3A_123 = arith.constant 0 : i32
      %dma_wait3A_124 = tpu.memref_slice %arg10[%mul3A_2, %dma_wait3A_123] : memref<10000x128xf32, #tpu.memory_space<vmem_shared>> -> memref<624x128xf32, #tpu.memory_space<vmem_shared>>
      %dma_wait3A_125 = arith.constant 0 : i32
      %dma_wait3A_126 = tpu.memref_slice %arg7[%mul3A_2, %dma_wait3A_125] : memref<10000x128xf32, #tpu.memory_space<hbm>> -> memref<624x128xf32, #tpu.memory_space<hbm>>
      tpu.wait_dma2 semaphore(%run_scoped3A_118 : memref<!tpu.dma_semaphore, #tpu.memory_space<semaphore_mem>>) src(%dma_wait3A_126 : memref<624x128xf32, #tpu.memory_space<hbm>>) dst(%dma_wait3A_124 : memref<624x128xf32, #tpu.memory_space<vmem_shared>>)
      tpu.yield
    }) : () -> ()
    %eq3A = arith.constant 15 : i32
    %eq3A_3 = arith.cmpi eq, %arg1, %eq3A : i32
    %convert_element_type3A = arith.extui %eq3A_3 : i1 to i32
    %cond3A = arith.constant 0 : i32
    %cond3A_4 = arith.cmpi ne, %convert_element_type3A, %cond3A : i32
    scf.if %cond3A_4 {
      "tpu.region"() ({
        %run_scoped3A_118 = tpu.sem_alloc : memref<!tpu.dma_semaphore, #tpu.memory_space<semaphore_mem>>
        %dma_start3A_119 = arith.constant 9984 : i32
        %dma_start3A_120 = arith.constant 0 : i32
        %dma_start3A_121 = tpu.memref_slice %arg10[%dma_start3A_119, %dma_start3A_120] : memref<10000x128xf32, #tpu.memory_space<vmem_shared>> -> memref<16x128xf32, #tpu.memory_space<vmem_shared>>
        %dma_start3A_122 = arith.constant 9984 : i32
        %dma_start3A_123 = arith.constant 0 : i32
        %dma_start3A_124 = tpu.memref_slice %arg7[%dma_start3A_122, %dma_start3A_123] : memref<10000x128xf32, #tpu.memory_space<hbm>> -> memref<16x128xf32, #tpu.memory_space<hbm>>
        tpu.enqueue_dma source(%dma_start3A_124 : memref<16x128xf32, #tpu.memory_space<hbm>>) target(%dma_start3A_121 : memref<16x128xf32, #tpu.memory_space<vmem_shared>>) target_semaphore(%run_scoped3A_118 : memref<!tpu.dma_semaphore, #tpu.memory_space<semaphore_mem>>)
        %dma_wait3A_125 = arith.constant 9984 : i32
        %dma_wait3A_126 = arith.constant 0 : i32
        %dma_wait3A_127 = tpu.memref_slice %arg10[%dma_wait3A_125, %dma_wait3A_126] : memref<10000x128xf32, #tpu.memory_space<vmem_shared>> -> memref<16x128xf32, #tpu.memory_space<vmem_shared>>
        %dma_wait3A_128 = arith.constant 9984 : i32
        %dma_wait3A_129 = arith.constant 0 : i32
        %dma_wait3A_130 = tpu.memref_slice %arg7[%dma_wait3A_128, %dma_wait3A_129] : memref<10000x128xf32, #tpu.memory_space<hbm>> -> memref<16x128xf32, #tpu.memory_space<hbm>>
        tpu.wait_dma2 semaphore(%run_scoped3A_118 : memref<!tpu.dma_semaphore, #tpu.memory_space<semaphore_mem>>) src(%dma_wait3A_130 : memref<16x128xf32, #tpu.memory_space<hbm>>) dst(%dma_wait3A_127 : memref<16x128xf32, #tpu.memory_space<vmem_shared>>)
        tpu.yield
      }) : () -> ()
    } else {
    }
    %barrier3A = arith.constant 0 : index
    tpu.barrier barrier_id(%barrier3A)
    %run_scoped3A = arith.constant 0 : i32
    "tpu.region"() ({
      %run_scoped3A_118 = tpu.sem_alloc : memref<!tpu.dma_semaphore, #tpu.memory_space<semaphore_mem>>
      %dma_start3A_119 = arith.constant 0 : i32
      %dma_start3A_120 = arith.constant 0 : i32
      %dma_start3A_121 = tpu.memref_slice %arg6[%arg0, %arg1, %run_scoped3A, %dma_start3A_119, %dma_start3A_120] : memref<2x16x125x2x80xi32, #tpu.memory_space<hbm>> -> memref<1x1x1x2x80xi32, #tpu.memory_space<hbm>>
      %dma_start3A_122 = tpu.memref_squeeze %dma_start3A_121 : memref<1x1x1x2x80xi32, #tpu.memory_space<hbm>> -> memref<2x80xi32, #tpu.memory_space<hbm>>
      %dma_start3A_123 = arith.constant 0 : i32
      %dma_start3A_124 = arith.constant 0 : i32
      %dma_start3A_125 = tpu.memref_slice %arg6[%arg0, %arg1, %run_scoped3A, %dma_start3A_123, %dma_start3A_124] : memref<2x16x125x2x80xi32, #tpu.memory_space<hbm>> -> memref<1x1x1x2x80xi32, #tpu.memory_space<hbm>>
      %dma_start3A_126 = tpu.memref_squeeze %dma_start3A_125 : memref<1x1x1x2x80xi32, #tpu.memory_space<hbm>> -> memref<2x80xi32, #tpu.memory_space<hbm>>
      tpu.enqueue_dma source(%dma_start3A_126 : memref<2x80xi32, #tpu.memory_space<hbm>>) target(%arg13 : memref<2x80xi32, #tpu.memory_space<vmem>>) target_semaphore(%run_scoped3A_118 : memref<!tpu.dma_semaphore, #tpu.memory_space<semaphore_mem>>)
      %dma_wait3A_127 = arith.constant 0 : i32
      %dma_wait3A_128 = arith.constant 0 : i32
      %dma_wait3A_129 = tpu.memref_slice %arg6[%arg0, %arg1, %run_scoped3A, %dma_wait3A_127, %dma_wait3A_128] : memref<2x16x125x2x80xi32, #tpu.memory_space<hbm>> -> memref<1x1x1x2x80xi32, #tpu.memory_space<hbm>>
      %dma_wait3A_130 = tpu.memref_squeeze %dma_wait3A_129 : memref<1x1x1x2x80xi32, #tpu.memory_space<hbm>> -> memref<2x80xi32, #tpu.memory_space<hbm>>
      %dma_wait3A_131 = arith.constant 0 : i32
      %dma_wait3A_132 = arith.constant 0 : i32
      %dma_wait3A_133 = tpu.memref_slice %arg6[%arg0, %arg1, %run_scoped3A, %dma_wait3A_131, %dma_wait3A_132] : memref<2x16x125x2x80xi32, #tpu.memory_space<hbm>> -> memref<1x1x1x2x80xi32, #tpu.memory_space<hbm>>
      %dma_wait3A_134 = tpu.memref_squeeze %dma_wait3A_133 : memref<1x1x1x2x80xi32, #tpu.memory_space<hbm>> -> memref<2x80xi32, #tpu.memory_space<hbm>>
      tpu.wait_dma2 semaphore(%run_scoped3A_118 : memref<!tpu.dma_semaphore, #tpu.memory_space<semaphore_mem>>) src(%dma_wait3A_134 : memref<2x80xi32, #tpu.memory_space<hbm>>) dst(%arg13 : memref<2x80xi32, #tpu.memory_space<vmem>>)
      tpu.yield
    }) : () -> ()
    %dma_start3A = arith.constant 0 : i32
    %dma_start3A_5 = arith.constant 0 : i32
    %dma_start3A_6 = tpu.memref_slice %arg13[%dma_start3A, %dma_start3A_5] : memref<2x80xi32, #tpu.memory_space<vmem>> -> memref<1x80xi32, #tpu.memory_space<vmem>>
    %dma_start3A_7 = tpu.memref_squeeze %dma_start3A_6 : memref<1x80xi32, #tpu.memory_space<vmem>> -> memref<80xi32, #tpu.memory_space<vmem>>
    %dma_start3A_8 = arith.constant 0 : i32
    %dma_start3A_9 = arith.constant 0 : i32
    %dma_start3A_10 = tpu.memref_slice %arg2[%dma_start3A_8, %dma_start3A_9] : memref<20000x128xf32, #tpu.memory_space<hbm>> -> memref<20000x128xf32, #tpu.memory_space<hbm>>
    tpu.enqueue_indirect_dma source(%dma_start3A_10 : memref<20000x128xf32, #tpu.memory_space<hbm>>) target(%arg18 : memref<80x128xf32, #tpu.memory_space<vmem>>) offsets(%dma_start3A_7 : memref<80xi32, #tpu.memory_space<vmem>>) semaphore(%arg20 : memref<!tpu.dma_semaphore, #tpu.memory_space<semaphore_mem>>)
    %scan3A = arith.constant 0 : i32
    %scan3A_11 = arith.constant 0 : i32
    %scan3A_12 = arith.constant 62 : i32
    %scan3A_13 = arith.addi %scan3A_11, %scan3A_12 : i32
    %scan3A_14 = arith.constant 1 : i32
    scf.for %scan3A_118 = %scan3A_11 to %scan3A_13 step %scan3A_14  : i32 {
      %mul3A_119 = arith.constant 2 : i32
      %mul3A_120 = arith.muli %mul3A_119, %scan3A_118 : i32
      %add3A_121 = arith.constant 1 : i32
      %add3A_122 = arith.addi %mul3A_120, %add3A_121 : i32
      %gt3A = arith.constant 0 : i32
      %gt3A_123 = arith.cmpi sgt, %scan3A_118, %gt3A : i32
      %convert_element_type3A_124 = arith.extui %gt3A_123 : i1 to i32
      %cond3A_125 = arith.constant 0 : i32
      %cond3A_126 = arith.cmpi ne, %convert_element_type3A_124, %cond3A_125 : i32
      scf.if %cond3A_126 {
        %dma_wait3A_166 = arith.constant 1 : i32
        %dma_wait3A_167 = arith.constant 0 : i32
        %dma_wait3A_168 = tpu.memref_slice %arg14[%dma_wait3A_166, %dma_wait3A_167] : memref<2x80xi32, #tpu.memory_space<vmem>> -> memref<1x80xi32, #tpu.memory_space<vmem>>
        %dma_wait3A_169 = tpu.memref_squeeze %dma_wait3A_168 : memref<1x80xi32, #tpu.memory_space<vmem>> -> memref<80xi32, #tpu.memory_space<vmem>>
        %dma_wait3A_170 = arith.constant 0 : i32
        %dma_wait3A_171 = arith.constant 0 : i32
        %dma_wait3A_172 = tpu.memref_slice %arg10[%dma_wait3A_170, %dma_wait3A_171] : memref<10000x128xf32, #tpu.memory_space<vmem_shared>> -> memref<10000x128xf32, #tpu.memory_space<vmem_shared>>
        tpu.wait_indirect_dma semaphore(%arg24 : memref<!tpu.dma_semaphore, #tpu.memory_space<semaphore_mem>>) src(%arg19 : memref<80x128xf32, #tpu.memory_space<vmem>>) dst(%dma_wait3A_172 : memref<10000x128xf32, #tpu.memory_space<vmem_shared>>)
      } else {
      }
      "tpu.region"() ({
        %run_scoped3A_166 = tpu.sem_alloc : memref<!tpu.dma_semaphore, #tpu.memory_space<semaphore_mem>>
        %dma_start3A_167 = arith.constant 0 : i32
        %dma_start3A_168 = arith.constant 0 : i32
        %dma_start3A_169 = tpu.memref_slice %arg6[%arg0, %arg1, %add3A_122, %dma_start3A_167, %dma_start3A_168] : memref<2x16x125x2x80xi32, #tpu.memory_space<hbm>> -> memref<1x1x1x2x80xi32, #tpu.memory_space<hbm>>
        %dma_start3A_170 = tpu.memref_squeeze %dma_start3A_169 : memref<1x1x1x2x80xi32, #tpu.memory_space<hbm>> -> memref<2x80xi32, #tpu.memory_space<hbm>>
        %dma_start3A_171 = arith.constant 0 : i32
        %dma_start3A_172 = arith.constant 0 : i32
        %dma_start3A_173 = tpu.memref_slice %arg6[%arg0, %arg1, %add3A_122, %dma_start3A_171, %dma_start3A_172] : memref<2x16x125x2x80xi32, #tpu.memory_space<hbm>> -> memref<1x1x1x2x80xi32, #tpu.memory_space<hbm>>
        %dma_start3A_174 = tpu.memref_squeeze %dma_start3A_173 : memref<1x1x1x2x80xi32, #tpu.memory_space<hbm>> -> memref<2x80xi32, #tpu.memory_space<hbm>>
        tpu.enqueue_dma source(%dma_start3A_174 : memref<2x80xi32, #tpu.memory_space<hbm>>) target(%arg14 : memref<2x80xi32, #tpu.memory_space<vmem>>) target_semaphore(%run_scoped3A_166 : memref<!tpu.dma_semaphore, #tpu.memory_space<semaphore_mem>>)
        %dma_wait3A_175 = arith.constant 0 : i32
        %dma_wait3A_176 = arith.constant 0 : i32
        %dma_wait3A_177 = tpu.memref_slice %arg6[%arg0, %arg1, %add3A_122, %dma_wait3A_175, %dma_wait3A_176] : memref<2x16x125x2x80xi32, #tpu.memory_space<hbm>> -> memref<1x1x1x2x80xi32, #tpu.memory_space<hbm>>
        %dma_wait3A_178 = tpu.memref_squeeze %dma_wait3A_177 : memref<1x1x1x2x80xi32, #tpu.memory_space<hbm>> -> memref<2x80xi32, #tpu.memory_space<hbm>>
        %dma_wait3A_179 = arith.constant 0 : i32
        %dma_wait3A_180 = arith.constant 0 : i32
        %dma_wait3A_181 = tpu.memref_slice %arg6[%arg0, %arg1, %add3A_122, %dma_wait3A_179, %dma_wait3A_180] : memref<2x16x125x2x80xi32, #tpu.memory_space<hbm>> -> memref<1x1x1x2x80xi32, #tpu.memory_space<hbm>>
        %dma_wait3A_182 = tpu.memref_squeeze %dma_wait3A_181 : memref<1x1x1x2x80xi32, #tpu.memory_space<hbm>> -> memref<2x80xi32, #tpu.memory_space<hbm>>
        tpu.wait_dma2 semaphore(%run_scoped3A_166 : memref<!tpu.dma_semaphore, #tpu.memory_space<semaphore_mem>>) src(%dma_wait3A_182 : memref<2x80xi32, #tpu.memory_space<hbm>>) dst(%arg14 : memref<2x80xi32, #tpu.memory_space<vmem>>)
        tpu.yield
      }) : () -> ()
      %dma_start3A_127 = arith.constant 0 : i32
      %dma_start3A_128 = arith.constant 0 : i32
      %dma_start3A_129 = tpu.memref_slice %arg14[%dma_start3A_127, %dma_start3A_128] : memref<2x80xi32, #tpu.memory_space<vmem>> -> memref<1x80xi32, #tpu.memory_space<vmem>>
      %dma_start3A_130 = tpu.memref_squeeze %dma_start3A_129 : memref<1x80xi32, #tpu.memory_space<vmem>> -> memref<80xi32, #tpu.memory_space<vmem>>
      %dma_start3A_131 = arith.constant 0 : i32
      %dma_start3A_132 = arith.constant 0 : i32
      %dma_start3A_133 = tpu.memref_slice %arg2[%dma_start3A_131, %dma_start3A_132] : memref<20000x128xf32, #tpu.memory_space<hbm>> -> memref<20000x128xf32, #tpu.memory_space<hbm>>
      tpu.enqueue_indirect_dma source(%dma_start3A_133 : memref<20000x128xf32, #tpu.memory_space<hbm>>) target(%arg19 : memref<80x128xf32, #tpu.memory_space<vmem>>) offsets(%dma_start3A_130 : memref<80xi32, #tpu.memory_space<vmem>>) semaphore(%arg21 : memref<!tpu.dma_semaphore, #tpu.memory_space<semaphore_mem>>)
      %dma_wait3A_134 = arith.constant 0 : i32
      %dma_wait3A_135 = arith.constant 0 : i32
      %dma_wait3A_136 = tpu.memref_slice %arg13[%dma_wait3A_134, %dma_wait3A_135] : memref<2x80xi32, #tpu.memory_space<vmem>> -> memref<1x80xi32, #tpu.memory_space<vmem>>
      %dma_wait3A_137 = tpu.memref_squeeze %dma_wait3A_136 : memref<1x80xi32, #tpu.memory_space<vmem>> -> memref<80xi32, #tpu.memory_space<vmem>>
      %dma_wait3A_138 = arith.constant 0 : i32
      %dma_wait3A_139 = arith.constant 0 : i32
      %dma_wait3A_140 = tpu.memref_slice %arg2[%dma_wait3A_138, %dma_wait3A_139] : memref<20000x128xf32, #tpu.memory_space<hbm>> -> memref<20000x128xf32, #tpu.memory_space<hbm>>
      tpu.wait_indirect_dma semaphore(%arg20 : memref<!tpu.dma_semaphore, #tpu.memory_space<semaphore_mem>>) src(%dma_wait3A_140 : memref<20000x128xf32, #tpu.memory_space<hbm>>) dst(%arg18 : memref<80x128xf32, #tpu.memory_space<vmem>>)
      %dma_start3A_141 = arith.constant 1 : i32
      %dma_start3A_142 = arith.constant 0 : i32
      %dma_start3A_143 = tpu.memref_slice %arg13[%dma_start3A_141, %dma_start3A_142] : memref<2x80xi32, #tpu.memory_space<vmem>> -> memref<1x80xi32, #tpu.memory_space<vmem>>
      %dma_start3A_144 = tpu.memref_squeeze %dma_start3A_143 : memref<1x80xi32, #tpu.memory_space<vmem>> -> memref<80xi32, #tpu.memory_space<vmem>>
      %dma_start3A_145 = arith.constant 0 : i32
      %dma_start3A_146 = arith.constant 0 : i32
      %dma_start3A_147 = tpu.memref_slice %arg10[%dma_start3A_145, %dma_start3A_146] : memref<10000x128xf32, #tpu.memory_space<vmem_shared>> -> memref<10000x128xf32, #tpu.memory_space<vmem_shared>>
      tpu.enqueue_indirect_dma source(%arg18 : memref<80x128xf32, #tpu.memory_space<vmem>>) target(%dma_start3A_147 : memref<10000x128xf32, #tpu.memory_space<vmem_shared>>) offsets(%dma_start3A_144 : memref<80xi32, #tpu.memory_space<vmem>>) semaphore(%arg23 : memref<!tpu.dma_semaphore, #tpu.memory_space<semaphore_mem>>) {add = true}
      %lt3A = arith.constant 61 : i32
      %lt3A_148 = arith.cmpi slt, %scan3A_118, %lt3A : i32
      %convert_element_type3A_149 = arith.extui %lt3A_148 : i1 to i32
      %cond3A_150 = arith.constant 0 : i32
      %cond3A_151 = arith.cmpi ne, %convert_element_type3A_149, %cond3A_150 : i32
      scf.if %cond3A_151 {
        %dma_wait3A_166 = arith.constant 1 : i32
        %dma_wait3A_167 = arith.constant 0 : i32
        %dma_wait3A_168 = tpu.memref_slice %arg13[%dma_wait3A_166, %dma_wait3A_167] : memref<2x80xi32, #tpu.memory_space<vmem>> -> memref<1x80xi32, #tpu.memory_space<vmem>>
        %dma_wait3A_169 = tpu.memref_squeeze %dma_wait3A_168 : memref<1x80xi32, #tpu.memory_space<vmem>> -> memref<80xi32, #tpu.memory_space<vmem>>
        %dma_wait3A_170 = arith.constant 0 : i32
        %dma_wait3A_171 = arith.constant 0 : i32
        %dma_wait3A_172 = tpu.memref_slice %arg10[%dma_wait3A_170, %dma_wait3A_171] : memref<10000x128xf32, #tpu.memory_space<vmem_shared>> -> memref<10000x128xf32, #tpu.memory_space<vmem_shared>>
        tpu.wait_indirect_dma semaphore(%arg23 : memref<!tpu.dma_semaphore, #tpu.memory_space<semaphore_mem>>) src(%arg18 : memref<80x128xf32, #tpu.memory_space<vmem>>) dst(%dma_wait3A_172 : memref<10000x128xf32, #tpu.memory_space<vmem_shared>>)
        %add3A_173 = arith.constant 1 : i32
        %add3A_174 = arith.addi %add3A_122, %add3A_173 : i32
        "tpu.region"() ({
          %run_scoped3A_182 = tpu.sem_alloc : memref<!tpu.dma_semaphore, #tpu.memory_space<semaphore_mem>>
          %dma_start3A_183 = arith.constant 0 : i32
          %dma_start3A_184 = arith.constant 0 : i32
          %dma_start3A_185 = tpu.memref_slice %arg6[%arg0, %arg1, %add3A_174, %dma_start3A_183, %dma_start3A_184] : memref<2x16x125x2x80xi32, #tpu.memory_space<hbm>> -> memref<1x1x1x2x80xi32, #tpu.memory_space<hbm>>
          %dma_start3A_186 = tpu.memref_squeeze %dma_start3A_185 : memref<1x1x1x2x80xi32, #tpu.memory_space<hbm>> -> memref<2x80xi32, #tpu.memory_space<hbm>>
          %dma_start3A_187 = arith.constant 0 : i32
          %dma_start3A_188 = arith.constant 0 : i32
          %dma_start3A_189 = tpu.memref_slice %arg6[%arg0, %arg1, %add3A_174, %dma_start3A_187, %dma_start3A_188] : memref<2x16x125x2x80xi32, #tpu.memory_space<hbm>> -> memref<1x1x1x2x80xi32, #tpu.memory_space<hbm>>
          %dma_start3A_190 = tpu.memref_squeeze %dma_start3A_189 : memref<1x1x1x2x80xi32, #tpu.memory_space<hbm>> -> memref<2x80xi32, #tpu.memory_space<hbm>>
          tpu.enqueue_dma source(%dma_start3A_190 : memref<2x80xi32, #tpu.memory_space<hbm>>) target(%arg13 : memref<2x80xi32, #tpu.memory_space<vmem>>) target_semaphore(%run_scoped3A_182 : memref<!tpu.dma_semaphore, #tpu.memory_space<semaphore_mem>>)
          %dma_wait3A_191 = arith.constant 0 : i32
          %dma_wait3A_192 = arith.constant 0 : i32
          %dma_wait3A_193 = tpu.memref_slice %arg6[%arg0, %arg1, %add3A_174, %dma_wait3A_191, %dma_wait3A_192] : memref<2x16x125x2x80xi32, #tpu.memory_space<hbm>> -> memref<1x1x1x2x80xi32, #tpu.memory_space<hbm>>
          %dma_wait3A_194 = tpu.memref_squeeze %dma_wait3A_193 : memref<1x1x1x2x80xi32, #tpu.memory_space<hbm>> -> memref<2x80xi32, #tpu.memory_space<hbm>>
          %dma_wait3A_195 = arith.constant 0 : i32
          %dma_wait3A_196 = arith.constant 0 : i32
          %dma_wait3A_197 = tpu.memref_slice %arg6[%arg0, %arg1, %add3A_174, %dma_wait3A_195, %dma_wait3A_196] : memref<2x16x125x2x80xi32, #tpu.memory_space<hbm>> -> memref<1x1x1x2x80xi32, #tpu.memory_space<hbm>>
          %dma_wait3A_198 = tpu.memref_squeeze %dma_wait3A_197 : memref<1x1x1x2x80xi32, #tpu.memory_space<hbm>> -> memref<2x80xi32, #tpu.memory_space<hbm>>
          tpu.wait_dma2 semaphore(%run_scoped3A_182 : memref<!tpu.dma_semaphore, #tpu.memory_space<semaphore_mem>>) src(%dma_wait3A_198 : memref<2x80xi32, #tpu.memory_space<hbm>>) dst(%arg13 : memref<2x80xi32, #tpu.memory_space<vmem>>)
          tpu.yield
        }) : () -> ()
        %dma_start3A_175 = arith.constant 0 : i32
        %dma_start3A_176 = arith.constant 0 : i32
        %dma_start3A_177 = tpu.memref_slice %arg13[%dma_start3A_175, %dma_start3A_176] : memref<2x80xi32, #tpu.memory_space<vmem>> -> memref<1x80xi32, #tpu.memory_space<vmem>>
        %dma_start3A_178 = tpu.memref_squeeze %dma_start3A_177 : memref<1x80xi32, #tpu.memory_space<vmem>> -> memref<80xi32, #tpu.memory_space<vmem>>
        %dma_start3A_179 = arith.constant 0 : i32
        %dma_start3A_180 = arith.constant 0 : i32
        %dma_start3A_181 = tpu.memref_slice %arg2[%dma_start3A_179, %dma_start3A_180] : memref<20000x128xf32, #tpu.memory_space<hbm>> -> memref<20000x128xf32, #tpu.memory_space<hbm>>
        tpu.enqueue_indirect_dma source(%dma_start3A_181 : memref<20000x128xf32, #tpu.memory_space<hbm>>) target(%arg18 : memref<80x128xf32, #tpu.memory_space<vmem>>) offsets(%dma_start3A_178 : memref<80xi32, #tpu.memory_space<vmem>>) semaphore(%arg20 : memref<!tpu.dma_semaphore, #tpu.memory_space<semaphore_mem>>)
      } else {
      }
      %dma_wait3A_152 = arith.constant 0 : i32
      %dma_wait3A_153 = arith.constant 0 : i32
      %dma_wait3A_154 = tpu.memref_slice %arg14[%dma_wait3A_152, %dma_wait3A_153] : memref<2x80xi32, #tpu.memory_space<vmem>> -> memref<1x80xi32, #tpu.memory_space<vmem>>
      %dma_wait3A_155 = tpu.memref_squeeze %dma_wait3A_154 : memref<1x80xi32, #tpu.memory_space<vmem>> -> memref<80xi32, #tpu.memory_space<vmem>>
      %dma_wait3A_156 = arith.constant 0 : i32
      %dma_wait3A_157 = arith.constant 0 : i32
      %dma_wait3A_158 = tpu.memref_slice %arg2[%dma_wait3A_156, %dma_wait3A_157] : memref<20000x128xf32, #tpu.memory_space<hbm>> -> memref<20000x128xf32, #tpu.memory_space<hbm>>
      tpu.wait_indirect_dma semaphore(%arg21 : memref<!tpu.dma_semaphore, #tpu.memory_space<semaphore_mem>>) src(%dma_wait3A_158 : memref<20000x128xf32, #tpu.memory_space<hbm>>) dst(%arg19 : memref<80x128xf32, #tpu.memory_space<vmem>>)
      %dma_start3A_159 = arith.constant 1 : i32
      %dma_start3A_160 = arith.constant 0 : i32
      %dma_start3A_161 = tpu.memref_slice %arg14[%dma_start3A_159, %dma_start3A_160] : memref<2x80xi32, #tpu.memory_space<vmem>> -> memref<1x80xi32, #tpu.memory_space<vmem>>
      %dma_start3A_162 = tpu.memref_squeeze %dma_start3A_161 : memref<1x80xi32, #tpu.memory_space<vmem>> -> memref<80xi32, #tpu.memory_space<vmem>>
      %dma_start3A_163 = arith.constant 0 : i32
      %dma_start3A_164 = arith.constant 0 : i32
      %dma_start3A_165 = tpu.memref_slice %arg10[%dma_start3A_163, %dma_start3A_164] : memref<10000x128xf32, #tpu.memory_space<vmem_shared>> -> memref<10000x128xf32, #tpu.memory_space<vmem_shared>>
      tpu.enqueue_indirect_dma source(%arg19 : memref<80x128xf32, #tpu.memory_space<vmem>>) target(%dma_start3A_165 : memref<10000x128xf32, #tpu.memory_space<vmem_shared>>) offsets(%dma_start3A_162 : memref<80xi32, #tpu.memory_space<vmem>>) semaphore(%arg24 : memref<!tpu.dma_semaphore, #tpu.memory_space<semaphore_mem>>) {add = true}
    }
    %scan3A_15 = arith.constant 62 : i32
    %dma_wait3A = arith.constant 1 : i32
    %dma_wait3A_16 = arith.constant 0 : i32
    %dma_wait3A_17 = tpu.memref_slice %arg13[%dma_wait3A, %dma_wait3A_16] : memref<2x80xi32, #tpu.memory_space<vmem>> -> memref<1x80xi32, #tpu.memory_space<vmem>>
    %dma_wait3A_18 = tpu.memref_squeeze %dma_wait3A_17 : memref<1x80xi32, #tpu.memory_space<vmem>> -> memref<80xi32, #tpu.memory_space<vmem>>
    %dma_wait3A_19 = arith.constant 0 : i32
    %dma_wait3A_20 = arith.constant 0 : i32
    %dma_wait3A_21 = tpu.memref_slice %arg10[%dma_wait3A_19, %dma_wait3A_20] : memref<10000x128xf32, #tpu.memory_space<vmem_shared>> -> memref<10000x128xf32, #tpu.memory_space<vmem_shared>>
    tpu.wait_indirect_dma semaphore(%arg23 : memref<!tpu.dma_semaphore, #tpu.memory_space<semaphore_mem>>) src(%arg18 : memref<80x128xf32, #tpu.memory_space<vmem>>) dst(%dma_wait3A_21 : memref<10000x128xf32, #tpu.memory_space<vmem_shared>>)
    %run_scoped3A_22 = arith.constant 124 : i32
    "tpu.region"() ({
      %run_scoped3A_118 = tpu.sem_alloc : memref<!tpu.dma_semaphore, #tpu.memory_space<semaphore_mem>>
      %dma_start3A_119 = arith.constant 0 : i32
      %dma_start3A_120 = arith.constant 0 : i32
      %dma_start3A_121 = tpu.memref_slice %arg6[%arg0, %arg1, %run_scoped3A_22, %dma_start3A_119, %dma_start3A_120] : memref<2x16x125x2x80xi32, #tpu.memory_space<hbm>> -> memref<1x1x1x2x80xi32, #tpu.memory_space<hbm>>
      %dma_start3A_122 = tpu.memref_squeeze %dma_start3A_121 : memref<1x1x1x2x80xi32, #tpu.memory_space<hbm>> -> memref<2x80xi32, #tpu.memory_space<hbm>>
      %dma_start3A_123 = arith.constant 0 : i32
      %dma_start3A_124 = arith.constant 0 : i32
      %dma_start3A_125 = tpu.memref_slice %arg6[%arg0, %arg1, %run_scoped3A_22, %dma_start3A_123, %dma_start3A_124] : memref<2x16x125x2x80xi32, #tpu.memory_space<hbm>> -> memref<1x1x1x2x80xi32, #tpu.memory_space<hbm>>
      %dma_start3A_126 = tpu.memref_squeeze %dma_start3A_125 : memref<1x1x1x2x80xi32, #tpu.memory_space<hbm>> -> memref<2x80xi32, #tpu.memory_space<hbm>>
      tpu.enqueue_dma source(%dma_start3A_126 : memref<2x80xi32, #tpu.memory_space<hbm>>) target(%arg13 : memref<2x80xi32, #tpu.memory_space<vmem>>) target_semaphore(%run_scoped3A_118 : memref<!tpu.dma_semaphore, #tpu.memory_space<semaphore_mem>>)
      %dma_wait3A_127 = arith.constant 0 : i32
      %dma_wait3A_128 = arith.constant 0 : i32
      %dma_wait3A_129 = tpu.memref_slice %arg6[%arg0, %arg1, %run_scoped3A_22, %dma_wait3A_127, %dma_wait3A_128] : memref<2x16x125x2x80xi32, #tpu.memory_space<hbm>> -> memref<1x1x1x2x80xi32, #tpu.memory_space<hbm>>
      %dma_wait3A_130 = tpu.memref_squeeze %dma_wait3A_129 : memref<1x1x1x2x80xi32, #tpu.memory_space<hbm>> -> memref<2x80xi32, #tpu.memory_space<hbm>>
      %dma_wait3A_131 = arith.constant 0 : i32
      %dma_wait3A_132 = arith.constant 0 : i32
      %dma_wait3A_133 = tpu.memref_slice %arg6[%arg0, %arg1, %run_scoped3A_22, %dma_wait3A_131, %dma_wait3A_132] : memref<2x16x125x2x80xi32, #tpu.memory_space<hbm>> -> memref<1x1x1x2x80xi32, #tpu.memory_space<hbm>>
      %dma_wait3A_134 = tpu.memref_squeeze %dma_wait3A_133 : memref<1x1x1x2x80xi32, #tpu.memory_space<hbm>> -> memref<2x80xi32, #tpu.memory_space<hbm>>
      tpu.wait_dma2 semaphore(%run_scoped3A_118 : memref<!tpu.dma_semaphore, #tpu.memory_space<semaphore_mem>>) src(%dma_wait3A_134 : memref<2x80xi32, #tpu.memory_space<hbm>>) dst(%arg13 : memref<2x80xi32, #tpu.memory_space<vmem>>)
      tpu.yield
    }) : () -> ()
    %dma_start3A_23 = arith.constant 0 : i32
    %dma_start3A_24 = arith.constant 0 : i32
    %dma_start3A_25 = tpu.memref_slice %arg13[%dma_start3A_23, %dma_start3A_24] : memref<2x80xi32, #tpu.memory_space<vmem>> -> memref<1x80xi32, #tpu.memory_space<vmem>>
    %dma_start3A_26 = tpu.memref_squeeze %dma_start3A_25 : memref<1x80xi32, #tpu.memory_space<vmem>> -> memref<80xi32, #tpu.memory_space<vmem>>
    %dma_start3A_27 = arith.constant 0 : i32
    %dma_start3A_28 = arith.constant 0 : i32
    %dma_start3A_29 = tpu.memref_slice %arg2[%dma_start3A_27, %dma_start3A_28] : memref<20000x128xf32, #tpu.memory_space<hbm>> -> memref<20000x128xf32, #tpu.memory_space<hbm>>
    tpu.enqueue_indirect_dma source(%dma_start3A_29 : memref<20000x128xf32, #tpu.memory_space<hbm>>) target(%arg18 : memref<80x128xf32, #tpu.memory_space<vmem>>) offsets(%dma_start3A_26 : memref<80xi32, #tpu.memory_space<vmem>>) semaphore(%arg20 : memref<!tpu.dma_semaphore, #tpu.memory_space<semaphore_mem>>)
    %dma_wait3A_30 = arith.constant 0 : i32
    %dma_wait3A_31 = arith.constant 0 : i32
    %dma_wait3A_32 = tpu.memref_slice %arg13[%dma_wait3A_30, %dma_wait3A_31] : memref<2x80xi32, #tpu.memory_space<vmem>> -> memref<1x80xi32, #tpu.memory_space<vmem>>
    %dma_wait3A_33 = tpu.memref_squeeze %dma_wait3A_32 : memref<1x80xi32, #tpu.memory_space<vmem>> -> memref<80xi32, #tpu.memory_space<vmem>>
    %dma_wait3A_34 = arith.constant 0 : i32
    %dma_wait3A_35 = arith.constant 0 : i32
    %dma_wait3A_36 = tpu.memref_slice %arg2[%dma_wait3A_34, %dma_wait3A_35] : memref<20000x128xf32, #tpu.memory_space<hbm>> -> memref<20000x128xf32, #tpu.memory_space<hbm>>
    tpu.wait_indirect_dma semaphore(%arg20 : memref<!tpu.dma_semaphore, #tpu.memory_space<semaphore_mem>>) src(%dma_wait3A_36 : memref<20000x128xf32, #tpu.memory_space<hbm>>) dst(%arg18 : memref<80x128xf32, #tpu.memory_space<vmem>>)
    %dma_start3A_37 = arith.constant 1 : i32
    %dma_start3A_38 = arith.constant 0 : i32
    %dma_start3A_39 = tpu.memref_slice %arg13[%dma_start3A_37, %dma_start3A_38] : memref<2x80xi32, #tpu.memory_space<vmem>> -> memref<1x80xi32, #tpu.memory_space<vmem>>
    %dma_start3A_40 = tpu.memref_squeeze %dma_start3A_39 : memref<1x80xi32, #tpu.memory_space<vmem>> -> memref<80xi32, #tpu.memory_space<vmem>>
    %dma_start3A_41 = arith.constant 0 : i32
    %dma_start3A_42 = arith.constant 0 : i32
    %dma_start3A_43 = tpu.memref_slice %arg10[%dma_start3A_41, %dma_start3A_42] : memref<10000x128xf32, #tpu.memory_space<vmem_shared>> -> memref<10000x128xf32, #tpu.memory_space<vmem_shared>>
    tpu.enqueue_indirect_dma source(%arg18 : memref<80x128xf32, #tpu.memory_space<vmem>>) target(%dma_start3A_43 : memref<10000x128xf32, #tpu.memory_space<vmem_shared>>) offsets(%dma_start3A_40 : memref<80xi32, #tpu.memory_space<vmem>>) semaphore(%arg23 : memref<!tpu.dma_semaphore, #tpu.memory_space<semaphore_mem>>) {add = true}
    %dma_wait3A_44 = arith.constant 1 : i32
    %dma_wait3A_45 = arith.constant 0 : i32
    %dma_wait3A_46 = tpu.memref_slice %arg13[%dma_wait3A_44, %dma_wait3A_45] : memref<2x80xi32, #tpu.memory_space<vmem>> -> memref<1x80xi32, #tpu.memory_space<vmem>>
    %dma_wait3A_47 = tpu.memref_squeeze %dma_wait3A_46 : memref<1x80xi32, #tpu.memory_space<vmem>> -> memref<80xi32, #tpu.memory_space<vmem>>
    %dma_wait3A_48 = arith.constant 0 : i32
    %dma_wait3A_49 = arith.constant 0 : i32
    %dma_wait3A_50 = tpu.memref_slice %arg10[%dma_wait3A_48, %dma_wait3A_49] : memref<10000x128xf32, #tpu.memory_space<vmem_shared>> -> memref<10000x128xf32, #tpu.memory_space<vmem_shared>>
    tpu.wait_indirect_dma semaphore(%arg23 : memref<!tpu.dma_semaphore, #tpu.memory_space<semaphore_mem>>) src(%arg18 : memref<80x128xf32, #tpu.memory_space<vmem>>) dst(%dma_wait3A_50 : memref<10000x128xf32, #tpu.memory_space<vmem_shared>>)
    %dma_wait3A_51 = arith.constant 1 : i32
    %dma_wait3A_52 = arith.constant 0 : i32
    %dma_wait3A_53 = tpu.memref_slice %arg14[%dma_wait3A_51, %dma_wait3A_52] : memref<2x80xi32, #tpu.memory_space<vmem>> -> memref<1x80xi32, #tpu.memory_space<vmem>>
    %dma_wait3A_54 = tpu.memref_squeeze %dma_wait3A_53 : memref<1x80xi32, #tpu.memory_space<vmem>> -> memref<80xi32, #tpu.memory_space<vmem>>
    %dma_wait3A_55 = arith.constant 0 : i32
    %dma_wait3A_56 = arith.constant 0 : i32
    %dma_wait3A_57 = tpu.memref_slice %arg10[%dma_wait3A_55, %dma_wait3A_56] : memref<10000x128xf32, #tpu.memory_space<vmem_shared>> -> memref<10000x128xf32, #tpu.memory_space<vmem_shared>>
    tpu.wait_indirect_dma semaphore(%arg24 : memref<!tpu.dma_semaphore, #tpu.memory_space<semaphore_mem>>) src(%arg19 : memref<80x128xf32, #tpu.memory_space<vmem>>) dst(%dma_wait3A_57 : memref<10000x128xf32, #tpu.memory_space<vmem_shared>>)
    %barrier3A_58 = arith.constant 0 : index
    tpu.barrier barrier_id(%barrier3A_58)
    %add3A = arith.addi %mul3A_0, %mul3A_2 : i32
    "tpu.region"() ({
      %run_scoped3A_118 = tpu.sem_alloc : memref<!tpu.dma_semaphore, #tpu.memory_space<semaphore_mem>>
      %dma_start3A_119 = arith.constant 0 : i32
      %dma_start3A_120 = tpu.memref_slice %arg8[%add3A, %dma_start3A_119] : memref<20000x128xf32, #tpu.memory_space<hbm>> -> memref<624x128xf32, #tpu.memory_space<hbm>>
      %dma_start3A_121 = arith.constant 0 : i32
      %dma_start3A_122 = tpu.memref_slice %arg10[%mul3A_2, %dma_start3A_121] : memref<10000x128xf32, #tpu.memory_space<vmem_shared>> -> memref<624x128xf32, #tpu.memory_space<vmem_shared>>
      tpu.enqueue_dma source(%dma_start3A_122 : memref<624x128xf32, #tpu.memory_space<vmem_shared>>) target(%dma_start3A_120 : memref<624x128xf32, #tpu.memory_space<hbm>>) target_semaphore(%run_scoped3A_118 : memref<!tpu.dma_semaphore, #tpu.memory_space<semaphore_mem>>)
      %dma_wait3A_123 = arith.constant 0 : i32
      %dma_wait3A_124 = tpu.memref_slice %arg8[%add3A, %dma_wait3A_123] : memref<20000x128xf32, #tpu.memory_space<hbm>> -> memref<624x128xf32, #tpu.memory_space<hbm>>
      %dma_wait3A_125 = arith.constant 0 : i32
      %dma_wait3A_126 = tpu.memref_slice %arg10[%mul3A_2, %dma_wait3A_125] : memref<10000x128xf32, #tpu.memory_space<vmem_shared>> -> memref<624x128xf32, #tpu.memory_space<vmem_shared>>
      tpu.wait_dma2 semaphore(%run_scoped3A_118 : memref<!tpu.dma_semaphore, #tpu.memory_space<semaphore_mem>>) src(%dma_wait3A_126 : memref<624x128xf32, #tpu.memory_space<vmem_shared>>) dst(%dma_wait3A_124 : memref<624x128xf32, #tpu.memory_space<hbm>>)
      tpu.yield
    }) : () -> ()
    %eq3A_59 = arith.constant 15 : i32
    %eq3A_60 = arith.cmpi eq, %arg1, %eq3A_59 : i32
    %convert_element_type3A_61 = arith.extui %eq3A_60 : i1 to i32
    %cond3A_62 = arith.constant 0 : i32
    %cond3A_63 = arith.cmpi ne, %convert_element_type3A_61, %cond3A_62 : i32
    scf.if %cond3A_63 {
      %add3A_118 = arith.constant 9984 : i32
      %add3A_119 = arith.addi %mul3A_0, %add3A_118 : i32
      "tpu.region"() ({
        %run_scoped3A_120 = tpu.sem_alloc : memref<!tpu.dma_semaphore, #tpu.memory_space<semaphore_mem>>
        %dma_start3A_121 = arith.constant 0 : i32
        %dma_start3A_122 = tpu.memref_slice %arg8[%add3A_119, %dma_start3A_121] : memref<20000x128xf32, #tpu.memory_space<hbm>> -> memref<16x128xf32, #tpu.memory_space<hbm>>
        %dma_start3A_123 = arith.constant 9984 : i32
        %dma_start3A_124 = arith.constant 0 : i32
        %dma_start3A_125 = tpu.memref_slice %arg10[%dma_start3A_123, %dma_start3A_124] : memref<10000x128xf32, #tpu.memory_space<vmem_shared>> -> memref<16x128xf32, #tpu.memory_space<vmem_shared>>
        tpu.enqueue_dma source(%dma_start3A_125 : memref<16x128xf32, #tpu.memory_space<vmem_shared>>) target(%dma_start3A_122 : memref<16x128xf32, #tpu.memory_space<hbm>>) target_semaphore(%run_scoped3A_120 : memref<!tpu.dma_semaphore, #tpu.memory_space<semaphore_mem>>)
        %dma_wait3A_126 = arith.constant 0 : i32
        %dma_wait3A_127 = tpu.memref_slice %arg8[%add3A_119, %dma_wait3A_126] : memref<20000x128xf32, #tpu.memory_space<hbm>> -> memref<16x128xf32, #tpu.memory_space<hbm>>
        %dma_wait3A_128 = arith.constant 9984 : i32
        %dma_wait3A_129 = arith.constant 0 : i32
        %dma_wait3A_130 = tpu.memref_slice %arg10[%dma_wait3A_128, %dma_wait3A_129] : memref<10000x128xf32, #tpu.memory_space<vmem_shared>> -> memref<16x128xf32, #tpu.memory_space<vmem_shared>>
        tpu.wait_dma2 semaphore(%run_scoped3A_120 : memref<!tpu.dma_semaphore, #tpu.memory_space<semaphore_mem>>) src(%dma_wait3A_130 : memref<16x128xf32, #tpu.memory_space<vmem_shared>>) dst(%dma_wait3A_127 : memref<16x128xf32, #tpu.memory_space<hbm>>)
        tpu.yield
      }) : () -> ()
    } else {
    }
    "tpu.region"() ({
      %run_scoped3A_118 = tpu.sem_alloc : memref<!tpu.dma_semaphore, #tpu.memory_space<semaphore_mem>>
      %dma_start3A_119 = arith.constant 0 : i32
      %dma_start3A_120 = tpu.memref_slice %arg10[%mul3A_2, %dma_start3A_119] : memref<10000x128xf32, #tpu.memory_space<vmem_shared>> -> memref<624x128xf32, #tpu.memory_space<vmem_shared>>
      %dma_start3A_121 = arith.constant 0 : i32
      %dma_start3A_122 = tpu.memref_slice %arg7[%mul3A_2, %dma_start3A_121] : memref<10000x128xf32, #tpu.memory_space<hbm>> -> memref<624x128xf32, #tpu.memory_space<hbm>>
      tpu.enqueue_dma source(%dma_start3A_122 : memref<624x128xf32, #tpu.memory_space<hbm>>) target(%dma_start3A_120 : memref<624x128xf32, #tpu.memory_space<vmem_shared>>) target_semaphore(%run_scoped3A_118 : memref<!tpu.dma_semaphore, #tpu.memory_space<semaphore_mem>>)
      %dma_wait3A_123 = arith.constant 0 : i32
      %dma_wait3A_124 = tpu.memref_slice %arg10[%mul3A_2, %dma_wait3A_123] : memref<10000x128xf32, #tpu.memory_space<vmem_shared>> -> memref<624x128xf32, #tpu.memory_space<vmem_shared>>
      %dma_wait3A_125 = arith.constant 0 : i32
      %dma_wait3A_126 = tpu.memref_slice %arg7[%mul3A_2, %dma_wait3A_125] : memref<10000x128xf32, #tpu.memory_space<hbm>> -> memref<624x128xf32, #tpu.memory_space<hbm>>
      tpu.wait_dma2 semaphore(%run_scoped3A_118 : memref<!tpu.dma_semaphore, #tpu.memory_space<semaphore_mem>>) src(%dma_wait3A_126 : memref<624x128xf32, #tpu.memory_space<hbm>>) dst(%dma_wait3A_124 : memref<624x128xf32, #tpu.memory_space<vmem_shared>>)
      tpu.yield
    }) : () -> ()
    %eq3A_64 = arith.constant 15 : i32
    %eq3A_65 = arith.cmpi eq, %arg1, %eq3A_64 : i32
    %convert_element_type3A_66 = arith.extui %eq3A_65 : i1 to i32
    %cond3A_67 = arith.constant 0 : i32
    %cond3A_68 = arith.cmpi ne, %convert_element_type3A_66, %cond3A_67 : i32
    scf.if %cond3A_68 {
      "tpu.region"() ({
        %run_scoped3A_118 = tpu.sem_alloc : memref<!tpu.dma_semaphore, #tpu.memory_space<semaphore_mem>>
        %dma_start3A_119 = arith.constant 9984 : i32
        %dma_start3A_120 = arith.constant 0 : i32
        %dma_start3A_121 = tpu.memref_slice %arg10[%dma_start3A_119, %dma_start3A_120] : memref<10000x128xf32, #tpu.memory_space<vmem_shared>> -> memref<16x128xf32, #tpu.memory_space<vmem_shared>>
        %dma_start3A_122 = arith.constant 9984 : i32
        %dma_start3A_123 = arith.constant 0 : i32
        %dma_start3A_124 = tpu.memref_slice %arg7[%dma_start3A_122, %dma_start3A_123] : memref<10000x128xf32, #tpu.memory_space<hbm>> -> memref<16x128xf32, #tpu.memory_space<hbm>>
        tpu.enqueue_dma source(%dma_start3A_124 : memref<16x128xf32, #tpu.memory_space<hbm>>) target(%dma_start3A_121 : memref<16x128xf32, #tpu.memory_space<vmem_shared>>) target_semaphore(%run_scoped3A_118 : memref<!tpu.dma_semaphore, #tpu.memory_space<semaphore_mem>>)
        %dma_wait3A_125 = arith.constant 9984 : i32
        %dma_wait3A_126 = arith.constant 0 : i32
        %dma_wait3A_127 = tpu.memref_slice %arg10[%dma_wait3A_125, %dma_wait3A_126] : memref<10000x128xf32, #tpu.memory_space<vmem_shared>> -> memref<16x128xf32, #tpu.memory_space<vmem_shared>>
        %dma_wait3A_128 = arith.constant 9984 : i32
        %dma_wait3A_129 = arith.constant 0 : i32
        %dma_wait3A_130 = tpu.memref_slice %arg7[%dma_wait3A_128, %dma_wait3A_129] : memref<10000x128xf32, #tpu.memory_space<hbm>> -> memref<16x128xf32, #tpu.memory_space<hbm>>
        tpu.wait_dma2 semaphore(%run_scoped3A_118 : memref<!tpu.dma_semaphore, #tpu.memory_space<semaphore_mem>>) src(%dma_wait3A_130 : memref<16x128xf32, #tpu.memory_space<hbm>>) dst(%dma_wait3A_127 : memref<16x128xf32, #tpu.memory_space<vmem_shared>>)
        tpu.yield
      }) : () -> ()
    } else {
    }
    %barrier3A_69 = arith.constant 0 : index
    tpu.barrier barrier_id(%barrier3A_69)
    %run_scoped3A_70 = arith.constant 0 : i32
    "tpu.region"() ({
      %run_scoped3A_118 = tpu.sem_alloc : memref<!tpu.dma_semaphore, #tpu.memory_space<semaphore_mem>>
      %dma_start3A_119 = arith.constant 0 : i32
      %dma_start3A_120 = arith.constant 0 : i32
      %dma_start3A_121 = tpu.memref_slice %arg5[%arg0, %arg1, %run_scoped3A_70, %dma_start3A_119, %dma_start3A_120] : memref<2x16x250x3x40xi32, #tpu.memory_space<hbm>> -> memref<1x1x1x3x40xi32, #tpu.memory_space<hbm>>
      %dma_start3A_122 = tpu.memref_squeeze %dma_start3A_121 : memref<1x1x1x3x40xi32, #tpu.memory_space<hbm>> -> memref<3x40xi32, #tpu.memory_space<hbm>>
      %dma_start3A_123 = arith.constant 0 : i32
      %dma_start3A_124 = arith.constant 0 : i32
      %dma_start3A_125 = tpu.memref_slice %arg5[%arg0, %arg1, %run_scoped3A_70, %dma_start3A_123, %dma_start3A_124] : memref<2x16x250x3x40xi32, #tpu.memory_space<hbm>> -> memref<1x1x1x3x40xi32, #tpu.memory_space<hbm>>
      %dma_start3A_126 = tpu.memref_squeeze %dma_start3A_125 : memref<1x1x1x3x40xi32, #tpu.memory_space<hbm>> -> memref<3x40xi32, #tpu.memory_space<hbm>>
      tpu.enqueue_dma source(%dma_start3A_126 : memref<3x40xi32, #tpu.memory_space<hbm>>) target(%arg11 : memref<3x40xi32, #tpu.memory_space<vmem>>) target_semaphore(%run_scoped3A_118 : memref<!tpu.dma_semaphore, #tpu.memory_space<semaphore_mem>>)
      %dma_wait3A_127 = arith.constant 0 : i32
      %dma_wait3A_128 = arith.constant 0 : i32
      %dma_wait3A_129 = tpu.memref_slice %arg5[%arg0, %arg1, %run_scoped3A_70, %dma_wait3A_127, %dma_wait3A_128] : memref<2x16x250x3x40xi32, #tpu.memory_space<hbm>> -> memref<1x1x1x3x40xi32, #tpu.memory_space<hbm>>
      %dma_wait3A_130 = tpu.memref_squeeze %dma_wait3A_129 : memref<1x1x1x3x40xi32, #tpu.memory_space<hbm>> -> memref<3x40xi32, #tpu.memory_space<hbm>>
      %dma_wait3A_131 = arith.constant 0 : i32
      %dma_wait3A_132 = arith.constant 0 : i32
      %dma_wait3A_133 = tpu.memref_slice %arg5[%arg0, %arg1, %run_scoped3A_70, %dma_wait3A_131, %dma_wait3A_132] : memref<2x16x250x3x40xi32, #tpu.memory_space<hbm>> -> memref<1x1x1x3x40xi32, #tpu.memory_space<hbm>>
      %dma_wait3A_134 = tpu.memref_squeeze %dma_wait3A_133 : memref<1x1x1x3x40xi32, #tpu.memory_space<hbm>> -> memref<3x40xi32, #tpu.memory_space<hbm>>
      tpu.wait_dma2 semaphore(%run_scoped3A_118 : memref<!tpu.dma_semaphore, #tpu.memory_space<semaphore_mem>>) src(%dma_wait3A_134 : memref<3x40xi32, #tpu.memory_space<hbm>>) dst(%arg11 : memref<3x40xi32, #tpu.memory_space<vmem>>)
      tpu.yield
    }) : () -> ()
    %dma_start3A_71 = arith.constant 0 : i32
    %dma_start3A_72 = arith.constant 0 : i32
    %dma_start3A_73 = tpu.memref_slice %arg11[%dma_start3A_71, %dma_start3A_72] : memref<3x40xi32, #tpu.memory_space<vmem>> -> memref<1x40xi32, #tpu.memory_space<vmem>>
    %dma_start3A_74 = tpu.memref_squeeze %dma_start3A_73 : memref<1x40xi32, #tpu.memory_space<vmem>> -> memref<40xi32, #tpu.memory_space<vmem>>
    %dma_start3A_75 = arith.constant 0 : i32
    %dma_start3A_76 = arith.constant 0 : i32
    %dma_start3A_77 = tpu.memref_slice %arg3[%dma_start3A_75, %dma_start3A_76] : memref<20000x256xf32, #tpu.memory_space<hbm>> -> memref<20000x256xf32, #tpu.memory_space<hbm>>
    tpu.enqueue_indirect_dma source(%dma_start3A_77 : memref<20000x256xf32, #tpu.memory_space<hbm>>) target(%arg15 : memref<40x256xf32, #tpu.memory_space<vmem>>) offsets(%dma_start3A_74 : memref<40xi32, #tpu.memory_space<vmem>>) semaphore(%arg20 : memref<!tpu.dma_semaphore, #tpu.memory_space<semaphore_mem>>)
    %dma_start3A_78 = arith.constant 1 : i32
    %dma_start3A_79 = arith.constant 0 : i32
    %dma_start3A_80 = tpu.memref_slice %arg11[%dma_start3A_78, %dma_start3A_79] : memref<3x40xi32, #tpu.memory_space<vmem>> -> memref<1x40xi32, #tpu.memory_space<vmem>>
    %dma_start3A_81 = tpu.memref_squeeze %dma_start3A_80 : memref<1x40xi32, #tpu.memory_space<vmem>> -> memref<40xi32, #tpu.memory_space<vmem>>
    %dma_start3A_82 = arith.constant 0 : i32
    %dma_start3A_83 = arith.constant 0 : i32
    %dma_start3A_84 = tpu.memref_slice %arg4[%dma_start3A_82, %dma_start3A_83] : memref<20000x128xf32, #tpu.memory_space<hbm>> -> memref<20000x128xf32, #tpu.memory_space<hbm>>
    tpu.enqueue_indirect_dma source(%dma_start3A_84 : memref<20000x128xf32, #tpu.memory_space<hbm>>) target(%arg17 : memref<40x128xf32, #tpu.memory_space<vmem>>) offsets(%dma_start3A_81 : memref<40xi32, #tpu.memory_space<vmem>>) semaphore(%arg22 : memref<!tpu.dma_semaphore, #tpu.memory_space<semaphore_mem>>)
    %scan3A_85 = arith.constant 0 : i32
    %scan3A_86 = arith.constant 0 : i32
    %scan3A_87 = arith.constant 125 : i32
    %scan3A_88 = arith.addi %scan3A_86, %scan3A_87 : i32
    %scan3A_89 = arith.constant 1 : i32
    scf.for %scan3A_118 = %scan3A_86 to %scan3A_88 step %scan3A_89  : i32 {
      %mul3A_119 = arith.constant 2 : i32
      %mul3A_120 = arith.muli %mul3A_119, %scan3A_118 : i32
      %add3A_121 = arith.constant 1 : i32
      %add3A_122 = arith.addi %mul3A_120, %add3A_121 : i32
      %gt3A = arith.constant 0 : i32
      %gt3A_123 = arith.cmpi sgt, %scan3A_118, %gt3A : i32
      %convert_element_type3A_124 = arith.extui %gt3A_123 : i1 to i32
      %cond3A_125 = arith.constant 0 : i32
      %cond3A_126 = arith.cmpi ne, %convert_element_type3A_124, %cond3A_125 : i32
      scf.if %cond3A_126 {
        %dma_wait3A_198 = arith.constant 2 : i32
        %dma_wait3A_199 = arith.constant 0 : i32
        %dma_wait3A_200 = arith.constant 0 : i32
        %dma_wait3A_201 = tpu.memref_slice %arg19[%dma_wait3A_199, %dma_wait3A_200] : memref<80x128xf32, #tpu.memory_space<vmem>> -> memref<40x128xf32, #tpu.memory_space<vmem>>
        %dma_wait3A_202 = arith.constant 0 : i32
        %dma_wait3A_203 = tpu.memref_slice %arg12[%dma_wait3A_198, %dma_wait3A_202] : memref<3x40xi32, #tpu.memory_space<vmem>> -> memref<1x40xi32, #tpu.memory_space<vmem>>
        %dma_wait3A_204 = tpu.memref_squeeze %dma_wait3A_203 : memref<1x40xi32, #tpu.memory_space<vmem>> -> memref<40xi32, #tpu.memory_space<vmem>>
        %dma_wait3A_205 = arith.constant 0 : i32
        %dma_wait3A_206 = arith.constant 0 : i32
        %dma_wait3A_207 = tpu.memref_slice %arg10[%dma_wait3A_205, %dma_wait3A_206] : memref<10000x128xf32, #tpu.memory_space<vmem_shared>> -> memref<10000x128xf32, #tpu.memory_space<vmem_shared>>
        tpu.wait_indirect_dma semaphore(%arg24 : memref<!tpu.dma_semaphore, #tpu.memory_space<semaphore_mem>>) src(%dma_wait3A_201 : memref<40x128xf32, #tpu.memory_space<vmem>>) dst(%dma_wait3A_207 : memref<10000x128xf32, #tpu.memory_space<vmem_shared>>)
      } else {
      }
      "tpu.region"() ({
        %run_scoped3A_198 = tpu.sem_alloc : memref<!tpu.dma_semaphore, #tpu.memory_space<semaphore_mem>>
        %dma_start3A_199 = arith.constant 0 : i32
        %dma_start3A_200 = arith.constant 0 : i32
        %dma_start3A_201 = tpu.memref_slice %arg5[%arg0, %arg1, %add3A_122, %dma_start3A_199, %dma_start3A_200] : memref<2x16x250x3x40xi32, #tpu.memory_space<hbm>> -> memref<1x1x1x3x40xi32, #tpu.memory_space<hbm>>
        %dma_start3A_202 = tpu.memref_squeeze %dma_start3A_201 : memref<1x1x1x3x40xi32, #tpu.memory_space<hbm>> -> memref<3x40xi32, #tpu.memory_space<hbm>>
        %dma_start3A_203 = arith.constant 0 : i32
        %dma_start3A_204 = arith.constant 0 : i32
        %dma_start3A_205 = tpu.memref_slice %arg5[%arg0, %arg1, %add3A_122, %dma_start3A_203, %dma_start3A_204] : memref<2x16x250x3x40xi32, #tpu.memory_space<hbm>> -> memref<1x1x1x3x40xi32, #tpu.memory_space<hbm>>
        %dma_start3A_206 = tpu.memref_squeeze %dma_start3A_205 : memref<1x1x1x3x40xi32, #tpu.memory_space<hbm>> -> memref<3x40xi32, #tpu.memory_space<hbm>>
        tpu.enqueue_dma source(%dma_start3A_206 : memref<3x40xi32, #tpu.memory_space<hbm>>) target(%arg12 : memref<3x40xi32, #tpu.memory_space<vmem>>) target_semaphore(%run_scoped3A_198 : memref<!tpu.dma_semaphore, #tpu.memory_space<semaphore_mem>>)
        %dma_wait3A_207 = arith.constant 0 : i32
        %dma_wait3A_208 = arith.constant 0 : i32
        %dma_wait3A_209 = tpu.memref_slice %arg5[%arg0, %arg1, %add3A_122, %dma_wait3A_207, %dma_wait3A_208] : memref<2x16x250x3x40xi32, #tpu.memory_space<hbm>> -> memref<1x1x1x3x40xi32, #tpu.memory_space<hbm>>
        %dma_wait3A_210 = tpu.memref_squeeze %dma_wait3A_209 : memref<1x1x1x3x40xi32, #tpu.memory_space<hbm>> -> memref<3x40xi32, #tpu.memory_space<hbm>>
        %dma_wait3A_211 = arith.constant 0 : i32
        %dma_wait3A_212 = arith.constant 0 : i32
        %dma_wait3A_213 = tpu.memref_slice %arg5[%arg0, %arg1, %add3A_122, %dma_wait3A_211, %dma_wait3A_212] : memref<2x16x250x3x40xi32, #tpu.memory_space<hbm>> -> memref<1x1x1x3x40xi32, #tpu.memory_space<hbm>>
        %dma_wait3A_214 = tpu.memref_squeeze %dma_wait3A_213 : memref<1x1x1x3x40xi32, #tpu.memory_space<hbm>> -> memref<3x40xi32, #tpu.memory_space<hbm>>
        tpu.wait_dma2 semaphore(%run_scoped3A_198 : memref<!tpu.dma_semaphore, #tpu.memory_space<semaphore_mem>>) src(%dma_wait3A_214 : memref<3x40xi32, #tpu.memory_space<hbm>>) dst(%arg12 : memref<3x40xi32, #tpu.memory_space<vmem>>)
        tpu.yield
      }) : () -> ()
      %dma_start3A_127 = arith.constant 0 : i32
      %dma_start3A_128 = arith.constant 0 : i32
      %dma_start3A_129 = tpu.memref_slice %arg12[%dma_start3A_127, %dma_start3A_128] : memref<3x40xi32, #tpu.memory_space<vmem>> -> memref<1x40xi32, #tpu.memory_space<vmem>>
      %dma_start3A_130 = tpu.memref_squeeze %dma_start3A_129 : memref<1x40xi32, #tpu.memory_space<vmem>> -> memref<40xi32, #tpu.memory_space<vmem>>
      %dma_start3A_131 = arith.constant 0 : i32
      %dma_start3A_132 = arith.constant 0 : i32
      %dma_start3A_133 = tpu.memref_slice %arg3[%dma_start3A_131, %dma_start3A_132] : memref<20000x256xf32, #tpu.memory_space<hbm>> -> memref<20000x256xf32, #tpu.memory_space<hbm>>
      tpu.enqueue_indirect_dma source(%dma_start3A_133 : memref<20000x256xf32, #tpu.memory_space<hbm>>) target(%arg16 : memref<40x256xf32, #tpu.memory_space<vmem>>) offsets(%dma_start3A_130 : memref<40xi32, #tpu.memory_space<vmem>>) semaphore(%arg21 : memref<!tpu.dma_semaphore, #tpu.memory_space<semaphore_mem>>)
      %dma_wait3A_134 = arith.constant 0 : i32
      %dma_wait3A_135 = arith.constant 0 : i32
      %dma_wait3A_136 = tpu.memref_slice %arg11[%dma_wait3A_134, %dma_wait3A_135] : memref<3x40xi32, #tpu.memory_space<vmem>> -> memref<1x40xi32, #tpu.memory_space<vmem>>
      %dma_wait3A_137 = tpu.memref_squeeze %dma_wait3A_136 : memref<1x40xi32, #tpu.memory_space<vmem>> -> memref<40xi32, #tpu.memory_space<vmem>>
      %dma_wait3A_138 = arith.constant 0 : i32
      %dma_wait3A_139 = arith.constant 0 : i32
      %dma_wait3A_140 = tpu.memref_slice %arg3[%dma_wait3A_138, %dma_wait3A_139] : memref<20000x256xf32, #tpu.memory_space<hbm>> -> memref<20000x256xf32, #tpu.memory_space<hbm>>
      tpu.wait_indirect_dma semaphore(%arg20 : memref<!tpu.dma_semaphore, #tpu.memory_space<semaphore_mem>>) src(%dma_wait3A_140 : memref<20000x256xf32, #tpu.memory_space<hbm>>) dst(%arg15 : memref<40x256xf32, #tpu.memory_space<vmem>>)
      %dma_wait3A_141 = arith.constant 1 : i32
      %dma_wait3A_142 = arith.constant 0 : i32
      %dma_wait3A_143 = tpu.memref_slice %arg11[%dma_wait3A_141, %dma_wait3A_142] : memref<3x40xi32, #tpu.memory_space<vmem>> -> memref<1x40xi32, #tpu.memory_space<vmem>>
      %dma_wait3A_144 = tpu.memref_squeeze %dma_wait3A_143 : memref<1x40xi32, #tpu.memory_space<vmem>> -> memref<40xi32, #tpu.memory_space<vmem>>
      %dma_wait3A_145 = arith.constant 0 : i32
      %dma_wait3A_146 = arith.constant 0 : i32
      %dma_wait3A_147 = tpu.memref_slice %arg4[%dma_wait3A_145, %dma_wait3A_146] : memref<20000x128xf32, #tpu.memory_space<hbm>> -> memref<20000x128xf32, #tpu.memory_space<hbm>>
      tpu.wait_indirect_dma semaphore(%arg22 : memref<!tpu.dma_semaphore, #tpu.memory_space<semaphore_mem>>) src(%dma_wait3A_147 : memref<20000x128xf32, #tpu.memory_space<hbm>>) dst(%arg17 : memref<40x128xf32, #tpu.memory_space<vmem>>)
      %dma_start3A_148 = arith.constant 1 : i32
      %dma_start3A_149 = arith.constant 0 : i32
      %dma_start3A_150 = tpu.memref_slice %arg12[%dma_start3A_148, %dma_start3A_149] : memref<3x40xi32, #tpu.memory_space<vmem>> -> memref<1x40xi32, #tpu.memory_space<vmem>>
      %dma_start3A_151 = tpu.memref_squeeze %dma_start3A_150 : memref<1x40xi32, #tpu.memory_space<vmem>> -> memref<40xi32, #tpu.memory_space<vmem>>
      %dma_start3A_152 = arith.constant 0 : i32
      %dma_start3A_153 = arith.constant 0 : i32
      %dma_start3A_154 = tpu.memref_slice %arg4[%dma_start3A_152, %dma_start3A_153] : memref<20000x128xf32, #tpu.memory_space<hbm>> -> memref<20000x128xf32, #tpu.memory_space<hbm>>
      tpu.enqueue_indirect_dma source(%dma_start3A_154 : memref<20000x128xf32, #tpu.memory_space<hbm>>) target(%arg17 : memref<40x128xf32, #tpu.memory_space<vmem>>) offsets(%dma_start3A_151 : memref<40xi32, #tpu.memory_space<vmem>>) semaphore(%arg22 : memref<!tpu.dma_semaphore, #tpu.memory_space<semaphore_mem>>)
      %dma_start3A_155 = arith.constant 2 : i32
      %dma_start3A_156 = arith.constant 0 : i32
      %dma_start3A_157 = arith.constant 0 : i32
      %dma_start3A_158 = tpu.memref_slice %arg18[%dma_start3A_156, %dma_start3A_157] : memref<80x128xf32, #tpu.memory_space<vmem>> -> memref<40x128xf32, #tpu.memory_space<vmem>>
      %dma_start3A_159 = arith.constant 0 : i32
      %dma_start3A_160 = tpu.memref_slice %arg11[%dma_start3A_155, %dma_start3A_159] : memref<3x40xi32, #tpu.memory_space<vmem>> -> memref<1x40xi32, #tpu.memory_space<vmem>>
      %dma_start3A_161 = tpu.memref_squeeze %dma_start3A_160 : memref<1x40xi32, #tpu.memory_space<vmem>> -> memref<40xi32, #tpu.memory_space<vmem>>
      %dma_start3A_162 = arith.constant 0 : i32
      %dma_start3A_163 = arith.constant 0 : i32
      %dma_start3A_164 = tpu.memref_slice %arg10[%dma_start3A_162, %dma_start3A_163] : memref<10000x128xf32, #tpu.memory_space<vmem_shared>> -> memref<10000x128xf32, #tpu.memory_space<vmem_shared>>
      tpu.enqueue_indirect_dma source(%dma_start3A_158 : memref<40x128xf32, #tpu.memory_space<vmem>>) target(%dma_start3A_164 : memref<10000x128xf32, #tpu.memory_space<vmem_shared>>) offsets(%dma_start3A_161 : memref<40xi32, #tpu.memory_space<vmem>>) semaphore(%arg23 : memref<!tpu.dma_semaphore, #tpu.memory_space<semaphore_mem>>) {add = true}
      %lt3A = arith.constant 124 : i32
      %lt3A_165 = arith.cmpi slt, %scan3A_118, %lt3A : i32
      %convert_element_type3A_166 = arith.extui %lt3A_165 : i1 to i32
      %cond3A_167 = arith.constant 0 : i32
      %cond3A_168 = arith.cmpi ne, %convert_element_type3A_166, %cond3A_167 : i32
      scf.if %cond3A_168 {
        %dma_wait3A_198 = arith.constant 2 : i32
        %dma_wait3A_199 = arith.constant 0 : i32
        %dma_wait3A_200 = arith.constant 0 : i32
        %dma_wait3A_201 = tpu.memref_slice %arg18[%dma_wait3A_199, %dma_wait3A_200] : memref<80x128xf32, #tpu.memory_space<vmem>> -> memref<40x128xf32, #tpu.memory_space<vmem>>
        %dma_wait3A_202 = arith.constant 0 : i32
        %dma_wait3A_203 = tpu.memref_slice %arg11[%dma_wait3A_198, %dma_wait3A_202] : memref<3x40xi32, #tpu.memory_space<vmem>> -> memref<1x40xi32, #tpu.memory_space<vmem>>
        %dma_wait3A_204 = tpu.memref_squeeze %dma_wait3A_203 : memref<1x40xi32, #tpu.memory_space<vmem>> -> memref<40xi32, #tpu.memory_space<vmem>>
        %dma_wait3A_205 = arith.constant 0 : i32
        %dma_wait3A_206 = arith.constant 0 : i32
        %dma_wait3A_207 = tpu.memref_slice %arg10[%dma_wait3A_205, %dma_wait3A_206] : memref<10000x128xf32, #tpu.memory_space<vmem_shared>> -> memref<10000x128xf32, #tpu.memory_space<vmem_shared>>
        tpu.wait_indirect_dma semaphore(%arg23 : memref<!tpu.dma_semaphore, #tpu.memory_space<semaphore_mem>>) src(%dma_wait3A_201 : memref<40x128xf32, #tpu.memory_space<vmem>>) dst(%dma_wait3A_207 : memref<10000x128xf32, #tpu.memory_space<vmem_shared>>)
        %add3A_208 = arith.constant 1 : i32
        %add3A_209 = arith.addi %add3A_122, %add3A_208 : i32
        "tpu.region"() ({
          %run_scoped3A_217 = tpu.sem_alloc : memref<!tpu.dma_semaphore, #tpu.memory_space<semaphore_mem>>
          %dma_start3A_218 = arith.constant 0 : i32
          %dma_start3A_219 = arith.constant 0 : i32
          %dma_start3A_220 = tpu.memref_slice %arg5[%arg0, %arg1, %add3A_209, %dma_start3A_218, %dma_start3A_219] : memref<2x16x250x3x40xi32, #tpu.memory_space<hbm>> -> memref<1x1x1x3x40xi32, #tpu.memory_space<hbm>>
          %dma_start3A_221 = tpu.memref_squeeze %dma_start3A_220 : memref<1x1x1x3x40xi32, #tpu.memory_space<hbm>> -> memref<3x40xi32, #tpu.memory_space<hbm>>
          %dma_start3A_222 = arith.constant 0 : i32
          %dma_start3A_223 = arith.constant 0 : i32
          %dma_start3A_224 = tpu.memref_slice %arg5[%arg0, %arg1, %add3A_209, %dma_start3A_222, %dma_start3A_223] : memref<2x16x250x3x40xi32, #tpu.memory_space<hbm>> -> memref<1x1x1x3x40xi32, #tpu.memory_space<hbm>>
          %dma_start3A_225 = tpu.memref_squeeze %dma_start3A_224 : memref<1x1x1x3x40xi32, #tpu.memory_space<hbm>> -> memref<3x40xi32, #tpu.memory_space<hbm>>
          tpu.enqueue_dma source(%dma_start3A_225 : memref<3x40xi32, #tpu.memory_space<hbm>>) target(%arg11 : memref<3x40xi32, #tpu.memory_space<vmem>>) target_semaphore(%run_scoped3A_217 : memref<!tpu.dma_semaphore, #tpu.memory_space<semaphore_mem>>)
          %dma_wait3A_226 = arith.constant 0 : i32
          %dma_wait3A_227 = arith.constant 0 : i32
          %dma_wait3A_228 = tpu.memref_slice %arg5[%arg0, %arg1, %add3A_209, %dma_wait3A_226, %dma_wait3A_227] : memref<2x16x250x3x40xi32, #tpu.memory_space<hbm>> -> memref<1x1x1x3x40xi32, #tpu.memory_space<hbm>>
          %dma_wait3A_229 = tpu.memref_squeeze %dma_wait3A_228 : memref<1x1x1x3x40xi32, #tpu.memory_space<hbm>> -> memref<3x40xi32, #tpu.memory_space<hbm>>
          %dma_wait3A_230 = arith.constant 0 : i32
          %dma_wait3A_231 = arith.constant 0 : i32
          %dma_wait3A_232 = tpu.memref_slice %arg5[%arg0, %arg1, %add3A_209, %dma_wait3A_230, %dma_wait3A_231] : memref<2x16x250x3x40xi32, #tpu.memory_space<hbm>> -> memref<1x1x1x3x40xi32, #tpu.memory_space<hbm>>
          %dma_wait3A_233 = tpu.memref_squeeze %dma_wait3A_232 : memref<1x1x1x3x40xi32, #tpu.memory_space<hbm>> -> memref<3x40xi32, #tpu.memory_space<hbm>>
          tpu.wait_dma2 semaphore(%run_scoped3A_217 : memref<!tpu.dma_semaphore, #tpu.memory_space<semaphore_mem>>) src(%dma_wait3A_233 : memref<3x40xi32, #tpu.memory_space<hbm>>) dst(%arg11 : memref<3x40xi32, #tpu.memory_space<vmem>>)
          tpu.yield
        }) : () -> ()
        %dma_start3A_210 = arith.constant 0 : i32
        %dma_start3A_211 = arith.constant 0 : i32
        %dma_start3A_212 = tpu.memref_slice %arg11[%dma_start3A_210, %dma_start3A_211] : memref<3x40xi32, #tpu.memory_space<vmem>> -> memref<1x40xi32, #tpu.memory_space<vmem>>
        %dma_start3A_213 = tpu.memref_squeeze %dma_start3A_212 : memref<1x40xi32, #tpu.memory_space<vmem>> -> memref<40xi32, #tpu.memory_space<vmem>>
        %dma_start3A_214 = arith.constant 0 : i32
        %dma_start3A_215 = arith.constant 0 : i32
        %dma_start3A_216 = tpu.memref_slice %arg3[%dma_start3A_214, %dma_start3A_215] : memref<20000x256xf32, #tpu.memory_space<hbm>> -> memref<20000x256xf32, #tpu.memory_space<hbm>>
        tpu.enqueue_indirect_dma source(%dma_start3A_216 : memref<20000x256xf32, #tpu.memory_space<hbm>>) target(%arg15 : memref<40x256xf32, #tpu.memory_space<vmem>>) offsets(%dma_start3A_213 : memref<40xi32, #tpu.memory_space<vmem>>) semaphore(%arg20 : memref<!tpu.dma_semaphore, #tpu.memory_space<semaphore_mem>>)
      } else {
      }
      %dma_wait3A_169 = arith.constant 0 : i32
      %dma_wait3A_170 = arith.constant 0 : i32
      %dma_wait3A_171 = tpu.memref_slice %arg12[%dma_wait3A_169, %dma_wait3A_170] : memref<3x40xi32, #tpu.memory_space<vmem>> -> memref<1x40xi32, #tpu.memory_space<vmem>>
      %dma_wait3A_172 = tpu.memref_squeeze %dma_wait3A_171 : memref<1x40xi32, #tpu.memory_space<vmem>> -> memref<40xi32, #tpu.memory_space<vmem>>
      %dma_wait3A_173 = arith.constant 0 : i32
      %dma_wait3A_174 = arith.constant 0 : i32
      %dma_wait3A_175 = tpu.memref_slice %arg3[%dma_wait3A_173, %dma_wait3A_174] : memref<20000x256xf32, #tpu.memory_space<hbm>> -> memref<20000x256xf32, #tpu.memory_space<hbm>>
      tpu.wait_indirect_dma semaphore(%arg21 : memref<!tpu.dma_semaphore, #tpu.memory_space<semaphore_mem>>) src(%dma_wait3A_175 : memref<20000x256xf32, #tpu.memory_space<hbm>>) dst(%arg16 : memref<40x256xf32, #tpu.memory_space<vmem>>)
      %dma_wait3A_176 = arith.constant 1 : i32
      %dma_wait3A_177 = arith.constant 0 : i32
      %dma_wait3A_178 = tpu.memref_slice %arg12[%dma_wait3A_176, %dma_wait3A_177] : memref<3x40xi32, #tpu.memory_space<vmem>> -> memref<1x40xi32, #tpu.memory_space<vmem>>
      %dma_wait3A_179 = tpu.memref_squeeze %dma_wait3A_178 : memref<1x40xi32, #tpu.memory_space<vmem>> -> memref<40xi32, #tpu.memory_space<vmem>>
      %dma_wait3A_180 = arith.constant 0 : i32
      %dma_wait3A_181 = arith.constant 0 : i32
      %dma_wait3A_182 = tpu.memref_slice %arg4[%dma_wait3A_180, %dma_wait3A_181] : memref<20000x128xf32, #tpu.memory_space<hbm>> -> memref<20000x128xf32, #tpu.memory_space<hbm>>
      tpu.wait_indirect_dma semaphore(%arg22 : memref<!tpu.dma_semaphore, #tpu.memory_space<semaphore_mem>>) src(%dma_wait3A_182 : memref<20000x128xf32, #tpu.memory_space<hbm>>) dst(%arg17 : memref<40x128xf32, #tpu.memory_space<vmem>>)
      %lt3A_183 = arith.constant 124 : i32
      %lt3A_184 = arith.cmpi slt, %scan3A_118, %lt3A_183 : i32
      %convert_element_type3A_185 = arith.extui %lt3A_184 : i1 to i32
      %cond3A_186 = arith.constant 0 : i32
      %cond3A_187 = arith.cmpi ne, %convert_element_type3A_185, %cond3A_186 : i32
      scf.if %cond3A_187 {
        %dma_start3A_198 = arith.constant 1 : i32
        %dma_start3A_199 = arith.constant 0 : i32
        %dma_start3A_200 = tpu.memref_slice %arg11[%dma_start3A_198, %dma_start3A_199] : memref<3x40xi32, #tpu.memory_space<vmem>> -> memref<1x40xi32, #tpu.memory_space<vmem>>
        %dma_start3A_201 = tpu.memref_squeeze %dma_start3A_200 : memref<1x40xi32, #tpu.memory_space<vmem>> -> memref<40xi32, #tpu.memory_space<vmem>>
        %dma_start3A_202 = arith.constant 0 : i32
        %dma_start3A_203 = arith.constant 0 : i32
        %dma_start3A_204 = tpu.memref_slice %arg4[%dma_start3A_202, %dma_start3A_203] : memref<20000x128xf32, #tpu.memory_space<hbm>> -> memref<20000x128xf32, #tpu.memory_space<hbm>>
        tpu.enqueue_indirect_dma source(%dma_start3A_204 : memref<20000x128xf32, #tpu.memory_space<hbm>>) target(%arg17 : memref<40x128xf32, #tpu.memory_space<vmem>>) offsets(%dma_start3A_201 : memref<40xi32, #tpu.memory_space<vmem>>) semaphore(%arg22 : memref<!tpu.dma_semaphore, #tpu.memory_space<semaphore_mem>>)
      } else {
      }
      %dma_start3A_188 = arith.constant 2 : i32
      %dma_start3A_189 = arith.constant 0 : i32
      %dma_start3A_190 = arith.constant 0 : i32
      %dma_start3A_191 = tpu.memref_slice %arg19[%dma_start3A_189, %dma_start3A_190] : memref<80x128xf32, #tpu.memory_space<vmem>> -> memref<40x128xf32, #tpu.memory_space<vmem>>
      %dma_start3A_192 = arith.constant 0 : i32
      %dma_start3A_193 = tpu.memref_slice %arg12[%dma_start3A_188, %dma_start3A_192] : memref<3x40xi32, #tpu.memory_space<vmem>> -> memref<1x40xi32, #tpu.memory_space<vmem>>
      %dma_start3A_194 = tpu.memref_squeeze %dma_start3A_193 : memref<1x40xi32, #tpu.memory_space<vmem>> -> memref<40xi32, #tpu.memory_space<vmem>>
      %dma_start3A_195 = arith.constant 0 : i32
      %dma_start3A_196 = arith.constant 0 : i32
      %dma_start3A_197 = tpu.memref_slice %arg10[%dma_start3A_195, %dma_start3A_196] : memref<10000x128xf32, #tpu.memory_space<vmem_shared>> -> memref<10000x128xf32, #tpu.memory_space<vmem_shared>>
      tpu.enqueue_indirect_dma source(%dma_start3A_191 : memref<40x128xf32, #tpu.memory_space<vmem>>) target(%dma_start3A_197 : memref<10000x128xf32, #tpu.memory_space<vmem_shared>>) offsets(%dma_start3A_194 : memref<40xi32, #tpu.memory_space<vmem>>) semaphore(%arg24 : memref<!tpu.dma_semaphore, #tpu.memory_space<semaphore_mem>>) {add = true}
    }
    %scan3A_90 = arith.constant 125 : i32
    %dma_wait3A_91 = arith.constant 2 : i32
    %dma_wait3A_92 = arith.constant 0 : i32
    %dma_wait3A_93 = arith.constant 0 : i32
    %dma_wait3A_94 = tpu.memref_slice %arg18[%dma_wait3A_92, %dma_wait3A_93] : memref<80x128xf32, #tpu.memory_space<vmem>> -> memref<40x128xf32, #tpu.memory_space<vmem>>
    %dma_wait3A_95 = arith.constant 0 : i32
    %dma_wait3A_96 = tpu.memref_slice %arg11[%dma_wait3A_91, %dma_wait3A_95] : memref<3x40xi32, #tpu.memory_space<vmem>> -> memref<1x40xi32, #tpu.memory_space<vmem>>
    %dma_wait3A_97 = tpu.memref_squeeze %dma_wait3A_96 : memref<1x40xi32, #tpu.memory_space<vmem>> -> memref<40xi32, #tpu.memory_space<vmem>>
    %dma_wait3A_98 = arith.constant 0 : i32
    %dma_wait3A_99 = arith.constant 0 : i32
    %dma_wait3A_100 = tpu.memref_slice %arg10[%dma_wait3A_98, %dma_wait3A_99] : memref<10000x128xf32, #tpu.memory_space<vmem_shared>> -> memref<10000x128xf32, #tpu.memory_space<vmem_shared>>
    tpu.wait_indirect_dma semaphore(%arg23 : memref<!tpu.dma_semaphore, #tpu.memory_space<semaphore_mem>>) src(%dma_wait3A_94 : memref<40x128xf32, #tpu.memory_space<vmem>>) dst(%dma_wait3A_100 : memref<10000x128xf32, #tpu.memory_space<vmem_shared>>)
    %dma_wait3A_101 = arith.constant 2 : i32
    %dma_wait3A_102 = arith.constant 0 : i32
    %dma_wait3A_103 = arith.constant 0 : i32
    %dma_wait3A_104 = tpu.memref_slice %arg19[%dma_wait3A_102, %dma_wait3A_103] : memref<80x128xf32, #tpu.memory_space<vmem>> -> memref<40x128xf32, #tpu.memory_space<vmem>>
    %dma_wait3A_105 = arith.constant 0 : i32
    %dma_wait3A_106 = tpu.memref_slice %arg12[%dma_wait3A_101, %dma_wait3A_105] : memref<3x40xi32, #tpu.memory_space<vmem>> -> memref<1x40xi32, #tpu.memory_space<vmem>>
    %dma_wait3A_107 = tpu.memref_squeeze %dma_wait3A_106 : memref<1x40xi32, #tpu.memory_space<vmem>> -> memref<40xi32, #tpu.memory_space<vmem>>
    %dma_wait3A_108 = arith.constant 0 : i32
    %dma_wait3A_109 = arith.constant 0 : i32
    %dma_wait3A_110 = tpu.memref_slice %arg10[%dma_wait3A_108, %dma_wait3A_109] : memref<10000x128xf32, #tpu.memory_space<vmem_shared>> -> memref<10000x128xf32, #tpu.memory_space<vmem_shared>>
    tpu.wait_indirect_dma semaphore(%arg24 : memref<!tpu.dma_semaphore, #tpu.memory_space<semaphore_mem>>) src(%dma_wait3A_104 : memref<40x128xf32, #tpu.memory_space<vmem>>) dst(%dma_wait3A_110 : memref<10000x128xf32, #tpu.memory_space<vmem_shared>>)
    %barrier3A_111 = arith.constant 0 : index
    tpu.barrier barrier_id(%barrier3A_111)
    %add3A_112 = arith.addi %mul3A_0, %mul3A_2 : i32
    "tpu.region"() ({
      %run_scoped3A_118 = tpu.sem_alloc : memref<!tpu.dma_semaphore, #tpu.memory_space<semaphore_mem>>
      %dma_start3A_119 = arith.constant 0 : i32
      %dma_start3A_120 = tpu.memref_slice %arg9[%add3A_112, %dma_start3A_119] : memref<20000x128xf32, #tpu.memory_space<hbm>> -> memref<624x128xf32, #tpu.memory_space<hbm>>
      %dma_start3A_121 = arith.constant 0 : i32
      %dma_start3A_122 = tpu.memref_slice %arg10[%mul3A_2, %dma_start3A_121] : memref<10000x128xf32, #tpu.memory_space<vmem_shared>> -> memref<624x128xf32, #tpu.memory_space<vmem_shared>>
      tpu.enqueue_dma source(%dma_start3A_122 : memref<624x128xf32, #tpu.memory_space<vmem_shared>>) target(%dma_start3A_120 : memref<624x128xf32, #tpu.memory_space<hbm>>) target_semaphore(%run_scoped3A_118 : memref<!tpu.dma_semaphore, #tpu.memory_space<semaphore_mem>>)
      %dma_wait3A_123 = arith.constant 0 : i32
      %dma_wait3A_124 = tpu.memref_slice %arg9[%add3A_112, %dma_wait3A_123] : memref<20000x128xf32, #tpu.memory_space<hbm>> -> memref<624x128xf32, #tpu.memory_space<hbm>>
      %dma_wait3A_125 = arith.constant 0 : i32
      %dma_wait3A_126 = tpu.memref_slice %arg10[%mul3A_2, %dma_wait3A_125] : memref<10000x128xf32, #tpu.memory_space<vmem_shared>> -> memref<624x128xf32, #tpu.memory_space<vmem_shared>>
      tpu.wait_dma2 semaphore(%run_scoped3A_118 : memref<!tpu.dma_semaphore, #tpu.memory_space<semaphore_mem>>) src(%dma_wait3A_126 : memref<624x128xf32, #tpu.memory_space<vmem_shared>>) dst(%dma_wait3A_124 : memref<624x128xf32, #tpu.memory_space<hbm>>)
      tpu.yield
    }) : () -> ()
    %eq3A_113 = arith.constant 15 : i32
    %eq3A_114 = arith.cmpi eq, %arg1, %eq3A_113 : i32
    %convert_element_type3A_115 = arith.extui %eq3A_114 : i1 to i32
    %cond3A_116 = arith.constant 0 : i32
    %cond3A_117 = arith.cmpi ne, %convert_element_type3A_115, %cond3A_116 : i32
    scf.if %cond3A_117 {
      %add3A_118 = arith.constant 9984 : i32
      %add3A_119 = arith.addi %mul3A_0, %add3A_118 : i32
      "tpu.region"() ({
        %run_scoped3A_120 = tpu.sem_alloc : memref<!tpu.dma_semaphore, #tpu.memory_space<semaphore_mem>>
        %dma_start3A_121 = arith.constant 0 : i32
        %dma_start3A_122 = tpu.memref_slice %arg9[%add3A_119, %dma_start3A_121] : memref<20000x128xf32, #tpu.memory_space<hbm>> -> memref<16x128xf32, #tpu.memory_space<hbm>>
        %dma_start3A_123 = arith.constant 9984 : i32
        %dma_start3A_124 = arith.constant 0 : i32
        %dma_start3A_125 = tpu.memref_slice %arg10[%dma_start3A_123, %dma_start3A_124] : memref<10000x128xf32, #tpu.memory_space<vmem_shared>> -> memref<16x128xf32, #tpu.memory_space<vmem_shared>>
        tpu.enqueue_dma source(%dma_start3A_125 : memref<16x128xf32, #tpu.memory_space<vmem_shared>>) target(%dma_start3A_122 : memref<16x128xf32, #tpu.memory_space<hbm>>) target_semaphore(%run_scoped3A_120 : memref<!tpu.dma_semaphore, #tpu.memory_space<semaphore_mem>>)
        %dma_wait3A_126 = arith.constant 0 : i32
        %dma_wait3A_127 = tpu.memref_slice %arg9[%add3A_119, %dma_wait3A_126] : memref<20000x128xf32, #tpu.memory_space<hbm>> -> memref<16x128xf32, #tpu.memory_space<hbm>>
        %dma_wait3A_128 = arith.constant 9984 : i32
        %dma_wait3A_129 = arith.constant 0 : i32
        %dma_wait3A_130 = tpu.memref_slice %arg10[%dma_wait3A_128, %dma_wait3A_129] : memref<10000x128xf32, #tpu.memory_space<vmem_shared>> -> memref<16x128xf32, #tpu.memory_space<vmem_shared>>
        tpu.wait_dma2 semaphore(%run_scoped3A_120 : memref<!tpu.dma_semaphore, #tpu.memory_space<semaphore_mem>>) src(%dma_wait3A_130 : memref<16x128xf32, #tpu.memory_space<vmem_shared>>) dst(%dma_wait3A_127 : memref<16x128xf32, #tpu.memory_space<hbm>>)
        tpu.yield
      }) : () -> ()
    } else {
    }
    return
  }
}

#map = affine_map<(d0, d1) -> (0, 0)>
#map1 = affine_map<(d0, d1) -> (0)>
module attributes {stable_mosaic.version = 14 : i64} {
  func.func @_emb_gather_body(%arg0: i32, %arg1: i32, %arg2: memref<100000x256xf32, #tpu.memory_space<hbm>>, %arg3: memref<10240xi32, #tpu.memory_space<hbm>>, %arg4: memref<10240x256xf32, #tpu.memory_space<hbm>>, %arg5: memref<80xi32, #tpu.memory_space<vmem>>, %arg6: memref<80x256xf32, #tpu.memory_space<vmem>>, %arg7: memref<!tpu.dma_semaphore, #tpu.memory_space<semaphore_mem>>) attributes {dimension_semantics = [#tpu.dimension_semantics<core_parallel>, #tpu.dimension_semantics<subcore_parallel>], iteration_bounds = array<i64: 2, 16>, scalar_prefetch = 0 : i64, scratch_operands = 3 : i64, tpu.core_type = #tpu.core_type<sc_vector_subcore>, window_params = [{transform_indices = #map}, {transform_indices = #map1}, {transform_indices = #map}]} {
    %mul3A = arith.constant 2 : i32
    %mul3A_0 = arith.muli %arg1, %mul3A : i32
    %add3A = arith.addi %mul3A_0, %arg0 : i32
    %mul3A_1 = arith.constant 320 : i32
    %mul3A_2 = arith.muli %add3A, %mul3A_1 : i32
    %add3A_3 = arith.constant 0 : i32
    %add3A_4 = arith.addi %mul3A_2, %add3A_3 : i32
    "tpu.region"() ({
      %run_scoped3A = tpu.sem_alloc : memref<!tpu.dma_semaphore, #tpu.memory_space<semaphore_mem>>
      %dma_start3A_33 = tpu.memref_slice %arg3[%add3A_4] : memref<10240xi32, #tpu.memory_space<hbm>> -> memref<80xi32, #tpu.memory_space<hbm>>
      %dma_start3A_34 = tpu.memref_slice %arg3[%add3A_4] : memref<10240xi32, #tpu.memory_space<hbm>> -> memref<80xi32, #tpu.memory_space<hbm>>
      tpu.enqueue_dma source(%dma_start3A_34 : memref<80xi32, #tpu.memory_space<hbm>>) target(%arg5 : memref<80xi32, #tpu.memory_space<vmem>>) target_semaphore(%run_scoped3A : memref<!tpu.dma_semaphore, #tpu.memory_space<semaphore_mem>>)
      %dma_wait3A_35 = tpu.memref_slice %arg3[%add3A_4] : memref<10240xi32, #tpu.memory_space<hbm>> -> memref<80xi32, #tpu.memory_space<hbm>>
      %dma_wait3A_36 = tpu.memref_slice %arg3[%add3A_4] : memref<10240xi32, #tpu.memory_space<hbm>> -> memref<80xi32, #tpu.memory_space<hbm>>
      tpu.wait_dma2 semaphore(%run_scoped3A : memref<!tpu.dma_semaphore, #tpu.memory_space<semaphore_mem>>) src(%dma_wait3A_36 : memref<80xi32, #tpu.memory_space<hbm>>) dst(%arg5 : memref<80xi32, #tpu.memory_space<vmem>>)
      tpu.yield
    }) : () -> ()
    %dma_start3A = arith.constant 0 : i32
    %dma_start3A_5 = arith.constant 0 : i32
    %dma_start3A_6 = tpu.memref_slice %arg2[%dma_start3A, %dma_start3A_5] : memref<100000x256xf32, #tpu.memory_space<hbm>> -> memref<100000x256xf32, #tpu.memory_space<hbm>>
    tpu.enqueue_indirect_dma source(%dma_start3A_6 : memref<100000x256xf32, #tpu.memory_space<hbm>>) target(%arg6 : memref<80x256xf32, #tpu.memory_space<vmem>>) offsets(%arg5 : memref<80xi32, #tpu.memory_space<vmem>>) semaphore(%arg7 : memref<!tpu.dma_semaphore, #tpu.memory_space<semaphore_mem>>)
    %dma_wait3A = arith.constant 0 : i32
    %dma_wait3A_7 = arith.constant 0 : i32
    %dma_wait3A_8 = tpu.memref_slice %arg2[%dma_wait3A, %dma_wait3A_7] : memref<100000x256xf32, #tpu.memory_space<hbm>> -> memref<100000x256xf32, #tpu.memory_space<hbm>>
    tpu.wait_indirect_dma semaphore(%arg7 : memref<!tpu.dma_semaphore, #tpu.memory_space<semaphore_mem>>) src(%dma_wait3A_8 : memref<100000x256xf32, #tpu.memory_space<hbm>>) dst(%arg6 : memref<80x256xf32, #tpu.memory_space<vmem>>)
    "tpu.region"() ({
      %run_scoped3A = tpu.sem_alloc : memref<!tpu.dma_semaphore, #tpu.memory_space<semaphore_mem>>
      %dma_start3A_33 = arith.constant 0 : i32
      %dma_start3A_34 = tpu.memref_slice %arg4[%add3A_4, %dma_start3A_33] : memref<10240x256xf32, #tpu.memory_space<hbm>> -> memref<80x256xf32, #tpu.memory_space<hbm>>
      %dma_start3A_35 = arith.constant 0 : i32
      %dma_start3A_36 = tpu.memref_slice %arg4[%add3A_4, %dma_start3A_35] : memref<10240x256xf32, #tpu.memory_space<hbm>> -> memref<80x256xf32, #tpu.memory_space<hbm>>
      tpu.enqueue_dma source(%arg6 : memref<80x256xf32, #tpu.memory_space<vmem>>) target(%dma_start3A_36 : memref<80x256xf32, #tpu.memory_space<hbm>>) target_semaphore(%run_scoped3A : memref<!tpu.dma_semaphore, #tpu.memory_space<semaphore_mem>>)
      %dma_wait3A_37 = arith.constant 0 : i32
      %dma_wait3A_38 = tpu.memref_slice %arg4[%add3A_4, %dma_wait3A_37] : memref<10240x256xf32, #tpu.memory_space<hbm>> -> memref<80x256xf32, #tpu.memory_space<hbm>>
      %dma_wait3A_39 = arith.constant 0 : i32
      %dma_wait3A_40 = tpu.memref_slice %arg4[%add3A_4, %dma_wait3A_39] : memref<10240x256xf32, #tpu.memory_space<hbm>> -> memref<80x256xf32, #tpu.memory_space<hbm>>
      tpu.wait_dma2 semaphore(%run_scoped3A : memref<!tpu.dma_semaphore, #tpu.memory_space<semaphore_mem>>) src(%arg6 : memref<80x256xf32, #tpu.memory_space<vmem>>) dst(%dma_wait3A_40 : memref<80x256xf32, #tpu.memory_space<hbm>>)
      tpu.yield
    }) : () -> ()
    %add3A_9 = arith.constant 80 : i32
    %add3A_10 = arith.addi %mul3A_2, %add3A_9 : i32
    "tpu.region"() ({
      %run_scoped3A = tpu.sem_alloc : memref<!tpu.dma_semaphore, #tpu.memory_space<semaphore_mem>>
      %dma_start3A_33 = tpu.memref_slice %arg3[%add3A_10] : memref<10240xi32, #tpu.memory_space<hbm>> -> memref<80xi32, #tpu.memory_space<hbm>>
      %dma_start3A_34 = tpu.memref_slice %arg3[%add3A_10] : memref<10240xi32, #tpu.memory_space<hbm>> -> memref<80xi32, #tpu.memory_space<hbm>>
      tpu.enqueue_dma source(%dma_start3A_34 : memref<80xi32, #tpu.memory_space<hbm>>) target(%arg5 : memref<80xi32, #tpu.memory_space<vmem>>) target_semaphore(%run_scoped3A : memref<!tpu.dma_semaphore, #tpu.memory_space<semaphore_mem>>)
      %dma_wait3A_35 = tpu.memref_slice %arg3[%add3A_10] : memref<10240xi32, #tpu.memory_space<hbm>> -> memref<80xi32, #tpu.memory_space<hbm>>
      %dma_wait3A_36 = tpu.memref_slice %arg3[%add3A_10] : memref<10240xi32, #tpu.memory_space<hbm>> -> memref<80xi32, #tpu.memory_space<hbm>>
      tpu.wait_dma2 semaphore(%run_scoped3A : memref<!tpu.dma_semaphore, #tpu.memory_space<semaphore_mem>>) src(%dma_wait3A_36 : memref<80xi32, #tpu.memory_space<hbm>>) dst(%arg5 : memref<80xi32, #tpu.memory_space<vmem>>)
      tpu.yield
    }) : () -> ()
    %dma_start3A_11 = arith.constant 0 : i32
    %dma_start3A_12 = arith.constant 0 : i32
    %dma_start3A_13 = tpu.memref_slice %arg2[%dma_start3A_11, %dma_start3A_12] : memref<100000x256xf32, #tpu.memory_space<hbm>> -> memref<100000x256xf32, #tpu.memory_space<hbm>>
    tpu.enqueue_indirect_dma source(%dma_start3A_13 : memref<100000x256xf32, #tpu.memory_space<hbm>>) target(%arg6 : memref<80x256xf32, #tpu.memory_space<vmem>>) offsets(%arg5 : memref<80xi32, #tpu.memory_space<vmem>>) semaphore(%arg7 : memref<!tpu.dma_semaphore, #tpu.memory_space<semaphore_mem>>)
    %dma_wait3A_14 = arith.constant 0 : i32
    %dma_wait3A_15 = arith.constant 0 : i32
    %dma_wait3A_16 = tpu.memref_slice %arg2[%dma_wait3A_14, %dma_wait3A_15] : memref<100000x256xf32, #tpu.memory_space<hbm>> -> memref<100000x256xf32, #tpu.memory_space<hbm>>
    tpu.wait_indirect_dma semaphore(%arg7 : memref<!tpu.dma_semaphore, #tpu.memory_space<semaphore_mem>>) src(%dma_wait3A_16 : memref<100000x256xf32, #tpu.memory_space<hbm>>) dst(%arg6 : memref<80x256xf32, #tpu.memory_space<vmem>>)
    "tpu.region"() ({
      %run_scoped3A = tpu.sem_alloc : memref<!tpu.dma_semaphore, #tpu.memory_space<semaphore_mem>>
      %dma_start3A_33 = arith.constant 0 : i32
      %dma_start3A_34 = tpu.memref_slice %arg4[%add3A_10, %dma_start3A_33] : memref<10240x256xf32, #tpu.memory_space<hbm>> -> memref<80x256xf32, #tpu.memory_space<hbm>>
      %dma_start3A_35 = arith.constant 0 : i32
      %dma_start3A_36 = tpu.memref_slice %arg4[%add3A_10, %dma_start3A_35] : memref<10240x256xf32, #tpu.memory_space<hbm>> -> memref<80x256xf32, #tpu.memory_space<hbm>>
      tpu.enqueue_dma source(%arg6 : memref<80x256xf32, #tpu.memory_space<vmem>>) target(%dma_start3A_36 : memref<80x256xf32, #tpu.memory_space<hbm>>) target_semaphore(%run_scoped3A : memref<!tpu.dma_semaphore, #tpu.memory_space<semaphore_mem>>)
      %dma_wait3A_37 = arith.constant 0 : i32
      %dma_wait3A_38 = tpu.memref_slice %arg4[%add3A_10, %dma_wait3A_37] : memref<10240x256xf32, #tpu.memory_space<hbm>> -> memref<80x256xf32, #tpu.memory_space<hbm>>
      %dma_wait3A_39 = arith.constant 0 : i32
      %dma_wait3A_40 = tpu.memref_slice %arg4[%add3A_10, %dma_wait3A_39] : memref<10240x256xf32, #tpu.memory_space<hbm>> -> memref<80x256xf32, #tpu.memory_space<hbm>>
      tpu.wait_dma2 semaphore(%run_scoped3A : memref<!tpu.dma_semaphore, #tpu.memory_space<semaphore_mem>>) src(%arg6 : memref<80x256xf32, #tpu.memory_space<vmem>>) dst(%dma_wait3A_40 : memref<80x256xf32, #tpu.memory_space<hbm>>)
      tpu.yield
    }) : () -> ()
    %add3A_17 = arith.constant 160 : i32
    %add3A_18 = arith.addi %mul3A_2, %add3A_17 : i32
    "tpu.region"() ({
      %run_scoped3A = tpu.sem_alloc : memref<!tpu.dma_semaphore, #tpu.memory_space<semaphore_mem>>
      %dma_start3A_33 = tpu.memref_slice %arg3[%add3A_18] : memref<10240xi32, #tpu.memory_space<hbm>> -> memref<80xi32, #tpu.memory_space<hbm>>
      %dma_start3A_34 = tpu.memref_slice %arg3[%add3A_18] : memref<10240xi32, #tpu.memory_space<hbm>> -> memref<80xi32, #tpu.memory_space<hbm>>
      tpu.enqueue_dma source(%dma_start3A_34 : memref<80xi32, #tpu.memory_space<hbm>>) target(%arg5 : memref<80xi32, #tpu.memory_space<vmem>>) target_semaphore(%run_scoped3A : memref<!tpu.dma_semaphore, #tpu.memory_space<semaphore_mem>>)
      %dma_wait3A_35 = tpu.memref_slice %arg3[%add3A_18] : memref<10240xi32, #tpu.memory_space<hbm>> -> memref<80xi32, #tpu.memory_space<hbm>>
      %dma_wait3A_36 = tpu.memref_slice %arg3[%add3A_18] : memref<10240xi32, #tpu.memory_space<hbm>> -> memref<80xi32, #tpu.memory_space<hbm>>
      tpu.wait_dma2 semaphore(%run_scoped3A : memref<!tpu.dma_semaphore, #tpu.memory_space<semaphore_mem>>) src(%dma_wait3A_36 : memref<80xi32, #tpu.memory_space<hbm>>) dst(%arg5 : memref<80xi32, #tpu.memory_space<vmem>>)
      tpu.yield
    }) : () -> ()
    %dma_start3A_19 = arith.constant 0 : i32
    %dma_start3A_20 = arith.constant 0 : i32
    %dma_start3A_21 = tpu.memref_slice %arg2[%dma_start3A_19, %dma_start3A_20] : memref<100000x256xf32, #tpu.memory_space<hbm>> -> memref<100000x256xf32, #tpu.memory_space<hbm>>
    tpu.enqueue_indirect_dma source(%dma_start3A_21 : memref<100000x256xf32, #tpu.memory_space<hbm>>) target(%arg6 : memref<80x256xf32, #tpu.memory_space<vmem>>) offsets(%arg5 : memref<80xi32, #tpu.memory_space<vmem>>) semaphore(%arg7 : memref<!tpu.dma_semaphore, #tpu.memory_space<semaphore_mem>>)
    %dma_wait3A_22 = arith.constant 0 : i32
    %dma_wait3A_23 = arith.constant 0 : i32
    %dma_wait3A_24 = tpu.memref_slice %arg2[%dma_wait3A_22, %dma_wait3A_23] : memref<100000x256xf32, #tpu.memory_space<hbm>> -> memref<100000x256xf32, #tpu.memory_space<hbm>>
    tpu.wait_indirect_dma semaphore(%arg7 : memref<!tpu.dma_semaphore, #tpu.memory_space<semaphore_mem>>) src(%dma_wait3A_24 : memref<100000x256xf32, #tpu.memory_space<hbm>>) dst(%arg6 : memref<80x256xf32, #tpu.memory_space<vmem>>)
    "tpu.region"() ({
      %run_scoped3A = tpu.sem_alloc : memref<!tpu.dma_semaphore, #tpu.memory_space<semaphore_mem>>
      %dma_start3A_33 = arith.constant 0 : i32
      %dma_start3A_34 = tpu.memref_slice %arg4[%add3A_18, %dma_start3A_33] : memref<10240x256xf32, #tpu.memory_space<hbm>> -> memref<80x256xf32, #tpu.memory_space<hbm>>
      %dma_start3A_35 = arith.constant 0 : i32
      %dma_start3A_36 = tpu.memref_slice %arg4[%add3A_18, %dma_start3A_35] : memref<10240x256xf32, #tpu.memory_space<hbm>> -> memref<80x256xf32, #tpu.memory_space<hbm>>
      tpu.enqueue_dma source(%arg6 : memref<80x256xf32, #tpu.memory_space<vmem>>) target(%dma_start3A_36 : memref<80x256xf32, #tpu.memory_space<hbm>>) target_semaphore(%run_scoped3A : memref<!tpu.dma_semaphore, #tpu.memory_space<semaphore_mem>>)
      %dma_wait3A_37 = arith.constant 0 : i32
      %dma_wait3A_38 = tpu.memref_slice %arg4[%add3A_18, %dma_wait3A_37] : memref<10240x256xf32, #tpu.memory_space<hbm>> -> memref<80x256xf32, #tpu.memory_space<hbm>>
      %dma_wait3A_39 = arith.constant 0 : i32
      %dma_wait3A_40 = tpu.memref_slice %arg4[%add3A_18, %dma_wait3A_39] : memref<10240x256xf32, #tpu.memory_space<hbm>> -> memref<80x256xf32, #tpu.memory_space<hbm>>
      tpu.wait_dma2 semaphore(%run_scoped3A : memref<!tpu.dma_semaphore, #tpu.memory_space<semaphore_mem>>) src(%arg6 : memref<80x256xf32, #tpu.memory_space<vmem>>) dst(%dma_wait3A_40 : memref<80x256xf32, #tpu.memory_space<hbm>>)
      tpu.yield
    }) : () -> ()
    %add3A_25 = arith.constant 240 : i32
    %add3A_26 = arith.addi %mul3A_2, %add3A_25 : i32
    "tpu.region"() ({
      %run_scoped3A = tpu.sem_alloc : memref<!tpu.dma_semaphore, #tpu.memory_space<semaphore_mem>>
      %dma_start3A_33 = tpu.memref_slice %arg3[%add3A_26] : memref<10240xi32, #tpu.memory_space<hbm>> -> memref<80xi32, #tpu.memory_space<hbm>>
      %dma_start3A_34 = tpu.memref_slice %arg3[%add3A_26] : memref<10240xi32, #tpu.memory_space<hbm>> -> memref<80xi32, #tpu.memory_space<hbm>>
      tpu.enqueue_dma source(%dma_start3A_34 : memref<80xi32, #tpu.memory_space<hbm>>) target(%arg5 : memref<80xi32, #tpu.memory_space<vmem>>) target_semaphore(%run_scoped3A : memref<!tpu.dma_semaphore, #tpu.memory_space<semaphore_mem>>)
      %dma_wait3A_35 = tpu.memref_slice %arg3[%add3A_26] : memref<10240xi32, #tpu.memory_space<hbm>> -> memref<80xi32, #tpu.memory_space<hbm>>
      %dma_wait3A_36 = tpu.memref_slice %arg3[%add3A_26] : memref<10240xi32, #tpu.memory_space<hbm>> -> memref<80xi32, #tpu.memory_space<hbm>>
      tpu.wait_dma2 semaphore(%run_scoped3A : memref<!tpu.dma_semaphore, #tpu.memory_space<semaphore_mem>>) src(%dma_wait3A_36 : memref<80xi32, #tpu.memory_space<hbm>>) dst(%arg5 : memref<80xi32, #tpu.memory_space<vmem>>)
      tpu.yield
    }) : () -> ()
    %dma_start3A_27 = arith.constant 0 : i32
    %dma_start3A_28 = arith.constant 0 : i32
    %dma_start3A_29 = tpu.memref_slice %arg2[%dma_start3A_27, %dma_start3A_28] : memref<100000x256xf32, #tpu.memory_space<hbm>> -> memref<100000x256xf32, #tpu.memory_space<hbm>>
    tpu.enqueue_indirect_dma source(%dma_start3A_29 : memref<100000x256xf32, #tpu.memory_space<hbm>>) target(%arg6 : memref<80x256xf32, #tpu.memory_space<vmem>>) offsets(%arg5 : memref<80xi32, #tpu.memory_space<vmem>>) semaphore(%arg7 : memref<!tpu.dma_semaphore, #tpu.memory_space<semaphore_mem>>)
    %dma_wait3A_30 = arith.constant 0 : i32
    %dma_wait3A_31 = arith.constant 0 : i32
    %dma_wait3A_32 = tpu.memref_slice %arg2[%dma_wait3A_30, %dma_wait3A_31] : memref<100000x256xf32, #tpu.memory_space<hbm>> -> memref<100000x256xf32, #tpu.memory_space<hbm>>
    tpu.wait_indirect_dma semaphore(%arg7 : memref<!tpu.dma_semaphore, #tpu.memory_space<semaphore_mem>>) src(%dma_wait3A_32 : memref<100000x256xf32, #tpu.memory_space<hbm>>) dst(%arg6 : memref<80x256xf32, #tpu.memory_space<vmem>>)
    "tpu.region"() ({
      %run_scoped3A = tpu.sem_alloc : memref<!tpu.dma_semaphore, #tpu.memory_space<semaphore_mem>>
      %dma_start3A_33 = arith.constant 0 : i32
      %dma_start3A_34 = tpu.memref_slice %arg4[%add3A_26, %dma_start3A_33] : memref<10240x256xf32, #tpu.memory_space<hbm>> -> memref<80x256xf32, #tpu.memory_space<hbm>>
      %dma_start3A_35 = arith.constant 0 : i32
      %dma_start3A_36 = tpu.memref_slice %arg4[%add3A_26, %dma_start3A_35] : memref<10240x256xf32, #tpu.memory_space<hbm>> -> memref<80x256xf32, #tpu.memory_space<hbm>>
      tpu.enqueue_dma source(%arg6 : memref<80x256xf32, #tpu.memory_space<vmem>>) target(%dma_start3A_36 : memref<80x256xf32, #tpu.memory_space<hbm>>) target_semaphore(%run_scoped3A : memref<!tpu.dma_semaphore, #tpu.memory_space<semaphore_mem>>)
      %dma_wait3A_37 = arith.constant 0 : i32
      %dma_wait3A_38 = tpu.memref_slice %arg4[%add3A_26, %dma_wait3A_37] : memref<10240x256xf32, #tpu.memory_space<hbm>> -> memref<80x256xf32, #tpu.memory_space<hbm>>
      %dma_wait3A_39 = arith.constant 0 : i32
      %dma_wait3A_40 = tpu.memref_slice %arg4[%add3A_26, %dma_wait3A_39] : memref<10240x256xf32, #tpu.memory_space<hbm>> -> memref<80x256xf32, #tpu.memory_space<hbm>>
      tpu.wait_dma2 semaphore(%run_scoped3A : memref<!tpu.dma_semaphore, #tpu.memory_space<semaphore_mem>>) src(%arg6 : memref<80x256xf32, #tpu.memory_space<vmem>>) dst(%dma_wait3A_40 : memref<80x256xf32, #tpu.memory_space<hbm>>)
      tpu.yield
    }) : () -> ()
    return
  }
}

#map = affine_map<(d0, d1) -> (0, 0)>
#map1 = affine_map<(d0, d1) -> (0, 0, 0, 0, 0)>
module attributes {stable_mosaic.version = 14 : i64} {
  func.func @_edge_body(%arg0: i32, %arg1: i32, %arg2: memref<20000x128xf32, #tpu.memory_space<hbm>>, %arg3: memref<20000x256xf32, #tpu.memory_space<hbm>>, %arg4: memref<20000x128xf32, #tpu.memory_space<hbm>>, %arg5: memref<2x16x250x3x40xi32, #tpu.memory_space<hbm>>, %arg6: memref<2x16x125x2x80xi32, #tpu.memory_space<hbm>>, %arg7: memref<10000x128xf32, #tpu.memory_space<hbm>>, %arg8: memref<20000x128xf32, #tpu.memory_space<hbm>>, %arg9: memref<20000x128xf32, #tpu.memory_space<hbm>>, %arg10: memref<10000x128xf32, #tpu.memory_space<vmem_shared>>, %arg11: memref<3x40xi32, #tpu.memory_space<vmem>>, %arg12: memref<3x40xi32, #tpu.memory_space<vmem>>, %arg13: memref<2x80xi32, #tpu.memory_space<vmem>>, %arg14: memref<2x80xi32, #tpu.memory_space<vmem>>, %arg15: memref<40x256xf32, #tpu.memory_space<vmem>>, %arg16: memref<40x256xf32, #tpu.memory_space<vmem>>, %arg17: memref<40x128xf32, #tpu.memory_space<vmem>>, %arg18: memref<80x128xf32, #tpu.memory_space<vmem>>, %arg19: memref<80x128xf32, #tpu.memory_space<vmem>>, %arg20: memref<!tpu.dma_semaphore, #tpu.memory_space<semaphore_mem>>, %arg21: memref<!tpu.dma_semaphore, #tpu.memory_space<semaphore_mem>>, %arg22: memref<!tpu.dma_semaphore, #tpu.memory_space<semaphore_mem>>, %arg23: memref<!tpu.dma_semaphore, #tpu.memory_space<semaphore_mem>>, %arg24: memref<!tpu.dma_semaphore, #tpu.memory_space<semaphore_mem>>) attributes {dimension_semantics = [#tpu.dimension_semantics<core_parallel>, #tpu.dimension_semantics<subcore_parallel>], iteration_bounds = array<i64: 2, 16>, scalar_prefetch = 0 : i64, scratch_operands = 15 : i64, tpu.core_type = #tpu.core_type<sc_vector_subcore>, window_params = [{transform_indices = #map}, {transform_indices = #map}, {transform_indices = #map}, {transform_indices = #map1}, {transform_indices = #map1}, {transform_indices = #map}, {transform_indices = #map}, {transform_indices = #map}]} {
    %mul3A = arith.constant 10000 : i32
    %mul3A_0 = arith.muli %arg0, %mul3A : i32
    %mul3A_1 = arith.constant 624 : i32
    %mul3A_2 = arith.muli %arg1, %mul3A_1 : i32
    "tpu.region"() ({
      %run_scoped3A_118 = tpu.sem_alloc : memref<!tpu.dma_semaphore, #tpu.memory_space<semaphore_mem>>
      %dma_start3A_119 = arith.constant 0 : i32
      %dma_start3A_120 = tpu.memref_slice %arg10[%mul3A_2, %dma_start3A_119] : memref<10000x128xf32, #tpu.memory_space<vmem_shared>> -> memref<624x128xf32, #tpu.memory_space<vmem_shared>>
      %dma_start3A_121 = arith.constant 0 : i32
      %dma_start3A_122 = tpu.memref_slice %arg7[%mul3A_2, %dma_start3A_121] : memref<10000x128xf32, #tpu.memory_space<hbm>> -> memref<624x128xf32, #tpu.memory_space<hbm>>
      tpu.enqueue_dma source(%dma_start3A_122 : memref<624x128xf32, #tpu.memory_space<hbm>>) target(%dma_start3A_120 : memref<624x128xf32, #tpu.memory_space<vmem_shared>>) target_semaphore(%run_scoped3A_118 : memref<!tpu.dma_semaphore, #tpu.memory_space<semaphore_mem>>)
      %dma_wait3A_123 = arith.constant 0 : i32
      %dma_wait3A_124 = tpu.memref_slice %arg10[%mul3A_2, %dma_wait3A_123] : memref<10000x128xf32, #tpu.memory_space<vmem_shared>> -> memref<624x128xf32, #tpu.memory_space<vmem_shared>>
      %dma_wait3A_125 = arith.constant 0 : i32
      %dma_wait3A_126 = tpu.memref_slice %arg7[%mul3A_2, %dma_wait3A_125] : memref<10000x128xf32, #tpu.memory_space<hbm>> -> memref<624x128xf32, #tpu.memory_space<hbm>>
      tpu.wait_dma2 semaphore(%run_scoped3A_118 : memref<!tpu.dma_semaphore, #tpu.memory_space<semaphore_mem>>) src(%dma_wait3A_126 : memref<624x128xf32, #tpu.memory_space<hbm>>) dst(%dma_wait3A_124 : memref<624x128xf32, #tpu.memory_space<vmem_shared>>)
      tpu.yield
    }) : () -> ()
    %eq3A = arith.constant 15 : i32
    %eq3A_3 = arith.cmpi eq, %arg1, %eq3A : i32
    %convert_element_type3A = arith.extui %eq3A_3 : i1 to i32
    %cond3A = arith.constant 0 : i32
    %cond3A_4 = arith.cmpi ne, %convert_element_type3A, %cond3A : i32
    scf.if %cond3A_4 {
      "tpu.region"() ({
        %run_scoped3A_118 = tpu.sem_alloc : memref<!tpu.dma_semaphore, #tpu.memory_space<semaphore_mem>>
        %dma_start3A_119 = arith.constant 9984 : i32
        %dma_start3A_120 = arith.constant 0 : i32
        %dma_start3A_121 = tpu.memref_slice %arg10[%dma_start3A_119, %dma_start3A_120] : memref<10000x128xf32, #tpu.memory_space<vmem_shared>> -> memref<16x128xf32, #tpu.memory_space<vmem_shared>>
        %dma_start3A_122 = arith.constant 9984 : i32
        %dma_start3A_123 = arith.constant 0 : i32
        %dma_start3A_124 = tpu.memref_slice %arg7[%dma_start3A_122, %dma_start3A_123] : memref<10000x128xf32, #tpu.memory_space<hbm>> -> memref<16x128xf32, #tpu.memory_space<hbm>>
        tpu.enqueue_dma source(%dma_start3A_124 : memref<16x128xf32, #tpu.memory_space<hbm>>) target(%dma_start3A_121 : memref<16x128xf32, #tpu.memory_space<vmem_shared>>) target_semaphore(%run_scoped3A_118 : memref<!tpu.dma_semaphore, #tpu.memory_space<semaphore_mem>>)
        %dma_wait3A_125 = arith.constant 9984 : i32
        %dma_wait3A_126 = arith.constant 0 : i32
        %dma_wait3A_127 = tpu.memref_slice %arg10[%dma_wait3A_125, %dma_wait3A_126] : memref<10000x128xf32, #tpu.memory_space<vmem_shared>> -> memref<16x128xf32, #tpu.memory_space<vmem_shared>>
        %dma_wait3A_128 = arith.constant 9984 : i32
        %dma_wait3A_129 = arith.constant 0 : i32
        %dma_wait3A_130 = tpu.memref_slice %arg7[%dma_wait3A_128, %dma_wait3A_129] : memref<10000x128xf32, #tpu.memory_space<hbm>> -> memref<16x128xf32, #tpu.memory_space<hbm>>
        tpu.wait_dma2 semaphore(%run_scoped3A_118 : memref<!tpu.dma_semaphore, #tpu.memory_space<semaphore_mem>>) src(%dma_wait3A_130 : memref<16x128xf32, #tpu.memory_space<hbm>>) dst(%dma_wait3A_127 : memref<16x128xf32, #tpu.memory_space<vmem_shared>>)
        tpu.yield
      }) : () -> ()
    } else {
    }
    %barrier3A = arith.constant 0 : index
    tpu.barrier barrier_id(%barrier3A)
    %run_scoped3A = arith.constant 0 : i32
    "tpu.region"() ({
      %run_scoped3A_118 = tpu.sem_alloc : memref<!tpu.dma_semaphore, #tpu.memory_space<semaphore_mem>>
      %dma_start3A_119 = arith.constant 0 : i32
      %dma_start3A_120 = arith.constant 0 : i32
      %dma_start3A_121 = tpu.memref_slice %arg6[%arg0, %arg1, %run_scoped3A, %dma_start3A_119, %dma_start3A_120] : memref<2x16x125x2x80xi32, #tpu.memory_space<hbm>> -> memref<1x1x1x2x80xi32, #tpu.memory_space<hbm>>
      %dma_start3A_122 = tpu.memref_squeeze %dma_start3A_121 : memref<1x1x1x2x80xi32, #tpu.memory_space<hbm>> -> memref<2x80xi32, #tpu.memory_space<hbm>>
      %dma_start3A_123 = arith.constant 0 : i32
      %dma_start3A_124 = arith.constant 0 : i32
      %dma_start3A_125 = tpu.memref_slice %arg6[%arg0, %arg1, %run_scoped3A, %dma_start3A_123, %dma_start3A_124] : memref<2x16x125x2x80xi32, #tpu.memory_space<hbm>> -> memref<1x1x1x2x80xi32, #tpu.memory_space<hbm>>
      %dma_start3A_126 = tpu.memref_squeeze %dma_start3A_125 : memref<1x1x1x2x80xi32, #tpu.memory_space<hbm>> -> memref<2x80xi32, #tpu.memory_space<hbm>>
      tpu.enqueue_dma source(%dma_start3A_126 : memref<2x80xi32, #tpu.memory_space<hbm>>) target(%arg13 : memref<2x80xi32, #tpu.memory_space<vmem>>) target_semaphore(%run_scoped3A_118 : memref<!tpu.dma_semaphore, #tpu.memory_space<semaphore_mem>>)
      %dma_wait3A_127 = arith.constant 0 : i32
      %dma_wait3A_128 = arith.constant 0 : i32
      %dma_wait3A_129 = tpu.memref_slice %arg6[%arg0, %arg1, %run_scoped3A, %dma_wait3A_127, %dma_wait3A_128] : memref<2x16x125x2x80xi32, #tpu.memory_space<hbm>> -> memref<1x1x1x2x80xi32, #tpu.memory_space<hbm>>
      %dma_wait3A_130 = tpu.memref_squeeze %dma_wait3A_129 : memref<1x1x1x2x80xi32, #tpu.memory_space<hbm>> -> memref<2x80xi32, #tpu.memory_space<hbm>>
      %dma_wait3A_131 = arith.constant 0 : i32
      %dma_wait3A_132 = arith.constant 0 : i32
      %dma_wait3A_133 = tpu.memref_slice %arg6[%arg0, %arg1, %run_scoped3A, %dma_wait3A_131, %dma_wait3A_132] : memref<2x16x125x2x80xi32, #tpu.memory_space<hbm>> -> memref<1x1x1x2x80xi32, #tpu.memory_space<hbm>>
      %dma_wait3A_134 = tpu.memref_squeeze %dma_wait3A_133 : memref<1x1x1x2x80xi32, #tpu.memory_space<hbm>> -> memref<2x80xi32, #tpu.memory_space<hbm>>
      tpu.wait_dma2 semaphore(%run_scoped3A_118 : memref<!tpu.dma_semaphore, #tpu.memory_space<semaphore_mem>>) src(%dma_wait3A_134 : memref<2x80xi32, #tpu.memory_space<hbm>>) dst(%arg13 : memref<2x80xi32, #tpu.memory_space<vmem>>)
      tpu.yield
    }) : () -> ()
    %dma_start3A = arith.constant 0 : i32
    %dma_start3A_5 = arith.constant 0 : i32
    %dma_start3A_6 = tpu.memref_slice %arg13[%dma_start3A, %dma_start3A_5] : memref<2x80xi32, #tpu.memory_space<vmem>> -> memref<1x80xi32, #tpu.memory_space<vmem>>
    %dma_start3A_7 = tpu.memref_squeeze %dma_start3A_6 : memref<1x80xi32, #tpu.memory_space<vmem>> -> memref<80xi32, #tpu.memory_space<vmem>>
    %dma_start3A_8 = arith.constant 0 : i32
    %dma_start3A_9 = arith.constant 0 : i32
    %dma_start3A_10 = tpu.memref_slice %arg2[%dma_start3A_8, %dma_start3A_9] : memref<20000x128xf32, #tpu.memory_space<hbm>> -> memref<20000x128xf32, #tpu.memory_space<hbm>>
    tpu.enqueue_indirect_dma source(%dma_start3A_10 : memref<20000x128xf32, #tpu.memory_space<hbm>>) target(%arg18 : memref<80x128xf32, #tpu.memory_space<vmem>>) offsets(%dma_start3A_7 : memref<80xi32, #tpu.memory_space<vmem>>) semaphore(%arg20 : memref<!tpu.dma_semaphore, #tpu.memory_space<semaphore_mem>>)
    %scan3A = arith.constant 0 : i32
    %scan3A_11 = arith.constant 0 : i32
    %scan3A_12 = arith.constant 62 : i32
    %scan3A_13 = arith.addi %scan3A_11, %scan3A_12 : i32
    %scan3A_14 = arith.constant 1 : i32
    scf.for %scan3A_118 = %scan3A_11 to %scan3A_13 step %scan3A_14  : i32 {
      %mul3A_119 = arith.constant 2 : i32
      %mul3A_120 = arith.muli %mul3A_119, %scan3A_118 : i32
      %add3A_121 = arith.constant 1 : i32
      %add3A_122 = arith.addi %mul3A_120, %add3A_121 : i32
      %gt3A = arith.constant 0 : i32
      %gt3A_123 = arith.cmpi sgt, %scan3A_118, %gt3A : i32
      %convert_element_type3A_124 = arith.extui %gt3A_123 : i1 to i32
      %cond3A_125 = arith.constant 0 : i32
      %cond3A_126 = arith.cmpi ne, %convert_element_type3A_124, %cond3A_125 : i32
      scf.if %cond3A_126 {
        %dma_wait3A_166 = arith.constant 1 : i32
        %dma_wait3A_167 = arith.constant 0 : i32
        %dma_wait3A_168 = tpu.memref_slice %arg14[%dma_wait3A_166, %dma_wait3A_167] : memref<2x80xi32, #tpu.memory_space<vmem>> -> memref<1x80xi32, #tpu.memory_space<vmem>>
        %dma_wait3A_169 = tpu.memref_squeeze %dma_wait3A_168 : memref<1x80xi32, #tpu.memory_space<vmem>> -> memref<80xi32, #tpu.memory_space<vmem>>
        %dma_wait3A_170 = arith.constant 0 : i32
        %dma_wait3A_171 = arith.constant 0 : i32
        %dma_wait3A_172 = tpu.memref_slice %arg10[%dma_wait3A_170, %dma_wait3A_171] : memref<10000x128xf32, #tpu.memory_space<vmem_shared>> -> memref<10000x128xf32, #tpu.memory_space<vmem_shared>>
        tpu.wait_indirect_dma semaphore(%arg24 : memref<!tpu.dma_semaphore, #tpu.memory_space<semaphore_mem>>) src(%arg19 : memref<80x128xf32, #tpu.memory_space<vmem>>) dst(%dma_wait3A_172 : memref<10000x128xf32, #tpu.memory_space<vmem_shared>>)
      } else {
      }
      "tpu.region"() ({
        %run_scoped3A_166 = tpu.sem_alloc : memref<!tpu.dma_semaphore, #tpu.memory_space<semaphore_mem>>
        %dma_start3A_167 = arith.constant 0 : i32
        %dma_start3A_168 = arith.constant 0 : i32
        %dma_start3A_169 = tpu.memref_slice %arg6[%arg0, %arg1, %add3A_122, %dma_start3A_167, %dma_start3A_168] : memref<2x16x125x2x80xi32, #tpu.memory_space<hbm>> -> memref<1x1x1x2x80xi32, #tpu.memory_space<hbm>>
        %dma_start3A_170 = tpu.memref_squeeze %dma_start3A_169 : memref<1x1x1x2x80xi32, #tpu.memory_space<hbm>> -> memref<2x80xi32, #tpu.memory_space<hbm>>
        %dma_start3A_171 = arith.constant 0 : i32
        %dma_start3A_172 = arith.constant 0 : i32
        %dma_start3A_173 = tpu.memref_slice %arg6[%arg0, %arg1, %add3A_122, %dma_start3A_171, %dma_start3A_172] : memref<2x16x125x2x80xi32, #tpu.memory_space<hbm>> -> memref<1x1x1x2x80xi32, #tpu.memory_space<hbm>>
        %dma_start3A_174 = tpu.memref_squeeze %dma_start3A_173 : memref<1x1x1x2x80xi32, #tpu.memory_space<hbm>> -> memref<2x80xi32, #tpu.memory_space<hbm>>
        tpu.enqueue_dma source(%dma_start3A_174 : memref<2x80xi32, #tpu.memory_space<hbm>>) target(%arg14 : memref<2x80xi32, #tpu.memory_space<vmem>>) target_semaphore(%run_scoped3A_166 : memref<!tpu.dma_semaphore, #tpu.memory_space<semaphore_mem>>)
        %dma_wait3A_175 = arith.constant 0 : i32
        %dma_wait3A_176 = arith.constant 0 : i32
        %dma_wait3A_177 = tpu.memref_slice %arg6[%arg0, %arg1, %add3A_122, %dma_wait3A_175, %dma_wait3A_176] : memref<2x16x125x2x80xi32, #tpu.memory_space<hbm>> -> memref<1x1x1x2x80xi32, #tpu.memory_space<hbm>>
        %dma_wait3A_178 = tpu.memref_squeeze %dma_wait3A_177 : memref<1x1x1x2x80xi32, #tpu.memory_space<hbm>> -> memref<2x80xi32, #tpu.memory_space<hbm>>
        %dma_wait3A_179 = arith.constant 0 : i32
        %dma_wait3A_180 = arith.constant 0 : i32
        %dma_wait3A_181 = tpu.memref_slice %arg6[%arg0, %arg1, %add3A_122, %dma_wait3A_179, %dma_wait3A_180] : memref<2x16x125x2x80xi32, #tpu.memory_space<hbm>> -> memref<1x1x1x2x80xi32, #tpu.memory_space<hbm>>
        %dma_wait3A_182 = tpu.memref_squeeze %dma_wait3A_181 : memref<1x1x1x2x80xi32, #tpu.memory_space<hbm>> -> memref<2x80xi32, #tpu.memory_space<hbm>>
        tpu.wait_dma2 semaphore(%run_scoped3A_166 : memref<!tpu.dma_semaphore, #tpu.memory_space<semaphore_mem>>) src(%dma_wait3A_182 : memref<2x80xi32, #tpu.memory_space<hbm>>) dst(%arg14 : memref<2x80xi32, #tpu.memory_space<vmem>>)
        tpu.yield
      }) : () -> ()
      %dma_start3A_127 = arith.constant 0 : i32
      %dma_start3A_128 = arith.constant 0 : i32
      %dma_start3A_129 = tpu.memref_slice %arg14[%dma_start3A_127, %dma_start3A_128] : memref<2x80xi32, #tpu.memory_space<vmem>> -> memref<1x80xi32, #tpu.memory_space<vmem>>
      %dma_start3A_130 = tpu.memref_squeeze %dma_start3A_129 : memref<1x80xi32, #tpu.memory_space<vmem>> -> memref<80xi32, #tpu.memory_space<vmem>>
      %dma_start3A_131 = arith.constant 0 : i32
      %dma_start3A_132 = arith.constant 0 : i32
      %dma_start3A_133 = tpu.memref_slice %arg2[%dma_start3A_131, %dma_start3A_132] : memref<20000x128xf32, #tpu.memory_space<hbm>> -> memref<20000x128xf32, #tpu.memory_space<hbm>>
      tpu.enqueue_indirect_dma source(%dma_start3A_133 : memref<20000x128xf32, #tpu.memory_space<hbm>>) target(%arg19 : memref<80x128xf32, #tpu.memory_space<vmem>>) offsets(%dma_start3A_130 : memref<80xi32, #tpu.memory_space<vmem>>) semaphore(%arg21 : memref<!tpu.dma_semaphore, #tpu.memory_space<semaphore_mem>>)
      %dma_wait3A_134 = arith.constant 0 : i32
      %dma_wait3A_135 = arith.constant 0 : i32
      %dma_wait3A_136 = tpu.memref_slice %arg13[%dma_wait3A_134, %dma_wait3A_135] : memref<2x80xi32, #tpu.memory_space<vmem>> -> memref<1x80xi32, #tpu.memory_space<vmem>>
      %dma_wait3A_137 = tpu.memref_squeeze %dma_wait3A_136 : memref<1x80xi32, #tpu.memory_space<vmem>> -> memref<80xi32, #tpu.memory_space<vmem>>
      %dma_wait3A_138 = arith.constant 0 : i32
      %dma_wait3A_139 = arith.constant 0 : i32
      %dma_wait3A_140 = tpu.memref_slice %arg2[%dma_wait3A_138, %dma_wait3A_139] : memref<20000x128xf32, #tpu.memory_space<hbm>> -> memref<20000x128xf32, #tpu.memory_space<hbm>>
      tpu.wait_indirect_dma semaphore(%arg20 : memref<!tpu.dma_semaphore, #tpu.memory_space<semaphore_mem>>) src(%dma_wait3A_140 : memref<20000x128xf32, #tpu.memory_space<hbm>>) dst(%arg18 : memref<80x128xf32, #tpu.memory_space<vmem>>)
      %dma_start3A_141 = arith.constant 1 : i32
      %dma_start3A_142 = arith.constant 0 : i32
      %dma_start3A_143 = tpu.memref_slice %arg13[%dma_start3A_141, %dma_start3A_142] : memref<2x80xi32, #tpu.memory_space<vmem>> -> memref<1x80xi32, #tpu.memory_space<vmem>>
      %dma_start3A_144 = tpu.memref_squeeze %dma_start3A_143 : memref<1x80xi32, #tpu.memory_space<vmem>> -> memref<80xi32, #tpu.memory_space<vmem>>
      %dma_start3A_145 = arith.constant 0 : i32
      %dma_start3A_146 = arith.constant 0 : i32
      %dma_start3A_147 = tpu.memref_slice %arg10[%dma_start3A_145, %dma_start3A_146] : memref<10000x128xf32, #tpu.memory_space<vmem_shared>> -> memref<10000x128xf32, #tpu.memory_space<vmem_shared>>
      tpu.enqueue_indirect_dma source(%arg18 : memref<80x128xf32, #tpu.memory_space<vmem>>) target(%dma_start3A_147 : memref<10000x128xf32, #tpu.memory_space<vmem_shared>>) offsets(%dma_start3A_144 : memref<80xi32, #tpu.memory_space<vmem>>) semaphore(%arg23 : memref<!tpu.dma_semaphore, #tpu.memory_space<semaphore_mem>>) {add = true}
      %lt3A = arith.constant 61 : i32
      %lt3A_148 = arith.cmpi slt, %scan3A_118, %lt3A : i32
      %convert_element_type3A_149 = arith.extui %lt3A_148 : i1 to i32
      %cond3A_150 = arith.constant 0 : i32
      %cond3A_151 = arith.cmpi ne, %convert_element_type3A_149, %cond3A_150 : i32
      scf.if %cond3A_151 {
        %dma_wait3A_166 = arith.constant 1 : i32
        %dma_wait3A_167 = arith.constant 0 : i32
        %dma_wait3A_168 = tpu.memref_slice %arg13[%dma_wait3A_166, %dma_wait3A_167] : memref<2x80xi32, #tpu.memory_space<vmem>> -> memref<1x80xi32, #tpu.memory_space<vmem>>
        %dma_wait3A_169 = tpu.memref_squeeze %dma_wait3A_168 : memref<1x80xi32, #tpu.memory_space<vmem>> -> memref<80xi32, #tpu.memory_space<vmem>>
        %dma_wait3A_170 = arith.constant 0 : i32
        %dma_wait3A_171 = arith.constant 0 : i32
        %dma_wait3A_172 = tpu.memref_slice %arg10[%dma_wait3A_170, %dma_wait3A_171] : memref<10000x128xf32, #tpu.memory_space<vmem_shared>> -> memref<10000x128xf32, #tpu.memory_space<vmem_shared>>
        tpu.wait_indirect_dma semaphore(%arg23 : memref<!tpu.dma_semaphore, #tpu.memory_space<semaphore_mem>>) src(%arg18 : memref<80x128xf32, #tpu.memory_space<vmem>>) dst(%dma_wait3A_172 : memref<10000x128xf32, #tpu.memory_space<vmem_shared>>)
        %add3A_173 = arith.constant 1 : i32
        %add3A_174 = arith.addi %add3A_122, %add3A_173 : i32
        "tpu.region"() ({
          %run_scoped3A_182 = tpu.sem_alloc : memref<!tpu.dma_semaphore, #tpu.memory_space<semaphore_mem>>
          %dma_start3A_183 = arith.constant 0 : i32
          %dma_start3A_184 = arith.constant 0 : i32
          %dma_start3A_185 = tpu.memref_slice %arg6[%arg0, %arg1, %add3A_174, %dma_start3A_183, %dma_start3A_184] : memref<2x16x125x2x80xi32, #tpu.memory_space<hbm>> -> memref<1x1x1x2x80xi32, #tpu.memory_space<hbm>>
          %dma_start3A_186 = tpu.memref_squeeze %dma_start3A_185 : memref<1x1x1x2x80xi32, #tpu.memory_space<hbm>> -> memref<2x80xi32, #tpu.memory_space<hbm>>
          %dma_start3A_187 = arith.constant 0 : i32
          %dma_start3A_188 = arith.constant 0 : i32
          %dma_start3A_189 = tpu.memref_slice %arg6[%arg0, %arg1, %add3A_174, %dma_start3A_187, %dma_start3A_188] : memref<2x16x125x2x80xi32, #tpu.memory_space<hbm>> -> memref<1x1x1x2x80xi32, #tpu.memory_space<hbm>>
          %dma_start3A_190 = tpu.memref_squeeze %dma_start3A_189 : memref<1x1x1x2x80xi32, #tpu.memory_space<hbm>> -> memref<2x80xi32, #tpu.memory_space<hbm>>
          tpu.enqueue_dma source(%dma_start3A_190 : memref<2x80xi32, #tpu.memory_space<hbm>>) target(%arg13 : memref<2x80xi32, #tpu.memory_space<vmem>>) target_semaphore(%run_scoped3A_182 : memref<!tpu.dma_semaphore, #tpu.memory_space<semaphore_mem>>)
          %dma_wait3A_191 = arith.constant 0 : i32
          %dma_wait3A_192 = arith.constant 0 : i32
          %dma_wait3A_193 = tpu.memref_slice %arg6[%arg0, %arg1, %add3A_174, %dma_wait3A_191, %dma_wait3A_192] : memref<2x16x125x2x80xi32, #tpu.memory_space<hbm>> -> memref<1x1x1x2x80xi32, #tpu.memory_space<hbm>>
          %dma_wait3A_194 = tpu.memref_squeeze %dma_wait3A_193 : memref<1x1x1x2x80xi32, #tpu.memory_space<hbm>> -> memref<2x80xi32, #tpu.memory_space<hbm>>
          %dma_wait3A_195 = arith.constant 0 : i32
          %dma_wait3A_196 = arith.constant 0 : i32
          %dma_wait3A_197 = tpu.memref_slice %arg6[%arg0, %arg1, %add3A_174, %dma_wait3A_195, %dma_wait3A_196] : memref<2x16x125x2x80xi32, #tpu.memory_space<hbm>> -> memref<1x1x1x2x80xi32, #tpu.memory_space<hbm>>
          %dma_wait3A_198 = tpu.memref_squeeze %dma_wait3A_197 : memref<1x1x1x2x80xi32, #tpu.memory_space<hbm>> -> memref<2x80xi32, #tpu.memory_space<hbm>>
          tpu.wait_dma2 semaphore(%run_scoped3A_182 : memref<!tpu.dma_semaphore, #tpu.memory_space<semaphore_mem>>) src(%dma_wait3A_198 : memref<2x80xi32, #tpu.memory_space<hbm>>) dst(%arg13 : memref<2x80xi32, #tpu.memory_space<vmem>>)
          tpu.yield
        }) : () -> ()
        %dma_start3A_175 = arith.constant 0 : i32
        %dma_start3A_176 = arith.constant 0 : i32
        %dma_start3A_177 = tpu.memref_slice %arg13[%dma_start3A_175, %dma_start3A_176] : memref<2x80xi32, #tpu.memory_space<vmem>> -> memref<1x80xi32, #tpu.memory_space<vmem>>
        %dma_start3A_178 = tpu.memref_squeeze %dma_start3A_177 : memref<1x80xi32, #tpu.memory_space<vmem>> -> memref<80xi32, #tpu.memory_space<vmem>>
        %dma_start3A_179 = arith.constant 0 : i32
        %dma_start3A_180 = arith.constant 0 : i32
        %dma_start3A_181 = tpu.memref_slice %arg2[%dma_start3A_179, %dma_start3A_180] : memref<20000x128xf32, #tpu.memory_space<hbm>> -> memref<20000x128xf32, #tpu.memory_space<hbm>>
        tpu.enqueue_indirect_dma source(%dma_start3A_181 : memref<20000x128xf32, #tpu.memory_space<hbm>>) target(%arg18 : memref<80x128xf32, #tpu.memory_space<vmem>>) offsets(%dma_start3A_178 : memref<80xi32, #tpu.memory_space<vmem>>) semaphore(%arg20 : memref<!tpu.dma_semaphore, #tpu.memory_space<semaphore_mem>>)
      } else {
      }
      %dma_wait3A_152 = arith.constant 0 : i32
      %dma_wait3A_153 = arith.constant 0 : i32
      %dma_wait3A_154 = tpu.memref_slice %arg14[%dma_wait3A_152, %dma_wait3A_153] : memref<2x80xi32, #tpu.memory_space<vmem>> -> memref<1x80xi32, #tpu.memory_space<vmem>>
      %dma_wait3A_155 = tpu.memref_squeeze %dma_wait3A_154 : memref<1x80xi32, #tpu.memory_space<vmem>> -> memref<80xi32, #tpu.memory_space<vmem>>
      %dma_wait3A_156 = arith.constant 0 : i32
      %dma_wait3A_157 = arith.constant 0 : i32
      %dma_wait3A_158 = tpu.memref_slice %arg2[%dma_wait3A_156, %dma_wait3A_157] : memref<20000x128xf32, #tpu.memory_space<hbm>> -> memref<20000x128xf32, #tpu.memory_space<hbm>>
      tpu.wait_indirect_dma semaphore(%arg21 : memref<!tpu.dma_semaphore, #tpu.memory_space<semaphore_mem>>) src(%dma_wait3A_158 : memref<20000x128xf32, #tpu.memory_space<hbm>>) dst(%arg19 : memref<80x128xf32, #tpu.memory_space<vmem>>)
      %dma_start3A_159 = arith.constant 1 : i32
      %dma_start3A_160 = arith.constant 0 : i32
      %dma_start3A_161 = tpu.memref_slice %arg14[%dma_start3A_159, %dma_start3A_160] : memref<2x80xi32, #tpu.memory_space<vmem>> -> memref<1x80xi32, #tpu.memory_space<vmem>>
      %dma_start3A_162 = tpu.memref_squeeze %dma_start3A_161 : memref<1x80xi32, #tpu.memory_space<vmem>> -> memref<80xi32, #tpu.memory_space<vmem>>
      %dma_start3A_163 = arith.constant 0 : i32
      %dma_start3A_164 = arith.constant 0 : i32
      %dma_start3A_165 = tpu.memref_slice %arg10[%dma_start3A_163, %dma_start3A_164] : memref<10000x128xf32, #tpu.memory_space<vmem_shared>> -> memref<10000x128xf32, #tpu.memory_space<vmem_shared>>
      tpu.enqueue_indirect_dma source(%arg19 : memref<80x128xf32, #tpu.memory_space<vmem>>) target(%dma_start3A_165 : memref<10000x128xf32, #tpu.memory_space<vmem_shared>>) offsets(%dma_start3A_162 : memref<80xi32, #tpu.memory_space<vmem>>) semaphore(%arg24 : memref<!tpu.dma_semaphore, #tpu.memory_space<semaphore_mem>>) {add = true}
    }
    %scan3A_15 = arith.constant 62 : i32
    %dma_wait3A = arith.constant 1 : i32
    %dma_wait3A_16 = arith.constant 0 : i32
    %dma_wait3A_17 = tpu.memref_slice %arg13[%dma_wait3A, %dma_wait3A_16] : memref<2x80xi32, #tpu.memory_space<vmem>> -> memref<1x80xi32, #tpu.memory_space<vmem>>
    %dma_wait3A_18 = tpu.memref_squeeze %dma_wait3A_17 : memref<1x80xi32, #tpu.memory_space<vmem>> -> memref<80xi32, #tpu.memory_space<vmem>>
    %dma_wait3A_19 = arith.constant 0 : i32
    %dma_wait3A_20 = arith.constant 0 : i32
    %dma_wait3A_21 = tpu.memref_slice %arg10[%dma_wait3A_19, %dma_wait3A_20] : memref<10000x128xf32, #tpu.memory_space<vmem_shared>> -> memref<10000x128xf32, #tpu.memory_space<vmem_shared>>
    tpu.wait_indirect_dma semaphore(%arg23 : memref<!tpu.dma_semaphore, #tpu.memory_space<semaphore_mem>>) src(%arg18 : memref<80x128xf32, #tpu.memory_space<vmem>>) dst(%dma_wait3A_21 : memref<10000x128xf32, #tpu.memory_space<vmem_shared>>)
    %run_scoped3A_22 = arith.constant 124 : i32
    "tpu.region"() ({
      %run_scoped3A_118 = tpu.sem_alloc : memref<!tpu.dma_semaphore, #tpu.memory_space<semaphore_mem>>
      %dma_start3A_119 = arith.constant 0 : i32
      %dma_start3A_120 = arith.constant 0 : i32
      %dma_start3A_121 = tpu.memref_slice %arg6[%arg0, %arg1, %run_scoped3A_22, %dma_start3A_119, %dma_start3A_120] : memref<2x16x125x2x80xi32, #tpu.memory_space<hbm>> -> memref<1x1x1x2x80xi32, #tpu.memory_space<hbm>>
      %dma_start3A_122 = tpu.memref_squeeze %dma_start3A_121 : memref<1x1x1x2x80xi32, #tpu.memory_space<hbm>> -> memref<2x80xi32, #tpu.memory_space<hbm>>
      %dma_start3A_123 = arith.constant 0 : i32
      %dma_start3A_124 = arith.constant 0 : i32
      %dma_start3A_125 = tpu.memref_slice %arg6[%arg0, %arg1, %run_scoped3A_22, %dma_start3A_123, %dma_start3A_124] : memref<2x16x125x2x80xi32, #tpu.memory_space<hbm>> -> memref<1x1x1x2x80xi32, #tpu.memory_space<hbm>>
      %dma_start3A_126 = tpu.memref_squeeze %dma_start3A_125 : memref<1x1x1x2x80xi32, #tpu.memory_space<hbm>> -> memref<2x80xi32, #tpu.memory_space<hbm>>
      tpu.enqueue_dma source(%dma_start3A_126 : memref<2x80xi32, #tpu.memory_space<hbm>>) target(%arg13 : memref<2x80xi32, #tpu.memory_space<vmem>>) target_semaphore(%run_scoped3A_118 : memref<!tpu.dma_semaphore, #tpu.memory_space<semaphore_mem>>)
      %dma_wait3A_127 = arith.constant 0 : i32
      %dma_wait3A_128 = arith.constant 0 : i32
      %dma_wait3A_129 = tpu.memref_slice %arg6[%arg0, %arg1, %run_scoped3A_22, %dma_wait3A_127, %dma_wait3A_128] : memref<2x16x125x2x80xi32, #tpu.memory_space<hbm>> -> memref<1x1x1x2x80xi32, #tpu.memory_space<hbm>>
      %dma_wait3A_130 = tpu.memref_squeeze %dma_wait3A_129 : memref<1x1x1x2x80xi32, #tpu.memory_space<hbm>> -> memref<2x80xi32, #tpu.memory_space<hbm>>
      %dma_wait3A_131 = arith.constant 0 : i32
      %dma_wait3A_132 = arith.constant 0 : i32
      %dma_wait3A_133 = tpu.memref_slice %arg6[%arg0, %arg1, %run_scoped3A_22, %dma_wait3A_131, %dma_wait3A_132] : memref<2x16x125x2x80xi32, #tpu.memory_space<hbm>> -> memref<1x1x1x2x80xi32, #tpu.memory_space<hbm>>
      %dma_wait3A_134 = tpu.memref_squeeze %dma_wait3A_133 : memref<1x1x1x2x80xi32, #tpu.memory_space<hbm>> -> memref<2x80xi32, #tpu.memory_space<hbm>>
      tpu.wait_dma2 semaphore(%run_scoped3A_118 : memref<!tpu.dma_semaphore, #tpu.memory_space<semaphore_mem>>) src(%dma_wait3A_134 : memref<2x80xi32, #tpu.memory_space<hbm>>) dst(%arg13 : memref<2x80xi32, #tpu.memory_space<vmem>>)
      tpu.yield
    }) : () -> ()
    %dma_start3A_23 = arith.constant 0 : i32
    %dma_start3A_24 = arith.constant 0 : i32
    %dma_start3A_25 = tpu.memref_slice %arg13[%dma_start3A_23, %dma_start3A_24] : memref<2x80xi32, #tpu.memory_space<vmem>> -> memref<1x80xi32, #tpu.memory_space<vmem>>
    %dma_start3A_26 = tpu.memref_squeeze %dma_start3A_25 : memref<1x80xi32, #tpu.memory_space<vmem>> -> memref<80xi32, #tpu.memory_space<vmem>>
    %dma_start3A_27 = arith.constant 0 : i32
    %dma_start3A_28 = arith.constant 0 : i32
    %dma_start3A_29 = tpu.memref_slice %arg2[%dma_start3A_27, %dma_start3A_28] : memref<20000x128xf32, #tpu.memory_space<hbm>> -> memref<20000x128xf32, #tpu.memory_space<hbm>>
    tpu.enqueue_indirect_dma source(%dma_start3A_29 : memref<20000x128xf32, #tpu.memory_space<hbm>>) target(%arg18 : memref<80x128xf32, #tpu.memory_space<vmem>>) offsets(%dma_start3A_26 : memref<80xi32, #tpu.memory_space<vmem>>) semaphore(%arg20 : memref<!tpu.dma_semaphore, #tpu.memory_space<semaphore_mem>>)
    %dma_wait3A_30 = arith.constant 0 : i32
    %dma_wait3A_31 = arith.constant 0 : i32
    %dma_wait3A_32 = tpu.memref_slice %arg13[%dma_wait3A_30, %dma_wait3A_31] : memref<2x80xi32, #tpu.memory_space<vmem>> -> memref<1x80xi32, #tpu.memory_space<vmem>>
    %dma_wait3A_33 = tpu.memref_squeeze %dma_wait3A_32 : memref<1x80xi32, #tpu.memory_space<vmem>> -> memref<80xi32, #tpu.memory_space<vmem>>
    %dma_wait3A_34 = arith.constant 0 : i32
    %dma_wait3A_35 = arith.constant 0 : i32
    %dma_wait3A_36 = tpu.memref_slice %arg2[%dma_wait3A_34, %dma_wait3A_35] : memref<20000x128xf32, #tpu.memory_space<hbm>> -> memref<20000x128xf32, #tpu.memory_space<hbm>>
    tpu.wait_indirect_dma semaphore(%arg20 : memref<!tpu.dma_semaphore, #tpu.memory_space<semaphore_mem>>) src(%dma_wait3A_36 : memref<20000x128xf32, #tpu.memory_space<hbm>>) dst(%arg18 : memref<80x128xf32, #tpu.memory_space<vmem>>)
    %dma_start3A_37 = arith.constant 1 : i32
    %dma_start3A_38 = arith.constant 0 : i32
    %dma_start3A_39 = tpu.memref_slice %arg13[%dma_start3A_37, %dma_start3A_38] : memref<2x80xi32, #tpu.memory_space<vmem>> -> memref<1x80xi32, #tpu.memory_space<vmem>>
    %dma_start3A_40 = tpu.memref_squeeze %dma_start3A_39 : memref<1x80xi32, #tpu.memory_space<vmem>> -> memref<80xi32, #tpu.memory_space<vmem>>
    %dma_start3A_41 = arith.constant 0 : i32
    %dma_start3A_42 = arith.constant 0 : i32
    %dma_start3A_43 = tpu.memref_slice %arg10[%dma_start3A_41, %dma_start3A_42] : memref<10000x128xf32, #tpu.memory_space<vmem_shared>> -> memref<10000x128xf32, #tpu.memory_space<vmem_shared>>
    tpu.enqueue_indirect_dma source(%arg18 : memref<80x128xf32, #tpu.memory_space<vmem>>) target(%dma_start3A_43 : memref<10000x128xf32, #tpu.memory_space<vmem_shared>>) offsets(%dma_start3A_40 : memref<80xi32, #tpu.memory_space<vmem>>) semaphore(%arg23 : memref<!tpu.dma_semaphore, #tpu.memory_space<semaphore_mem>>) {add = true}
    %dma_wait3A_44 = arith.constant 1 : i32
    %dma_wait3A_45 = arith.constant 0 : i32
    %dma_wait3A_46 = tpu.memref_slice %arg13[%dma_wait3A_44, %dma_wait3A_45] : memref<2x80xi32, #tpu.memory_space<vmem>> -> memref<1x80xi32, #tpu.memory_space<vmem>>
    %dma_wait3A_47 = tpu.memref_squeeze %dma_wait3A_46 : memref<1x80xi32, #tpu.memory_space<vmem>> -> memref<80xi32, #tpu.memory_space<vmem>>
    %dma_wait3A_48 = arith.constant 0 : i32
    %dma_wait3A_49 = arith.constant 0 : i32
    %dma_wait3A_50 = tpu.memref_slice %arg10[%dma_wait3A_48, %dma_wait3A_49] : memref<10000x128xf32, #tpu.memory_space<vmem_shared>> -> memref<10000x128xf32, #tpu.memory_space<vmem_shared>>
    tpu.wait_indirect_dma semaphore(%arg23 : memref<!tpu.dma_semaphore, #tpu.memory_space<semaphore_mem>>) src(%arg18 : memref<80x128xf32, #tpu.memory_space<vmem>>) dst(%dma_wait3A_50 : memref<10000x128xf32, #tpu.memory_space<vmem_shared>>)
    %dma_wait3A_51 = arith.constant 1 : i32
    %dma_wait3A_52 = arith.constant 0 : i32
    %dma_wait3A_53 = tpu.memref_slice %arg14[%dma_wait3A_51, %dma_wait3A_52] : memref<2x80xi32, #tpu.memory_space<vmem>> -> memref<1x80xi32, #tpu.memory_space<vmem>>
    %dma_wait3A_54 = tpu.memref_squeeze %dma_wait3A_53 : memref<1x80xi32, #tpu.memory_space<vmem>> -> memref<80xi32, #tpu.memory_space<vmem>>
    %dma_wait3A_55 = arith.constant 0 : i32
    %dma_wait3A_56 = arith.constant 0 : i32
    %dma_wait3A_57 = tpu.memref_slice %arg10[%dma_wait3A_55, %dma_wait3A_56] : memref<10000x128xf32, #tpu.memory_space<vmem_shared>> -> memref<10000x128xf32, #tpu.memory_space<vmem_shared>>
    tpu.wait_indirect_dma semaphore(%arg24 : memref<!tpu.dma_semaphore, #tpu.memory_space<semaphore_mem>>) src(%arg19 : memref<80x128xf32, #tpu.memory_space<vmem>>) dst(%dma_wait3A_57 : memref<10000x128xf32, #tpu.memory_space<vmem_shared>>)
    %barrier3A_58 = arith.constant 0 : index
    tpu.barrier barrier_id(%barrier3A_58)
    %add3A = arith.addi %mul3A_0, %mul3A_2 : i32
    "tpu.region"() ({
      %run_scoped3A_118 = tpu.sem_alloc : memref<!tpu.dma_semaphore, #tpu.memory_space<semaphore_mem>>
      %dma_start3A_119 = arith.constant 0 : i32
      %dma_start3A_120 = tpu.memref_slice %arg8[%add3A, %dma_start3A_119] : memref<20000x128xf32, #tpu.memory_space<hbm>> -> memref<624x128xf32, #tpu.memory_space<hbm>>
      %dma_start3A_121 = arith.constant 0 : i32
      %dma_start3A_122 = tpu.memref_slice %arg10[%mul3A_2, %dma_start3A_121] : memref<10000x128xf32, #tpu.memory_space<vmem_shared>> -> memref<624x128xf32, #tpu.memory_space<vmem_shared>>
      tpu.enqueue_dma source(%dma_start3A_122 : memref<624x128xf32, #tpu.memory_space<vmem_shared>>) target(%dma_start3A_120 : memref<624x128xf32, #tpu.memory_space<hbm>>) target_semaphore(%run_scoped3A_118 : memref<!tpu.dma_semaphore, #tpu.memory_space<semaphore_mem>>)
      %dma_wait3A_123 = arith.constant 0 : i32
      %dma_wait3A_124 = tpu.memref_slice %arg8[%add3A, %dma_wait3A_123] : memref<20000x128xf32, #tpu.memory_space<hbm>> -> memref<624x128xf32, #tpu.memory_space<hbm>>
      %dma_wait3A_125 = arith.constant 0 : i32
      %dma_wait3A_126 = tpu.memref_slice %arg10[%mul3A_2, %dma_wait3A_125] : memref<10000x128xf32, #tpu.memory_space<vmem_shared>> -> memref<624x128xf32, #tpu.memory_space<vmem_shared>>
      tpu.wait_dma2 semaphore(%run_scoped3A_118 : memref<!tpu.dma_semaphore, #tpu.memory_space<semaphore_mem>>) src(%dma_wait3A_126 : memref<624x128xf32, #tpu.memory_space<vmem_shared>>) dst(%dma_wait3A_124 : memref<624x128xf32, #tpu.memory_space<hbm>>)
      tpu.yield
    }) : () -> ()
    %eq3A_59 = arith.constant 15 : i32
    %eq3A_60 = arith.cmpi eq, %arg1, %eq3A_59 : i32
    %convert_element_type3A_61 = arith.extui %eq3A_60 : i1 to i32
    %cond3A_62 = arith.constant 0 : i32
    %cond3A_63 = arith.cmpi ne, %convert_element_type3A_61, %cond3A_62 : i32
    scf.if %cond3A_63 {
      %add3A_118 = arith.constant 9984 : i32
      %add3A_119 = arith.addi %mul3A_0, %add3A_118 : i32
      "tpu.region"() ({
        %run_scoped3A_120 = tpu.sem_alloc : memref<!tpu.dma_semaphore, #tpu.memory_space<semaphore_mem>>
        %dma_start3A_121 = arith.constant 0 : i32
        %dma_start3A_122 = tpu.memref_slice %arg8[%add3A_119, %dma_start3A_121] : memref<20000x128xf32, #tpu.memory_space<hbm>> -> memref<16x128xf32, #tpu.memory_space<hbm>>
        %dma_start3A_123 = arith.constant 9984 : i32
        %dma_start3A_124 = arith.constant 0 : i32
        %dma_start3A_125 = tpu.memref_slice %arg10[%dma_start3A_123, %dma_start3A_124] : memref<10000x128xf32, #tpu.memory_space<vmem_shared>> -> memref<16x128xf32, #tpu.memory_space<vmem_shared>>
        tpu.enqueue_dma source(%dma_start3A_125 : memref<16x128xf32, #tpu.memory_space<vmem_shared>>) target(%dma_start3A_122 : memref<16x128xf32, #tpu.memory_space<hbm>>) target_semaphore(%run_scoped3A_120 : memref<!tpu.dma_semaphore, #tpu.memory_space<semaphore_mem>>)
        %dma_wait3A_126 = arith.constant 0 : i32
        %dma_wait3A_127 = tpu.memref_slice %arg8[%add3A_119, %dma_wait3A_126] : memref<20000x128xf32, #tpu.memory_space<hbm>> -> memref<16x128xf32, #tpu.memory_space<hbm>>
        %dma_wait3A_128 = arith.constant 9984 : i32
        %dma_wait3A_129 = arith.constant 0 : i32
        %dma_wait3A_130 = tpu.memref_slice %arg10[%dma_wait3A_128, %dma_wait3A_129] : memref<10000x128xf32, #tpu.memory_space<vmem_shared>> -> memref<16x128xf32, #tpu.memory_space<vmem_shared>>
        tpu.wait_dma2 semaphore(%run_scoped3A_120 : memref<!tpu.dma_semaphore, #tpu.memory_space<semaphore_mem>>) src(%dma_wait3A_130 : memref<16x128xf32, #tpu.memory_space<vmem_shared>>) dst(%dma_wait3A_127 : memref<16x128xf32, #tpu.memory_space<hbm>>)
        tpu.yield
      }) : () -> ()
    } else {
    }
    "tpu.region"() ({
      %run_scoped3A_118 = tpu.sem_alloc : memref<!tpu.dma_semaphore, #tpu.memory_space<semaphore_mem>>
      %dma_start3A_119 = arith.constant 0 : i32
      %dma_start3A_120 = tpu.memref_slice %arg10[%mul3A_2, %dma_start3A_119] : memref<10000x128xf32, #tpu.memory_space<vmem_shared>> -> memref<624x128xf32, #tpu.memory_space<vmem_shared>>
      %dma_start3A_121 = arith.constant 0 : i32
      %dma_start3A_122 = tpu.memref_slice %arg7[%mul3A_2, %dma_start3A_121] : memref<10000x128xf32, #tpu.memory_space<hbm>> -> memref<624x128xf32, #tpu.memory_space<hbm>>
      tpu.enqueue_dma source(%dma_start3A_122 : memref<624x128xf32, #tpu.memory_space<hbm>>) target(%dma_start3A_120 : memref<624x128xf32, #tpu.memory_space<vmem_shared>>) target_semaphore(%run_scoped3A_118 : memref<!tpu.dma_semaphore, #tpu.memory_space<semaphore_mem>>)
      %dma_wait3A_123 = arith.constant 0 : i32
      %dma_wait3A_124 = tpu.memref_slice %arg10[%mul3A_2, %dma_wait3A_123] : memref<10000x128xf32, #tpu.memory_space<vmem_shared>> -> memref<624x128xf32, #tpu.memory_space<vmem_shared>>
      %dma_wait3A_125 = arith.constant 0 : i32
      %dma_wait3A_126 = tpu.memref_slice %arg7[%mul3A_2, %dma_wait3A_125] : memref<10000x128xf32, #tpu.memory_space<hbm>> -> memref<624x128xf32, #tpu.memory_space<hbm>>
      tpu.wait_dma2 semaphore(%run_scoped3A_118 : memref<!tpu.dma_semaphore, #tpu.memory_space<semaphore_mem>>) src(%dma_wait3A_126 : memref<624x128xf32, #tpu.memory_space<hbm>>) dst(%dma_wait3A_124 : memref<624x128xf32, #tpu.memory_space<vmem_shared>>)
      tpu.yield
    }) : () -> ()
    %eq3A_64 = arith.constant 15 : i32
    %eq3A_65 = arith.cmpi eq, %arg1, %eq3A_64 : i32
    %convert_element_type3A_66 = arith.extui %eq3A_65 : i1 to i32
    %cond3A_67 = arith.constant 0 : i32
    %cond3A_68 = arith.cmpi ne, %convert_element_type3A_66, %cond3A_67 : i32
    scf.if %cond3A_68 {
      "tpu.region"() ({
        %run_scoped3A_118 = tpu.sem_alloc : memref<!tpu.dma_semaphore, #tpu.memory_space<semaphore_mem>>
        %dma_start3A_119 = arith.constant 9984 : i32
        %dma_start3A_120 = arith.constant 0 : i32
        %dma_start3A_121 = tpu.memref_slice %arg10[%dma_start3A_119, %dma_start3A_120] : memref<10000x128xf32, #tpu.memory_space<vmem_shared>> -> memref<16x128xf32, #tpu.memory_space<vmem_shared>>
        %dma_start3A_122 = arith.constant 9984 : i32
        %dma_start3A_123 = arith.constant 0 : i32
        %dma_start3A_124 = tpu.memref_slice %arg7[%dma_start3A_122, %dma_start3A_123] : memref<10000x128xf32, #tpu.memory_space<hbm>> -> memref<16x128xf32, #tpu.memory_space<hbm>>
        tpu.enqueue_dma source(%dma_start3A_124 : memref<16x128xf32, #tpu.memory_space<hbm>>) target(%dma_start3A_121 : memref<16x128xf32, #tpu.memory_space<vmem_shared>>) target_semaphore(%run_scoped3A_118 : memref<!tpu.dma_semaphore, #tpu.memory_space<semaphore_mem>>)
        %dma_wait3A_125 = arith.constant 9984 : i32
        %dma_wait3A_126 = arith.constant 0 : i32
        %dma_wait3A_127 = tpu.memref_slice %arg10[%dma_wait3A_125, %dma_wait3A_126] : memref<10000x128xf32, #tpu.memory_space<vmem_shared>> -> memref<16x128xf32, #tpu.memory_space<vmem_shared>>
        %dma_wait3A_128 = arith.constant 9984 : i32
        %dma_wait3A_129 = arith.constant 0 : i32
        %dma_wait3A_130 = tpu.memref_slice %arg7[%dma_wait3A_128, %dma_wait3A_129] : memref<10000x128xf32, #tpu.memory_space<hbm>> -> memref<16x128xf32, #tpu.memory_space<hbm>>
        tpu.wait_dma2 semaphore(%run_scoped3A_118 : memref<!tpu.dma_semaphore, #tpu.memory_space<semaphore_mem>>) src(%dma_wait3A_130 : memref<16x128xf32, #tpu.memory_space<hbm>>) dst(%dma_wait3A_127 : memref<16x128xf32, #tpu.memory_space<vmem_shared>>)
        tpu.yield
      }) : () -> ()
    } else {
    }
    %barrier3A_69 = arith.constant 0 : index
    tpu.barrier barrier_id(%barrier3A_69)
    %run_scoped3A_70 = arith.constant 0 : i32
    "tpu.region"() ({
      %run_scoped3A_118 = tpu.sem_alloc : memref<!tpu.dma_semaphore, #tpu.memory_space<semaphore_mem>>
      %dma_start3A_119 = arith.constant 0 : i32
      %dma_start3A_120 = arith.constant 0 : i32
      %dma_start3A_121 = tpu.memref_slice %arg5[%arg0, %arg1, %run_scoped3A_70, %dma_start3A_119, %dma_start3A_120] : memref<2x16x250x3x40xi32, #tpu.memory_space<hbm>> -> memref<1x1x1x3x40xi32, #tpu.memory_space<hbm>>
      %dma_start3A_122 = tpu.memref_squeeze %dma_start3A_121 : memref<1x1x1x3x40xi32, #tpu.memory_space<hbm>> -> memref<3x40xi32, #tpu.memory_space<hbm>>
      %dma_start3A_123 = arith.constant 0 : i32
      %dma_start3A_124 = arith.constant 0 : i32
      %dma_start3A_125 = tpu.memref_slice %arg5[%arg0, %arg1, %run_scoped3A_70, %dma_start3A_123, %dma_start3A_124] : memref<2x16x250x3x40xi32, #tpu.memory_space<hbm>> -> memref<1x1x1x3x40xi32, #tpu.memory_space<hbm>>
      %dma_start3A_126 = tpu.memref_squeeze %dma_start3A_125 : memref<1x1x1x3x40xi32, #tpu.memory_space<hbm>> -> memref<3x40xi32, #tpu.memory_space<hbm>>
      tpu.enqueue_dma source(%dma_start3A_126 : memref<3x40xi32, #tpu.memory_space<hbm>>) target(%arg11 : memref<3x40xi32, #tpu.memory_space<vmem>>) target_semaphore(%run_scoped3A_118 : memref<!tpu.dma_semaphore, #tpu.memory_space<semaphore_mem>>)
      %dma_wait3A_127 = arith.constant 0 : i32
      %dma_wait3A_128 = arith.constant 0 : i32
      %dma_wait3A_129 = tpu.memref_slice %arg5[%arg0, %arg1, %run_scoped3A_70, %dma_wait3A_127, %dma_wait3A_128] : memref<2x16x250x3x40xi32, #tpu.memory_space<hbm>> -> memref<1x1x1x3x40xi32, #tpu.memory_space<hbm>>
      %dma_wait3A_130 = tpu.memref_squeeze %dma_wait3A_129 : memref<1x1x1x3x40xi32, #tpu.memory_space<hbm>> -> memref<3x40xi32, #tpu.memory_space<hbm>>
      %dma_wait3A_131 = arith.constant 0 : i32
      %dma_wait3A_132 = arith.constant 0 : i32
      %dma_wait3A_133 = tpu.memref_slice %arg5[%arg0, %arg1, %run_scoped3A_70, %dma_wait3A_131, %dma_wait3A_132] : memref<2x16x250x3x40xi32, #tpu.memory_space<hbm>> -> memref<1x1x1x3x40xi32, #tpu.memory_space<hbm>>
      %dma_wait3A_134 = tpu.memref_squeeze %dma_wait3A_133 : memref<1x1x1x3x40xi32, #tpu.memory_space<hbm>> -> memref<3x40xi32, #tpu.memory_space<hbm>>
      tpu.wait_dma2 semaphore(%run_scoped3A_118 : memref<!tpu.dma_semaphore, #tpu.memory_space<semaphore_mem>>) src(%dma_wait3A_134 : memref<3x40xi32, #tpu.memory_space<hbm>>) dst(%arg11 : memref<3x40xi32, #tpu.memory_space<vmem>>)
      tpu.yield
    }) : () -> ()
    %dma_start3A_71 = arith.constant 0 : i32
    %dma_start3A_72 = arith.constant 0 : i32
    %dma_start3A_73 = tpu.memref_slice %arg11[%dma_start3A_71, %dma_start3A_72] : memref<3x40xi32, #tpu.memory_space<vmem>> -> memref<1x40xi32, #tpu.memory_space<vmem>>
    %dma_start3A_74 = tpu.memref_squeeze %dma_start3A_73 : memref<1x40xi32, #tpu.memory_space<vmem>> -> memref<40xi32, #tpu.memory_space<vmem>>
    %dma_start3A_75 = arith.constant 0 : i32
    %dma_start3A_76 = arith.constant 0 : i32
    %dma_start3A_77 = tpu.memref_slice %arg3[%dma_start3A_75, %dma_start3A_76] : memref<20000x256xf32, #tpu.memory_space<hbm>> -> memref<20000x256xf32, #tpu.memory_space<hbm>>
    tpu.enqueue_indirect_dma source(%dma_start3A_77 : memref<20000x256xf32, #tpu.memory_space<hbm>>) target(%arg15 : memref<40x256xf32, #tpu.memory_space<vmem>>) offsets(%dma_start3A_74 : memref<40xi32, #tpu.memory_space<vmem>>) semaphore(%arg20 : memref<!tpu.dma_semaphore, #tpu.memory_space<semaphore_mem>>)
    %dma_start3A_78 = arith.constant 1 : i32
    %dma_start3A_79 = arith.constant 0 : i32
    %dma_start3A_80 = tpu.memref_slice %arg11[%dma_start3A_78, %dma_start3A_79] : memref<3x40xi32, #tpu.memory_space<vmem>> -> memref<1x40xi32, #tpu.memory_space<vmem>>
    %dma_start3A_81 = tpu.memref_squeeze %dma_start3A_80 : memref<1x40xi32, #tpu.memory_space<vmem>> -> memref<40xi32, #tpu.memory_space<vmem>>
    %dma_start3A_82 = arith.constant 0 : i32
    %dma_start3A_83 = arith.constant 0 : i32
    %dma_start3A_84 = tpu.memref_slice %arg4[%dma_start3A_82, %dma_start3A_83] : memref<20000x128xf32, #tpu.memory_space<hbm>> -> memref<20000x128xf32, #tpu.memory_space<hbm>>
    tpu.enqueue_indirect_dma source(%dma_start3A_84 : memref<20000x128xf32, #tpu.memory_space<hbm>>) target(%arg17 : memref<40x128xf32, #tpu.memory_space<vmem>>) offsets(%dma_start3A_81 : memref<40xi32, #tpu.memory_space<vmem>>) semaphore(%arg22 : memref<!tpu.dma_semaphore, #tpu.memory_space<semaphore_mem>>)
    %scan3A_85 = arith.constant 0 : i32
    %scan3A_86 = arith.constant 0 : i32
    %scan3A_87 = arith.constant 125 : i32
    %scan3A_88 = arith.addi %scan3A_86, %scan3A_87 : i32
    %scan3A_89 = arith.constant 1 : i32
    scf.for %scan3A_118 = %scan3A_86 to %scan3A_88 step %scan3A_89  : i32 {
      %mul3A_119 = arith.constant 2 : i32
      %mul3A_120 = arith.muli %mul3A_119, %scan3A_118 : i32
      %add3A_121 = arith.constant 1 : i32
      %add3A_122 = arith.addi %mul3A_120, %add3A_121 : i32
      %gt3A = arith.constant 0 : i32
      %gt3A_123 = arith.cmpi sgt, %scan3A_118, %gt3A : i32
      %convert_element_type3A_124 = arith.extui %gt3A_123 : i1 to i32
      %cond3A_125 = arith.constant 0 : i32
      %cond3A_126 = arith.cmpi ne, %convert_element_type3A_124, %cond3A_125 : i32
      scf.if %cond3A_126 {
        %dma_wait3A_198 = arith.constant 2 : i32
        %dma_wait3A_199 = arith.constant 0 : i32
        %dma_wait3A_200 = arith.constant 0 : i32
        %dma_wait3A_201 = tpu.memref_slice %arg19[%dma_wait3A_199, %dma_wait3A_200] : memref<80x128xf32, #tpu.memory_space<vmem>> -> memref<40x128xf32, #tpu.memory_space<vmem>>
        %dma_wait3A_202 = arith.constant 0 : i32
        %dma_wait3A_203 = tpu.memref_slice %arg12[%dma_wait3A_198, %dma_wait3A_202] : memref<3x40xi32, #tpu.memory_space<vmem>> -> memref<1x40xi32, #tpu.memory_space<vmem>>
        %dma_wait3A_204 = tpu.memref_squeeze %dma_wait3A_203 : memref<1x40xi32, #tpu.memory_space<vmem>> -> memref<40xi32, #tpu.memory_space<vmem>>
        %dma_wait3A_205 = arith.constant 0 : i32
        %dma_wait3A_206 = arith.constant 0 : i32
        %dma_wait3A_207 = tpu.memref_slice %arg10[%dma_wait3A_205, %dma_wait3A_206] : memref<10000x128xf32, #tpu.memory_space<vmem_shared>> -> memref<10000x128xf32, #tpu.memory_space<vmem_shared>>
        tpu.wait_indirect_dma semaphore(%arg24 : memref<!tpu.dma_semaphore, #tpu.memory_space<semaphore_mem>>) src(%dma_wait3A_201 : memref<40x128xf32, #tpu.memory_space<vmem>>) dst(%dma_wait3A_207 : memref<10000x128xf32, #tpu.memory_space<vmem_shared>>)
      } else {
      }
      "tpu.region"() ({
        %run_scoped3A_198 = tpu.sem_alloc : memref<!tpu.dma_semaphore, #tpu.memory_space<semaphore_mem>>
        %dma_start3A_199 = arith.constant 0 : i32
        %dma_start3A_200 = arith.constant 0 : i32
        %dma_start3A_201 = tpu.memref_slice %arg5[%arg0, %arg1, %add3A_122, %dma_start3A_199, %dma_start3A_200] : memref<2x16x250x3x40xi32, #tpu.memory_space<hbm>> -> memref<1x1x1x3x40xi32, #tpu.memory_space<hbm>>
        %dma_start3A_202 = tpu.memref_squeeze %dma_start3A_201 : memref<1x1x1x3x40xi32, #tpu.memory_space<hbm>> -> memref<3x40xi32, #tpu.memory_space<hbm>>
        %dma_start3A_203 = arith.constant 0 : i32
        %dma_start3A_204 = arith.constant 0 : i32
        %dma_start3A_205 = tpu.memref_slice %arg5[%arg0, %arg1, %add3A_122, %dma_start3A_203, %dma_start3A_204] : memref<2x16x250x3x40xi32, #tpu.memory_space<hbm>> -> memref<1x1x1x3x40xi32, #tpu.memory_space<hbm>>
        %dma_start3A_206 = tpu.memref_squeeze %dma_start3A_205 : memref<1x1x1x3x40xi32, #tpu.memory_space<hbm>> -> memref<3x40xi32, #tpu.memory_space<hbm>>
        tpu.enqueue_dma source(%dma_start3A_206 : memref<3x40xi32, #tpu.memory_space<hbm>>) target(%arg12 : memref<3x40xi32, #tpu.memory_space<vmem>>) target_semaphore(%run_scoped3A_198 : memref<!tpu.dma_semaphore, #tpu.memory_space<semaphore_mem>>)
        %dma_wait3A_207 = arith.constant 0 : i32
        %dma_wait3A_208 = arith.constant 0 : i32
        %dma_wait3A_209 = tpu.memref_slice %arg5[%arg0, %arg1, %add3A_122, %dma_wait3A_207, %dma_wait3A_208] : memref<2x16x250x3x40xi32, #tpu.memory_space<hbm>> -> memref<1x1x1x3x40xi32, #tpu.memory_space<hbm>>
        %dma_wait3A_210 = tpu.memref_squeeze %dma_wait3A_209 : memref<1x1x1x3x40xi32, #tpu.memory_space<hbm>> -> memref<3x40xi32, #tpu.memory_space<hbm>>
        %dma_wait3A_211 = arith.constant 0 : i32
        %dma_wait3A_212 = arith.constant 0 : i32
        %dma_wait3A_213 = tpu.memref_slice %arg5[%arg0, %arg1, %add3A_122, %dma_wait3A_211, %dma_wait3A_212] : memref<2x16x250x3x40xi32, #tpu.memory_space<hbm>> -> memref<1x1x1x3x40xi32, #tpu.memory_space<hbm>>
        %dma_wait3A_214 = tpu.memref_squeeze %dma_wait3A_213 : memref<1x1x1x3x40xi32, #tpu.memory_space<hbm>> -> memref<3x40xi32, #tpu.memory_space<hbm>>
        tpu.wait_dma2 semaphore(%run_scoped3A_198 : memref<!tpu.dma_semaphore, #tpu.memory_space<semaphore_mem>>) src(%dma_wait3A_214 : memref<3x40xi32, #tpu.memory_space<hbm>>) dst(%arg12 : memref<3x40xi32, #tpu.memory_space<vmem>>)
        tpu.yield
      }) : () -> ()
      %dma_start3A_127 = arith.constant 0 : i32
      %dma_start3A_128 = arith.constant 0 : i32
      %dma_start3A_129 = tpu.memref_slice %arg12[%dma_start3A_127, %dma_start3A_128] : memref<3x40xi32, #tpu.memory_space<vmem>> -> memref<1x40xi32, #tpu.memory_space<vmem>>
      %dma_start3A_130 = tpu.memref_squeeze %dma_start3A_129 : memref<1x40xi32, #tpu.memory_space<vmem>> -> memref<40xi32, #tpu.memory_space<vmem>>
      %dma_start3A_131 = arith.constant 0 : i32
      %dma_start3A_132 = arith.constant 0 : i32
      %dma_start3A_133 = tpu.memref_slice %arg3[%dma_start3A_131, %dma_start3A_132] : memref<20000x256xf32, #tpu.memory_space<hbm>> -> memref<20000x256xf32, #tpu.memory_space<hbm>>
      tpu.enqueue_indirect_dma source(%dma_start3A_133 : memref<20000x256xf32, #tpu.memory_space<hbm>>) target(%arg16 : memref<40x256xf32, #tpu.memory_space<vmem>>) offsets(%dma_start3A_130 : memref<40xi32, #tpu.memory_space<vmem>>) semaphore(%arg21 : memref<!tpu.dma_semaphore, #tpu.memory_space<semaphore_mem>>)
      %dma_wait3A_134 = arith.constant 0 : i32
      %dma_wait3A_135 = arith.constant 0 : i32
      %dma_wait3A_136 = tpu.memref_slice %arg11[%dma_wait3A_134, %dma_wait3A_135] : memref<3x40xi32, #tpu.memory_space<vmem>> -> memref<1x40xi32, #tpu.memory_space<vmem>>
      %dma_wait3A_137 = tpu.memref_squeeze %dma_wait3A_136 : memref<1x40xi32, #tpu.memory_space<vmem>> -> memref<40xi32, #tpu.memory_space<vmem>>
      %dma_wait3A_138 = arith.constant 0 : i32
      %dma_wait3A_139 = arith.constant 0 : i32
      %dma_wait3A_140 = tpu.memref_slice %arg3[%dma_wait3A_138, %dma_wait3A_139] : memref<20000x256xf32, #tpu.memory_space<hbm>> -> memref<20000x256xf32, #tpu.memory_space<hbm>>
      tpu.wait_indirect_dma semaphore(%arg20 : memref<!tpu.dma_semaphore, #tpu.memory_space<semaphore_mem>>) src(%dma_wait3A_140 : memref<20000x256xf32, #tpu.memory_space<hbm>>) dst(%arg15 : memref<40x256xf32, #tpu.memory_space<vmem>>)
      %dma_wait3A_141 = arith.constant 1 : i32
      %dma_wait3A_142 = arith.constant 0 : i32
      %dma_wait3A_143 = tpu.memref_slice %arg11[%dma_wait3A_141, %dma_wait3A_142] : memref<3x40xi32, #tpu.memory_space<vmem>> -> memref<1x40xi32, #tpu.memory_space<vmem>>
      %dma_wait3A_144 = tpu.memref_squeeze %dma_wait3A_143 : memref<1x40xi32, #tpu.memory_space<vmem>> -> memref<40xi32, #tpu.memory_space<vmem>>
      %dma_wait3A_145 = arith.constant 0 : i32
      %dma_wait3A_146 = arith.constant 0 : i32
      %dma_wait3A_147 = tpu.memref_slice %arg4[%dma_wait3A_145, %dma_wait3A_146] : memref<20000x128xf32, #tpu.memory_space<hbm>> -> memref<20000x128xf32, #tpu.memory_space<hbm>>
      tpu.wait_indirect_dma semaphore(%arg22 : memref<!tpu.dma_semaphore, #tpu.memory_space<semaphore_mem>>) src(%dma_wait3A_147 : memref<20000x128xf32, #tpu.memory_space<hbm>>) dst(%arg17 : memref<40x128xf32, #tpu.memory_space<vmem>>)
      %dma_start3A_148 = arith.constant 1 : i32
      %dma_start3A_149 = arith.constant 0 : i32
      %dma_start3A_150 = tpu.memref_slice %arg12[%dma_start3A_148, %dma_start3A_149] : memref<3x40xi32, #tpu.memory_space<vmem>> -> memref<1x40xi32, #tpu.memory_space<vmem>>
      %dma_start3A_151 = tpu.memref_squeeze %dma_start3A_150 : memref<1x40xi32, #tpu.memory_space<vmem>> -> memref<40xi32, #tpu.memory_space<vmem>>
      %dma_start3A_152 = arith.constant 0 : i32
      %dma_start3A_153 = arith.constant 0 : i32
      %dma_start3A_154 = tpu.memref_slice %arg4[%dma_start3A_152, %dma_start3A_153] : memref<20000x128xf32, #tpu.memory_space<hbm>> -> memref<20000x128xf32, #tpu.memory_space<hbm>>
      tpu.enqueue_indirect_dma source(%dma_start3A_154 : memref<20000x128xf32, #tpu.memory_space<hbm>>) target(%arg17 : memref<40x128xf32, #tpu.memory_space<vmem>>) offsets(%dma_start3A_151 : memref<40xi32, #tpu.memory_space<vmem>>) semaphore(%arg22 : memref<!tpu.dma_semaphore, #tpu.memory_space<semaphore_mem>>)
      %dma_start3A_155 = arith.constant 2 : i32
      %dma_start3A_156 = arith.constant 0 : i32
      %dma_start3A_157 = arith.constant 0 : i32
      %dma_start3A_158 = tpu.memref_slice %arg18[%dma_start3A_156, %dma_start3A_157] : memref<80x128xf32, #tpu.memory_space<vmem>> -> memref<40x128xf32, #tpu.memory_space<vmem>>
      %dma_start3A_159 = arith.constant 0 : i32
      %dma_start3A_160 = tpu.memref_slice %arg11[%dma_start3A_155, %dma_start3A_159] : memref<3x40xi32, #tpu.memory_space<vmem>> -> memref<1x40xi32, #tpu.memory_space<vmem>>
      %dma_start3A_161 = tpu.memref_squeeze %dma_start3A_160 : memref<1x40xi32, #tpu.memory_space<vmem>> -> memref<40xi32, #tpu.memory_space<vmem>>
      %dma_start3A_162 = arith.constant 0 : i32
      %dma_start3A_163 = arith.constant 0 : i32
      %dma_start3A_164 = tpu.memref_slice %arg10[%dma_start3A_162, %dma_start3A_163] : memref<10000x128xf32, #tpu.memory_space<vmem_shared>> -> memref<10000x128xf32, #tpu.memory_space<vmem_shared>>
      tpu.enqueue_indirect_dma source(%dma_start3A_158 : memref<40x128xf32, #tpu.memory_space<vmem>>) target(%dma_start3A_164 : memref<10000x128xf32, #tpu.memory_space<vmem_shared>>) offsets(%dma_start3A_161 : memref<40xi32, #tpu.memory_space<vmem>>) semaphore(%arg23 : memref<!tpu.dma_semaphore, #tpu.memory_space<semaphore_mem>>) {add = true}
      %lt3A = arith.constant 124 : i32
      %lt3A_165 = arith.cmpi slt, %scan3A_118, %lt3A : i32
      %convert_element_type3A_166 = arith.extui %lt3A_165 : i1 to i32
      %cond3A_167 = arith.constant 0 : i32
      %cond3A_168 = arith.cmpi ne, %convert_element_type3A_166, %cond3A_167 : i32
      scf.if %cond3A_168 {
        %dma_wait3A_198 = arith.constant 2 : i32
        %dma_wait3A_199 = arith.constant 0 : i32
        %dma_wait3A_200 = arith.constant 0 : i32
        %dma_wait3A_201 = tpu.memref_slice %arg18[%dma_wait3A_199, %dma_wait3A_200] : memref<80x128xf32, #tpu.memory_space<vmem>> -> memref<40x128xf32, #tpu.memory_space<vmem>>
        %dma_wait3A_202 = arith.constant 0 : i32
        %dma_wait3A_203 = tpu.memref_slice %arg11[%dma_wait3A_198, %dma_wait3A_202] : memref<3x40xi32, #tpu.memory_space<vmem>> -> memref<1x40xi32, #tpu.memory_space<vmem>>
        %dma_wait3A_204 = tpu.memref_squeeze %dma_wait3A_203 : memref<1x40xi32, #tpu.memory_space<vmem>> -> memref<40xi32, #tpu.memory_space<vmem>>
        %dma_wait3A_205 = arith.constant 0 : i32
        %dma_wait3A_206 = arith.constant 0 : i32
        %dma_wait3A_207 = tpu.memref_slice %arg10[%dma_wait3A_205, %dma_wait3A_206] : memref<10000x128xf32, #tpu.memory_space<vmem_shared>> -> memref<10000x128xf32, #tpu.memory_space<vmem_shared>>
        tpu.wait_indirect_dma semaphore(%arg23 : memref<!tpu.dma_semaphore, #tpu.memory_space<semaphore_mem>>) src(%dma_wait3A_201 : memref<40x128xf32, #tpu.memory_space<vmem>>) dst(%dma_wait3A_207 : memref<10000x128xf32, #tpu.memory_space<vmem_shared>>)
        %add3A_208 = arith.constant 1 : i32
        %add3A_209 = arith.addi %add3A_122, %add3A_208 : i32
        "tpu.region"() ({
          %run_scoped3A_217 = tpu.sem_alloc : memref<!tpu.dma_semaphore, #tpu.memory_space<semaphore_mem>>
          %dma_start3A_218 = arith.constant 0 : i32
          %dma_start3A_219 = arith.constant 0 : i32
          %dma_start3A_220 = tpu.memref_slice %arg5[%arg0, %arg1, %add3A_209, %dma_start3A_218, %dma_start3A_219] : memref<2x16x250x3x40xi32, #tpu.memory_space<hbm>> -> memref<1x1x1x3x40xi32, #tpu.memory_space<hbm>>
          %dma_start3A_221 = tpu.memref_squeeze %dma_start3A_220 : memref<1x1x1x3x40xi32, #tpu.memory_space<hbm>> -> memref<3x40xi32, #tpu.memory_space<hbm>>
          %dma_start3A_222 = arith.constant 0 : i32
          %dma_start3A_223 = arith.constant 0 : i32
          %dma_start3A_224 = tpu.memref_slice %arg5[%arg0, %arg1, %add3A_209, %dma_start3A_222, %dma_start3A_223] : memref<2x16x250x3x40xi32, #tpu.memory_space<hbm>> -> memref<1x1x1x3x40xi32, #tpu.memory_space<hbm>>
          %dma_start3A_225 = tpu.memref_squeeze %dma_start3A_224 : memref<1x1x1x3x40xi32, #tpu.memory_space<hbm>> -> memref<3x40xi32, #tpu.memory_space<hbm>>
          tpu.enqueue_dma source(%dma_start3A_225 : memref<3x40xi32, #tpu.memory_space<hbm>>) target(%arg11 : memref<3x40xi32, #tpu.memory_space<vmem>>) target_semaphore(%run_scoped3A_217 : memref<!tpu.dma_semaphore, #tpu.memory_space<semaphore_mem>>)
          %dma_wait3A_226 = arith.constant 0 : i32
          %dma_wait3A_227 = arith.constant 0 : i32
          %dma_wait3A_228 = tpu.memref_slice %arg5[%arg0, %arg1, %add3A_209, %dma_wait3A_226, %dma_wait3A_227] : memref<2x16x250x3x40xi32, #tpu.memory_space<hbm>> -> memref<1x1x1x3x40xi32, #tpu.memory_space<hbm>>
          %dma_wait3A_229 = tpu.memref_squeeze %dma_wait3A_228 : memref<1x1x1x3x40xi32, #tpu.memory_space<hbm>> -> memref<3x40xi32, #tpu.memory_space<hbm>>
          %dma_wait3A_230 = arith.constant 0 : i32
          %dma_wait3A_231 = arith.constant 0 : i32
          %dma_wait3A_232 = tpu.memref_slice %arg5[%arg0, %arg1, %add3A_209, %dma_wait3A_230, %dma_wait3A_231] : memref<2x16x250x3x40xi32, #tpu.memory_space<hbm>> -> memref<1x1x1x3x40xi32, #tpu.memory_space<hbm>>
          %dma_wait3A_233 = tpu.memref_squeeze %dma_wait3A_232 : memref<1x1x1x3x40xi32, #tpu.memory_space<hbm>> -> memref<3x40xi32, #tpu.memory_space<hbm>>
          tpu.wait_dma2 semaphore(%run_scoped3A_217 : memref<!tpu.dma_semaphore, #tpu.memory_space<semaphore_mem>>) src(%dma_wait3A_233 : memref<3x40xi32, #tpu.memory_space<hbm>>) dst(%arg11 : memref<3x40xi32, #tpu.memory_space<vmem>>)
          tpu.yield
        }) : () -> ()
        %dma_start3A_210 = arith.constant 0 : i32
        %dma_start3A_211 = arith.constant 0 : i32
        %dma_start3A_212 = tpu.memref_slice %arg11[%dma_start3A_210, %dma_start3A_211] : memref<3x40xi32, #tpu.memory_space<vmem>> -> memref<1x40xi32, #tpu.memory_space<vmem>>
        %dma_start3A_213 = tpu.memref_squeeze %dma_start3A_212 : memref<1x40xi32, #tpu.memory_space<vmem>> -> memref<40xi32, #tpu.memory_space<vmem>>
        %dma_start3A_214 = arith.constant 0 : i32
        %dma_start3A_215 = arith.constant 0 : i32
        %dma_start3A_216 = tpu.memref_slice %arg3[%dma_start3A_214, %dma_start3A_215] : memref<20000x256xf32, #tpu.memory_space<hbm>> -> memref<20000x256xf32, #tpu.memory_space<hbm>>
        tpu.enqueue_indirect_dma source(%dma_start3A_216 : memref<20000x256xf32, #tpu.memory_space<hbm>>) target(%arg15 : memref<40x256xf32, #tpu.memory_space<vmem>>) offsets(%dma_start3A_213 : memref<40xi32, #tpu.memory_space<vmem>>) semaphore(%arg20 : memref<!tpu.dma_semaphore, #tpu.memory_space<semaphore_mem>>)
      } else {
      }
      %dma_wait3A_169 = arith.constant 0 : i32
      %dma_wait3A_170 = arith.constant 0 : i32
      %dma_wait3A_171 = tpu.memref_slice %arg12[%dma_wait3A_169, %dma_wait3A_170] : memref<3x40xi32, #tpu.memory_space<vmem>> -> memref<1x40xi32, #tpu.memory_space<vmem>>
      %dma_wait3A_172 = tpu.memref_squeeze %dma_wait3A_171 : memref<1x40xi32, #tpu.memory_space<vmem>> -> memref<40xi32, #tpu.memory_space<vmem>>
      %dma_wait3A_173 = arith.constant 0 : i32
      %dma_wait3A_174 = arith.constant 0 : i32
      %dma_wait3A_175 = tpu.memref_slice %arg3[%dma_wait3A_173, %dma_wait3A_174] : memref<20000x256xf32, #tpu.memory_space<hbm>> -> memref<20000x256xf32, #tpu.memory_space<hbm>>
      tpu.wait_indirect_dma semaphore(%arg21 : memref<!tpu.dma_semaphore, #tpu.memory_space<semaphore_mem>>) src(%dma_wait3A_175 : memref<20000x256xf32, #tpu.memory_space<hbm>>) dst(%arg16 : memref<40x256xf32, #tpu.memory_space<vmem>>)
      %dma_wait3A_176 = arith.constant 1 : i32
      %dma_wait3A_177 = arith.constant 0 : i32
      %dma_wait3A_178 = tpu.memref_slice %arg12[%dma_wait3A_176, %dma_wait3A_177] : memref<3x40xi32, #tpu.memory_space<vmem>> -> memref<1x40xi32, #tpu.memory_space<vmem>>
      %dma_wait3A_179 = tpu.memref_squeeze %dma_wait3A_178 : memref<1x40xi32, #tpu.memory_space<vmem>> -> memref<40xi32, #tpu.memory_space<vmem>>
      %dma_wait3A_180 = arith.constant 0 : i32
      %dma_wait3A_181 = arith.constant 0 : i32
      %dma_wait3A_182 = tpu.memref_slice %arg4[%dma_wait3A_180, %dma_wait3A_181] : memref<20000x128xf32, #tpu.memory_space<hbm>> -> memref<20000x128xf32, #tpu.memory_space<hbm>>
      tpu.wait_indirect_dma semaphore(%arg22 : memref<!tpu.dma_semaphore, #tpu.memory_space<semaphore_mem>>) src(%dma_wait3A_182 : memref<20000x128xf32, #tpu.memory_space<hbm>>) dst(%arg17 : memref<40x128xf32, #tpu.memory_space<vmem>>)
      %lt3A_183 = arith.constant 124 : i32
      %lt3A_184 = arith.cmpi slt, %scan3A_118, %lt3A_183 : i32
      %convert_element_type3A_185 = arith.extui %lt3A_184 : i1 to i32
      %cond3A_186 = arith.constant 0 : i32
      %cond3A_187 = arith.cmpi ne, %convert_element_type3A_185, %cond3A_186 : i32
      scf.if %cond3A_187 {
        %dma_start3A_198 = arith.constant 1 : i32
        %dma_start3A_199 = arith.constant 0 : i32
        %dma_start3A_200 = tpu.memref_slice %arg11[%dma_start3A_198, %dma_start3A_199] : memref<3x40xi32, #tpu.memory_space<vmem>> -> memref<1x40xi32, #tpu.memory_space<vmem>>
        %dma_start3A_201 = tpu.memref_squeeze %dma_start3A_200 : memref<1x40xi32, #tpu.memory_space<vmem>> -> memref<40xi32, #tpu.memory_space<vmem>>
        %dma_start3A_202 = arith.constant 0 : i32
        %dma_start3A_203 = arith.constant 0 : i32
        %dma_start3A_204 = tpu.memref_slice %arg4[%dma_start3A_202, %dma_start3A_203] : memref<20000x128xf32, #tpu.memory_space<hbm>> -> memref<20000x128xf32, #tpu.memory_space<hbm>>
        tpu.enqueue_indirect_dma source(%dma_start3A_204 : memref<20000x128xf32, #tpu.memory_space<hbm>>) target(%arg17 : memref<40x128xf32, #tpu.memory_space<vmem>>) offsets(%dma_start3A_201 : memref<40xi32, #tpu.memory_space<vmem>>) semaphore(%arg22 : memref<!tpu.dma_semaphore, #tpu.memory_space<semaphore_mem>>)
      } else {
      }
      %dma_start3A_188 = arith.constant 2 : i32
      %dma_start3A_189 = arith.constant 0 : i32
      %dma_start3A_190 = arith.constant 0 : i32
      %dma_start3A_191 = tpu.memref_slice %arg19[%dma_start3A_189, %dma_start3A_190] : memref<80x128xf32, #tpu.memory_space<vmem>> -> memref<40x128xf32, #tpu.memory_space<vmem>>
      %dma_start3A_192 = arith.constant 0 : i32
      %dma_start3A_193 = tpu.memref_slice %arg12[%dma_start3A_188, %dma_start3A_192] : memref<3x40xi32, #tpu.memory_space<vmem>> -> memref<1x40xi32, #tpu.memory_space<vmem>>
      %dma_start3A_194 = tpu.memref_squeeze %dma_start3A_193 : memref<1x40xi32, #tpu.memory_space<vmem>> -> memref<40xi32, #tpu.memory_space<vmem>>
      %dma_start3A_195 = arith.constant 0 : i32
      %dma_start3A_196 = arith.constant 0 : i32
      %dma_start3A_197 = tpu.memref_slice %arg10[%dma_start3A_195, %dma_start3A_196] : memref<10000x128xf32, #tpu.memory_space<vmem_shared>> -> memref<10000x128xf32, #tpu.memory_space<vmem_shared>>
      tpu.enqueue_indirect_dma source(%dma_start3A_191 : memref<40x128xf32, #tpu.memory_space<vmem>>) target(%dma_start3A_197 : memref<10000x128xf32, #tpu.memory_space<vmem_shared>>) offsets(%dma_start3A_194 : memref<40xi32, #tpu.memory_space<vmem>>) semaphore(%arg24 : memref<!tpu.dma_semaphore, #tpu.memory_space<semaphore_mem>>) {add = true}
    }
    %scan3A_90 = arith.constant 125 : i32
    %dma_wait3A_91 = arith.constant 2 : i32
    %dma_wait3A_92 = arith.constant 0 : i32
    %dma_wait3A_93 = arith.constant 0 : i32
    %dma_wait3A_94 = tpu.memref_slice %arg18[%dma_wait3A_92, %dma_wait3A_93] : memref<80x128xf32, #tpu.memory_space<vmem>> -> memref<40x128xf32, #tpu.memory_space<vmem>>
    %dma_wait3A_95 = arith.constant 0 : i32
    %dma_wait3A_96 = tpu.memref_slice %arg11[%dma_wait3A_91, %dma_wait3A_95] : memref<3x40xi32, #tpu.memory_space<vmem>> -> memref<1x40xi32, #tpu.memory_space<vmem>>
    %dma_wait3A_97 = tpu.memref_squeeze %dma_wait3A_96 : memref<1x40xi32, #tpu.memory_space<vmem>> -> memref<40xi32, #tpu.memory_space<vmem>>
    %dma_wait3A_98 = arith.constant 0 : i32
    %dma_wait3A_99 = arith.constant 0 : i32
    %dma_wait3A_100 = tpu.memref_slice %arg10[%dma_wait3A_98, %dma_wait3A_99] : memref<10000x128xf32, #tpu.memory_space<vmem_shared>> -> memref<10000x128xf32, #tpu.memory_space<vmem_shared>>
    tpu.wait_indirect_dma semaphore(%arg23 : memref<!tpu.dma_semaphore, #tpu.memory_space<semaphore_mem>>) src(%dma_wait3A_94 : memref<40x128xf32, #tpu.memory_space<vmem>>) dst(%dma_wait3A_100 : memref<10000x128xf32, #tpu.memory_space<vmem_shared>>)
    %dma_wait3A_101 = arith.constant 2 : i32
    %dma_wait3A_102 = arith.constant 0 : i32
    %dma_wait3A_103 = arith.constant 0 : i32
    %dma_wait3A_104 = tpu.memref_slice %arg19[%dma_wait3A_102, %dma_wait3A_103] : memref<80x128xf32, #tpu.memory_space<vmem>> -> memref<40x128xf32, #tpu.memory_space<vmem>>
    %dma_wait3A_105 = arith.constant 0 : i32
    %dma_wait3A_106 = tpu.memref_slice %arg12[%dma_wait3A_101, %dma_wait3A_105] : memref<3x40xi32, #tpu.memory_space<vmem>> -> memref<1x40xi32, #tpu.memory_space<vmem>>
    %dma_wait3A_107 = tpu.memref_squeeze %dma_wait3A_106 : memref<1x40xi32, #tpu.memory_space<vmem>> -> memref<40xi32, #tpu.memory_space<vmem>>
    %dma_wait3A_108 = arith.constant 0 : i32
    %dma_wait3A_109 = arith.constant 0 : i32
    %dma_wait3A_110 = tpu.memref_slice %arg10[%dma_wait3A_108, %dma_wait3A_109] : memref<10000x128xf32, #tpu.memory_space<vmem_shared>> -> memref<10000x128xf32, #tpu.memory_space<vmem_shared>>
    tpu.wait_indirect_dma semaphore(%arg24 : memref<!tpu.dma_semaphore, #tpu.memory_space<semaphore_mem>>) src(%dma_wait3A_104 : memref<40x128xf32, #tpu.memory_space<vmem>>) dst(%dma_wait3A_110 : memref<10000x128xf32, #tpu.memory_space<vmem_shared>>)
    %barrier3A_111 = arith.constant 0 : index
    tpu.barrier barrier_id(%barrier3A_111)
    %add3A_112 = arith.addi %mul3A_0, %mul3A_2 : i32
    "tpu.region"() ({
      %run_scoped3A_118 = tpu.sem_alloc : memref<!tpu.dma_semaphore, #tpu.memory_space<semaphore_mem>>
      %dma_start3A_119 = arith.constant 0 : i32
      %dma_start3A_120 = tpu.memref_slice %arg9[%add3A_112, %dma_start3A_119] : memref<20000x128xf32, #tpu.memory_space<hbm>> -> memref<624x128xf32, #tpu.memory_space<hbm>>
      %dma_start3A_121 = arith.constant 0 : i32
      %dma_start3A_122 = tpu.memref_slice %arg10[%mul3A_2, %dma_start3A_121] : memref<10000x128xf32, #tpu.memory_space<vmem_shared>> -> memref<624x128xf32, #tpu.memory_space<vmem_shared>>
      tpu.enqueue_dma source(%dma_start3A_122 : memref<624x128xf32, #tpu.memory_space<vmem_shared>>) target(%dma_start3A_120 : memref<624x128xf32, #tpu.memory_space<hbm>>) target_semaphore(%run_scoped3A_118 : memref<!tpu.dma_semaphore, #tpu.memory_space<semaphore_mem>>)
      %dma_wait3A_123 = arith.constant 0 : i32
      %dma_wait3A_124 = tpu.memref_slice %arg9[%add3A_112, %dma_wait3A_123] : memref<20000x128xf32, #tpu.memory_space<hbm>> -> memref<624x128xf32, #tpu.memory_space<hbm>>
      %dma_wait3A_125 = arith.constant 0 : i32
      %dma_wait3A_126 = tpu.memref_slice %arg10[%mul3A_2, %dma_wait3A_125] : memref<10000x128xf32, #tpu.memory_space<vmem_shared>> -> memref<624x128xf32, #tpu.memory_space<vmem_shared>>
      tpu.wait_dma2 semaphore(%run_scoped3A_118 : memref<!tpu.dma_semaphore, #tpu.memory_space<semaphore_mem>>) src(%dma_wait3A_126 : memref<624x128xf32, #tpu.memory_space<vmem_shared>>) dst(%dma_wait3A_124 : memref<624x128xf32, #tpu.memory_space<hbm>>)
      tpu.yield
    }) : () -> ()
    %eq3A_113 = arith.constant 15 : i32
    %eq3A_114 = arith.cmpi eq, %arg1, %eq3A_113 : i32
    %convert_element_type3A_115 = arith.extui %eq3A_114 : i1 to i32
    %cond3A_116 = arith.constant 0 : i32
    %cond3A_117 = arith.cmpi ne, %convert_element_type3A_115, %cond3A_116 : i32
    scf.if %cond3A_117 {
      %add3A_118 = arith.constant 9984 : i32
      %add3A_119 = arith.addi %mul3A_0, %add3A_118 : i32
      "tpu.region"() ({
        %run_scoped3A_120 = tpu.sem_alloc : memref<!tpu.dma_semaphore, #tpu.memory_space<semaphore_mem>>
        %dma_start3A_121 = arith.constant 0 : i32
        %dma_start3A_122 = tpu.memref_slice %arg9[%add3A_119, %dma_start3A_121] : memref<20000x128xf32, #tpu.memory_space<hbm>> -> memref<16x128xf32, #tpu.memory_space<hbm>>
        %dma_start3A_123 = arith.constant 9984 : i32
        %dma_start3A_124 = arith.constant 0 : i32
        %dma_start3A_125 = tpu.memref_slice %arg10[%dma_start3A_123, %dma_start3A_124] : memref<10000x128xf32, #tpu.memory_space<vmem_shared>> -> memref<16x128xf32, #tpu.memory_space<vmem_shared>>
        tpu.enqueue_dma source(%dma_start3A_125 : memref<16x128xf32, #tpu.memory_space<vmem_shared>>) target(%dma_start3A_122 : memref<16x128xf32, #tpu.memory_space<hbm>>) target_semaphore(%run_scoped3A_120 : memref<!tpu.dma_semaphore, #tpu.memory_space<semaphore_mem>>)
        %dma_wait3A_126 = arith.constant 0 : i32
        %dma_wait3A_127 = tpu.memref_slice %arg9[%add3A_119, %dma_wait3A_126] : memref<20000x128xf32, #tpu.memory_space<hbm>> -> memref<16x128xf32, #tpu.memory_space<hbm>>
        %dma_wait3A_128 = arith.constant 9984 : i32
        %dma_wait3A_129 = arith.constant 0 : i32
        %dma_wait3A_130 = tpu.memref_slice %arg10[%dma_wait3A_128, %dma_wait3A_129] : memref<10000x128xf32, #tpu.memory_space<vmem_shared>> -> memref<16x128xf32, #tpu.memory_space<vmem_shared>>
        tpu.wait_dma2 semaphore(%run_scoped3A_120 : memref<!tpu.dma_semaphore, #tpu.memory_space<semaphore_mem>>) src(%dma_wait3A_130 : memref<16x128xf32, #tpu.memory_space<vmem_shared>>) dst(%dma_wait3A_127 : memref<16x128xf32, #tpu.memory_space<hbm>>)
        tpu.yield
      }) : () -> ()
    } else {
    }
    return
  }
}

module attributes {stable_mosaic.version = 14 : i64} {
  func.func @_pre_body(%arg0: i32, %arg1: memref<1000x256xf32, #tpu.memory_space<vmem>>, %arg2: memref<256x768xf32, #tpu.memory_space<vmem>>, %arg3: memref<1x768xf32, #tpu.memory_space<vmem>>, %arg4: memref<256x256xf32, #tpu.memory_space<vmem>>, %arg5: memref<1x256xf32, #tpu.memory_space<vmem>>, %arg6: memref<256x256xf32, #tpu.memory_space<vmem>>, %arg7: memref<1000x768xf32, #tpu.memory_space<vmem>>, %arg8: memref<2x1000x128xf32, #tpu.memory_space<vmem>>, %arg9: memref<2x1000x128xf32, #tpu.memory_space<vmem>>, %arg10: memref<2x1000x256xf32, #tpu.memory_space<vmem>>) attributes {dimension_semantics = [#tpu.dimension_semantics<arbitrary>], iteration_bounds = array<i64: 10>, scalar_prefetch = 0 : i64, scratch_operands = 0 : i64, tpu.core_type = #tpu.core_type<tc>, window_params = [{transform_indices = @transform_0, window_bounds = array<i64: 1000, 256>}, {pipeline_mode = #tpu.pipeline_mode<synchronous>, transform_indices = @transform_1, window_bounds = array<i64: 256, 768>}, {pipeline_mode = #tpu.pipeline_mode<synchronous>, transform_indices = @transform_2, window_bounds = array<i64: 1, 768>}, {pipeline_mode = #tpu.pipeline_mode<synchronous>, transform_indices = @transform_3, window_bounds = array<i64: 256, 256>}, {pipeline_mode = #tpu.pipeline_mode<synchronous>, transform_indices = @transform_4, window_bounds = array<i64: 1, 256>}, {pipeline_mode = #tpu.pipeline_mode<synchronous>, transform_indices = @transform_5, window_bounds = array<i64: 256, 256>}, {transform_indices = @transform_6, window_bounds = array<i64: 1000, 768>}, {transform_indices = @transform_7, window_bounds = array<i64: 2, 1000, 128>}, {transform_indices = @transform_8, window_bounds = array<i64: 2, 1000, 128>}, {transform_indices = @transform_9, window_bounds = array<i64: 2, 1000, 256>}]} {
    %get3A = arith.constant 0 : index
    %get3A_0 = arith.constant 0 : index
    %get3A_1 = vector.load %arg1[%get3A, %get3A_0] : memref<1000x256xf32, #tpu.memory_space<vmem>>, vector<1000x256xf32>
    %get3A_2 = arith.constant 0 : index
    %get3A_3 = arith.constant 0 : index
    %get3A_4 = vector.load %arg2[%get3A_2, %get3A_3] : memref<256x768xf32, #tpu.memory_space<vmem>>, vector<256x768xf32>
    %dot_general3A = arith.constant dense<0.000000e+00> : vector<1000x768xf32>
    %dot_general3A_5 = tpu.matmul %get3A_1, %get3A_4, %dot_general3A {dimension_numbers = #tpu.dot_dimension_numbers<[1], [0], [0], [1], [0, 0, 1, 1], [], []>, transpose_lhs_hint = false} : vector<1000x256xf32>, vector<256x768xf32>, vector<1000x768xf32> -> vector<1000x768xf32>
    %get3A_6 = arith.constant 0 : index
    %get3A_7 = arith.constant 0 : index
    %get3A_8 = vector.load %arg3[%get3A_6, %get3A_7] : memref<1x768xf32, #tpu.memory_space<vmem>>, vector<1x768xf32>
    %add3A = vector.broadcast %get3A_8 : vector<1x768xf32> to vector<1000x768xf32>
    %add3A_9 = arith.addf %dot_general3A_5, %add3A : vector<1000x768xf32>
    %swap3A = arith.constant 0 : index
    %swap3A_10 = arith.constant 0 : index
    %swap3A_11 = vector.load %arg7[%swap3A, %swap3A_10] : memref<1000x768xf32, #tpu.memory_space<vmem>>, vector<1000x768xf32>
    tpu.vector_store %arg7[%swap3A, %swap3A_10], %add3A_9 {strides = array<i32>} : memref<1000x768xf32, #tpu.memory_space<vmem>>, vector<1000x768xf32>,
    %get3A_12 = arith.constant 0 : index
    %get3A_13 = arith.constant 0 : index
    %get3A_14 = vector.load %arg4[%get3A_12, %get3A_13] : memref<256x256xf32, #tpu.memory_space<vmem>>, vector<256x256xf32>
    %dot_general3A_15 = arith.constant dense<0.000000e+00> : vector<1000x256xf32>
    %dot_general3A_16 = tpu.matmul %get3A_1, %get3A_14, %dot_general3A_15 {dimension_numbers = #tpu.dot_dimension_numbers<[1], [0], [0], [1], [0, 0, 1, 1], [], []>, transpose_lhs_hint = false} : vector<1000x256xf32>, vector<256x256xf32>, vector<1000x256xf32> -> vector<1000x256xf32>
    %get3A_17 = arith.constant 0 : index
    %get3A_18 = arith.constant 0 : index
    %get3A_19 = vector.load %arg5[%get3A_17, %get3A_18] : memref<1x256xf32, #tpu.memory_space<vmem>>, vector<1x256xf32>
    %add3A_20 = vector.broadcast %get3A_19 : vector<1x256xf32> to vector<1000x256xf32>
    %add3A_21 = arith.addf %dot_general3A_16, %add3A_20 : vector<1000x256xf32>
    %slice3A = vector.extract_strided_slice %add3A_21 {offsets = [0, 0], sizes = [1000, 128], strides = [1, 1]} : vector<1000x256xf32> to vector<1000x128xf32>
    %swap3A_22 = arith.constant 0 : index
    %swap3A_23 = arith.constant 0 : index
    %swap3A_24 = arith.constant 0 : index
    %swap3A_25 = vector.load %arg8[%swap3A_22, %swap3A_23, %swap3A_24] : memref<2x1000x128xf32, #tpu.memory_space<vmem>>, vector<1x1000x128xf32>
    %swap3A_26 = vector.shape_cast %swap3A_25 : vector<1x1000x128xf32> to vector<1000x128xf32>
    %swap3A_27 = vector.shape_cast %slice3A : vector<1000x128xf32> to vector<1x1000x128xf32>
    tpu.vector_store %arg8[%swap3A_22, %swap3A_23, %swap3A_24], %swap3A_27 {strides = array<i32>} : memref<2x1000x128xf32, #tpu.memory_space<vmem>>, vector<1x1000x128xf32>,
    %slice3A_28 = vector.extract_strided_slice %add3A_21 {offsets = [0, 128], sizes = [1000, 128], strides = [1, 1]} : vector<1000x256xf32> to vector<1000x128xf32>
    %swap3A_29 = arith.constant 1 : index
    %swap3A_30 = arith.constant 0 : index
    %swap3A_31 = arith.constant 0 : index
    %swap3A_32 = vector.load %arg8[%swap3A_29, %swap3A_30, %swap3A_31] : memref<2x1000x128xf32, #tpu.memory_space<vmem>>, vector<1x1000x128xf32>
    %swap3A_33 = vector.shape_cast %swap3A_32 : vector<1x1000x128xf32> to vector<1000x128xf32>
    %swap3A_34 = vector.shape_cast %slice3A_28 : vector<1000x128xf32> to vector<1x1000x128xf32>
    tpu.vector_store %arg8[%swap3A_29, %swap3A_30, %swap3A_31], %swap3A_34 {strides = array<i32>} : memref<2x1000x128xf32, #tpu.memory_space<vmem>>, vector<1x1000x128xf32>,
    %slice3A_35 = vector.extract_strided_slice %add3A_9 {offsets = [0, 0], sizes = [1000, 256], strides = [1, 1]} : vector<1000x768xf32> to vector<1000x256xf32>
    %logistic3A = arith.negf %slice3A_35 : vector<1000x256xf32>
    %logistic3A_36 = math.exp %logistic3A : vector<1000x256xf32>
    %logistic3A_37 = arith.constant 1.000000e+00 : f32
    %logistic3A_38 = vector.broadcast %logistic3A_37 : f32 to vector<1000x256xf32>
    %logistic3A_39 = arith.addf %logistic3A_38, %logistic3A_36 : vector<1000x256xf32>
    %logistic3A_40 = arith.divf %logistic3A_38, %logistic3A_39 : vector<1000x256xf32>
    %slice3A_41 = vector.extract_strided_slice %add3A_9 {offsets = [0, 256], sizes = [1000, 256], strides = [1, 1]} : vector<1000x768xf32> to vector<1000x256xf32>
    %logistic3A_42 = arith.negf %slice3A_41 : vector<1000x256xf32>
    %logistic3A_43 = math.exp %logistic3A_42 : vector<1000x256xf32>
    %logistic3A_44 = arith.constant 1.000000e+00 : f32
    %logistic3A_45 = vector.broadcast %logistic3A_44 : f32 to vector<1000x256xf32>
    %logistic3A_46 = arith.addf %logistic3A_45, %logistic3A_43 : vector<1000x256xf32>
    %logistic3A_47 = arith.divf %logistic3A_45, %logistic3A_46 : vector<1000x256xf32>
    %slice3A_48 = vector.extract_strided_slice %add3A_9 {offsets = [0, 512], sizes = [1000, 256], strides = [1, 1]} : vector<1000x768xf32> to vector<1000x256xf32>
    %tanh3A = math.tanh %slice3A_48 : vector<1000x256xf32>
    %mul3A = arith.mulf %logistic3A_40, %tanh3A : vector<1000x256xf32>
    %tanh3A_49 = math.tanh %mul3A : vector<1000x256xf32>
    %mul3A_50 = arith.mulf %logistic3A_47, %tanh3A_49 : vector<1000x256xf32>
    %slice3A_51 = vector.extract_strided_slice %mul3A_50 {offsets = [0, 0], sizes = [1000, 128], strides = [1, 1]} : vector<1000x256xf32> to vector<1000x128xf32>
    %swap3A_52 = arith.constant 0 : index
    %swap3A_53 = arith.constant 0 : index
    %swap3A_54 = arith.constant 0 : index
    %swap3A_55 = vector.load %arg9[%swap3A_52, %swap3A_53, %swap3A_54] : memref<2x1000x128xf32, #tpu.memory_space<vmem>>, vector<1x1000x128xf32>
    %swap3A_56 = vector.shape_cast %swap3A_55 : vector<1x1000x128xf32> to vector<1000x128xf32>
    %swap3A_57 = vector.shape_cast %slice3A_51 : vector<1000x128xf32> to vector<1x1000x128xf32>
    tpu.vector_store %arg9[%swap3A_52, %swap3A_53, %swap3A_54], %swap3A_57 {strides = array<i32>} : memref<2x1000x128xf32, #tpu.memory_space<vmem>>, vector<1x1000x128xf32>,
    %slice3A_58 = vector.extract_strided_slice %mul3A_50 {offsets = [0, 128], sizes = [1000, 128], strides = [1, 1]} : vector<1000x256xf32> to vector<1000x128xf32>
    %swap3A_59 = arith.constant 1 : index
    %swap3A_60 = arith.constant 0 : index
    %swap3A_61 = arith.constant 0 : index
    %swap3A_62 = vector.load %arg9[%swap3A_59, %swap3A_60, %swap3A_61] : memref<2x1000x128xf32, #tpu.memory_space<vmem>>, vector<1x1000x128xf32>
    %swap3A_63 = vector.shape_cast %swap3A_62 : vector<1x1000x128xf32> to vector<1000x128xf32>
    %swap3A_64 = vector.shape_cast %slice3A_58 : vector<1000x128xf32> to vector<1x1000x128xf32>
    tpu.vector_store %arg9[%swap3A_59, %swap3A_60, %swap3A_61], %swap3A_64 {strides = array<i32>} : memref<2x1000x128xf32, #tpu.memory_space<vmem>>, vector<1x1000x128xf32>,
    %get3A_65 = arith.constant 0 : index
    %get3A_66 = arith.constant 0 : index
    %get3A_67 = vector.load %arg6[%get3A_65, %get3A_66] : memref<256x256xf32, #tpu.memory_space<vmem>>, vector<256x256xf32>
    %dot_general3A_68 = arith.constant dense<0.000000e+00> : vector<1000x256xf32>
    %dot_general3A_69 = tpu.matmul %mul3A_50, %get3A_67, %dot_general3A_68 {dimension_numbers = #tpu.dot_dimension_numbers<[1], [0], [0], [1], [0, 0, 1, 1], [], []>, transpose_lhs_hint = false} : vector<1000x256xf32>, vector<256x256xf32>, vector<1000x256xf32> -> vector<1000x256xf32>
    %slice3A_70 = vector.extract_strided_slice %dot_general3A_69 {offsets = [0, 0], sizes = [1000, 128], strides = [1, 1]} : vector<1000x256xf32> to vector<1000x128xf32>
    %swap3A_71 = arith.constant 0 : index
    %swap3A_72 = arith.constant 0 : index
    %swap3A_73 = arith.constant 0 : index
    %swap3A_74 = vector.load %arg10[%swap3A_71, %swap3A_72, %swap3A_73] : memref<2x1000x256xf32, #tpu.memory_space<vmem>>, vector<1x1000x128xf32>
    %swap3A_75 = vector.shape_cast %swap3A_74 : vector<1x1000x128xf32> to vector<1000x128xf32>
    %swap3A_76 = vector.shape_cast %slice3A_70 : vector<1000x128xf32> to vector<1x1000x128xf32>
    tpu.vector_store %arg10[%swap3A_71, %swap3A_72, %swap3A_73], %swap3A_76 {strides = array<i32>} : memref<2x1000x256xf32, #tpu.memory_space<vmem>>, vector<1x1000x128xf32>,
    %slice3A_77 = vector.extract_strided_slice %mul3A {offsets = [0, 0], sizes = [1000, 128], strides = [1, 1]} : vector<1000x256xf32> to vector<1000x128xf32>
    %swap3A_78 = arith.constant 0 : index
    %swap3A_79 = arith.constant 0 : index
    %swap3A_80 = arith.constant 128 : index
    %swap3A_81 = vector.load %arg10[%swap3A_78, %swap3A_79, %swap3A_80] : memref<2x1000x256xf32, #tpu.memory_space<vmem>>, vector<1x1000x128xf32>
    %swap3A_82 = vector.shape_cast %swap3A_81 : vector<1x1000x128xf32> to vector<1000x128xf32>
    %swap3A_83 = vector.shape_cast %slice3A_77 : vector<1000x128xf32> to vector<1x1000x128xf32>
    tpu.vector_store %arg10[%swap3A_78, %swap3A_79, %swap3A_80], %swap3A_83 {strides = array<i32>} : memref<2x1000x256xf32, #tpu.memory_space<vmem>>, vector<1x1000x128xf32>,
    %slice3A_84 = vector.extract_strided_slice %dot_general3A_69 {offsets = [0, 128], sizes = [1000, 128], strides = [1, 1]} : vector<1000x256xf32> to vector<1000x128xf32>
    %swap3A_85 = arith.constant 1 : index
    %swap3A_86 = arith.constant 0 : index
    %swap3A_87 = arith.constant 0 : index
    %swap3A_88 = vector.load %arg10[%swap3A_85, %swap3A_86, %swap3A_87] : memref<2x1000x256xf32, #tpu.memory_space<vmem>>, vector<1x1000x128xf32>
    %swap3A_89 = vector.shape_cast %swap3A_88 : vector<1x1000x128xf32> to vector<1000x128xf32>
    %swap3A_90 = vector.shape_cast %slice3A_84 : vector<1000x128xf32> to vector<1x1000x128xf32>
    tpu.vector_store %arg10[%swap3A_85, %swap3A_86, %swap3A_87], %swap3A_90 {strides = array<i32>} : memref<2x1000x256xf32, #tpu.memory_space<vmem>>, vector<1x1000x128xf32>,
    %slice3A_91 = vector.extract_strided_slice %mul3A {offsets = [0, 128], sizes = [1000, 128], strides = [1, 1]} : vector<1000x256xf32> to vector<1000x128xf32>
    %swap3A_92 = arith.constant 1 : index
    %swap3A_93 = arith.constant 0 : index
    %swap3A_94 = arith.constant 128 : index
    %swap3A_95 = vector.load %arg10[%swap3A_92, %swap3A_93, %swap3A_94] : memref<2x1000x256xf32, #tpu.memory_space<vmem>>, vector<1x1000x128xf32>
    %swap3A_96 = vector.shape_cast %swap3A_95 : vector<1x1000x128xf32> to vector<1000x128xf32>
    %swap3A_97 = vector.shape_cast %slice3A_91 : vector<1000x128xf32> to vector<1x1000x128xf32>
    tpu.vector_store %arg10[%swap3A_92, %swap3A_93, %swap3A_94], %swap3A_97 {strides = array<i32>} : memref<2x1000x256xf32, #tpu.memory_space<vmem>>, vector<1x1000x128xf32>,
    return
  }
  func.func @transform_0(%arg0: i32) -> (i32, i32) {
    %c0_i32 = arith.constant 0 : i32
    %c0_i32_0 = arith.constant 0 : i32
    return %arg0, %c0_i32 : i32, i32
  }
  func.func @transform_1(%arg0: i32) -> (i32, i32) {
    %c0_i32 = arith.constant 0 : i32
    %c0_i32_0 = arith.constant 0 : i32
    %c0_i32_1 = arith.constant 0 : i32
    return %c0_i32, %c0_i32_0 : i32, i32
  }
  func.func @transform_2(%arg0: i32) -> (i32, i32) {
    %c0_i32 = arith.constant 0 : i32
    %c0_i32_0 = arith.constant 0 : i32
    %c0_i32_1 = arith.constant 0 : i32
    return %c0_i32, %c0_i32_0 : i32, i32
  }
  func.func @transform_3(%arg0: i32) -> (i32, i32) {
    %c0_i32 = arith.constant 0 : i32
    %c0_i32_0 = arith.constant 0 : i32
    %c0_i32_1 = arith.constant 0 : i32
    return %c0_i32, %c0_i32_0 : i32, i32
  }
  func.func @transform_4(%arg0: i32) -> (i32, i32) {
    %c0_i32 = arith.constant 0 : i32
    %c0_i32_0 = arith.constant 0 : i32
    %c0_i32_1 = arith.constant 0 : i32
    return %c0_i32, %c0_i32_0 : i32, i32
  }
  func.func @transform_5(%arg0: i32) -> (i32, i32) {
    %c0_i32 = arith.constant 0 : i32
    %c0_i32_0 = arith.constant 0 : i32
    %c0_i32_1 = arith.constant 0 : i32
    return %c0_i32, %c0_i32_0 : i32, i32
  }
  func.func @transform_6(%arg0: i32) -> (i32, i32) {
    %c0_i32 = arith.constant 0 : i32
    %c0_i32_0 = arith.constant 0 : i32
    return %arg0, %c0_i32 : i32, i32
  }
  func.func @transform_7(%arg0: i32) -> (i32, i32, i32) {
    %c0_i32 = arith.constant 0 : i32
    %c0_i32_0 = arith.constant 0 : i32
    %c0_i32_1 = arith.constant 0 : i32
    return %c0_i32, %arg0, %c0_i32_0 : i32, i32, i32
  }
  func.func @transform_8(%arg0: i32) -> (i32, i32, i32) {
    %c0_i32 = arith.constant 0 : i32
    %c0_i32_0 = arith.constant 0 : i32
    %c0_i32_1 = arith.constant 0 : i32
    return %c0_i32, %arg0, %c0_i32_0 : i32, i32, i32
  }
  func.func @transform_9(%arg0: i32) -> (i32, i32, i32) {
    %c0_i32 = arith.constant 0 : i32
    %c0_i32_0 = arith.constant 0 : i32
    %c0_i32_1 = arith.constant 0 : i32
    return %c0_i32, %arg0, %c0_i32_0 : i32, i32, i32
  }
}

module attributes {stable_mosaic.version = 14 : i64} {
  func.func @_step_body(%arg0: i32, %arg1: memref<2x1000x128xf32, #tpu.memory_space<vmem>>, %arg2: memref<2x1000x128xf32, #tpu.memory_space<vmem>>, %arg3: memref<1000x768xf32, #tpu.memory_space<vmem>>, %arg4: memref<256x768xf32, #tpu.memory_space<vmem>>, %arg5: memref<256x256xf32, #tpu.memory_space<vmem>>, %arg6: memref<2x1000x128xf32, #tpu.memory_space<vmem>>, %arg7: memref<2x1000x256xf32, #tpu.memory_space<vmem>>) attributes {dimension_semantics = [#tpu.dimension_semantics<arbitrary>], iteration_bounds = array<i64: 10>, scalar_prefetch = 0 : i64, scratch_operands = 0 : i64, tpu.core_type = #tpu.core_type<tc>, window_params = [{transform_indices = @transform_0, window_bounds = array<i64: 2, 1000, 128>}, {transform_indices = @transform_1, window_bounds = array<i64: 2, 1000, 128>}, {transform_indices = @transform_2, window_bounds = array<i64: 1000, 768>}, {pipeline_mode = #tpu.pipeline_mode<synchronous>, transform_indices = @transform_3, window_bounds = array<i64: 256, 768>}, {pipeline_mode = #tpu.pipeline_mode<synchronous>, transform_indices = @transform_4, window_bounds = array<i64: 256, 256>}, {transform_indices = @transform_5, window_bounds = array<i64: 2, 1000, 128>}, {transform_indices = @transform_6, window_bounds = array<i64: 2, 1000, 256>}]} {
    %get3A = arith.constant 0 : index
    %get3A_0 = arith.constant 0 : index
    %get3A_1 = arith.constant 0 : index
    %get3A_2 = vector.load %arg1[%get3A, %get3A_0, %get3A_1] : memref<2x1000x128xf32, #tpu.memory_space<vmem>>, vector<1x1000x128xf32>
    %get3A_3 = vector.shape_cast %get3A_2 : vector<1x1000x128xf32> to vector<1000x128xf32>
    %get3A_4 = arith.constant 1 : index
    %get3A_5 = arith.constant 0 : index
    %get3A_6 = arith.constant 0 : index
    %get3A_7 = vector.load %arg1[%get3A_4, %get3A_5, %get3A_6] : memref<2x1000x128xf32, #tpu.memory_space<vmem>>, vector<1x1000x128xf32>
    %get3A_8 = vector.shape_cast %get3A_7 : vector<1x1000x128xf32> to vector<1000x128xf32>
    %concatenate3A = tpu.concatenate %get3A_3, %get3A_8 in 1 : vector<1000x128xf32>, vector<1000x128xf32> -> vector<1000x256xf32>
    %get3A_9 = arith.constant 0 : index
    %get3A_10 = arith.constant 0 : index
    %get3A_11 = vector.load %arg3[%get3A_9, %get3A_10] : memref<1000x768xf32, #tpu.memory_space<vmem>>, vector<1000x768xf32>
    %get3A_12 = arith.constant 0 : index
    %get3A_13 = arith.constant 0 : index
    %get3A_14 = vector.load %arg4[%get3A_12, %get3A_13] : memref<256x768xf32, #tpu.memory_space<vmem>>, vector<256x768xf32>
    %dot_general3A = arith.constant dense<0.000000e+00> : vector<1000x768xf32>
    %dot_general3A_15 = tpu.matmul %concatenate3A, %get3A_14, %dot_general3A {dimension_numbers = #tpu.dot_dimension_numbers<[1], [0], [0], [1], [0, 0, 1, 1], [], []>, transpose_lhs_hint = false} : vector<1000x256xf32>, vector<256x768xf32>, vector<1000x768xf32> -> vector<1000x768xf32>
    %add3A = arith.addf %get3A_11, %dot_general3A_15 : vector<1000x768xf32>
    %slice3A = vector.extract_strided_slice %add3A {offsets = [0, 0], sizes = [1000, 256], strides = [1, 1]} : vector<1000x768xf32> to vector<1000x256xf32>
    %logistic3A = arith.negf %slice3A : vector<1000x256xf32>
    %logistic3A_16 = math.exp %logistic3A : vector<1000x256xf32>
    %logistic3A_17 = arith.constant 1.000000e+00 : f32
    %logistic3A_18 = vector.broadcast %logistic3A_17 : f32 to vector<1000x256xf32>
    %logistic3A_19 = arith.addf %logistic3A_18, %logistic3A_16 : vector<1000x256xf32>
    %logistic3A_20 = arith.divf %logistic3A_18, %logistic3A_19 : vector<1000x256xf32>
    %slice3A_21 = vector.extract_strided_slice %add3A {offsets = [0, 256], sizes = [1000, 256], strides = [1, 1]} : vector<1000x768xf32> to vector<1000x256xf32>
    %logistic3A_22 = arith.negf %slice3A_21 : vector<1000x256xf32>
    %logistic3A_23 = math.exp %logistic3A_22 : vector<1000x256xf32>
    %logistic3A_24 = arith.constant 1.000000e+00 : f32
    %logistic3A_25 = vector.broadcast %logistic3A_24 : f32 to vector<1000x256xf32>
    %logistic3A_26 = arith.addf %logistic3A_25, %logistic3A_23 : vector<1000x256xf32>
    %logistic3A_27 = arith.divf %logistic3A_25, %logistic3A_26 : vector<1000x256xf32>
    %slice3A_28 = vector.extract_strided_slice %add3A {offsets = [0, 512], sizes = [1000, 256], strides = [1, 1]} : vector<1000x768xf32> to vector<1000x256xf32>
    %tanh3A = math.tanh %slice3A_28 : vector<1000x256xf32>
    %mul3A = arith.mulf %logistic3A_20, %tanh3A : vector<1000x256xf32>
    %get3A_29 = arith.constant 0 : index
    %get3A_30 = arith.constant 0 : index
    %get3A_31 = arith.constant 0 : index
    %get3A_32 = vector.load %arg2[%get3A_29, %get3A_30, %get3A_31] : memref<2x1000x128xf32, #tpu.memory_space<vmem>>, vector<1x1000x128xf32>
    %get3A_33 = vector.shape_cast %get3A_32 : vector<1x1000x128xf32> to vector<1000x128xf32>
    %get3A_34 = arith.constant 1 : index
    %get3A_35 = arith.constant 0 : index
    %get3A_36 = arith.constant 0 : index
    %get3A_37 = vector.load %arg2[%get3A_34, %get3A_35, %get3A_36] : memref<2x1000x128xf32, #tpu.memory_space<vmem>>, vector<1x1000x128xf32>
    %get3A_38 = vector.shape_cast %get3A_37 : vector<1x1000x128xf32> to vector<1000x128xf32>
    %concatenate3A_39 = tpu.concatenate %get3A_33, %get3A_38 in 1 : vector<1000x128xf32>, vector<1000x128xf32> -> vector<1000x256xf32>
    %add3A_40 = arith.addf %mul3A, %concatenate3A_39 : vector<1000x256xf32>
    %tanh3A_41 = math.tanh %add3A_40 : vector<1000x256xf32>
    %mul3A_42 = arith.mulf %logistic3A_27, %tanh3A_41 : vector<1000x256xf32>
    %slice3A_43 = vector.extract_strided_slice %mul3A_42 {offsets = [0, 0], sizes = [1000, 128], strides = [1, 1]} : vector<1000x256xf32> to vector<1000x128xf32>
    %swap3A = arith.constant 0 : index
    %swap3A_44 = arith.constant 0 : index
    %swap3A_45 = arith.constant 0 : index
    %swap3A_46 = vector.load %arg6[%swap3A, %swap3A_44, %swap3A_45] : memref<2x1000x128xf32, #tpu.memory_space<vmem>>, vector<1x1000x128xf32>
    %swap3A_47 = vector.shape_cast %swap3A_46 : vector<1x1000x128xf32> to vector<1000x128xf32>
    %swap3A_48 = vector.shape_cast %slice3A_43 : vector<1000x128xf32> to vector<1x1000x128xf32>
    tpu.vector_store %arg6[%swap3A, %swap3A_44, %swap3A_45], %swap3A_48 {strides = array<i32>} : memref<2x1000x128xf32, #tpu.memory_space<vmem>>, vector<1x1000x128xf32>,
    %slice3A_49 = vector.extract_strided_slice %mul3A_42 {offsets = [0, 128], sizes = [1000, 128], strides = [1, 1]} : vector<1000x256xf32> to vector<1000x128xf32>
    %swap3A_50 = arith.constant 1 : index
    %swap3A_51 = arith.constant 0 : index
    %swap3A_52 = arith.constant 0 : index
    %swap3A_53 = vector.load %arg6[%swap3A_50, %swap3A_51, %swap3A_52] : memref<2x1000x128xf32, #tpu.memory_space<vmem>>, vector<1x1000x128xf32>
    %swap3A_54 = vector.shape_cast %swap3A_53 : vector<1x1000x128xf32> to vector<1000x128xf32>
    %swap3A_55 = vector.shape_cast %slice3A_49 : vector<1000x128xf32> to vector<1x1000x128xf32>
    tpu.vector_store %arg6[%swap3A_50, %swap3A_51, %swap3A_52], %swap3A_55 {strides = array<i32>} : memref<2x1000x128xf32, #tpu.memory_space<vmem>>, vector<1x1000x128xf32>,
    %get3A_56 = arith.constant 0 : index
    %get3A_57 = arith.constant 0 : index
    %get3A_58 = vector.load %arg5[%get3A_56, %get3A_57] : memref<256x256xf32, #tpu.memory_space<vmem>>, vector<256x256xf32>
    %dot_general3A_59 = arith.constant dense<0.000000e+00> : vector<1000x256xf32>
    %dot_general3A_60 = tpu.matmul %mul3A_42, %get3A_58, %dot_general3A_59 {dimension_numbers = #tpu.dot_dimension_numbers<[1], [0], [0], [1], [0, 0, 1, 1], [], []>, transpose_lhs_hint = false} : vector<1000x256xf32>, vector<256x256xf32>, vector<1000x256xf32> -> vector<1000x256xf32>
    %slice3A_61 = vector.extract_strided_slice %dot_general3A_60 {offsets = [0, 0], sizes = [1000, 128], strides = [1, 1]} : vector<1000x256xf32> to vector<1000x128xf32>
    %swap3A_62 = arith.constant 0 : index
    %swap3A_63 = arith.constant 0 : index
    %swap3A_64 = arith.constant 0 : index
    %swap3A_65 = vector.load %arg7[%swap3A_62, %swap3A_63, %swap3A_64] : memref<2x1000x256xf32, #tpu.memory_space<vmem>>, vector<1x1000x128xf32>
    %swap3A_66 = vector.shape_cast %swap3A_65 : vector<1x1000x128xf32> to vector<1000x128xf32>
    %swap3A_67 = vector.shape_cast %slice3A_61 : vector<1000x128xf32> to vector<1x1000x128xf32>
    tpu.vector_store %arg7[%swap3A_62, %swap3A_63, %swap3A_64], %swap3A_67 {strides = array<i32>} : memref<2x1000x256xf32, #tpu.memory_space<vmem>>, vector<1x1000x128xf32>,
    %slice3A_68 = vector.extract_strided_slice %add3A_40 {offsets = [0, 0], sizes = [1000, 128], strides = [1, 1]} : vector<1000x256xf32> to vector<1000x128xf32>
    %swap3A_69 = arith.constant 0 : index
    %swap3A_70 = arith.constant 0 : index
    %swap3A_71 = arith.constant 128 : index
    %swap3A_72 = vector.load %arg7[%swap3A_69, %swap3A_70, %swap3A_71] : memref<2x1000x256xf32, #tpu.memory_space<vmem>>, vector<1x1000x128xf32>
    %swap3A_73 = vector.shape_cast %swap3A_72 : vector<1x1000x128xf32> to vector<1000x128xf32>
    %swap3A_74 = vector.shape_cast %slice3A_68 : vector<1000x128xf32> to vector<1x1000x128xf32>
    tpu.vector_store %arg7[%swap3A_69, %swap3A_70, %swap3A_71], %swap3A_74 {strides = array<i32>} : memref<2x1000x256xf32, #tpu.memory_space<vmem>>, vector<1x1000x128xf32>,
    %slice3A_75 = vector.extract_strided_slice %dot_general3A_60 {offsets = [0, 128], sizes = [1000, 128], strides = [1, 1]} : vector<1000x256xf32> to vector<1000x128xf32>
    %swap3A_76 = arith.constant 1 : index
    %swap3A_77 = arith.constant 0 : index
    %swap3A_78 = arith.constant 0 : index
    %swap3A_79 = vector.load %arg7[%swap3A_76, %swap3A_77, %swap3A_78] : memref<2x1000x256xf32, #tpu.memory_space<vmem>>, vector<1x1000x128xf32>
    %swap3A_80 = vector.shape_cast %swap3A_79 : vector<1x1000x128xf32> to vector<1000x128xf32>
    %swap3A_81 = vector.shape_cast %slice3A_75 : vector<1000x128xf32> to vector<1x1000x128xf32>
    tpu.vector_store %arg7[%swap3A_76, %swap3A_77, %swap3A_78], %swap3A_81 {strides = array<i32>} : memref<2x1000x256xf32, #tpu.memory_space<vmem>>, vector<1x1000x128xf32>,
    %slice3A_82 = vector.extract_strided_slice %add3A_40 {offsets = [0, 128], sizes = [1000, 128], strides = [1, 1]} : vector<1000x256xf32> to vector<1000x128xf32>
    %swap3A_83 = arith.constant 1 : index
    %swap3A_84 = arith.constant 0 : index
    %swap3A_85 = arith.constant 128 : index
    %swap3A_86 = vector.load %arg7[%swap3A_83, %swap3A_84, %swap3A_85] : memref<2x1000x256xf32, #tpu.memory_space<vmem>>, vector<1x1000x128xf32>
    %swap3A_87 = vector.shape_cast %swap3A_86 : vector<1x1000x128xf32> to vector<1000x128xf32>
    %swap3A_88 = vector.shape_cast %slice3A_82 : vector<1000x128xf32> to vector<1x1000x128xf32>
    tpu.vector_store %arg7[%swap3A_83, %swap3A_84, %swap3A_85], %swap3A_88 {strides = array<i32>} : memref<2x1000x256xf32, #tpu.memory_space<vmem>>, vector<1x1000x128xf32>,
    return
  }
  func.func @transform_0(%arg0: i32) -> (i32, i32, i32) {
    %c0_i32 = arith.constant 0 : i32
    %c0_i32_0 = arith.constant 0 : i32
    %c0_i32_1 = arith.constant 0 : i32
    return %c0_i32, %arg0, %c0_i32_0 : i32, i32, i32
  }
  func.func @transform_1(%arg0: i32) -> (i32, i32, i32) {
    %c0_i32 = arith.constant 0 : i32
    %c0_i32_0 = arith.constant 0 : i32
    %c0_i32_1 = arith.constant 0 : i32
    return %c0_i32, %arg0, %c0_i32_0 : i32, i32, i32
  }
  func.func @transform_2(%arg0: i32) -> (i32, i32) {
    %c0_i32 = arith.constant 0 : i32
    %c0_i32_0 = arith.constant 0 : i32
    return %arg0, %c0_i32 : i32, i32
  }
  func.func @transform_3(%arg0: i32) -> (i32, i32) {
    %c0_i32 = arith.constant 0 : i32
    %c0_i32_0 = arith.constant 0 : i32
    %c0_i32_1 = arith.constant 0 : i32
    return %c0_i32, %c0_i32_0 : i32, i32
  }
  func.func @transform_4(%arg0: i32) -> (i32, i32) {
    %c0_i32 = arith.constant 0 : i32
    %c0_i32_0 = arith.constant 0 : i32
    %c0_i32_1 = arith.constant 0 : i32
    return %c0_i32, %c0_i32_0 : i32, i32
  }
  func.func @transform_5(%arg0: i32) -> (i32, i32, i32) {
    %c0_i32 = arith.constant 0 : i32
    %c0_i32_0 = arith.constant 0 : i32
    %c0_i32_1 = arith.constant 0 : i32
    return %c0_i32, %arg0, %c0_i32_0 : i32, i32, i32
  }
  func.func @transform_6(%arg0: i32) -> (i32, i32, i32) {
    %c0_i32 = arith.constant 0 : i32
    %c0_i32_0 = arith.constant 0 : i32
    %c0_i32_1 = arith.constant 0 : i32
    return %c0_i32, %arg0, %c0_i32_0 : i32, i32, i32
  }
}

module attributes {stable_mosaic.version = 14 : i64} {
  func.func @_final_body(%arg0: i32, %arg1: memref<2x1000x128xf32, #tpu.memory_space<vmem>>, %arg2: memref<2x1000x128xf32, #tpu.memory_space<vmem>>, %arg3: memref<1000x768xf32, #tpu.memory_space<vmem>>, %arg4: memref<1000x1xi32, #tpu.memory_space<vmem>>, %arg5: memref<256x768xf32, #tpu.memory_space<vmem>>, %arg6: memref<256x128xf32, #tpu.memory_space<vmem>>, %arg7: memref<1x128xf32, #tpu.memory_space<vmem>>, %arg8: memref<1x1xf32, #tpu.memory_space<vmem>>) attributes {dimension_semantics = [#tpu.dimension_semantics<arbitrary>], iteration_bounds = array<i64: 10>, scalar_prefetch = 0 : i64, scratch_operands = 0 : i64, tpu.core_type = #tpu.core_type<tc>, window_params = [{transform_indices = @transform_0, window_bounds = array<i64: 2, 1000, 128>}, {transform_indices = @transform_1, window_bounds = array<i64: 2, 1000, 128>}, {transform_indices = @transform_2, window_bounds = array<i64: 1000, 768>}, {transform_indices = @transform_3, window_bounds = array<i64: 1000, 1>}, {pipeline_mode = #tpu.pipeline_mode<synchronous>, transform_indices = @transform_4, window_bounds = array<i64: 256, 768>}, {pipeline_mode = #tpu.pipeline_mode<synchronous>, transform_indices = @transform_5, window_bounds = array<i64: 256, 128>}, {pipeline_mode = #tpu.pipeline_mode<synchronous>, transform_indices = @transform_6, window_bounds = array<i64: 1, 128>}, {pipeline_mode = #tpu.pipeline_mode<synchronous>, transform_indices = @transform_7, window_bounds = array<i64: 1, 1>}]} {
    %get3A = arith.constant 0 : index
    %get3A_0 = arith.constant 0 : index
    %get3A_1 = arith.constant 0 : index
    %get3A_2 = vector.load %arg1[%get3A, %get3A_0, %get3A_1] : memref<2x1000x128xf32, #tpu.memory_space<vmem>>, vector<1x1000x128xf32>
    %get3A_3 = vector.shape_cast %get3A_2 : vector<1x1000x128xf32> to vector<1000x128xf32>
    %get3A_4 = arith.constant 1 : index
    %get3A_5 = arith.constant 0 : index
    %get3A_6 = arith.constant 0 : index
    %get3A_7 = vector.load %arg1[%get3A_4, %get3A_5, %get3A_6] : memref<2x1000x128xf32, #tpu.memory_space<vmem>>, vector<1x1000x128xf32>
    %get3A_8 = vector.shape_cast %get3A_7 : vector<1x1000x128xf32> to vector<1000x128xf32>
    %concatenate3A = tpu.concatenate %get3A_3, %get3A_8 in 1 : vector<1000x128xf32>, vector<1000x128xf32> -> vector<1000x256xf32>
    %get3A_9 = arith.constant 0 : index
    %get3A_10 = arith.constant 0 : index
    %get3A_11 = vector.load %arg3[%get3A_9, %get3A_10] : memref<1000x768xf32, #tpu.memory_space<vmem>>, vector<1000x768xf32>
    %get3A_12 = arith.constant 0 : index
    %get3A_13 = arith.constant 0 : index
    %get3A_14 = vector.load %arg5[%get3A_12, %get3A_13] : memref<256x768xf32, #tpu.memory_space<vmem>>, vector<256x768xf32>
    %dot_general3A = arith.constant dense<0.000000e+00> : vector<1000x768xf32>
    %dot_general3A_15 = tpu.matmul %concatenate3A, %get3A_14, %dot_general3A {dimension_numbers = #tpu.dot_dimension_numbers<[1], [0], [0], [1], [0, 0, 1, 1], [], []>, transpose_lhs_hint = false} : vector<1000x256xf32>, vector<256x768xf32>, vector<1000x768xf32> -> vector<1000x768xf32>
    %add3A = arith.addf %get3A_11, %dot_general3A_15 : vector<1000x768xf32>
    %slice3A = vector.extract_strided_slice %add3A {offsets = [0, 0], sizes = [1000, 256], strides = [1, 1]} : vector<1000x768xf32> to vector<1000x256xf32>
    %logistic3A = arith.negf %slice3A : vector<1000x256xf32>
    %logistic3A_16 = math.exp %logistic3A : vector<1000x256xf32>
    %logistic3A_17 = arith.constant 1.000000e+00 : f32
    %logistic3A_18 = vector.broadcast %logistic3A_17 : f32 to vector<1000x256xf32>
    %logistic3A_19 = arith.addf %logistic3A_18, %logistic3A_16 : vector<1000x256xf32>
    %logistic3A_20 = arith.divf %logistic3A_18, %logistic3A_19 : vector<1000x256xf32>
    %slice3A_21 = vector.extract_strided_slice %add3A {offsets = [0, 256], sizes = [1000, 256], strides = [1, 1]} : vector<1000x768xf32> to vector<1000x256xf32>
    %logistic3A_22 = arith.negf %slice3A_21 : vector<1000x256xf32>
    %logistic3A_23 = math.exp %logistic3A_22 : vector<1000x256xf32>
    %logistic3A_24 = arith.constant 1.000000e+00 : f32
    %logistic3A_25 = vector.broadcast %logistic3A_24 : f32 to vector<1000x256xf32>
    %logistic3A_26 = arith.addf %logistic3A_25, %logistic3A_23 : vector<1000x256xf32>
    %logistic3A_27 = arith.divf %logistic3A_25, %logistic3A_26 : vector<1000x256xf32>
    %slice3A_28 = vector.extract_strided_slice %add3A {offsets = [0, 512], sizes = [1000, 256], strides = [1, 1]} : vector<1000x768xf32> to vector<1000x256xf32>
    %tanh3A = math.tanh %slice3A_28 : vector<1000x256xf32>
    %mul3A = arith.mulf %logistic3A_20, %tanh3A : vector<1000x256xf32>
    %get3A_29 = arith.constant 0 : index
    %get3A_30 = arith.constant 0 : index
    %get3A_31 = arith.constant 0 : index
    %get3A_32 = vector.load %arg2[%get3A_29, %get3A_30, %get3A_31] : memref<2x1000x128xf32, #tpu.memory_space<vmem>>, vector<1x1000x128xf32>
    %get3A_33 = vector.shape_cast %get3A_32 : vector<1x1000x128xf32> to vector<1000x128xf32>
    %get3A_34 = arith.constant 1 : index
    %get3A_35 = arith.constant 0 : index
    %get3A_36 = arith.constant 0 : index
    %get3A_37 = vector.load %arg2[%get3A_34, %get3A_35, %get3A_36] : memref<2x1000x128xf32, #tpu.memory_space<vmem>>, vector<1x1000x128xf32>
    %get3A_38 = vector.shape_cast %get3A_37 : vector<1x1000x128xf32> to vector<1000x128xf32>
    %concatenate3A_39 = tpu.concatenate %get3A_33, %get3A_38 in 1 : vector<1000x128xf32>, vector<1000x128xf32> -> vector<1000x256xf32>
    %add3A_40 = arith.addf %mul3A, %concatenate3A_39 : vector<1000x256xf32>
    %tanh3A_41 = math.tanh %add3A_40 : vector<1000x256xf32>
    %mul3A_42 = arith.mulf %logistic3A_27, %tanh3A_41 : vector<1000x256xf32>
    %get3A_43 = arith.constant 0 : index
    %get3A_44 = arith.constant 0 : index
    %get3A_45 = vector.load %arg6[%get3A_43, %get3A_44] : memref<256x128xf32, #tpu.memory_space<vmem>>, vector<256x128xf32>
    %dot_general3A_46 = arith.constant dense<0.000000e+00> : vector<1000x128xf32>
    %dot_general3A_47 = tpu.matmul %mul3A_42, %get3A_45, %dot_general3A_46 {dimension_numbers = #tpu.dot_dimension_numbers<[1], [0], [0], [1], [0, 0, 1, 1], [], []>, transpose_lhs_hint = false} : vector<1000x256xf32>, vector<256x128xf32>, vector<1000x128xf32> -> vector<1000x128xf32>
    %get3A_48 = arith.constant 0 : index
    %get3A_49 = arith.constant 0 : index
    %get3A_50 = vector.load %arg7[%get3A_48, %get3A_49] : memref<1x128xf32, #tpu.memory_space<vmem>>, vector<1x128xf32>
    %add3A_51 = vector.broadcast %get3A_50 : vector<1x128xf32> to vector<1000x128xf32>
    %add3A_52 = arith.addf %dot_general3A_47, %add3A_51 : vector<1000x128xf32>
    %reduce_max3A = arith.constant dense<0xFF800000> : vector<1000xf32>
    %reduce_max3A_53 = vector.multi_reduction <maximumf>, %add3A_52, %reduce_max3A [1] : vector<1000x128xf32> to vector<1000xf32>
    %broadcast_in_dim3A = vector.shape_cast %reduce_max3A_53 : vector<1000xf32> to vector<1000x1xf32>
    %sub3A = vector.broadcast %broadcast_in_dim3A : vector<1000x1xf32> to vector<1000x128xf32>
    %sub3A_54 = arith.subf %add3A_52, %sub3A : vector<1000x128xf32>
    %exp3A = math.exp %sub3A_54 : vector<1000x128xf32>
    %reduce_sum3A = arith.constant dense<0.000000e+00> : vector<1000xf32>
    %reduce_sum3A_55 = vector.multi_reduction <add>, %exp3A, %reduce_sum3A [1] : vector<1000x128xf32> to vector<1000xf32>
    %broadcast_in_dim3A_56 = vector.shape_cast %reduce_sum3A_55 : vector<1000xf32> to vector<1000x1xf32>
    %log3A = math.log %broadcast_in_dim3A_56 : vector<1000x1xf32>
    %add3A_57 = arith.addf %broadcast_in_dim3A, %log3A : vector<1000x1xf32>
    %get3A_58 = arith.constant 0 : index
    %get3A_59 = arith.constant 0 : index
    %get3A_60 = vector.load %arg4[%get3A_58, %get3A_59] : memref<1000x1xi32, #tpu.memory_space<vmem>>, vector<1000x1xi32>
    %iota3A = tpu.iota {dimensions = array<i32: 1>} : vector<1000x128xi32>
    %eq3A = vector.broadcast %get3A_60 : vector<1000x1xi32> to vector<1000x128xi32>
    %eq3A_61 = arith.cmpi eq, %iota3A, %eq3A : vector<1000x128xi32>
    %jit3A = arith.constant 0.000000e+00 : f32
    %broadcast_in_dim3A_62 = vector.broadcast %jit3A : f32 to vector<1000x128xf32>
    %select_n3A = arith.select %eq3A_61, %add3A_52, %broadcast_in_dim3A_62 : vector<1000x128xi1>, vector<1000x128xf32>
    %reduce_sum3A_63 = arith.constant dense<0.000000e+00> : vector<1000xf32>
    %reduce_sum3A_64 = vector.multi_reduction <add>, %select_n3A, %reduce_sum3A_63 [1] : vector<1000x128xf32> to vector<1000xf32>
    %broadcast_in_dim3A_65 = vector.shape_cast %reduce_sum3A_64 : vector<1000xf32> to vector<1000x1xf32>
    %sub3A_66 = arith.subf %add3A_57, %broadcast_in_dim3A_65 : vector<1000x1xf32>
    %reduce_sum3A_67 = vector.shape_cast %sub3A_66 : vector<1000x1xf32> to vector<1x1000x1xf32>
    %reduce_sum3A_68 = arith.constant dense<0.000000e+00> : vector<1xf32>
    %reduce_sum3A_69 = vector.multi_reduction <add>, %reduce_sum3A_67, %reduce_sum3A_68 [1, 2] : vector<1x1000x1xf32> to vector<1xf32>
    %reduce_sum3A_70 = vector.shape_cast %reduce_sum3A_69 : vector<1xf32> to vector<1x1x1xf32>
    %reduce_sum3A_71 = vector.extract %reduce_sum3A_70[0, 0, 0] : f32 from vector<1x1x1xf32>
    %broadcast_in_dim3A_72 = vector.broadcast %reduce_sum3A_71 : f32 to vector<1x1xf32>
    %mul3A_73 = arith.constant 9.99999974E-5 : f32
    %mul3A_74 = vector.broadcast %mul3A_73 : f32 to vector<1x1xf32>
    %mul3A_75 = arith.mulf %broadcast_in_dim3A_72, %mul3A_74 : vector<1x1xf32>
    %eq3A_76 = arith.constant 0 : i32
    %eq3A_77 = arith.cmpi eq, %arg0, %eq3A_76 : i32
    %convert_element_type3A = arith.extui %eq3A_77 : i1 to i32
    %cond3A = arith.constant 0 : i32
    %cond3A_78 = arith.cmpi ne, %convert_element_type3A, %cond3A : i32
    scf.if %cond3A_78 {
      %broadcast_in_dim3A_85 = arith.constant 0.000000e+00 : f32
      %broadcast_in_dim3A_86 = vector.broadcast %broadcast_in_dim3A_85 : f32 to vector<1x1xf32>
      %swap3A_87 = arith.constant 0 : index
      %swap3A_88 = arith.constant 0 : index
      %swap3A_89 = vector.load %arg8[%swap3A_87, %swap3A_88] : memref<1x1xf32, #tpu.memory_space<vmem>>, vector<1x1xf32>
      tpu.vector_store %arg8[%swap3A_87, %swap3A_88], %broadcast_in_dim3A_86 {strides = array<i32>} : memref<1x1xf32, #tpu.memory_space<vmem>>, vector<1x1xf32>,
    } else {
    }
    %get3A_79 = arith.constant 0 : index
    %get3A_80 = arith.constant 0 : index
    %get3A_81 = vector.load %arg8[%get3A_79, %get3A_80] : memref<1x1xf32, #tpu.memory_space<vmem>>, vector<1x1xf32>
    %add3A_82 = arith.addf %get3A_81, %mul3A_75 : vector<1x1xf32>
    %swap3A = arith.constant 0 : index
    %swap3A_83 = arith.constant 0 : index
    %swap3A_84 = vector.load %arg8[%swap3A, %swap3A_83] : memref<1x1xf32, #tpu.memory_space<vmem>>, vector<1x1xf32>
    tpu.vector_store %arg8[%swap3A, %swap3A_83], %add3A_82 {strides = array<i32>} : memref<1x1xf32, #tpu.memory_space<vmem>>, vector<1x1xf32>,
    return
  }
  func.func @transform_0(%arg0: i32) -> (i32, i32, i32) {
    %c0_i32 = arith.constant 0 : i32
    %c0_i32_0 = arith.constant 0 : i32
    %c0_i32_1 = arith.constant 0 : i32
    return %c0_i32, %arg0, %c0_i32_0 : i32, i32, i32
  }
  func.func @transform_1(%arg0: i32) -> (i32, i32, i32) {
    %c0_i32 = arith.constant 0 : i32
    %c0_i32_0 = arith.constant 0 : i32
    %c0_i32_1 = arith.constant 0 : i32
    return %c0_i32, %arg0, %c0_i32_0 : i32, i32, i32
  }
  func.func @transform_2(%arg0: i32) -> (i32, i32) {
    %c0_i32 = arith.constant 0 : i32
    %c0_i32_0 = arith.constant 0 : i32
    return %arg0, %c0_i32 : i32, i32
  }
  func.func @transform_3(%arg0: i32) -> (i32, i32) {
    %c0_i32 = arith.constant 0 : i32
    %c0_i32_0 = arith.constant 0 : i32
    return %arg0, %c0_i32 : i32, i32
  }
  func.func @transform_4(%arg0: i32) -> (i32, i32) {
    %c0_i32 = arith.constant 0 : i32
    %c0_i32_0 = arith.constant 0 : i32
    %c0_i32_1 = arith.constant 0 : i32
    return %c0_i32, %c0_i32_0 : i32, i32
  }
  func.func @transform_5(%arg0: i32) -> (i32, i32) {
    %c0_i32 = arith.constant 0 : i32
    %c0_i32_0 = arith.constant 0 : i32
    %c0_i32_1 = arith.constant 0 : i32
    return %c0_i32, %c0_i32_0 : i32, i32
  }
  func.func @transform_6(%arg0: i32) -> (i32, i32) {
    %c0_i32 = arith.constant 0 : i32
    %c0_i32_0 = arith.constant 0 : i32
    %c0_i32_1 = arith.constant 0 : i32
    return %c0_i32, %c0_i32_0 : i32, i32
  }
  func.func @transform_7(%arg0: i32) -> (i32, i32) {
    %c0_i32 = arith.constant 0 : i32
    %c0_i32_0 = arith.constant 0 : i32
    %c0_i32_1 = arith.constant 0 : i32
    return %c0_i32, %c0_i32_0 : i32, i32
  }
}

</mosaic_0001>

<sc_bundles>
// kernel: kernel.10.cloned.1.call-start
scs
__scs_entry_jumppad:
0x0: {  	(pc) =	sbr.rel $0x88, $3  }
0x1: {  	(tag) =	ssettag $0x0;
	lr =	simm.s32 $0x1  }
0x2: {  	[smem:$0x3F95] =	sst lr;
	_ =	strace $0xD0000000  }
0x3: {  	_ = 	snop  }
0x4: {  	_ = 	snop  }
0x5: {  	_ = 	snop  }
0x6: {  	_ = 	snop  }
0x7: {  	_ = 	snop  }
__scs_overlays_trampoline_lowered:
0x8: {  	[smem:$0x3FA4] =	sst s0  }
0x9: {  	[smem:$0x3FA5] =	sst s1  }
0xa: {  	[smem:$0x3FA6] =	sst s2  }
0xb: {  	[smem:$0x3FA7] =	sst s3  }
0xc: {  	[smem:$0x3FA8] =	sst s4  }
0xd: {  	[smem:$0x3FA9] =	sst s5  }
0xe: {  	[smem:$0x3FAA] =	sst s6  }
0xf: {  	[smem:$0x3FAB] =	sst s7  }
0x10: {  	[smem:$0x3FAC] =	sst s8  }
0x11: {  	[smem:$0x3FAD] =	sst s9;
	s0 =	simm.s32 @!p0 $0x0  }
0x12: {  	s1 =	sld [smem:$0x3F93];
	s0 =	simm.s32 @p0 $0x1  }
0x13: {  	[smem:$0x3FAE] =	sst s0;
	s0 =	simm.s32 @!p1 $0x0  }
0x14: {  	s2 =	sld [smem:$0x3F92];
	s0 =	simm.s32 @p1 $0x1  }
0x15: {  	[smem:$0x3FAF] =	sst s0;
	s0 =	simm.s32 @!p2 $0x0  }
0x16: {  	s3 =	sld [smem:$0x3FDB];
	s0 =	simm.s32 @p2 $0x1  }
0x17: {  	s4 =	simm.s32 $0x1BF5;
	[smem:$0x3FB1] =	sst s0  }
0x18: {  	s0 =	sld [smem:$0x3F94];
	_ =	swait.ge [sflag:s4], $0x0  }
0x19: {  	s7 =	sld [smem:$0x3F95]  }
0x1a: {  	s8 =	sadd.s32 $0xFFFFE003, lr  }
0x1b: {  	s9 =	sadd.s32 $0xFFFFFEF7, lr;
	s5 =	simm.s32 $0xFFFFFFFF;
	p2 =	slt.u32 s8, $0xFFFFF086  }
0x1c: {  	p1 =	slt.u32 s9, $0xF7A;
	s5 =	simm.s32 @!p2 $0x0  }
0x1d: {  	s5 =	simm.s32 @p1 $0x1;
	p0 =	seq.s32 s7, s2  }
0x1e: {  	s7 =	smul.u32 @!p0 $0xF7A, s2;
	p2 =	seq.s32 @!p0 s5, $0x0  }
0x1f: {  	s9 =	smul.u32 $0xF7A, s1;
	s8 =	simm.s32 @!p0 $0x1BF5;
	p2 =	por !p2, p0  }
0x20: {  	[sflag:s8] =	ssyncset.s32 @!p0 $0xFFFFF086;
	s6 =	sadd.s32 @!p0 s3, s7;
	s7 =	simm.s32 @!p0 $0x108  }
0x21: {  	s3 =	sadd.s32 s3, s9;
	s6 =	sadd.s32 @!p0 $0x88, s6;
	s7 =	simm.s32 @p2 $0x1082  }
0x22: {  	[simem:s7], [sflag:s8] =	dma.local @!p0 [hbm:s6], $0xF7A  }
0x23: {  	s9 =	sor.u32 $0xD0000000, s2;
	s6 =	simm.s32 $0x108;
	_ =	swait.ge @!p0 [sflag:s8], $0x0  }
0x24: {  	s3 =	sadd.s32 $0x88, s3;
	s6 =	simm.s32 @!p1 $0x1082;
	[sflag:s4] =	ssyncset.s32 $0xFFFFF086  }
0x25: {  	[simem:s6], [sflag:s4] =	dma.local [hbm:s3], $0xF7A  }
0x26: {  	[smem:$0x3F95] =	sst s1;
	(tag) =	ssettag s2;
	_ =	strace s9  }
0x27: {  	s1 =	sld [smem:$0x3FA5]  }
0x28: {  	s2 =	sld [smem:$0x3FA6]  }
0x29: {  	s4 =	sld [smem:$0x3FA8]  }
0x2a: {  	p0 =	seq.s32 s5, $0x0;
	s5 =	sld [smem:$0x3FA9]  }
0x2b: {  	s6 =	sld [smem:$0x3FAA]  }
0x2c: {  	s7 =	sld [smem:$0x3FAB]  }
0x2d: {  	s3 =	simm.s32 $0x108;
	s8 =	sld [smem:$0x3FAC]  }
0x2e: {  	s3 =	simm.s32 @!p0 $0x1082;
	s9 =	sld [smem:$0x3FAD]  }
0x2f: {  	lr =	sadd.s32 s0, s3;
	s0 =	sld [smem:$0x3FA4]  }
0x30: {  	s3 =	sld [smem:$0x3FA7]  }
0x31: {  	[smem:$0x3FB0] =	sst s10  }
0x32: {  	s10 =	sld [smem:$0x3FAE];
	_ =	sdelay $0x3  }
0x33: {  	p0 =	seq.s32 s10, $0x1;
	s10 =	sld [smem:$0x3FB0];
	_ =	sdelay $0x3  }
0x34: {  	[smem:$0x3FB0] =	sst s10  }
0x35: {  	s10 =	sld [smem:$0x3FAF];
	_ =	sdelay $0x3  }
0x36: {  	p1 =	seq.s32 s10, $0x1;
	s10 =	sld [smem:$0x3FB0];
	_ =	sdelay $0x3  }
0x37: {  	[smem:$0x3FB0] =	sst s10  }
0x38: {  	s10 =	sld [smem:$0x3FB1]  }
0x39: {  	_ = 	snop;
	(pc) =	sbr.ind lr, $3  }
0x3a: {  	_ = 	snop  }
0x3b: {  	_ = 	snop  }
0x3c: {  	p2 =	seq.s32 s10, $0x1;
	s10 =	sld [smem:$0x3FB0]  }
0x3d: {  	_ =	shalt  }
0x3e: {  	_ =	shalt  }
0x3f: {  	_ =	shalt  }
0x40: {  	_ =	shalt  }
0x41: {  	_ =	shalt  }
0x42: {  	_ =	shalt  }
0x43: {  	_ =	shalt  }
0x44: {  	_ =	shalt  }
0x45: {  	_ =	shalt  }
0x46: {  	_ =	shalt  }
0x47: {  	_ =	shalt  }
0x48: {  	_ =	shalt  }
0x49: {  	_ =	shalt  }
0x4a: {  	_ =	shalt  }
0x4b: {  	_ =	shalt  }
0x4c: {  	_ =	shalt  }
0x4d: {  	_ =	shalt  }
0x4e: {  	_ =	shalt  }
0x4f: {  	_ =	shalt  }
0x50: {  	_ =	shalt  }
0x51: {  	_ =	shalt  }
0x52: {  	_ =	shalt  }
0x53: {  	_ =	shalt  }
0x54: {  	_ =	shalt  }
0x55: {  	_ =	shalt  }
0x56: {  	_ =	shalt  }
0x57: {  	_ =	shalt  }
0x58: {  	_ =	shalt  }
0x59: {  	_ =	shalt  }
0x5a: {  	_ =	shalt  }
0x5b: {  	_ =	shalt  }
0x5c: {  	_ =	shalt  }
0x5d: {  	_ =	shalt  }
0x5e: {  	_ =	shalt  }
0x5f: {  	_ =	shalt  }
0x60: {  	_ =	shalt  }
0x61: {  	_ =	shalt  }
0x62: {  	_ =	shalt  }
0x63: {  	_ =	shalt  }
0x64: {  	_ =	shalt  }
0x65: {  	_ =	shalt  }
0x66: {  	_ =	shalt  }
0x67: {  	_ =	shalt  }
0x68: {  	_ =	shalt  }
0x69: {  	_ =	shalt  }
0x6a: {  	_ =	shalt  }
0x6b: {  	_ =	shalt  }
0x6c: {  	_ =	shalt  }
0x6d: {  	_ =	shalt  }
0x6e: {  	_ =	shalt  }
0x6f: {  	_ =	shalt  }
0x70: {  	_ =	shalt  }
0x71: {  	_ =	shalt  }
0x72: {  	_ =	shalt  }
0x73: {  	_ =	shalt  }
0x74: {  	_ =	shalt  }
0x75: {  	_ =	shalt  }
0x76: {  	_ =	shalt  }
0x77: {  	_ =	shalt  }
0x78: {  	_ =	shalt  }
0x79: {  	_ =	shalt  }
0x7a: {  	_ =	shalt  }
0x7b: {  	_ =	shalt  }
0x7c: {  	_ =	shalt  }
0x7d: {  	_ =	shalt  }
0x7e: {  	_ =	shalt  }
0x7f: {  	_ =	shalt  }
0x80: {  	_ =	shalt  }
0x81: {  	_ =	shalt  }
0x82: {  	_ =	shalt  }
0x83: {  	_ =	shalt  }
0x84: {  	_ =	shalt  }
0x85: {  	_ =	shalt  }
0x86: {  	_ =	shalt  }
0x87: {  	_ =	shalt  }
.Lfunc_end0:
.L_simem_size_0:
called_computation_lowered:
.L_overlay_start_0:
0x88: {  	s2 =	sld [smem:$0x3FD9]  }
0x89: {  	s3 =	sld [smem:$0x3FFE];
	_ =	sdelay $0x1  }
0x8a: {  	s1 =	srdreg.scid  }
0x8b: {  	s0 =	sand.u32 $0x1, s1  }
0x8c: {  	s17 =	sshll.u32 s0, $0xA;
	s2 =	sadd.s32 s3, s2  }
0x8d: {  	s2 =	sadd.s32 s2, s17  }
0x8e: {  	[smem:$0x3FBC] =	sst s2  }
0x8f: {  	_ = 	snop  }
0x90: {  	s2 =	sld [smem:$0x3FC6];
	(tm) =	ssettm $0x1  }
0x91: {  	s18 =	sld [smem:$0x3FFB];
	_ =	sdelay $0x3  }
0x92: {  	_ =	strace s18  }
0x93: {  	s3 =	sld [smem:$0x3FFC];
	_ =	sdelay $0x3  }
0x94: {  	_ =	strace s3  }
0x95: {  	s3 =	sld [smem:$0x3FFD];
	_ =	sdelay $0x3  }
0x96: {  	_ =	strace s3  }
0x97: {  	_ =	strace $0x8FFFFFFF  }
0x98: {  	s19 =	sld [smem:$0x3FDB];
	_ =	sdelay $0x1  }
0x99: {  	s4 =	simm.s32 $_scs_section_size  }
0x9a: {  	s5 =	simm.s32 $_size__tile_overlayer_lowered;
	s6 =	simm.s32 $_tile_overlayer_lowered  }
0x9b: {  	s22 =	simm.s32 $0x1BFF;
	s21 =	sshll.u32 s6, $0x1;
	s3 =	sadd.s32 s4, s19  }
0x9c: {  	s7 =	simm.s32 $0x0;
	s20 =	sshll.u32 s5, $0x1;
	s5 =	sadd.s32 s21, s3  }
0x9d: {  	[timem:s7], [sflag:s22] =	dma.local [hbm:s5], s20  }
0x9e: {  	_ =	swait.ge [sflag:s22], s20  }
0x9f: {  	s4 =	ssub.s32 $0x0, s20;
	[sflag:s22] =	ssyncset.done $0x0  }
0xa0: {  	[sflag:s22] =	ssyncadd.s32 s4;
	_ =	sdelay $0x1  }
0xa1: {  	s23 =	simm.s32 $0x1B8B  }
0xa2: {  	_ =	swait.ge [sflag:s23], $0x1  }
0xa3: {  	[sflag:s23] =	ssyncset.done $0x0  }
0xa4: {  	s25 =	simm.s32 $0x1B8E;
	s24 =	sld [smem:$0x3FFE];
	[sflag:s23] =	ssyncadd.s32 $0xFFFFFFFF  }
0xa5: {  	s26 =	simm.s32 $execute0_lowered;
	[smem:$0x3FD2] =	sst s25  }
0xa6: {  	s5 =	sshll.u32 s26, $0x1;
	_ =	strace $0x80000046;
	[dreg:$0x1] =	wrdreg $0xFFFFFFFF  }
0xa7: {  	s28 =	simm.s32 $_size_execute0_lowered;
	s3 =	sadd.s32 s3, s5;
	[dreg:$0x0] =	wrdreg $0x0  }
0xa8: {  	s5 =	sshll.u32 s28, $0x1;
	[dreg:$0x2] =	wrdreg s3  }
0xa9: {  	[dreg:$0x3] =	wrdreg s5  }
0xaa: {  	[dreg:$0x4] =	wrdreg $0xC0  }
0xab: {  	_ =	task [dreg:s7], $0x5FFFF  }
0xac: {  	[dreg:$0x1] =	wrdreg $0xFFFFFFFF  }
0xad: {  	[dreg:$0x0] =	wrdreg $0x60  }
0xae: {  	[dreg:$0x2] =	wrdreg s2  }
0xaf: {  	[dreg:$0x3] =	wrdreg s24  }
0xb0: {  	[dreg:$0x4] =	wrdreg $0x9  }
0xb1: {  	_ =	task.clear_ibuf [dreg:s7], $0x5FFFF;
	_ =	strace $0x90000046  }
0xb2: {  	s29 =	simm.s32 $0x9;
	_ =	strace $0x80000048  }
0xb3: {  	_ =	swait.ge [sflag:s29], $0x1  }
0xb4: {  	[sflag:s29] =	ssyncadd.s32 $0xFFFFFFFF  }
0xb5: {  	_ =	strace $0x90000048  }
0xb6: {  	_ =	sfence  }
0xb7: {  	s30 =	sld [smem:$0x0];
	_ =	sdelay $0x2  }
0xb8: {  	s31 =	sshll.u32 s1, $0xD;
	s1 =	sshrl.u32 s1, $0x2  }
0xb9: {  	s3 =	sand.u32 $0x4000, s31;
	s1 =	sadd.s32 s1, s30  }
0xba: {  	s0 =	sor.u32 s3, s0;
	s1 =	sshll.u32 s1, $0x11  }
0xbb: {  	s0 =	sor.u32 s1, s0  }
0xbc: {  	s0 =	sadd.s32 $0x8F2B, s0  }
0xbd: {  	[sflag:s0] =	ssyncadd.remote.s32 $0x1  }
0xbe: {  	_ =	sfence.sel $0xFFFF  }
0xbf: {  	[dreg:$0x0] =	wrdreg $0xFFFFFFFF;
	(pc) =	sbr.abs _section_cstart, $3  }
0xc0: {  	[dreg:$0x1] =	wrdreg $0xFFFFFFFF  }
0xc1: {  	_ =	task.clear_ibuf [dreg:s7], $0x2FFFF;
	_ =	strace $0x9FFFFFFF  }
0xc2: {  	(tm) =	ssettm $0x7FFFFFFF  }
0xc3: {  	_ =	shalt  }
tec
execute0_lowered:
.L_overlay_start_1:
0x0: {  	(tag) =	ssettag $0x1  }
0x1: {  	s2 =	rddreg [dreg:$0x0]  }
0x2: {  	s4 =	rddreg [dreg:$0x1]  }
0x3: {  	s0 =	rddreg [dreg:$0x2];
	s5 =	srdreg.scid  }
0x4: {  	s1 =	stileid.u32;
	s3 =	simm.s32 $0x0;
	s15 =	simm.s32 $0x880  }
0x5: {  	s16 =	simm.s32 $0x1080;
	s17 =	simm.s32 $0x1880;
	s18 =	simm.s32 $0x2080  }
0x6: {  	s19 =	simm.s32 $0x2880;
	s20 =	simm.s32 $0x3080;
	s21 =	simm.s32 $0x3880  }
0x7: {  	s22 =	simm.s32 $0x4080;
	s5 =	sand.u32 $0x1, s5;
	s6 =	sshll.u32 s1, $0x1  }
0x8: {  	s23 =	simm.s32 $0x4880;
	s24 =	simm.s32 $0x1;
	s6 =	sor.u32 s5, s6  }
0x9: {  	[smem:$0x7FF] =	sst s3;
	s5 =	ssub.s32 $0x2, s5;
	s9 =	smul.u32 $0x140, s6  }
0xa: {  	s10 =	sadd.s32 $0x3E00, s4;
	s7 =	sshrl.u32 s5, $0x1;
	s6 =	smul.u32 $0x2800, s6  }
0xb: {  	s11 =	sadd.s32 $0x4400, s4;
	_ =	strace $0x80000047;
	s12 =	ssub.s32 s5, s7  }
0xc: {  	s26 =	sshrl.u32 s9, $0x3;
	s5 =	sadd.s32 s11, s6;
	s28 =	sadd.s32 $0x50, s9  }
0xd: {  	s13 =	sadd.s32 $0xA0, s9;
	s14 =	sadd.s32 $0xF0, s9;
	s12 =	smax.u32 s12, $0x1  }
0xe: {  	s4 =	sadd.s32 s10, s26;
	s29 =	sshrl.u32 s28, $0x3;
	s8 =	sshll.u32 s28, $0x5  }
0xf: {  	s30 =	sshrl.u32 s13, $0x3;
	s13 =	sshll.u32 s13, $0x5;
	s31 =	sshrl.u32 s14, $0x3  }
0x10: {  	v2 =	vlaneseq.u32;
	s14 =	sshll.u32 s14, $0x5;
	s6 =	sadd.s32 s10, s29;
	s7 =	sadd.s32 s11, s8  }
0x11: {  	vm0 =	vmmov $0xffff;
	v1 =	vshrl.u32 v2, $0x3;
	s8 =	sadd.s32 s10, s30;
	s9 =	sadd.s32 s11, s13;
	s10 =	sadd.s32 s10, s31  }
0x12: {  	v0 =	vand.u32 $0x7, v2;
	v2 =	vor.u32 $0x8, v2;
	v1 =	vmul.u32 $0x8, v1;
	s11 =	sadd.s32 s11, s14;
	s13 =	simm.s32 $0x2;
	s14 =	simm.s32 $0x80  }
.LBB2_1:
0x13: {  	[tilespmem:s3], [sflag:$0x2] =	stream.linear.gather [hbm4b:s4+s3], $0x50, $0x38;
	[tilespmem:$0x5080] =	vst v63  }
0x14: {  	_ =	swait.ge [sflag:s13], $0x50  }
0x15: {  	[sflag:s13] =	ssyncset.done $0x0  }
0x16: {  	[sflag:s13] =	ssyncadd.s32 $0xFFFFFFB0  }
0x17: {  	v3 =	vld [tilespmem:$0x0];
	_ =	sdelay $0x4  }
0x18: {  	v4 =	vshll.u32 v3, $0x1  }
0x19: {  	v3 =	vand.u32 $0x7, v3;
	v4 =	vand.u32 $0xFFFFFFF0, v4  }
0x1a: {  	v3 =	vor.u32 v3, v4  }
0x1b: {  	v4 =	vperm.xlane v3, v0;
	_ =	sdelay $0x1  }
0x1c: {  	v3 =	vperm.xlane v3, v2;
	v4 =	vadd.s32 v1, v4;
	_ =	sdelay $0x1  }
0x1d: {  	v3 =	vadd.s32 v1, v3;
	_ =	sdelay $0x2  }
0x1e: {  	[tilespmem:s14], [sflag:$0x1] =	stream.indirect_vreg.gather [hbm4b:s2+s3], $0x80, v4, vm0, $0xb8;
	[tilespmem:$0x5080] =	vst v63  }
0x1f: {  	_ = 	snop  }
0x20: {  	[tilespmem:s15], [sflag:$0x1] =	stream.indirect_vreg.gather [hbm4b:s2+s3], $0x80, v3, vm0, $0xb8;
	[tilespmem:$0x5080] =	vst v63  }
0x21: {  	v3 =	vld [tilespmem:$0x10];
	_ =	sdelay $0x4  }
0x22: {  	v45 =	vshll.u32 v3, $0x1  }
0x23: {  	v3 =	vand.u32 $0x7, v3;
	v4 =	vand.u32 $0xFFFFFFF0, v45  }
0x24: {  	v3 =	vor.u32 v3, v4  }
0x25: {  	v4 =	vperm.xlane v3, v0;
	_ =	sdelay $0x1  }
0x26: {  	v3 =	vperm.xlane v3, v2;
	v4 =	vadd.s32 v1, v4;
	_ =	sdelay $0x1  }
0x27: {  	v3 =	vadd.s32 v1, v3;
	_ =	sdelay $0x2  }
0x28: {  	[tilespmem:s16], [sflag:$0x1] =	stream.indirect_vreg.gather [hbm4b:s2+s3], $0x80, v4, vm0, $0xb8;
	[tilespmem:$0x5080] =	vst v63  }
0x29: {  	_ = 	snop  }
0x2a: {  	[tilespmem:s17], [sflag:$0x1] =	stream.indirect_vreg.gather [hbm4b:s2+s3], $0x80, v3, vm0, $0xb8;
	[tilespmem:$0x5080] =	vst v63  }
0x2b: {  	v3 =	vld [tilespmem:$0x20];
	_ =	sdelay $0x4  }
0x2c: {  	v46 =	vshll.u32 v3, $0x1  }
0x2d: {  	v3 =	vand.u32 $0x7, v3;
	v4 =	vand.u32 $0xFFFFFFF0, v46  }
0x2e: {  	v3 =	vor.u32 v3, v4  }
0x2f: {  	v4 =	vperm.xlane v3, v0;
	_ =	sdelay $0x1  }
0x30: {  	v3 =	vperm.xlane v3, v2;
	v4 =	vadd.s32 v1, v4;
	_ =	sdelay $0x1  }
0x31: {  	v3 =	vadd.s32 v1, v3;
	_ =	sdelay $0x2  }
0x32: {  	[tilespmem:s18], [sflag:$0x1] =	stream.indirect_vreg.gather [hbm4b:s2+s3], $0x80, v4, vm0, $0xb8;
	[tilespmem:$0x5080] =	vst v63  }
0x33: {  	_ = 	snop  }
0x34: {  	[tilespmem:s19], [sflag:$0x1] =	stream.indirect_vreg.gather [hbm4b:s2+s3], $0x80, v3, vm0, $0xb8;
	[tilespmem:$0x5080] =	vst v63  }
0x35: {  	v3 =	vld [tilespmem:$0x30];
	_ =	sdelay $0x4  }
0x36: {  	v47 =	vshll.u32 v3, $0x1  }
0x37: {  	v3 =	vand.u32 $0x7, v3;
	v4 =	vand.u32 $0xFFFFFFF0, v47  }
0x38: {  	v3 =	vor.u32 v3, v4  }
0x39: {  	v4 =	vperm.xlane v3, v0;
	_ =	sdelay $0x1  }
0x3a: {  	v3 =	vperm.xlane v3, v2;
	v4 =	vadd.s32 v1, v4;
	_ =	sdelay $0x1  }
0x3b: {  	v3 =	vadd.s32 v1, v3;
	_ =	sdelay $0x2  }
0x3c: {  	[tilespmem:s20], [sflag:$0x1] =	stream.indirect_vreg.gather [hbm4b:s2+s3], $0x80, v4, vm0, $0xb8;
	[tilespmem:$0x5080] =	vst v63  }
0x3d: {  	_ = 	snop  }
0x3e: {  	[tilespmem:s21], [sflag:$0x1] =	stream.indirect_vreg.gather [hbm4b:s2+s3], $0x80, v3, vm0, $0xb8;
	[tilespmem:$0x5080] =	vst v63  }
0x3f: {  	v3 =	vld [tilespmem:$0x40];
	_ =	sdelay $0x4  }
0x40: {  	v48 =	vshll.u32 v3, $0x1  }
0x41: {  	v3 =	vand.u32 $0x7, v3;
	v4 =	vand.u32 $0xFFFFFFF0, v48  }
0x42: {  	v3 =	vor.u32 v3, v4  }
0x43: {  	v4 =	vperm.xlane v3, v0;
	_ =	sdelay $0x1  }
0x44: {  	v3 =	vperm.xlane v3, v2;
	v4 =	vadd.s32 v1, v4;
	_ =	sdelay $0x1  }
0x45: {  	v3 =	vadd.s32 v1, v3;
	_ =	sdelay $0x2  }
0x46: {  	[tilespmem:s22], [sflag:$0x1] =	stream.indirect_vreg.gather [hbm4b:s2+s3], $0x80, v4, vm0, $0xb8;
	[tilespmem:$0x5080] =	vst v63  }
0x47: {  	_ = 	snop  }
0x48: {  	[tilespmem:s23], [sflag:$0x1] =	stream.indirect_vreg.gather [hbm4b:s2+s3], $0x80, v3, vm0, $0xb8;
	[tilespmem:$0x5080] =	vst v63  }
0x49: {  	_ =	swait.ge [sflag:s24], $0x5000  }
0x4a: {  	[sflag:s24] =	ssyncset.done $0x0  }
0x4b: {  	[sflag:s24] =	ssyncadd.s32 $0xFFFFB000  }
0x4c: {  	[hbm4b:s5+s3] =	stream.linear.scatter [tilespmem:s14], [sflag:$0x2], $0x5000, $0x38;
	[tilespmem:$0x5080] =	vst v63  }
0x4d: {  	_ =	swait.ge [sflag:s13], $0x5000  }
0x4e: {  	[sflag:s13] =	ssyncset.done $0x0  }
0x4f: {  	[sflag:s13] =	ssyncadd.s32 $0xFFFFB000  }
0x50: {  	[tilespmem:s3], [sflag:$0x2] =	stream.linear.gather [hbm4b:s6+s3], $0x50, $0x38;
	[tilespmem:$0x5080] =	vst v63  }
0x51: {  	_ =	swait.ge [sflag:s13], $0x50  }
0x52: {  	[sflag:s13] =	ssyncset.done $0x0  }
0x53: {  	[sflag:s13] =	ssyncadd.s32 $0xFFFFFFB0  }
0x54: {  	v3 =	vld [tilespmem:$0x0];
	_ =	sdelay $0x4  }
0x55: {  	v49 =	vshll.u32 v3, $0x1  }
0x56: {  	v3 =	vand.u32 $0x7, v3;
	v4 =	vand.u32 $0xFFFFFFF0, v49  }
0x57: {  	v3 =	vor.u32 v3, v4  }
0x58: {  	v4 =	vperm.xlane v3, v0;
	_ =	sdelay $0x1  }
0x59: {  	v3 =	vperm.xlane v3, v2;
	v4 =	vadd.s32 v1, v4;
	_ =	sdelay $0x1  }
0x5a: {  	v3 =	vadd.s32 v1, v3;
	_ =	sdelay $0x2  }
0x5b: {  	[tilespmem:s14], [sflag:$0x1] =	stream.indirect_vreg.gather [hbm4b:s2+s3], $0x80, v4, vm0, $0xb8;
	[tilespmem:$0x5080] =	vst v63  }
0x5c: {  	_ = 	snop  }
0x5d: {  	[tilespmem:s15], [sflag:$0x1] =	stream.indirect_vreg.gather [hbm4b:s2+s3], $0x80, v3, vm0, $0xb8;
	[tilespmem:$0x5080] =	vst v63  }
0x5e: {  	v3 =	vld [tilespmem:$0x10];
	_ =	sdelay $0x4  }
0x5f: {  	v50 =	vshll.u32 v3, $0x1  }
0x60: {  	v3 =	vand.u32 $0x7, v3;
	v4 =	vand.u32 $0xFFFFFFF0, v50  }
0x61: {  	v3 =	vor.u32 v3, v4  }
0x62: {  	v4 =	vperm.xlane v3, v0;
	_ =	sdelay $0x1  }
0x63: {  	v3 =	vperm.xlane v3, v2;
	v4 =	vadd.s32 v1, v4;
	_ =	sdelay $0x1  }
0x64: {  	v3 =	vadd.s32 v1, v3;
	_ =	sdelay $0x2  }
0x65: {  	[tilespmem:s16], [sflag:$0x1] =	stream.indirect_vreg.gather [hbm4b:s2+s3], $0x80, v4, vm0, $0xb8;
	[tilespmem:$0x5080] =	vst v63  }
0x66: {  	_ = 	snop  }
0x67: {  	[tilespmem:s17], [sflag:$0x1] =	stream.indirect_vreg.gather [hbm4b:s2+s3], $0x80, v3, vm0, $0xb8;
	[tilespmem:$0x5080] =	vst v63  }
0x68: {  	v3 =	vld [tilespmem:$0x20];
	_ =	sdelay $0x4  }
0x69: {  	v51 =	vshll.u32 v3, $0x1  }
0x6a: {  	v3 =	vand.u32 $0x7, v3;
	v4 =	vand.u32 $0xFFFFFFF0, v51  }
0x6b: {  	v3 =	vor.u32 v3, v4  }
0x6c: {  	v4 =	vperm.xlane v3, v0;
	_ =	sdelay $0x1  }
0x6d: {  	v3 =	vperm.xlane v3, v2;
	v4 =	vadd.s32 v1, v4;
	_ =	sdelay $0x1  }
0x6e: {  	v3 =	vadd.s32 v1, v3;
	_ =	sdelay $0x2  }
0x6f: {  	[tilespmem:s18], [sflag:$0x1] =	stream.indirect_vreg.gather [hbm4b:s2+s3], $0x80, v4, vm0, $0xb8;
	[tilespmem:$0x5080] =	vst v63  }
0x70: {  	_ = 	snop  }
0x71: {  	[tilespmem:s19], [sflag:$0x1] =	stream.indirect_vreg.gather [hbm4b:s2+s3], $0x80, v3, vm0, $0xb8;
	[tilespmem:$0x5080] =	vst v63  }
0x72: {  	v3 =	vld [tilespmem:$0x30];
	_ =	sdelay $0x4  }
0x73: {  	v52 =	vshll.u32 v3, $0x1  }
0x74: {  	v3 =	vand.u32 $0x7, v3;
	v4 =	vand.u32 $0xFFFFFFF0, v52  }
0x75: {  	v3 =	vor.u32 v3, v4  }
0x76: {  	v4 =	vperm.xlane v3, v0;
	_ =	sdelay $0x1  }
0x77: {  	v3 =	vperm.xlane v3, v2;
	v4 =	vadd.s32 v1, v4;
	_ =	sdelay $0x1  }
0x78: {  	v3 =	vadd.s32 v1, v3;
	_ =	sdelay $0x2  }
0x79: {  	[tilespmem:s20], [sflag:$0x1] =	stream.indirect_vreg.gather [hbm4b:s2+s3], $0x80, v4, vm0, $0xb8;
	[tilespmem:$0x5080] =	vst v63  }
0x7a: {  	_ = 	snop  }
0x7b: {  	[tilespmem:s21], [sflag:$0x1] =	stream.indirect_vreg.gather [hbm4b:s2+s3], $0x80, v3, vm0, $0xb8;
	[tilespmem:$0x5080] =	vst v63  }
0x7c: {  	v3 =	vld [tilespmem:$0x40];
	_ =	sdelay $0x4  }
0x7d: {  	v53 =	vshll.u32 v3, $0x1  }
0x7e: {  	v3 =	vand.u32 $0x7, v3;
	v4 =	vand.u32 $0xFFFFFFF0, v53  }
0x7f: {  	v3 =	vor.u32 v3, v4  }
0x80: {  	v4 =	vperm.xlane v3, v0;
	_ =	sdelay $0x1  }
0x81: {  	v3 =	vperm.xlane v3, v2;
	v4 =	vadd.s32 v1, v4;
	_ =	sdelay $0x1  }
0x82: {  	v3 =	vadd.s32 v1, v3;
	_ =	sdelay $0x2  }
0x83: {  	[tilespmem:s22], [sflag:$0x1] =	stream.indirect_vreg.gather [hbm4b:s2+s3], $0x80, v4, vm0, $0xb8;
	[tilespmem:$0x5080] =	vst v63  }
0x84: {  	_ = 	snop  }
0x85: {  	[tilespmem:s23], [sflag:$0x1] =	stream.indirect_vreg.gather [hbm4b:s2+s3], $0x80, v3, vm0, $0xb8;
	[tilespmem:$0x5080] =	vst v63  }
0x86: {  	_ =	swait.ge [sflag:s24], $0x5000  }
0x87: {  	[sflag:s24] =	ssyncset.done $0x0  }
0x88: {  	[sflag:s24] =	ssyncadd.s32 $0xFFFFB000  }
0x89: {  	[hbm4b:s7+s3] =	stream.linear.scatter [tilespmem:s14], [sflag:$0x2], $0x5000, $0x38;
	[tilespmem:$0x5080] =	vst v63  }
0x8a: {  	_ =	swait.ge [sflag:s13], $0x5000  }
0x8b: {  	[sflag:s13] =	ssyncset.done $0x0  }
0x8c: {  	[sflag:s13] =	ssyncadd.s32 $0xFFFFB000  }
0x8d: {  	[tilespmem:s3], [sflag:$0x2] =	stream.linear.gather [hbm4b:s8+s3], $0x50, $0x38;
	[tilespmem:$0x5080] =	vst v63  }
0x8e: {  	_ =	swait.ge [sflag:s13], $0x50  }
0x8f: {  	[sflag:s13] =	ssyncset.done $0x0  }
0x90: {  	[sflag:s13] =	ssyncadd.s32 $0xFFFFFFB0  }
0x91: {  	v3 =	vld [tilespmem:$0x0];
	_ =	sdelay $0x4  }
0x92: {  	v54 =	vshll.u32 v3, $0x1  }
0x93: {  	v3 =	vand.u32 $0x7, v3;
	v4 =	vand.u32 $0xFFFFFFF0, v54  }
0x94: {  	v3 =	vor.u32 v3, v4  }
0x95: {  	v4 =	vperm.xlane v3, v0;
	_ =	sdelay $0x1  }
0x96: {  	v3 =	vperm.xlane v3, v2;
	v4 =	vadd.s32 v1, v4;
	_ =	sdelay $0x1  }
0x97: {  	v3 =	vadd.s32 v1, v3;
	_ =	sdelay $0x2  }
0x98: {  	[tilespmem:s14], [sflag:$0x1] =	stream.indirect_vreg.gather [hbm4b:s2+s3], $0x80, v4, vm0, $0xb8;
	[tilespmem:$0x5080] =	vst v63  }
0x99: {  	_ = 	snop  }
0x9a: {  	[tilespmem:s15], [sflag:$0x1] =	stream.indirect_vreg.gather [hbm4b:s2+s3], $0x80, v3, vm0, $0xb8;
	[tilespmem:$0x5080] =	vst v63  }
0x9b: {  	v3 =	vld [tilespmem:$0x10];
	_ =	sdelay $0x4  }
0x9c: {  	v55 =	vshll.u32 v3, $0x1  }
0x9d: {  	v3 =	vand.u32 $0x7, v3;
	v4 =	vand.u32 $0xFFFFFFF0, v55  }
0x9e: {  	v3 =	vor.u32 v3, v4  }
0x9f: {  	v4 =	vperm.xlane v3, v0;
	_ =	sdelay $0x1  }
0xa0: {  	v3 =	vperm.xlane v3, v2;
	v4 =	vadd.s32 v1, v4;
	_ =	sdelay $0x1  }
0xa1: {  	v3 =	vadd.s32 v1, v3;
	_ =	sdelay $0x2  }
0xa2: {  	[tilespmem:s16], [sflag:$0x1] =	stream.indirect_vreg.gather [hbm4b:s2+s3], $0x80, v4, vm0, $0xb8;
	[tilespmem:$0x5080] =	vst v63  }
0xa3: {  	_ = 	snop  }
0xa4: {  	[tilespmem:s17], [sflag:$0x1] =	stream.indirect_vreg.gather [hbm4b:s2+s3], $0x80, v3, vm0, $0xb8;
	[tilespmem:$0x5080] =	vst v63  }
0xa5: {  	v3 =	vld [tilespmem:$0x20];
	_ =	sdelay $0x4  }
0xa6: {  	v56 =	vshll.u32 v3, $0x1  }
0xa7: {  	v3 =	vand.u32 $0x7, v3;
	v4 =	vand.u32 $0xFFFFFFF0, v56  }
0xa8: {  	v3 =	vor.u32 v3, v4  }
0xa9: {  	v4 =	vperm.xlane v3, v0;
	_ =	sdelay $0x1  }
0xaa: {  	v3 =	vperm.xlane v3, v2;
	v4 =	vadd.s32 v1, v4;
	_ =	sdelay $0x1  }
0xab: {  	v3 =	vadd.s32 v1, v3;
	_ =	sdelay $0x2  }
0xac: {  	[tilespmem:s18], [sflag:$0x1] =	stream.indirect_vreg.gather [hbm4b:s2+s3], $0x80, v4, vm0, $0xb8;
	[tilespmem:$0x5080] =	vst v63  }
0xad: {  	_ = 	snop  }
0xae: {  	[tilespmem:s19], [sflag:$0x1] =	stream.indirect_vreg.gather [hbm4b:s2+s3], $0x80, v3, vm0, $0xb8;
	[tilespmem:$0x5080] =	vst v63  }
0xaf: {  	v3 =	vld [tilespmem:$0x30];
	_ =	sdelay $0x4  }
0xb0: {  	v57 =	vshll.u32 v3, $0x1  }
0xb1: {  	v3 =	vand.u32 $0x7, v3;
	v4 =	vand.u32 $0xFFFFFFF0, v57  }
0xb2: {  	v3 =	vor.u32 v3, v4  }
0xb3: {  	v4 =	vperm.xlane v3, v0;
	_ =	sdelay $0x1  }
0xb4: {  	v3 =	vperm.xlane v3, v2;
	v4 =	vadd.s32 v1, v4;
	_ =	sdelay $0x1  }
0xb5: {  	v3 =	vadd.s32 v1, v3;
	_ =	sdelay $0x2  }
0xb6: {  	[tilespmem:s20], [sflag:$0x1] =	stream.indirect_vreg.gather [hbm4b:s2+s3], $0x80, v4, vm0, $0xb8;
	[tilespmem:$0x5080] =	vst v63  }
0xb7: {  	_ = 	snop  }
0xb8: {  	[tilespmem:s21], [sflag:$0x1] =	stream.indirect_vreg.gather [hbm4b:s2+s3], $0x80, v3, vm0, $0xb8;
	[tilespmem:$0x5080] =	vst v63  }
0xb9: {  	v3 =	vld [tilespmem:$0x40];
	_ =	sdelay $0x4  }
0xba: {  	v58 =	vshll.u32 v3, $0x1  }
0xbb: {  	v3 =	vand.u32 $0x7, v3;
	v4 =	vand.u32 $0xFFFFFFF0, v58  }
0xbc: {  	v3 =	vor.u32 v3, v4  }
0xbd: {  	v4 =	vperm.xlane v3, v0;
	_ =	sdelay $0x1  }
0xbe: {  	v3 =	vperm.xlane v3, v2;
	v4 =	vadd.s32 v1, v4;
	_ =	sdelay $0x1  }
0xbf: {  	v3 =	vadd.s32 v1, v3;
	_ =	sdelay $0x2  }
0xc0: {  	[tilespmem:s22], [sflag:$0x1] =	stream.indirect_vreg.gather [hbm4b:s2+s3], $0x80, v4, vm0, $0xb8;
	[tilespmem:$0x5080] =	vst v63  }
0xc1: {  	_ = 	snop  }
0xc2: {  	[tilespmem:s23], [sflag:$0x1] =	stream.indirect_vreg.gather [hbm4b:s2+s3], $0x80, v3, vm0, $0xb8;
	[tilespmem:$0x5080] =	vst v63  }
0xc3: {  	_ =	swait.ge [sflag:s24], $0x5000  }
0xc4: {  	[sflag:s24] =	ssyncset.done $0x0  }
0xc5: {  	[sflag:s24] =	ssyncadd.s32 $0xFFFFB000  }
0xc6: {  	[hbm4b:s9+s3] =	stream.linear.scatter [tilespmem:s14], [sflag:$0x2], $0x5000, $0x38;
	[tilespmem:$0x5080] =	vst v63  }
0xc7: {  	_ =	swait.ge [sflag:s13], $0x5000  }
0xc8: {  	[sflag:s13] =	ssyncset.done $0x0  }
0xc9: {  	[sflag:s13] =	ssyncadd.s32 $0xFFFFB000  }
0xca: {  	[tilespmem:s3], [sflag:$0x2] =	stream.linear.gather [hbm4b:s10+s3], $0x50, $0x38;
	[tilespmem:$0x5080] =	vst v63  }
0xcb: {  	_ =	swait.ge [sflag:s13], $0x50  }
0xcc: {  	[sflag:s13] =	ssyncset.done $0x0  }
0xcd: {  	[sflag:s13] =	ssyncadd.s32 $0xFFFFFFB0  }
0xce: {  	v3 =	vld [tilespmem:$0x0];
	_ =	sdelay $0x4  }
0xcf: {  	v59 =	vshll.u32 v3, $0x1  }
0xd0: {  	v3 =	vand.u32 $0x7, v3;
	v4 =	vand.u32 $0xFFFFFFF0, v59  }
0xd1: {  	v3 =	vor.u32 v3, v4  }
0xd2: {  	v4 =	vperm.xlane v3, v0;
	_ =	sdelay $0x1  }
0xd3: {  	v3 =	vperm.xlane v3, v2;
	v4 =	vadd.s32 v1, v4;
	_ =	sdelay $0x1  }
0xd4: {  	v3 =	vadd.s32 v1, v3;
	_ =	sdelay $0x2  }
0xd5: {  	[tilespmem:s14], [sflag:$0x1] =	stream.indirect_vreg.gather [hbm4b:s2+s3], $0x80, v4, vm0, $0xb8;
	[tilespmem:$0x5080] =	vst v63  }
0xd6: {  	_ = 	snop  }
0xd7: {  	[tilespmem:s15], [sflag:$0x1] =	stream.indirect_vreg.gather [hbm4b:s2+s3], $0x80, v3, vm0, $0xb8;
	[tilespmem:$0x5080] =	vst v63  }
0xd8: {  	v3 =	vld [tilespmem:$0x10];
	_ =	sdelay $0x4  }
0xd9: {  	v60 =	vshll.u32 v3, $0x1  }
0xda: {  	v3 =	vand.u32 $0x7, v3;
	v4 =	vand.u32 $0xFFFFFFF0, v60  }
0xdb: {  	v3 =	vor.u32 v3, v4  }
0xdc: {  	v4 =	vperm.xlane v3, v0;
	_ =	sdelay $0x1  }
0xdd: {  	v3 =	vperm.xlane v3, v2;
	v4 =	vadd.s32 v1, v4;
	_ =	sdelay $0x1  }
0xde: {  	v3 =	vadd.s32 v1, v3;
	_ =	sdelay $0x2  }
0xdf: {  	[tilespmem:s16], [sflag:$0x1] =	stream.indirect_vreg.gather [hbm4b:s2+s3], $0x80, v4, vm0, $0xb8;
	[tilespmem:$0x5080] =	vst v63  }
0xe0: {  	_ = 	snop  }
0xe1: {  	[tilespmem:s17], [sflag:$0x1] =	stream.indirect_vreg.gather [hbm4b:s2+s3], $0x80, v3, vm0, $0xb8;
	[tilespmem:$0x5080] =	vst v63  }
0xe2: {  	v3 =	vld [tilespmem:$0x20];
	_ =	sdelay $0x4  }
0xe3: {  	v61 =	vshll.u32 v3, $0x1  }
0xe4: {  	v3 =	vand.u32 $0x7, v3;
	v4 =	vand.u32 $0xFFFFFFF0, v61  }
0xe5: {  	v3 =	vor.u32 v3, v4  }
0xe6: {  	v4 =	vperm.xlane v3, v0;
	_ =	sdelay $0x1  }
0xe7: {  	v3 =	vperm.xlane v3, v2;
	v4 =	vadd.s32 v1, v4;
	_ =	sdelay $0x1  }
0xe8: {  	v3 =	vadd.s32 v1, v3;
	_ =	sdelay $0x2  }
0xe9: {  	[tilespmem:s18], [sflag:$0x1] =	stream.indirect_vreg.gather [hbm4b:s2+s3], $0x80, v4, vm0, $0xb8;
	[tilespmem:$0x5080] =	vst v63  }
0xea: {  	_ = 	snop  }
0xeb: {  	[tilespmem:s19], [sflag:$0x1] =	stream.indirect_vreg.gather [hbm4b:s2+s3], $0x80, v3, vm0, $0xb8;
	[tilespmem:$0x5080] =	vst v63  }
0xec: {  	v3 =	vld [tilespmem:$0x30];
	_ =	sdelay $0x4  }
0xed: {  	v62 =	vshll.u32 v3, $0x1  }
0xee: {  	v3 =	vand.u32 $0x7, v3;
	v4 =	vand.u32 $0xFFFFFFF0, v62  }
0xef: {  	v3 =	vor.u32 v3, v4  }
0xf0: {  	v4 =	vperm.xlane v3, v0;
	_ =	sdelay $0x1  }
0xf1: {  	v3 =	vperm.xlane v3, v2;
	v4 =	vadd.s32 v1, v4;
	_ =	sdelay $0x1  }
0xf2: {  	v3 =	vadd.s32 v1, v3;
	_ =	sdelay $0x2  }
0xf3: {  	[tilespmem:s20], [sflag:$0x1] =	stream.indirect_vreg.gather [hbm4b:s2+s3], $0x80, v4, vm0, $0xb8;
	[tilespmem:$0x5080] =	vst v63  }
0xf4: {  	_ = 	snop  }
0xf5: {  	[tilespmem:s21], [sflag:$0x1] =	stream.indirect_vreg.gather [hbm4b:s2+s3], $0x80, v3, vm0, $0xb8;
	[tilespmem:$0x5080] =	vst v63  }
0xf6: {  	v3 =	vld [tilespmem:$0x40];
	_ =	sdelay $0x4  }
0xf7: {  	v63 =	vshll.u32 v3, $0x1  }
0xf8: {  	v3 =	vand.u32 $0x7, v3;
	v4 =	vand.u32 $0xFFFFFFF0, v63  }
0xf9: {  	v3 =	vor.u32 v3, v4  }
0xfa: {  	v4 =	vperm.xlane v3, v0;
	_ =	sdelay $0x1  }
0xfb: {  	v3 =	vperm.xlane v3, v2;
	v4 =	vadd.s32 v1, v4;
	_ =	sdelay $0x1  }
0xfc: {  	v3 =	vadd.s32 v1, v3;
	_ =	sdelay $0x2  }
0xfd: {  	[tilespmem:s22], [sflag:$0x1] =	stream.indirect_vreg.gather [hbm4b:s2+s3], $0x80, v4, vm0, $0xb8;
	[tilespmem:$0x5080] =	vst v63  }
0xfe: {  	_ = 	snop  }
0xff: {  	[tilespmem:s23], [sflag:$0x1] =	stream.indirect_vreg.gather [hbm4b:s2+s3], $0x80, v3, vm0, $0xb8;
	[tilespmem:$0x5080] =	vst v63  }
0x100: {  	_ =	swait.ge [sflag:s24], $0x5000  }
0x101: {  	p0 =	sne.s32 s12, $0x1;
	[sflag:s24] =	ssyncset.done $0x0  }
.Ltmp0:
0x102: {  	[sflag:s24] =	ssyncadd.s32 $0xFFFFB000;
	(pc) =	sbr.rel @p0 .LBB2_1-.Ltmp0, $4  }
0x103: {  	[hbm4b:s11+s3] =	stream.linear.scatter [tilespmem:s14], [sflag:$0x2], $0x5000, $0x38;
	[tilespmem:$0x5080] =	vst v63  }
0x104: {  	_ =	swait.ge [sflag:s13], $0x5000  }
0x105: {  	[sflag:s13] =	ssyncset.done $0x0  }
0x106: {  	s12 =	sadd.s32 $0xFFFFFFFF, s12;
	[sflag:s13] =	ssyncadd.s32 $0xFFFFB000  }
0x107: {  	_ =	sfence.sel $0x180000  }
0x108: {  	[bflag:$0x0] =	sbarrier.arrive $0xFFFF  }
0x109: {  	p0 =	sne.s32 s1, $0x0;
	_ =	strace $0x90000047  }
0x10a: {  	s0 =	sadd.s32 @!p0 $0x100000, s0;
	[bflag:$0x2] =	sbarrier.arrive $0xFFFF  }
0x10b: {  	[sflag:s0] =	ssyncadd.tile.s32 @!p0 $0x1;
	_ =	shalt  }
.Lfunc_end2:
_tile_overlayer_lowered:
.L_overlay_start_2:
0x10c: {  	(tag) =	ssettag $0x2  }
0x10d: {  	s0 =	rddreg [dreg:$0x0];
	s2 =	stileid.u32  }
0x10e: {  	s1 =	rddreg [dreg:$0x1];
	p0 =	sne.s32 s2, $0x0  }
0x10f: {  	s3 =	rddreg [dreg:$0x2];
	[bflag:$0x3] =	sbarrier.arrive $0xFFFF;
	s2 =	simm.s32 @!p0 $0x1C02  }
0x110: {  	[timem:s3], [sflag:s2] =	dma.local @!p0 [hbm:s0], s1  }
0x111: {  	s0 =	simm.s32 @!p0 $0x2  }
0x112: {  	_ =	swait.ge @!p0 [sflag:s0], s1  }
0x113: {  	s1 =	ssub.s32 @!p0 $0x0, s1;
	[sflag:s0] =	ssyncset.done @!p0 $0x0  }
0x114: {  	[sflag:s0] =	ssyncadd.s32 @!p0 s1  }
0x115: {  	[bflag:$0x3] =	sbarrier.arrive $0xFFFF  }
0x116: {  	_ =	shalt  }

// kernel: kernel.13.cloned.1.call-start
scs
__scs_entry_jumppad:
0x0: {  	(pc) =	sbr.rel $0x88, $3  }
0x1: {  	(tag) =	ssettag $0x0;
	lr =	simm.s32 $0x1  }
0x2: {  	[smem:$0x3F95] =	sst lr;
	_ =	strace $0xD0000000  }
0x3: {  	_ = 	snop  }
0x4: {  	_ = 	snop  }
0x5: {  	_ = 	snop  }
0x6: {  	_ = 	snop  }
0x7: {  	_ = 	snop  }
__scs_overlays_trampoline_lowered:
0x8: {  	[smem:$0x3FA4] =	sst s0  }
0x9: {  	[smem:$0x3FA5] =	sst s1  }
0xa: {  	[smem:$0x3FA6] =	sst s2  }
0xb: {  	[smem:$0x3FA7] =	sst s3  }
0xc: {  	[smem:$0x3FA8] =	sst s4  }
0xd: {  	[smem:$0x3FA9] =	sst s5  }
0xe: {  	[smem:$0x3FAA] =	sst s6  }
0xf: {  	[smem:$0x3FAB] =	sst s7  }
0x10: {  	[smem:$0x3FAC] =	sst s8  }
0x11: {  	[smem:$0x3FAD] =	sst s9;
	s0 =	simm.s32 @!p0 $0x0  }
0x12: {  	s1 =	sld [smem:$0x3F93];
	s0 =	simm.s32 @p0 $0x1  }
0x13: {  	[smem:$0x3FAE] =	sst s0;
	s0 =	simm.s32 @!p1 $0x0  }
0x14: {  	s2 =	sld [smem:$0x3F92];
	s0 =	simm.s32 @p1 $0x1  }
0x15: {  	[smem:$0x3FAF] =	sst s0;
	s0 =	simm.s32 @!p2 $0x0  }
0x16: {  	s3 =	sld [smem:$0x3FDB];
	s0 =	simm.s32 @p2 $0x1  }
0x17: {  	s4 =	simm.s32 $0x1BF5;
	[smem:$0x3FB1] =	sst s0  }
0x18: {  	s0 =	sld [smem:$0x3F94];
	_ =	swait.ge [sflag:s4], $0x0  }
0x19: {  	s7 =	sld [smem:$0x3F95]  }
0x1a: {  	s8 =	sadd.s32 $0xFFFFE003, lr  }
0x1b: {  	s9 =	sadd.s32 $0xFFFFFEF7, lr;
	s5 =	simm.s32 $0xFFFFFFFF;
	p2 =	slt.u32 s8, $0xFFFFF086  }
0x1c: {  	p1 =	slt.u32 s9, $0xF7A;
	s5 =	simm.s32 @!p2 $0x0  }
0x1d: {  	s5 =	simm.s32 @p1 $0x1;
	p0 =	seq.s32 s7, s2  }
0x1e: {  	s7 =	smul.u32 @!p0 $0xF7A, s2;
	p2 =	seq.s32 @!p0 s5, $0x0  }
0x1f: {  	s9 =	smul.u32 $0xF7A, s1;
	s8 =	simm.s32 @!p0 $0x1BF5;
	p2 =	por !p2, p0  }
0x20: {  	[sflag:s8] =	ssyncset.s32 @!p0 $0xFFFFF086;
	s6 =	sadd.s32 @!p0 s3, s7;
	s7 =	simm.s32 @!p0 $0x108  }
0x21: {  	s3 =	sadd.s32 s3, s9;
	s6 =	sadd.s32 @!p0 $0x88, s6;
	s7 =	simm.s32 @p2 $0x1082  }
0x22: {  	[simem:s7], [sflag:s8] =	dma.local @!p0 [hbm:s6], $0xF7A  }
0x23: {  	s9 =	sor.u32 $0xD0000000, s2;
	s6 =	simm.s32 $0x108;
	_ =	swait.ge @!p0 [sflag:s8], $0x0  }
0x24: {  	s3 =	sadd.s32 $0x88, s3;
	s6 =	simm.s32 @!p1 $0x1082;
	[sflag:s4] =	ssyncset.s32 $0xFFFFF086  }
0x25: {  	[simem:s6], [sflag:s4] =	dma.local [hbm:s3], $0xF7A  }
0x26: {  	[smem:$0x3F95] =	sst s1;
	(tag) =	ssettag s2;
	_ =	strace s9  }
0x27: {  	s1 =	sld [smem:$0x3FA5]  }
0x28: {  	s2 =	sld [smem:$0x3FA6]  }
0x29: {  	s4 =	sld [smem:$0x3FA8]  }
0x2a: {  	p0 =	seq.s32 s5, $0x0;
	s5 =	sld [smem:$0x3FA9]  }
0x2b: {  	s6 =	sld [smem:$0x3FAA]  }
0x2c: {  	s7 =	sld [smem:$0x3FAB]  }
0x2d: {  	s3 =	simm.s32 $0x108;
	s8 =	sld [smem:$0x3FAC]  }
0x2e: {  	s3 =	simm.s32 @!p0 $0x1082;
	s9 =	sld [smem:$0x3FAD]  }
0x2f: {  	lr =	sadd.s32 s0, s3;
	s0 =	sld [smem:$0x3FA4]  }
0x30: {  	s3 =	sld [smem:$0x3FA7]  }
0x31: {  	[smem:$0x3FB0] =	sst s10  }
0x32: {  	s10 =	sld [smem:$0x3FAE];
	_ =	sdelay $0x3  }
0x33: {  	p0 =	seq.s32 s10, $0x1;
	s10 =	sld [smem:$0x3FB0];
	_ =	sdelay $0x3  }
0x34: {  	[smem:$0x3FB0] =	sst s10  }
0x35: {  	s10 =	sld [smem:$0x3FAF];
	_ =	sdelay $0x3  }
0x36: {  	p1 =	seq.s32 s10, $0x1;
	s10 =	sld [smem:$0x3FB0];
	_ =	sdelay $0x3  }
0x37: {  	[smem:$0x3FB0] =	sst s10  }
0x38: {  	s10 =	sld [smem:$0x3FB1]  }
0x39: {  	_ = 	snop;
	(pc) =	sbr.ind lr, $3  }
0x3a: {  	_ = 	snop  }
0x3b: {  	_ = 	snop  }
0x3c: {  	p2 =	seq.s32 s10, $0x1;
	s10 =	sld [smem:$0x3FB0]  }
0x3d: {  	_ =	shalt  }
0x3e: {  	_ =	shalt  }
0x3f: {  	_ =	shalt  }
0x40: {  	_ =	shalt  }
0x41: {  	_ =	shalt  }
0x42: {  	_ =	shalt  }
0x43: {  	_ =	shalt  }
0x44: {  	_ =	shalt  }
0x45: {  	_ =	shalt  }
0x46: {  	_ =	shalt  }
0x47: {  	_ =	shalt  }
0x48: {  	_ =	shalt  }
0x49: {  	_ =	shalt  }
0x4a: {  	_ =	shalt  }
0x4b: {  	_ =	shalt  }
0x4c: {  	_ =	shalt  }
0x4d: {  	_ =	shalt  }
0x4e: {  	_ =	shalt  }
0x4f: {  	_ =	shalt  }
0x50: {  	_ =	shalt  }
0x51: {  	_ =	shalt  }
0x52: {  	_ =	shalt  }
0x53: {  	_ =	shalt  }
0x54: {  	_ =	shalt  }
0x55: {  	_ =	shalt  }
0x56: {  	_ =	shalt  }
0x57: {  	_ =	shalt  }
0x58: {  	_ =	shalt  }
0x59: {  	_ =	shalt  }
0x5a: {  	_ =	shalt  }
0x5b: {  	_ =	shalt  }
0x5c: {  	_ =	shalt  }
0x5d: {  	_ =	shalt  }
0x5e: {  	_ =	shalt  }
0x5f: {  	_ =	shalt  }
0x60: {  	_ =	shalt  }
0x61: {  	_ =	shalt  }
0x62: {  	_ =	shalt  }
0x63: {  	_ =	shalt  }
0x64: {  	_ =	shalt  }
0x65: {  	_ =	shalt  }
0x66: {  	_ =	shalt  }
0x67: {  	_ =	shalt  }
0x68: {  	_ =	shalt  }
0x69: {  	_ =	shalt  }
0x6a: {  	_ =	shalt  }
0x6b: {  	_ =	shalt  }
0x6c: {  	_ =	shalt  }
0x6d: {  	_ =	shalt  }
0x6e: {  	_ =	shalt  }
0x6f: {  	_ =	shalt  }
0x70: {  	_ =	shalt  }
0x71: {  	_ =	shalt  }
0x72: {  	_ =	shalt  }
0x73: {  	_ =	shalt  }
0x74: {  	_ =	shalt  }
0x75: {  	_ =	shalt  }
0x76: {  	_ =	shalt  }
0x77: {  	_ =	shalt  }
0x78: {  	_ =	shalt  }
0x79: {  	_ =	shalt  }
0x7a: {  	_ =	shalt  }
0x7b: {  	_ =	shalt  }
0x7c: {  	_ =	shalt  }
0x7d: {  	_ =	shalt  }
0x7e: {  	_ =	shalt  }
0x7f: {  	_ =	shalt  }
0x80: {  	_ =	shalt  }
0x81: {  	_ =	shalt  }
0x82: {  	_ =	shalt  }
0x83: {  	_ =	shalt  }
0x84: {  	_ =	shalt  }
0x85: {  	_ =	shalt  }
0x86: {  	_ =	shalt  }
0x87: {  	_ =	shalt  }
.Lfunc_end0:
.L_simem_size_0:
called_computation.1_lowered:
.L_overlay_start_0:
0x88: {  	s2 =	sld [smem:$0x3FD9]  }
0x89: {  	s3 =	sld [smem:$0x3FFE];
	_ =	sdelay $0x1  }
0x8a: {  	s1 =	srdreg.scid  }
0x8b: {  	s0 =	sand.u32 $0x1, s1  }
0x8c: {  	s16 =	sshll.u32 s0, $0xA;
	s2 =	sadd.s32 s3, s2  }
0x8d: {  	s2 =	sadd.s32 s2, s16  }
0x8e: {  	[smem:$0x3FBC] =	sst s2  }
0x8f: {  	_ = 	snop  }
0x90: {  	(tm) =	ssettm $0x1  }
0x91: {  	s17 =	sld [smem:$0x3FFB];
	_ =	sdelay $0x3  }
0x92: {  	_ =	strace s17  }
0x93: {  	s2 =	sld [smem:$0x3FFC];
	_ =	sdelay $0x3  }
0x94: {  	_ =	strace s2  }
0x95: {  	s2 =	sld [smem:$0x3FFD];
	_ =	sdelay $0x3  }
0x96: {  	_ =	strace s2  }
0x97: {  	_ =	strace $0x8FFFFFFF  }
0x98: {  	s18 =	sld [smem:$0x3FDB];
	_ =	sdelay $0x1  }
0x99: {  	s19 =	simm.s32 $_scs_section_size  }
0x9a: {  	s4 =	simm.s32 $_size__tile_overlayer_lowered;
	s5 =	simm.s32 $_tile_overlayer_lowered  }
0x9b: {  	s22 =	simm.s32 $0x1BFF;
	s21 =	sshll.u32 s5, $0x1;
	s2 =	sadd.s32 s19, s18  }
0x9c: {  	s6 =	simm.s32 $0x0;
	s20 =	sshll.u32 s4, $0x1;
	s4 =	sadd.s32 s21, s2  }
0x9d: {  	[timem:s6], [sflag:s22] =	dma.local [hbm:s4], s20  }
0x9e: {  	_ =	swait.ge [sflag:s22], s20  }
0x9f: {  	s3 =	ssub.s32 $0x0, s20;
	[sflag:s22] =	ssyncset.done $0x0  }
0xa0: {  	[sflag:s22] =	ssyncadd.s32 s3;
	_ =	sdelay $0x1  }
0xa1: {  	s23 =	simm.s32 $0x1B8B  }
0xa2: {  	_ =	swait.ge [sflag:s23], $0x1  }
0xa3: {  	[sflag:s23] =	ssyncset.done $0x0  }
0xa4: {  	s25 =	simm.s32 $0x1B8E;
	s24 =	sld [smem:$0x3FFE];
	[sflag:s23] =	ssyncadd.s32 $0xFFFFFFFF  }
0xa5: {  	s26 =	simm.s32 $execute0_lowered;
	[smem:$0x3FD2] =	sst s25  }
0xa6: {  	s4 =	sshll.u32 s26, $0x1;
	_ =	strace $0x80000049;
	[dreg:$0x1] =	wrdreg $0xFFFFFFFF  }
0xa7: {  	s28 =	simm.s32 $_size_execute0_lowered;
	s2 =	sadd.s32 s2, s4;
	[dreg:$0x0] =	wrdreg $0x0  }
0xa8: {  	s4 =	sshll.u32 s28, $0x1;
	[dreg:$0x2] =	wrdreg s2  }
0xa9: {  	[dreg:$0x3] =	wrdreg s4  }
0xaa: {  	[dreg:$0x4] =	wrdreg $0xC0  }
0xab: {  	_ =	task [dreg:s6], $0x5FFFF  }
0xac: {  	[dreg:$0x1] =	wrdreg $0xFFFFFFFF  }
0xad: {  	[dreg:$0x0] =	wrdreg $0x60  }
0xae: {  	[dreg:$0x2] =	wrdreg s24  }
0xaf: {  	[dreg:$0x3] =	wrdreg $0x0  }
0xb0: {  	[dreg:$0x4] =	wrdreg $0x9  }
0xb1: {  	_ =	task.clear_ibuf [dreg:s6], $0x5FFFF;
	_ =	strace $0x90000049  }
0xb2: {  	s29 =	simm.s32 $0x9;
	_ =	strace $0x8000004B  }
0xb3: {  	_ =	swait.ge [sflag:s29], $0x1  }
0xb4: {  	[sflag:s29] =	ssyncadd.s32 $0xFFFFFFFF  }
0xb5: {  	_ =	strace $0x9000004B  }
0xb6: {  	_ =	sfence  }
0xb7: {  	s30 =	sld [smem:$0x0];
	_ =	sdelay $0x2  }
0xb8: {  	s31 =	sshll.u32 s1, $0xD;
	s1 =	sshrl.u32 s1, $0x2  }
0xb9: {  	s3 =	sand.u32 $0x4000, s31;
	s1 =	sadd.s32 s1, s30  }
0xba: {  	s0 =	sor.u32 s3, s0;
	s1 =	sshll.u32 s1, $0x11  }
0xbb: {  	s0 =	sor.u32 s1, s0  }
0xbc: {  	s0 =	sadd.s32 $0x8F2B, s0  }
0xbd: {  	[sflag:s0] =	ssyncadd.remote.s32 $0x1  }
0xbe: {  	_ =	sfence.sel $0xFFFF  }
0xbf: {  	[dreg:$0x0] =	wrdreg $0xFFFFFFFF;
	(pc) =	sbr.abs _section_cstart, $3  }
0xc0: {  	[dreg:$0x1] =	wrdreg $0xFFFFFFFF  }
0xc1: {  	_ =	task.clear_ibuf [dreg:s6], $0x2FFFF;
	_ =	strace $0x9FFFFFFF  }
0xc2: {  	(tm) =	ssettm $0x7FFFFFFF  }
0xc3: {  	_ =	shalt  }
tec
execute0_lowered:
.L_overlay_start_1:
0x0: {  	(tag) =	ssettag $0x1  }
0x1: {  	s0 =	rddreg [dreg:$0x0]  }
0x2: {  	s1 =	rddreg [dreg:$0x1]  }
0x3: {  	s3 =	simm.s32 $0x0;
	s18 =	stileid.u32;
	s8 =	srdreg.scid  }
0x4: {  	s29 =	simm.s32 $0x6;
	s30 =	simm.s32 $0x13C80;
	s31 =	simm.s32 $0x50  }
0x5: {  	s28 =	simm.s32 $0x0;
	[smem:$0x7FF] =	sst s3;
	s2 =	smul.u32 $0x2700, s18  }
0x6: {  	s4 =	sadd.s32 $0x277200, s0;
	s5 =	sadd.s32 $0xF0800, s0;
	s13 =	smul.u32 $0x4E000, s18  }
0x7: {  	s6 =	sadd.s32 $0x3E00, s0;
	s7 =	sadd.s32 $0x54400, s0;
	s21 =	smul.u32 $0x7D00, s18  }
0x8: {  	s8 =	sand.u32 $0x1, s8;
	s11 =	sadd.s32 $0x2EC600, s0;
	s17 =	smul.u32 $0x270, s18  }
0x9: {  	s9 =	sadd.s32 $0xD1400, s0;
	s14 =	sadd.s32 $0x33A800, s0;
	s19 =	smul.u32 $0x1F400, s18  }
0xa: {  	s22 =	sshll.u32 s18, $0x6;
	s26 =	sadd.s32 $0x138000, s1;
	s10 =	smul.u32 $0x2710, s8  }
0xb: {  	p0 =	sne.s32 s18, $0xF;
	s18 =	simm.s32 $0x13E00;
	s16 =	smul.u32 $0x7D000, s8  }
0xc: {  	_ =	strace $0x8000004A;
	s12 =	ssub.s32 $0x2, s8;
	s23 =	smul.u32 $0x138800, s8  }
0xd: {  	s24 =	sor.u32 $0x1C06, s22;
	[dreg:$0x6] =	wrdreg s26;
	s2 =	sadd.s32 s2, s0  }
0xe: {  	s13 =	sshrl.u32 s13, $0x2;
	s0 =	sadd.s32 $0x2EC400, s0;
	[dreg:$0x5] =	wrdreg s24  }
0xf: {  	s8 =	smul.u32 $0x1F4000, s8;
	s13 =	sadd.s32 s13, s1;
	[dreg:$0x8] =	wrdreg s0  }
0x10: {  	s15 =	sshrl.u32 s12, $0x1;
	s2 =	sadd.s32 $0x2C5400, s2;
	[dreg:$0x3] =	wrdreg s13  }
0x11: {  	s12 =	ssub.s32 s12, s15;
	s22 =	sshrl.u32 s23, $0x3;
	[dreg:$0x4] =	wrdreg s2  }
0x12: {  	s13 =	sadd.s32 s21, s16;
	s21 =	sadd.s32 s17, s10;
	s2 =	sadd.s32 s19, s8  }
0x13: {  	s17 =	smax.u32 s12, $0x1;
	s12 =	simm.s32 $0x3;
	s25 =	sshrl.u32 s13, $0x3  }
0x14: {  	s0 =	sshll.u32 s21, $0x4;
	s26 =	sshrl.u32 s2, $0x3;
	s15 =	sadd.s32 $0x300, s13  }
0x15: {  	[dreg:$0xf] =	wrdreg s17;
	s19 =	sor.u32 $0x200, s2;
	s2 =	sadd.s32 $0x400, s2  }
0x16: {  	s17 =	simm.s32 $0x2;
	s23 =	sadd.s32 s11, s0;
	[dreg:$0x11] =	wrdreg s2  }
0x17: {  	s16 =	sadd.s32 s9, s25;
	s10 =	sadd.s32 s7, s26;
	[dreg:$0xa] =	wrdreg s23  }
0x18: {  	s25 =	sadd.s32 $0x27000, s22;
	s0 =	sadd.s32 s14, s0;
	[dreg:$0xc] =	wrdreg s10  }
0x19: {  	s8 =	sshrl.u32 s15, $0x3;
	s2 =	simm.s32 $0x13D80;
	[dreg:$0xd] =	wrdreg s0  }
0x1a: {  	s15 =	simm.s32 $0x13D00;
	s20 =	sadd.s32 $0xF80, s16;
	[dreg:$0x7] =	wrdreg s16  }
0x1b: {  	s11 =	sadd.s32 s11, s25;
	s22 =	sadd.s32 s8, s9;
	[dreg:$0x9] =	wrdreg s20  }
0x1c: {  	s23 =	sadd.s32 $0x40, s16;
	s26 =	sadd.s32 $0xF60, s16;
	[dreg:$0xb] =	wrdreg s11  }
0x1d: {  	s10 =	simm.s32 $0x13980;
	s11 =	sadd.s32 s14, s25;
	[dreg:$0x12] =	wrdreg s23  }
0x1e: {  	s14 =	sadd.s32 $0x400, s13;
	s20 =	sadd.s32 $0x20, s16;
	[dreg:$0x13] =	wrdreg s26  }
.Ltmp0:
0x1f: {  	s16 =	simm.s32 $0x4;
	[dreg:$0xe] =	wrdreg s11;
	(pc) =	sbr.rel .LBB2_1-.Ltmp0, $4  }
0x20: {  	s13 =	simm.s32 $0x28;
	s0 =	sshrl.u32 s14, $0x3;
	[dreg:$0x10] =	wrdreg s20  }
0x21: {  	v2 =	vlaneseq.u32;
	s11 =	simm.s32 $0x1CA80;
	s14 =	simm.s32 $0x1;
	s20 =	simm.s32 $0x13B80  }
0x22: {  	vm0 =	vmmov $0xffff;
	v1 =	vshrl.u32 v2, $0x3;
	s21 =	sadd.s32 s0, s9;
	s0 =	sshrl.u32 s19, $0x3;
	s19 =	simm.s32 $0x5  }
0x23: {  	v0 =	vand.u32 $0x7, v2;
	v2 =	vor.u32 $0x8, v2;
	v1 =	vmul.u32 $0x8, v1;
	s9 =	simm.s32 $0x18E80;
	s25 =	sadd.s32 s0, s7;
	s0 =	simm.s32 $0x1A280  }
.LBB2_6:
0x24: {  	_ =	swait.ge [sflag:s17], $0x2800  }
0x25: {  	[sflag:s17] =	ssyncset.done $0x0  }
0x26: {  	[sflag:s17] =	ssyncadd.s32 $0xFFFFD800  }
0x27: {  	_ =	swait.ge [sflag:s12], $0x1400  }
0x28: {  	[sflag:s12] =	ssyncset.done $0x0  }
0x29: {  	[sflag:s12] =	ssyncadd.s32 $0xFFFFEC00  }
0x2a: {  	[spmem:s1] =	stream.indirect.scatter.add.f32 [tilespmem:s11], [sflag:$0x5], $0x80, s20, s13, $0xb8;
	[tilespmem:$0x1F280] =	vst v63  }
0x2b: {  	_ =	swait.ge [sflag:s16], $0x1400  }
0x2c: {  	[sflag:s16] =	ssyncset.done $0x0  }
0x2d: {  	[sflag:s16] =	ssyncadd.s32 $0xFFFFEC00  }
0x2e: {  	_ =	swait.ge [sflag:s19], $0x1400  }
0x2f: {  	[sflag:s19] =	ssyncset.done $0x0  }
0x30: {  	[sflag:s19] =	ssyncadd.s32 $0xFFFFEC00  }
0x31: {  	[bflag:$0x0] =	sbarrier.arrive $0xFFFF  }
0x32: {  	s24 =	rddreg [dreg:$0x5]  }
0x33: {  	s23 =	rddreg [dreg:$0xd]  }
0x34: {  	s26 =	rddreg [dreg:$0x15]  }
0x35: {  	[hbm:s23], [sflag:s24] =	dma.local [spmem:s26], $0x2700  }
0x36: {  	_ =	swait.ge [sflag:s29], $0x2700  }
0x37: {  	[sflag:s29] =	ssyncset.done $0x0;
	s23 =	rddreg [dreg:$0xe]  }
0x38: {  	s26 =	rddreg [dreg:$0x16];
	[sflag:s29] =	ssyncadd.s32 $0xFFFFD900  }
0x39: {  	[hbm:s23], [sflag:s24] =	dma.local @!p0 [spmem:s26], $0x100  }
0x3a: {  	s23 =	simm.s32 @!p0 $0x6  }
0x3b: {  	_ =	swait.ge @!p0 [sflag:s23], $0x100  }
0x3c: {  	s28 =	rddreg [dreg:$0x14]  }
0x3d: {  	s8 =	rddreg [dreg:$0xf];
	s28 =	sadd.s32 $0x1, s28  }
0x3e: {  	p1 =	sne.s32 s28, s8  }
.Ltmp1:
0x3f: {  	_ = 	snop;
	(pc) =	sbr.rel @!p1 .LBB2_7-.Ltmp1, $3  }
0x40: {  	_ =	sdelay $0x1  }
0x41: {  	[sflag:s23] =	ssyncset.done @!p0 $0x0  }
0x42: {  	[sflag:s23] =	ssyncadd.s32 @!p0 $0xFFFFFF00  }
.LBB2_1:
0x43: {  	[dreg:$0x14] =	wrdreg s28  }
0x44: {  	s23 =	rddreg [dreg:$0x3]  }
0x45: {  	s8 =	rddreg [dreg:$0x4];
	s26 =	sshrl.u32 s23, $0x3  }
0x46: {  	[dreg:$0x15] =	wrdreg s26  }
0x47: {  	[spmem:s26], [sflag:s24] =	dma.local [hbm:s8], $0x2700  }
0x48: {  	_ =	swait.ge [sflag:s29], $0x2700  }
0x49: {  	s23 =	rddreg [dreg:$0x6]  }
0x4a: {  	[sflag:s29] =	ssyncset.done $0x0;
	s8 =	rddreg [dreg:$0x8];
	s23 =	sshrl.u32 @!p0 s23, $0x3  }
0x4b: {  	[sflag:s29] =	ssyncadd.s32 $0xFFFFD900;
	[dreg:$0x16] =	wrdreg s23  }
0x4c: {  	[spmem:s23], [sflag:s24] =	dma.local @!p0 [hbm:s8], $0x100  }
0x4d: {  	s23 =	simm.s32 @!p0 $0x6  }
0x4e: {  	_ =	swait.ge @!p0 [sflag:s23], $0x100  }
0x4f: {  	[sflag:s23] =	ssyncset.done @!p0 $0x0  }
0x50: {  	[sflag:s23] =	ssyncadd.s32 @!p0 $0xFFFFFF00  }
0x51: {  	[bflag:$0x0] =	sbarrier.arrive $0xFFFF  }
0x52: {  	s28 =	rddreg [dreg:$0x7]  }
0x53: {  	[tilespmem:s30], [sflag:$0x6] =	stream.linear.gather [hbm4b:s28+s3], $0x100, $0x38;
	[tilespmem:$0x1F280] =	vst v63  }
0x54: {  	_ =	swait.ge [sflag:s29], $0x100  }
0x55: {  	[sflag:s29] =	ssyncset.done $0x0  }
0x56: {  	[sflag:s29] =	ssyncadd.s32 $0xFFFFFF00  }
0x57: {  	[tilespmem:s0], [sflag:$0x1] =	stream.indirect.gather [hbm4b:s4+s31], $0x80, s30, s31, $0xb8;
	[tilespmem:$0x1F280] =	vst v63  }
0x58: {  	s8 =	rddreg [dreg:$0x10]  }
0x59: {  	[tilespmem:s2], [sflag:$0x6] =	stream.linear.gather [hbm4b:s8+s3], $0x100, $0x38;
	[tilespmem:$0x1F280] =	vst v63  }
0x5a: {  	_ =	swait.ge [sflag:s29], $0x100  }
0x5b: {  	[sflag:s29] =	ssyncset.done $0x0  }
0x5c: {  	[sflag:s29] =	ssyncadd.s32 $0xFFFFFF00  }
0x5d: {  	[tilespmem:s11], [sflag:$0x2] =	stream.indirect.gather [hbm4b:s4+s31], $0x80, s2, s31, $0xb8;
	[tilespmem:$0x1F280] =	vst v63  }
0x5e: {  	_ =	swait.ge [sflag:s14], $0x2800  }
0x5f: {  	[sflag:s14] =	ssyncset.done $0x0  }
0x60: {  	[sflag:s14] =	ssyncadd.s32 $0xFFFFD800  }
0x61: {  	[spmem:s1] =	stream.indirect.scatter.add.f32 [tilespmem:s0], [sflag:$0x4], $0x80, s15, s31, $0xb8;
	[tilespmem:$0x1F280] =	vst v63  }
0x62: {  	_ =	swait.ge [sflag:s16], $0x2800  }
0x63: {  	[sflag:s16] =	ssyncset.done $0x0  }
0x64: {  	s24 =	rddreg [dreg:$0x12];
	[sflag:s16] =	ssyncadd.s32 $0xFFFFD800  }
0x65: {  	[tilespmem:s30], [sflag:$0x6] =	stream.linear.gather [hbm4b:s24+s3], $0x100, $0x38;
	[tilespmem:$0x1F280] =	vst v63  }
0x66: {  	_ =	swait.ge [sflag:s29], $0x100  }
0x67: {  	[sflag:s29] =	ssyncset.done $0x0  }
0x68: {  	[sflag:s29] =	ssyncadd.s32 $0xFFFFFF00  }
0x69: {  	[tilespmem:s0], [sflag:$0x1] =	stream.indirect.gather [hbm4b:s4+s31], $0x80, s30, s31, $0xb8;
	[tilespmem:$0x1F280] =	vst v63  }
0x6a: {  	_ =	swait.ge [sflag:s17], $0x2800  }
0x6b: {  	[sflag:s17] =	ssyncset.done $0x0  }
0x6c: {  	[sflag:s17] =	ssyncadd.s32 $0xFFFFD800  }
0x6d: {  	[spmem:s1] =	stream.indirect.scatter.add.f32 [tilespmem:s11], [sflag:$0x5], $0x80, s18, s31, $0xb8;
	[tilespmem:$0x1F280] =	vst v63  }
0x6e: {  	_ =	swait.ge [sflag:s19], $0x2800  }
0x6f: {  	[sflag:s19] =	ssyncset.done $0x0  }
0x70: {  	s26 =	sadd.s32 $0x0, s22;
	[sflag:s19] =	ssyncadd.s32 $0xFFFFD800  }
0x71: {  	[tilespmem:s2], [sflag:$0x6] =	stream.linear.gather [hbm4b:s26+s3], $0x100, $0x38;
	[tilespmem:$0x1F280] =	vst v63  }
0x72: {  	_ =	swait.ge [sflag:s29], $0x100  }
0x73: {  	[sflag:s29] =	ssyncset.done $0x0  }
0x74: {  	[sflag:s29] =	ssyncadd.s32 $0xFFFFFF00  }
0x75: {  	[tilespmem:s11], [sflag:$0x2] =	stream.indirect.gather [hbm4b:s4+s31], $0x80, s2, s31, $0xb8;
	[tilespmem:$0x1F280] =	vst v63  }
0x76: {  	_ =	swait.ge [sflag:s14], $0x2800  }
0x77: {  	[sflag:s14] =	ssyncset.done $0x0  }
0x78: {  	[sflag:s14] =	ssyncadd.s32 $0xFFFFD800  }
0x79: {  	[spmem:s1] =	stream.indirect.scatter.add.f32 [tilespmem:s0], [sflag:$0x4], $0x80, s15, s31, $0xb8;
	[tilespmem:$0x1F280] =	vst v63  }
0x7a: {  	_ =	swait.ge [sflag:s16], $0x2800  }
0x7b: {  	[sflag:s16] =	ssyncset.done $0x0  }
0x7c: {  	s28 =	sadd.s32 $0x0, s21;
	[sflag:s16] =	ssyncadd.s32 $0xFFFFD800  }
0x7d: {  	[tilespmem:s30], [sflag:$0x6] =	stream.linear.gather [hbm4b:s28+s3], $0x100, $0x38;
	[tilespmem:$0x1F280] =	vst v63  }
0x7e: {  	_ =	swait.ge [sflag:s29], $0x100  }
0x7f: {  	[sflag:s29] =	ssyncset.done $0x0  }
0x80: {  	[sflag:s29] =	ssyncadd.s32 $0xFFFFFF00  }
0x81: {  	[tilespmem:s0], [sflag:$0x1] =	stream.indirect.gather [hbm4b:s4+s31], $0x80, s30, s31, $0xb8;
	[tilespmem:$0x1F280] =	vst v63  }
0x82: {  	_ =	swait.ge [sflag:s17], $0x2800  }
0x83: {  	[sflag:s17] =	ssyncset.done $0x0  }
0x84: {  	s23 =	simm.s32 $0x40;
	[sflag:s17] =	ssyncadd.s32 $0xFFFFD800  }
.LBB2_2:
0x85: {  	[spmem:s1] =	stream.indirect.scatter.add.f32 [tilespmem:s11], [sflag:$0x5], $0x80, s18, s31, $0xb8;
	[tilespmem:$0x1F280] =	vst v63  }
0x86: {  	s26 =	smov.u32 s23  }
0x87: {  	p1 =	sne.s32 s23, $0xEC0;
	s23 =	sadd.s32 $0x40, s23;
	_ =	swait.ge [sflag:s19], $0x2800  }
0x88: {  	[sflag:s19] =	ssyncset.done $0x0  }
0x89: {  	s24 =	sadd.s32 s26, s22;
	[sflag:s19] =	ssyncadd.s32 $0xFFFFD800  }
0x8a: {  	[tilespmem:s2], [sflag:$0x6] =	stream.linear.gather [hbm4b:s24+s3], $0x100, $0x38;
	[tilespmem:$0x1F280] =	vst v63  }
0x8b: {  	_ =	swait.ge [sflag:s29], $0x100  }
0x8c: {  	[sflag:s29] =	ssyncset.done $0x0  }
0x8d: {  	[sflag:s29] =	ssyncadd.s32 $0xFFFFFF00  }
0x8e: {  	[tilespmem:s11], [sflag:$0x2] =	stream.indirect.gather [hbm4b:s4+s31], $0x80, s2, s31, $0xb8;
	[tilespmem:$0x1F280] =	vst v63  }
0x8f: {  	_ =	swait.ge [sflag:s14], $0x2800  }
0x90: {  	[sflag:s14] =	ssyncset.done $0x0  }
0x91: {  	[sflag:s14] =	ssyncadd.s32 $0xFFFFD800  }
0x92: {  	[spmem:s1] =	stream.indirect.scatter.add.f32 [tilespmem:s0], [sflag:$0x4], $0x80, s15, s31, $0xb8;
	[tilespmem:$0x1F280] =	vst v63  }
0x93: {  	_ =	swait.ge [sflag:s16], $0x2800  }
0x94: {  	[sflag:s16] =	ssyncset.done $0x0  }
0x95: {  	s24 =	sadd.s32 s26, s21;
	[sflag:s16] =	ssyncadd.s32 $0xFFFFD800  }
0x96: {  	[tilespmem:s30], [sflag:$0x6] =	stream.linear.gather [hbm4b:s24+s3], $0x100, $0x38;
	[tilespmem:$0x1F280] =	vst v63  }
0x97: {  	_ =	swait.ge [sflag:s29], $0x100  }
0x98: {  	[sflag:s29] =	ssyncset.done $0x0  }
.Ltmp2:
0x99: {  	[sflag:s29] =	ssyncadd.s32 $0xFFFFFF00;
	(pc) =	sbr.rel @p1 .LBB2_2-.Ltmp2, $4  }
0x9a: {  	[tilespmem:s0], [sflag:$0x1] =	stream.indirect.gather [hbm4b:s4+s31], $0x80, s30, s31, $0xb8;
	[tilespmem:$0x1F280] =	vst v63  }
0x9b: {  	_ =	swait.ge [sflag:s17], $0x2800  }
0x9c: {  	[sflag:s17] =	ssyncset.done $0x0  }
0x9d: {  	[sflag:s17] =	ssyncadd.s32 $0xFFFFD800  }
0x9e: {  	[spmem:s1] =	stream.indirect.scatter.add.f32 [tilespmem:s11], [sflag:$0x5], $0x80, s18, s31, $0xb8;
	[tilespmem:$0x1F280] =	vst v63  }
0x9f: {  	_ =	swait.ge [sflag:s19], $0x2800  }
0xa0: {  	[sflag:s19] =	ssyncset.done $0x0  }
0xa1: {  	s23 =	rddreg [dreg:$0x13];
	[sflag:s19] =	ssyncadd.s32 $0xFFFFD800  }
0xa2: {  	[tilespmem:s2], [sflag:$0x6] =	stream.linear.gather [hbm4b:s23+s3], $0x100, $0x38;
	[tilespmem:$0x1F280] =	vst v63  }
0xa3: {  	_ =	swait.ge [sflag:s29], $0x100  }
0xa4: {  	[sflag:s29] =	ssyncset.done $0x0  }
0xa5: {  	[sflag:s29] =	ssyncadd.s32 $0xFFFFFF00  }
0xa6: {  	[tilespmem:s11], [sflag:$0x2] =	stream.indirect.gather [hbm4b:s4+s31], $0x80, s2, s31, $0xb8;
	[tilespmem:$0x1F280] =	vst v63  }
0xa7: {  	_ =	swait.ge [sflag:s14], $0x2800  }
0xa8: {  	[sflag:s14] =	ssyncset.done $0x0  }
0xa9: {  	[sflag:s14] =	ssyncadd.s32 $0xFFFFD800  }
0xaa: {  	[spmem:s1] =	stream.indirect.scatter.add.f32 [tilespmem:s0], [sflag:$0x4], $0x80, s15, s31, $0xb8;
	[tilespmem:$0x1F280] =	vst v63  }
0xab: {  	_ =	swait.ge [sflag:s17], $0x2800  }
0xac: {  	[sflag:s17] =	ssyncset.done $0x0  }
0xad: {  	[sflag:s17] =	ssyncadd.s32 $0xFFFFD800  }
0xae: {  	[spmem:s1] =	stream.indirect.scatter.add.f32 [tilespmem:s11], [sflag:$0x5], $0x80, s18, s31, $0xb8;
	[tilespmem:$0x1F280] =	vst v63  }
0xaf: {  	_ =	swait.ge [sflag:s16], $0x2800  }
0xb0: {  	[sflag:s16] =	ssyncset.done $0x0  }
0xb1: {  	s28 =	rddreg [dreg:$0x9];
	[sflag:s16] =	ssyncadd.s32 $0xFFFFD800  }
0xb2: {  	[tilespmem:s30], [sflag:$0x6] =	stream.linear.gather [hbm4b:s28+s3], $0x100, $0x38;
	[tilespmem:$0x1F280] =	vst v63  }
0xb3: {  	_ =	swait.ge [sflag:s29], $0x100  }
0xb4: {  	[sflag:s29] =	ssyncset.done $0x0  }
0xb5: {  	[sflag:s29] =	ssyncadd.s32 $0xFFFFFF00  }
0xb6: {  	[tilespmem:s0], [sflag:$0x1] =	stream.indirect.gather [hbm4b:s4+s31], $0x80, s30, s31, $0xb8;
	[tilespmem:$0x1F280] =	vst v63  }
0xb7: {  	_ =	swait.ge [sflag:s14], $0x2800  }
0xb8: {  	[sflag:s14] =	ssyncset.done $0x0  }
0xb9: {  	[sflag:s14] =	ssyncadd.s32 $0xFFFFD800  }
0xba: {  	[spmem:s1] =	stream.indirect.scatter.add.f32 [tilespmem:s0], [sflag:$0x4], $0x80, s15, s31, $0xb8;
	[tilespmem:$0x1F280] =	vst v63  }
0xbb: {  	_ =	swait.ge [sflag:s16], $0x2800  }
0xbc: {  	[sflag:s16] =	ssyncset.done $0x0  }
0xbd: {  	[sflag:s16] =	ssyncadd.s32 $0xFFFFD800  }
0xbe: {  	_ =	swait.ge [sflag:s19], $0x2800  }
0xbf: {  	[sflag:s19] =	ssyncset.done $0x0  }
0xc0: {  	[sflag:s19] =	ssyncadd.s32 $0xFFFFD800  }
0xc1: {  	[bflag:$0x0] =	sbarrier.arrive $0xFFFF  }
0xc2: {  	s28 =	rddreg [dreg:$0x5]  }
0xc3: {  	s8 =	rddreg [dreg:$0xa]  }
0xc4: {  	s24 =	rddreg [dreg:$0x15]  }
0xc5: {  	[hbm:s8], [sflag:s28] =	dma.local [spmem:s24], $0x2700  }
0xc6: {  	_ =	swait.ge [sflag:s29], $0x2700  }
0xc7: {  	[sflag:s29] =	ssyncset.done $0x0;
	s24 =	rddreg [dreg:$0x3]  }
0xc8: {  	s26 =	rddreg [dreg:$0x4];
	[sflag:s29] =	ssyncadd.s32 $0xFFFFD900;
	s23 =	sshrl.u32 @p0 s24, $0x3  }
0xc9: {  	[spmem:s23], [sflag:s28] =	dma.local @p0 [hbm:s26], $0x2700  }
0xca: {  	s23 =	simm.s32 @p0 $0x6  }
0xcb: {  	_ =	swait.ge @p0 [sflag:s23], $0x2700  }
0xcc: {  	[sflag:s23] =	ssyncset.done @p0 $0x0;
	s8 =	rddreg [dreg:$0x16]  }
0xcd: {  	[sflag:s23] =	ssyncadd.s32 @p0 $0xFFFFD900;
	s23 =	rddreg [dreg:$0xb]  }
0xce: {  	[hbm:s23], [sflag:s28] =	dma.local @!p0 [spmem:s8], $0x100  }
0xcf: {  	s23 =	simm.s32 @!p0 $0x6  }
0xd0: {  	_ =	swait.ge @!p0 [sflag:s23], $0x100  }
0xd1: {  	[sflag:s23] =	ssyncset.done @!p0 $0x0  }
0xd2: {  	s24 =	sshrl.u32 @!p0 s24, $0x3;
	[sflag:s23] =	ssyncadd.s32 @!p0 $0xFFFFFF00  }
0xd3: {  	[spmem:s24], [sflag:s28] =	dma.local @!p0 [hbm:s26], $0x2700  }
0xd4: {  	_ =	swait.ge @!p0 [sflag:s23], $0x2700  }
0xd5: {  	[sflag:s23] =	ssyncset.done @!p0 $0x0  }
0xd6: {  	s24 =	rddreg [dreg:$0x8];
	[sflag:s23] =	ssyncadd.s32 @!p0 $0xFFFFD900  }
0xd7: {  	[spmem:s8], [sflag:s28] =	dma.local @!p0 [hbm:s24], $0x100  }
0xd8: {  	_ =	swait.ge @!p0 [sflag:s23], $0x100  }
0xd9: {  	[sflag:s23] =	ssyncset.done @!p0 $0x0  }
0xda: {  	[sflag:s23] =	ssyncadd.s32 @!p0 $0xFFFFFF00  }
0xdb: {  	[bflag:$0x0] =	sbarrier.arrive $0xFFFF  }
0xdc: {  	s28 =	simm.s32 $0x13880;
	s23 =	simm.s32 $0x0;
	s26 =	rddreg [dreg:$0xc]  }
0xdd: {  	[tilespmem:s28], [sflag:$0x6] =	stream.linear.gather [hbm4b:s26+s23], $0x180, $0x38;
	[tilespmem:$0x1F280] =	vst v63  }
0xde: {  	_ =	swait.ge [sflag:s29], $0x180  }
0xdf: {  	[sflag:s29] =	ssyncset.done $0x0  }
0xe0: {  	[sflag:s29] =	ssyncadd.s32 $0xFFFFFE80  }
0xe1: {  	v3 =	vld [tilespmem:$0x13880];
	_ =	sdelay $0x4  }
0xe2: {  	v4 =	vshll.u32 v3, $0x1  }
0xe3: {  	v3 =	vand.u32 $0x7, v3;
	v4 =	vand.u32 $0xFFFFFFF0, v4  }
0xe4: {  	v3 =	vor.u32 v3, v4  }
0xe5: {  	v4 =	vperm.xlane v3, v0;
	_ =	sdelay $0x1  }
0xe6: {  	v3 =	vperm.xlane v3, v2;
	v4 =	vadd.s32 v1, v4;
	_ =	sdelay $0x1  }
0xe7: {  	v3 =	vadd.s32 v1, v3;
	_ =	sdelay $0x1  }
0xe8: {  	s8 =	simm.s32 $0x13E80  }
0xe9: {  	[tilespmem:s8], [sflag:$0x1] =	stream.indirect_vreg.gather [hbm4b:s5+s23], $0x80, v4, vm0, $0xb8;
	[tilespmem:$0x1F280] =	vst v63  }
0xea: {  	s26 =	simm.s32 $0x14680  }
0xeb: {  	[tilespmem:s26], [sflag:$0x1] =	stream.indirect_vreg.gather [hbm4b:s5+s23], $0x80, v3, vm0, $0xb8;
	[tilespmem:$0x1F280] =	vst v63  }
0xec: {  	v3 =	vld [tilespmem:$0x13890];
	_ =	sdelay $0x4  }
0xed: {  	v62 =	vshll.u32 v3, $0x1  }
0xee: {  	v3 =	vand.u32 $0x7, v3;
	v4 =	vand.u32 $0xFFFFFFF0, v62  }
0xef: {  	v3 =	vor.u32 v3, v4  }
0xf0: {  	v4 =	vperm.xlane v3, v0;
	_ =	sdelay $0x1  }
0xf1: {  	v3 =	vperm.xlane v3, v2;
	v4 =	vadd.s32 v1, v4;
	_ =	sdelay $0x1  }
0xf2: {  	v3 =	vadd.s32 v1, v3;
	_ =	sdelay $0x1  }
0xf3: {  	s28 =	simm.s32 $0x14E80  }
0xf4: {  	[tilespmem:s28], [sflag:$0x1] =	stream.indirect_vreg.gather [hbm4b:s5+s23], $0x80, v4, vm0, $0xb8;
	[tilespmem:$0x1F280] =	vst v63  }
0xf5: {  	s8 =	simm.s32 $0x15680  }
0xf6: {  	[tilespmem:s8], [sflag:$0x1] =	stream.indirect_vreg.gather [hbm4b:s5+s23], $0x80, v3, vm0, $0xb8;
	[tilespmem:$0x1F280] =	vst v63  }
0xf7: {  	v3 =	vld.msk [tilespmem:$0x138A0], $0xff;
	_ =	sdelay $0x4  }
0xf8: {  	v63 =	vshll.u32 v3, $0x1  }
0xf9: {  	v3 =	vand.u32 $0x7, v3;
	v4 =	vand.u32 $0xFFFFFFF0, v63  }
0xfa: {  	v3 =	vor.u32 v3, v4  }
0xfb: {  	v3 =	vperm.xlane v3, v0;
	_ =	sdelay $0x1  }
0xfc: {  	v3 =	vadd.s32 v1, v3;
	_ =	sdelay $0x3  }
0xfd: {  	s26 =	simm.s32 $0x15E80  }
0xfe: {  	[tilespmem:s26], [sflag:$0x1] =	stream.indirect_vreg.gather [hbm4b:s5+s23], $0x80, v3, vm0, $0xb8;
	[tilespmem:$0x1F280] =	vst v63  }
0xff: {  	s28 =	simm.s32 $0x13900;
	s8 =	simm.s32 $0x13B00;
	s26 =	rddreg [dreg:$0x11]  }
0x100: {  	[tilespmem:s9], [sflag:$0x3] =	stream.indirect.gather [hbm4b:s6+s13], $0x80, s28, s13, $0xb8;
	[tilespmem:$0x1F280] =	vst v63  }
.LBB2_4:
0x101: {  	p1 =	seq.s32 s23, $0x0  }
0x102: {  	s24 =	simm.s32 @!p1 $0x5  }
0x103: {  	_ =	swait.ge @!p1 [sflag:s24], $0x1400  }
0x104: {  	[sflag:s24] =	ssyncset.done @!p1 $0x0  }
0x105: {  	s28 =	simm.s32 $0x13A80;
	[sflag:s24] =	ssyncadd.s32 @!p1 $0xFFFFEC00;
	s24 =	sadd.s32 s23, s25  }
0x106: {  	[tilespmem:s28], [sflag:$0x6] =	stream.linear.gather [hbm4b:s24+s3], $0x180, $0x38;
	[tilespmem:$0x1F280] =	vst v63  }
0x107: {  	_ =	swait.ge [sflag:s29], $0x180  }
0x108: {  	[sflag:s29] =	ssyncset.done $0x0  }
0x109: {  	[sflag:s29] =	ssyncadd.s32 $0xFFFFFE80  }
0x10a: {  	v3 =	vld [tilespmem:$0x13A80];
	_ =	sdelay $0x4  }
0x10b: {  	v4 =	vshll.u32 v3, $0x1  }
0x10c: {  	v3 =	vand.u32 $0x7, v3;
	v4 =	vand.u32 $0xFFFFFFF0, v4  }
0x10d: {  	v3 =	vor.u32 v3, v4  }
0x10e: {  	v4 =	vperm.xlane v3, v0;
	_ =	sdelay $0x1  }
0x10f: {  	v3 =	vperm.xlane v3, v2;
	v4 =	vadd.s32 v1, v4;
	_ =	sdelay $0x1  }
0x110: {  	v3 =	vadd.s32 v1, v3;
	_ =	sdelay $0x1  }
0x111: {  	s28 =	simm.s32 $0x16680  }
0x112: {  	[tilespmem:s28], [sflag:$0x2] =	stream.indirect_vreg.gather [hbm4b:s5+s3], $0x80, v4, vm0, $0xb8;
	[tilespmem:$0x1F280] =	vst v63  }
0x113: {  	s28 =	simm.s32 $0x16E80  }
0x114: {  	[tilespmem:s28], [sflag:$0x2] =	stream.indirect_vreg.gather [hbm4b:s5+s3], $0x80, v3, vm0, $0xb8;
	[tilespmem:$0x1F280] =	vst v63  }
0x115: {  	v3 =	vld [tilespmem:$0x13A90];
	_ =	sdelay $0x4  }
0x116: {  	v62 =	vshll.u32 v3, $0x1  }
0x117: {  	v3 =	vand.u32 $0x7, v3;
	v4 =	vand.u32 $0xFFFFFFF0, v62  }
0x118: {  	v3 =	vor.u32 v3, v4  }
0x119: {  	v4 =	vperm.xlane v3, v0;
	_ =	sdelay $0x1  }
0x11a: {  	v3 =	vperm.xlane v3, v2;
	v4 =	vadd.s32 v1, v4;
	_ =	sdelay $0x1  }
0x11b: {  	v3 =	vadd.s32 v1, v3;
	_ =	sdelay $0x1  }
0x11c: {  	s28 =	simm.s32 $0x17680  }
0x11d: {  	[tilespmem:s28], [sflag:$0x2] =	stream.indirect_vreg.gather [hbm4b:s5+s3], $0x80, v4, vm0, $0xb8;
	[tilespmem:$0x1F280] =	vst v63  }
0x11e: {  	s28 =	simm.s32 $0x17E80  }
0x11f: {  	[tilespmem:s28], [sflag:$0x2] =	stream.indirect_vreg.gather [hbm4b:s5+s3], $0x80, v3, vm0, $0xb8;
	[tilespmem:$0x1F280] =	vst v63  }
0x120: {  	v3 =	vld.msk [tilespmem:$0x13AA0], $0xff;
	_ =	sdelay $0x4  }
0x121: {  	v63 =	vshll.u32 v3, $0x1  }
0x122: {  	v3 =	vand.u32 $0x7, v3;
	v4 =	vand.u32 $0xFFFFFFF0, v63  }
0x123: {  	v3 =	vor.u32 v3, v4  }
0x124: {  	v3 =	vperm.xlane v3, v0;
	_ =	sdelay $0x1  }
0x125: {  	v3 =	vadd.s32 v1, v3;
	_ =	sdelay $0x3  }
0x126: {  	s28 =	simm.s32 $0x18680  }
0x127: {  	[tilespmem:s28], [sflag:$0x2] =	stream.indirect_vreg.gather [hbm4b:s5+s3], $0x80, v3, vm0, $0xb8;
	[tilespmem:$0x1F280] =	vst v63  }
0x128: {  	_ =	swait.ge [sflag:s14], $0x2800  }
0x129: {  	[sflag:s14] =	ssyncset.done $0x0  }
0x12a: {  	[sflag:s14] =	ssyncadd.s32 $0xFFFFD800  }
0x12b: {  	p1 =	seq.s32 s23, $0x3E00;
	_ =	swait.ge [sflag:s12], $0x1400  }
.Ltmp3:
0x12c: {  	[sflag:s12] =	ssyncset.done $0x0;
	(pc) =	sbr.rel @p1 .LBB2_6-.Ltmp3, $4  }
0x12d: {  	[sflag:s12] =	ssyncadd.s32 $0xFFFFEC00  }
0x12e: {  	[tilespmem:s9], [sflag:$0x3] =	stream.indirect.gather [hbm4b:s6+s13], $0x80, s8, s13, $0xb8;
	[tilespmem:$0x1F280] =	vst v63  }
0x12f: {  	_ = 	snop  }
0x130: {  	[spmem:s1] =	stream.indirect.scatter.add.f32 [tilespmem:s0], [sflag:$0x4], $0x80, s10, s13, $0xb8;
	[tilespmem:$0x1F280] =	vst v63  }
0x131: {  	_ =	swait.ge [sflag:s16], $0x1400  }
0x132: {  	s24 =	sshrl.u32 s26, $0x3;
	[sflag:s16] =	ssyncset.done $0x0  }
0x133: {  	s28 =	simm.s32 $0x13880;
	s24 =	sadd.s32 s7, s24;
	[sflag:s16] =	ssyncadd.s32 $0xFFFFEC00  }
0x134: {  	[tilespmem:s28], [sflag:$0x6] =	stream.linear.gather [hbm4b:s24+s3], $0x180, $0x38;
	[tilespmem:$0x1F280] =	vst v63  }
0x135: {  	_ =	swait.ge [sflag:s29], $0x180  }
0x136: {  	[sflag:s29] =	ssyncset.done $0x0  }
0x137: {  	[sflag:s29] =	ssyncadd.s32 $0xFFFFFE80  }
0x138: {  	v3 =	vld [tilespmem:$0x13880];
	_ =	sdelay $0x4  }
0x139: {  	v4 =	vshll.u32 v3, $0x1  }
0x13a: {  	v3 =	vand.u32 $0x7, v3;
	v4 =	vand.u32 $0xFFFFFFF0, v4  }
0x13b: {  	v3 =	vor.u32 v3, v4  }
0x13c: {  	v4 =	vperm.xlane v3, v0;
	_ =	sdelay $0x1  }
0x13d: {  	v3 =	vperm.xlane v3, v2;
	v4 =	vadd.s32 v1, v4;
	_ =	sdelay $0x1  }
0x13e: {  	v3 =	vadd.s32 v1, v3;
	_ =	sdelay $0x1  }
0x13f: {  	s28 =	simm.s32 $0x13E80  }
0x140: {  	[tilespmem:s28], [sflag:$0x1] =	stream.indirect_vreg.gather [hbm4b:s5+s3], $0x80, v4, vm0, $0xb8;
	[tilespmem:$0x1F280] =	vst v63  }
0x141: {  	s28 =	simm.s32 $0x14680  }
0x142: {  	[tilespmem:s28], [sflag:$0x1] =	stream.indirect_vreg.gather [hbm4b:s5+s3], $0x80, v3, vm0, $0xb8;
	[tilespmem:$0x1F280] =	vst v63  }
0x143: {  	v3 =	vld [tilespmem:$0x13890];
	_ =	sdelay $0x4  }
0x144: {  	v62 =	vshll.u32 v3, $0x1  }
0x145: {  	v3 =	vand.u32 $0x7, v3;
	v4 =	vand.u32 $0xFFFFFFF0, v62  }
0x146: {  	v3 =	vor.u32 v3, v4  }
0x147: {  	v4 =	vperm.xlane v3, v0;
	_ =	sdelay $0x1  }
0x148: {  	v3 =	vperm.xlane v3, v2;
	v4 =	vadd.s32 v1, v4;
	_ =	sdelay $0x1  }
0x149: {  	v3 =	vadd.s32 v1, v3;
	_ =	sdelay $0x1  }
0x14a: {  	s28 =	simm.s32 $0x14E80  }
0x14b: {  	[tilespmem:s28], [sflag:$0x1] =	stream.indirect_vreg.gather [hbm4b:s5+s3], $0x80, v4, vm0, $0xb8;
	[tilespmem:$0x1F280] =	vst v63  }
0x14c: {  	s28 =	simm.s32 $0x15680  }
0x14d: {  	[tilespmem:s28], [sflag:$0x1] =	stream.indirect_vreg.gather [hbm4b:s5+s3], $0x80, v3, vm0, $0xb8;
	[tilespmem:$0x1F280] =	vst v63  }
0x14e: {  	v3 =	vld.msk [tilespmem:$0x138A0], $0xff;
	_ =	sdelay $0x4  }
0x14f: {  	v63 =	vshll.u32 v3, $0x1  }
0x150: {  	v3 =	vand.u32 $0x7, v3;
	v4 =	vand.u32 $0xFFFFFFF0, v63  }
0x151: {  	v3 =	vor.u32 v3, v4  }
0x152: {  	v3 =	vperm.xlane v3, v0;
	_ =	sdelay $0x1  }
0x153: {  	v3 =	vadd.s32 v1, v3;
	_ =	sdelay $0x3  }
0x154: {  	s28 =	simm.s32 $0x15E80  }
0x155: {  	[tilespmem:s28], [sflag:$0x1] =	stream.indirect_vreg.gather [hbm4b:s5+s3], $0x80, v3, vm0, $0xb8;
	[tilespmem:$0x1F280] =	vst v63  }
0x156: {  	_ =	swait.ge [sflag:s17], $0x2800  }
0x157: {  	[sflag:s17] =	ssyncset.done $0x0  }
0x158: {  	[sflag:s17] =	ssyncadd.s32 $0xFFFFD800  }
0x159: {  	_ =	swait.ge [sflag:s12], $0x1400  }
.Ltmp4:
0x15a: {  	[sflag:s12] =	ssyncset.done $0x0;
	(pc) =	sbr.rel .LBB2_4-.Ltmp4, $4  }
0x15b: {  	s28 =	simm.s32 $0x13900;
	[sflag:s12] =	ssyncadd.s32 $0xFFFFEC00  }
0x15c: {  	[tilespmem:s9], [sflag:$0x3] =	stream.indirect.gather [hbm4b:s6+s13], $0x80, s28, s13, $0xb8;
	[tilespmem:$0x1F280] =	vst v63  }
0x15d: {  	s23 =	sadd.s32 $0x80, s23;
	s26 =	sadd.s32 $0x400, s26  }
0x15e: {  	[spmem:s1] =	stream.indirect.scatter.add.f32 [tilespmem:s11], [sflag:$0x5], $0x80, s20, s13, $0xb8;
	[tilespmem:$0x1F280] =	vst v63  }
.LBB2_7:
0x15f: {  	_ =	sfence.sel $0x180000  }
0x160: {  	[bflag:$0x0] =	sbarrier.arrive $0xFFFF  }
0x161: {  	_ =	strace $0x9000004A  }
0x162: {  	s0 =	stileid.u32;
	[bflag:$0x2] =	sbarrier.arrive $0xFFFF  }
0x163: {  	p0 =	sne.s32 s0, $0x0;
	s0 =	rddreg [dreg:$0x2]  }
0x164: {  	s0 =	sadd.s32 @!p0 $0x100000, s0  }
0x165: {  	[sflag:s0] =	ssyncadd.tile.s32 @!p0 $0x1;
	_ =	shalt  }
.Lfunc_end2:
_tile_overlayer_lowered:
.L_overlay_start_2:
0x166: {  	(tag) =	ssettag $0x2  }
0x167: {  	s0 =	rddreg [dreg:$0x0];
	s2 =	stileid.u32  }
0x168: {  	s1 =	rddreg [dreg:$0x1];
	p0 =	sne.s32 s2, $0x0  }
0x169: {  	s3 =	rddreg [dreg:$0x2];
	[bflag:$0x3] =	sbarrier.arrive $0xFFFF;
	s2 =	simm.s32 @!p0 $0x1C06  }
0x16a: {  	[timem:s3], [sflag:s2] =	dma.local @!p0 [hbm:s0], s1  }
0x16b: {  	s0 =	simm.s32 @!p0 $0x6  }
0x16c: {  	_ =	swait.ge @!p0 [sflag:s0], s1  }
0x16d: {  	s1 =	ssub.s32 @!p0 $0x0, s1;
	[sflag:s0] =	ssyncset.done @!p0 $0x0  }
0x16e: {  	[sflag:s0] =	ssyncadd.s32 @!p0 s1  }
0x16f: {  	[bflag:$0x3] =	sbarrier.arrive $0xFFFF  }
0x170: {  	_ =	shalt  }

// kernel: kernel.16.cloned.1.call-start
scs
__scs_entry_jumppad:
0x0: {  	(pc) =	sbr.rel $0x88, $3  }
0x1: {  	(tag) =	ssettag $0x0;
	lr =	simm.s32 $0x1  }
0x2: {  	[smem:$0x3F95] =	sst lr;
	_ =	strace $0xD0000000  }
0x3: {  	_ = 	snop  }
0x4: {  	_ = 	snop  }
0x5: {  	_ = 	snop  }
0x6: {  	_ = 	snop  }
0x7: {  	_ = 	snop  }
__scs_overlays_trampoline_lowered:
0x8: {  	[smem:$0x3FA4] =	sst s0  }
0x9: {  	[smem:$0x3FA5] =	sst s1  }
0xa: {  	[smem:$0x3FA6] =	sst s2  }
0xb: {  	[smem:$0x3FA7] =	sst s3  }
0xc: {  	[smem:$0x3FA8] =	sst s4  }
0xd: {  	[smem:$0x3FA9] =	sst s5  }
0xe: {  	[smem:$0x3FAA] =	sst s6  }
0xf: {  	[smem:$0x3FAB] =	sst s7  }
0x10: {  	[smem:$0x3FAC] =	sst s8  }
0x11: {  	[smem:$0x3FAD] =	sst s9;
	s0 =	simm.s32 @!p0 $0x0  }
0x12: {  	s1 =	sld [smem:$0x3F93];
	s0 =	simm.s32 @p0 $0x1  }
0x13: {  	[smem:$0x3FAE] =	sst s0;
	s0 =	simm.s32 @!p1 $0x0  }
0x14: {  	s2 =	sld [smem:$0x3F92];
	s0 =	simm.s32 @p1 $0x1  }
0x15: {  	[smem:$0x3FAF] =	sst s0;
	s0 =	simm.s32 @!p2 $0x0  }
0x16: {  	s3 =	sld [smem:$0x3FDB];
	s0 =	simm.s32 @p2 $0x1  }
0x17: {  	s4 =	simm.s32 $0x1BF5;
	[smem:$0x3FB1] =	sst s0  }
0x18: {  	s0 =	sld [smem:$0x3F94];
	_ =	swait.ge [sflag:s4], $0x0  }
0x19: {  	s7 =	sld [smem:$0x3F95]  }
0x1a: {  	s8 =	sadd.s32 $0xFFFFE003, lr  }
0x1b: {  	s9 =	sadd.s32 $0xFFFFFEF7, lr;
	s5 =	simm.s32 $0xFFFFFFFF;
	p2 =	slt.u32 s8, $0xFFFFF086  }
0x1c: {  	p1 =	slt.u32 s9, $0xF7A;
	s5 =	simm.s32 @!p2 $0x0  }
0x1d: {  	s5 =	simm.s32 @p1 $0x1;
	p0 =	seq.s32 s7, s2  }
0x1e: {  	s7 =	smul.u32 @!p0 $0xF7A, s2;
	p2 =	seq.s32 @!p0 s5, $0x0  }
0x1f: {  	s9 =	smul.u32 $0xF7A, s1;
	s8 =	simm.s32 @!p0 $0x1BF5;
	p2 =	por !p2, p0  }
0x20: {  	[sflag:s8] =	ssyncset.s32 @!p0 $0xFFFFF086;
	s6 =	sadd.s32 @!p0 s3, s7;
	s7 =	simm.s32 @!p0 $0x108  }
0x21: {  	s3 =	sadd.s32 s3, s9;
	s6 =	sadd.s32 @!p0 $0x88, s6;
	s7 =	simm.s32 @p2 $0x1082  }
0x22: {  	[simem:s7], [sflag:s8] =	dma.local @!p0 [hbm:s6], $0xF7A  }
0x23: {  	s9 =	sor.u32 $0xD0000000, s2;
	s6 =	simm.s32 $0x108;
	_ =	swait.ge @!p0 [sflag:s8], $0x0  }
0x24: {  	s3 =	sadd.s32 $0x88, s3;
	s6 =	simm.s32 @!p1 $0x1082;
	[sflag:s4] =	ssyncset.s32 $0xFFFFF086  }
0x25: {  	[simem:s6], [sflag:s4] =	dma.local [hbm:s3], $0xF7A  }
0x26: {  	[smem:$0x3F95] =	sst s1;
	(tag) =	ssettag s2;
	_ =	strace s9  }
0x27: {  	s1 =	sld [smem:$0x3FA5]  }
0x28: {  	s2 =	sld [smem:$0x3FA6]  }
0x29: {  	s4 =	sld [smem:$0x3FA8]  }
0x2a: {  	p0 =	seq.s32 s5, $0x0;
	s5 =	sld [smem:$0x3FA9]  }
0x2b: {  	s6 =	sld [smem:$0x3FAA]  }
0x2c: {  	s7 =	sld [smem:$0x3FAB]  }
0x2d: {  	s3 =	simm.s32 $0x108;
	s8 =	sld [smem:$0x3FAC]  }
0x2e: {  	s3 =	simm.s32 @!p0 $0x1082;
	s9 =	sld [smem:$0x3FAD]  }
0x2f: {  	lr =	sadd.s32 s0, s3;
	s0 =	sld [smem:$0x3FA4]  }
0x30: {  	s3 =	sld [smem:$0x3FA7]  }
0x31: {  	[smem:$0x3FB0] =	sst s10  }
0x32: {  	s10 =	sld [smem:$0x3FAE];
	_ =	sdelay $0x3  }
0x33: {  	p0 =	seq.s32 s10, $0x1;
	s10 =	sld [smem:$0x3FB0];
	_ =	sdelay $0x3  }
0x34: {  	[smem:$0x3FB0] =	sst s10  }
0x35: {  	s10 =	sld [smem:$0x3FAF];
	_ =	sdelay $0x3  }
0x36: {  	p1 =	seq.s32 s10, $0x1;
	s10 =	sld [smem:$0x3FB0];
	_ =	sdelay $0x3  }
0x37: {  	[smem:$0x3FB0] =	sst s10  }
0x38: {  	s10 =	sld [smem:$0x3FB1]  }
0x39: {  	_ = 	snop;
	(pc) =	sbr.ind lr, $3  }
0x3a: {  	_ = 	snop  }
0x3b: {  	_ = 	snop  }
0x3c: {  	p2 =	seq.s32 s10, $0x1;
	s10 =	sld [smem:$0x3FB0]  }
0x3d: {  	_ =	shalt  }
0x3e: {  	_ =	shalt  }
0x3f: {  	_ =	shalt  }
0x40: {  	_ =	shalt  }
0x41: {  	_ =	shalt  }
0x42: {  	_ =	shalt  }
0x43: {  	_ =	shalt  }
0x44: {  	_ =	shalt  }
0x45: {  	_ =	shalt  }
0x46: {  	_ =	shalt  }
0x47: {  	_ =	shalt  }
0x48: {  	_ =	shalt  }
0x49: {  	_ =	shalt  }
0x4a: {  	_ =	shalt  }
0x4b: {  	_ =	shalt  }
0x4c: {  	_ =	shalt  }
0x4d: {  	_ =	shalt  }
0x4e: {  	_ =	shalt  }
0x4f: {  	_ =	shalt  }
0x50: {  	_ =	shalt  }
0x51: {  	_ =	shalt  }
0x52: {  	_ =	shalt  }
0x53: {  	_ =	shalt  }
0x54: {  	_ =	shalt  }
0x55: {  	_ =	shalt  }
0x56: {  	_ =	shalt  }
0x57: {  	_ =	shalt  }
0x58: {  	_ =	shalt  }
0x59: {  	_ =	shalt  }
0x5a: {  	_ =	shalt  }
0x5b: {  	_ =	shalt  }
0x5c: {  	_ =	shalt  }
0x5d: {  	_ =	shalt  }
0x5e: {  	_ =	shalt  }
0x5f: {  	_ =	shalt  }
0x60: {  	_ =	shalt  }
0x61: {  	_ =	shalt  }
0x62: {  	_ =	shalt  }
0x63: {  	_ =	shalt  }
0x64: {  	_ =	shalt  }
0x65: {  	_ =	shalt  }
0x66: {  	_ =	shalt  }
0x67: {  	_ =	shalt  }
0x68: {  	_ =	shalt  }
0x69: {  	_ =	shalt  }
0x6a: {  	_ =	shalt  }
0x6b: {  	_ =	shalt  }
0x6c: {  	_ =	shalt  }
0x6d: {  	_ =	shalt  }
0x6e: {  	_ =	shalt  }
0x6f: {  	_ =	shalt  }
0x70: {  	_ =	shalt  }
0x71: {  	_ =	shalt  }
0x72: {  	_ =	shalt  }
0x73: {  	_ =	shalt  }
0x74: {  	_ =	shalt  }
0x75: {  	_ =	shalt  }
0x76: {  	_ =	shalt  }
0x77: {  	_ =	shalt  }
0x78: {  	_ =	shalt  }
0x79: {  	_ =	shalt  }
0x7a: {  	_ =	shalt  }
0x7b: {  	_ =	shalt  }
0x7c: {  	_ =	shalt  }
0x7d: {  	_ =	shalt  }
0x7e: {  	_ =	shalt  }
0x7f: {  	_ =	shalt  }
0x80: {  	_ =	shalt  }
0x81: {  	_ =	shalt  }
0x82: {  	_ =	shalt  }
0x83: {  	_ =	shalt  }
0x84: {  	_ =	shalt  }
0x85: {  	_ =	shalt  }
0x86: {  	_ =	shalt  }
0x87: {  	_ =	shalt  }
.Lfunc_end0:
.L_simem_size_0:
called_computation.2_lowered:
.L_overlay_start_0:
0x88: {  	s2 =	sld [smem:$0x3FD9]  }
0x89: {  	s3 =	sld [smem:$0x3FFE];
	_ =	sdelay $0x1  }
0x8a: {  	s1 =	srdreg.scid  }
0x8b: {  	s0 =	sand.u32 $0x1, s1  }
0x8c: {  	s16 =	sshll.u32 s0, $0xA;
	s2 =	sadd.s32 s3, s2  }
0x8d: {  	s2 =	sadd.s32 s2, s16  }
0x8e: {  	[smem:$0x3FBC] =	sst s2  }
0x8f: {  	_ = 	snop  }
0x90: {  	(tm) =	ssettm $0x1  }
0x91: {  	s17 =	sld [smem:$0x3FFB];
	_ =	sdelay $0x3  }
0x92: {  	_ =	strace s17  }
0x93: {  	s2 =	sld [smem:$0x3FFC];
	_ =	sdelay $0x3  }
0x94: {  	_ =	strace s2  }
0x95: {  	s2 =	sld [smem:$0x3FFD];
	_ =	sdelay $0x3  }
0x96: {  	_ =	strace s2  }
0x97: {  	_ =	strace $0x8FFFFFFF  }
0x98: {  	s18 =	sld [smem:$0x3FDB];
	_ =	sdelay $0x1  }
0x99: {  	s19 =	simm.s32 $_scs_section_size  }
0x9a: {  	s4 =	simm.s32 $_size__tile_overlayer_lowered;
	s5 =	simm.s32 $_tile_overlayer_lowered  }
0x9b: {  	s22 =	simm.s32 $0x1BFF;
	s21 =	sshll.u32 s5, $0x1;
	s2 =	sadd.s32 s19, s18  }
0x9c: {  	s6 =	simm.s32 $0x0;
	s20 =	sshll.u32 s4, $0x1;
	s4 =	sadd.s32 s21, s2  }
0x9d: {  	[timem:s6], [sflag:s22] =	dma.local [hbm:s4], s20  }
0x9e: {  	_ =	swait.ge [sflag:s22], s20  }
0x9f: {  	s3 =	ssub.s32 $0x0, s20;
	[sflag:s22] =	ssyncset.done $0x0  }
0xa0: {  	[sflag:s22] =	ssyncadd.s32 s3;
	_ =	sdelay $0x1  }
0xa1: {  	s23 =	simm.s32 $0x1B8B  }
0xa2: {  	_ =	swait.ge [sflag:s23], $0x1  }
0xa3: {  	[sflag:s23] =	ssyncset.done $0x0  }
0xa4: {  	s25 =	simm.s32 $0x1B8E;
	s24 =	sld [smem:$0x3FFE];
	[sflag:s23] =	ssyncadd.s32 $0xFFFFFFFF  }
0xa5: {  	s26 =	simm.s32 $execute0_lowered;
	[smem:$0x3FD2] =	sst s25  }
0xa6: {  	s4 =	sshll.u32 s26, $0x1;
	_ =	strace $0x8000004C;
	[dreg:$0x1] =	wrdreg $0xFFFFFFFF  }
0xa7: {  	s28 =	simm.s32 $_size_execute0_lowered;
	s2 =	sadd.s32 s2, s4;
	[dreg:$0x0] =	wrdreg $0x0  }
0xa8: {  	s4 =	sshll.u32 s28, $0x1;
	[dreg:$0x2] =	wrdreg s2  }
0xa9: {  	[dreg:$0x3] =	wrdreg s4  }
0xaa: {  	[dreg:$0x4] =	wrdreg $0xC0  }
0xab: {  	_ =	task [dreg:s6], $0x5FFFF  }
0xac: {  	[dreg:$0x1] =	wrdreg $0xFFFFFFFF  }
0xad: {  	[dreg:$0x0] =	wrdreg $0x60  }
0xae: {  	[dreg:$0x2] =	wrdreg s24  }
0xaf: {  	[dreg:$0x3] =	wrdreg $0x0  }
0xb0: {  	[dreg:$0x4] =	wrdreg $0x9  }
0xb1: {  	_ =	task.clear_ibuf [dreg:s6], $0x5FFFF;
	_ =	strace $0x9000004C  }
0xb2: {  	s29 =	simm.s32 $0x9;
	_ =	strace $0x8000004E  }
0xb3: {  	_ =	swait.ge [sflag:s29], $0x1  }
0xb4: {  	[sflag:s29] =	ssyncadd.s32 $0xFFFFFFFF  }
0xb5: {  	_ =	strace $0x9000004E  }
0xb6: {  	_ =	sfence  }
0xb7: {  	s30 =	sld [smem:$0x0];
	_ =	sdelay $0x2  }
0xb8: {  	s31 =	sshll.u32 s1, $0xD;
	s1 =	sshrl.u32 s1, $0x2  }
0xb9: {  	s3 =	sand.u32 $0x4000, s31;
	s1 =	sadd.s32 s1, s30  }
0xba: {  	s0 =	sor.u32 s3, s0;
	s1 =	sshll.u32 s1, $0x11  }
0xbb: {  	s0 =	sor.u32 s1, s0  }
0xbc: {  	s0 =	sadd.s32 $0x8F2B, s0  }
0xbd: {  	[sflag:s0] =	ssyncadd.remote.s32 $0x1  }
0xbe: {  	_ =	sfence.sel $0xFFFF  }
0xbf: {  	[dreg:$0x0] =	wrdreg $0xFFFFFFFF;
	(pc) =	sbr.abs _section_cstart, $3  }
0xc0: {  	[dreg:$0x1] =	wrdreg $0xFFFFFFFF  }
0xc1: {  	_ =	task.clear_ibuf [dreg:s6], $0x2FFFF;
	_ =	strace $0x9FFFFFFF  }
0xc2: {  	(tm) =	ssettm $0x7FFFFFFF  }
0xc3: {  	_ =	shalt  }
tec
execute0_lowered:
.L_overlay_start_1:
0x0: {  	(tag) =	ssettag $0x1  }
0x1: {  	s0 =	rddreg [dreg:$0x0]  }
0x2: {  	s1 =	rddreg [dreg:$0x1]  }
0x3: {  	s3 =	simm.s32 $0x0;
	s18 =	stileid.u32;
	s8 =	srdreg.scid  }
0x4: {  	s29 =	simm.s32 $0x6;
	s30 =	simm.s32 $0x13C80;
	s31 =	simm.s32 $0x50  }
0x5: {  	s28 =	simm.s32 $0x0;
	[smem:$0x7FF] =	sst s3;
	s2 =	smul.u32 $0x2700, s18  }
0x6: {  	s4 =	sadd.s32 $0x277200, s0;
	s5 =	sadd.s32 $0xF0800, s0;
	s13 =	smul.u32 $0x4E000, s18  }
0x7: {  	s6 =	sadd.s32 $0x3E00, s0;
	s7 =	sadd.s32 $0x54400, s0;
	s21 =	smul.u32 $0x7D00, s18  }
0x8: {  	s8 =	sand.u32 $0x1, s8;
	s11 =	sadd.s32 $0x2EC600, s0;
	s17 =	smul.u32 $0x270, s18  }
0x9: {  	s9 =	sadd.s32 $0xD1400, s0;
	s14 =	sadd.s32 $0x33A800, s0;
	s19 =	smul.u32 $0x1F400, s18  }
0xa: {  	s22 =	sshll.u32 s18, $0x6;
	s26 =	sadd.s32 $0x138000, s1;
	s10 =	smul.u32 $0x2710, s8  }
0xb: {  	p0 =	sne.s32 s18, $0xF;
	s18 =	simm.s32 $0x13E00;
	s16 =	smul.u32 $0x7D000, s8  }
0xc: {  	_ =	strace $0x8000004D;
	s12 =	ssub.s32 $0x2, s8;
	s23 =	smul.u32 $0x138800, s8  }
0xd: {  	s24 =	sor.u32 $0x1C06, s22;
	[dreg:$0x6] =	wrdreg s26;
	s2 =	sadd.s32 s2, s0  }
0xe: {  	s13 =	sshrl.u32 s13, $0x2;
	s0 =	sadd.s32 $0x2EC400, s0;
	[dreg:$0x5] =	wrdreg s24  }
0xf: {  	s8 =	smul.u32 $0x1F4000, s8;
	s13 =	sadd.s32 s13, s1;
	[dreg:$0x8] =	wrdreg s0  }
0x10: {  	s15 =	sshrl.u32 s12, $0x1;
	s2 =	sadd.s32 $0x2C5400, s2;
	[dreg:$0x3] =	wrdreg s13  }
0x11: {  	s12 =	ssub.s32 s12, s15;
	s22 =	sshrl.u32 s23, $0x3;
	[dreg:$0x4] =	wrdreg s2  }
0x12: {  	s13 =	sadd.s32 s21, s16;
	s21 =	sadd.s32 s17, s10;
	s2 =	sadd.s32 s19, s8  }
0x13: {  	s17 =	smax.u32 s12, $0x1;
	s12 =	simm.s32 $0x3;
	s25 =	sshrl.u32 s13, $0x3  }
0x14: {  	s0 =	sshll.u32 s21, $0x4;
	s26 =	sshrl.u32 s2, $0x3;
	s15 =	sadd.s32 $0x300, s13  }
0x15: {  	[dreg:$0xf] =	wrdreg s17;
	s19 =	sor.u32 $0x200, s2;
	s2 =	sadd.s32 $0x400, s2  }
0x16: {  	s17 =	simm.s32 $0x2;
	s23 =	sadd.s32 s11, s0;
	[dreg:$0x11] =	wrdreg s2  }
0x17: {  	s16 =	sadd.s32 s9, s25;
	s10 =	sadd.s32 s7, s26;
	[dreg:$0xa] =	wrdreg s23  }
0x18: {  	s25 =	sadd.s32 $0x27000, s22;
	s0 =	sadd.s32 s14, s0;
	[dreg:$0xc] =	wrdreg s10  }
0x19: {  	s8 =	sshrl.u32 s15, $0x3;
	s2 =	simm.s32 $0x13D80;
	[dreg:$0xd] =	wrdreg s0  }
0x1a: {  	s15 =	simm.s32 $0x13D00;
	s20 =	sadd.s32 $0xF80, s16;
	[dreg:$0x7] =	wrdreg s16  }
0x1b: {  	s11 =	sadd.s32 s11, s25;
	s22 =	sadd.s32 s8, s9;
	[dreg:$0x9] =	wrdreg s20  }
0x1c: {  	s23 =	sadd.s32 $0x40, s16;
	s26 =	sadd.s32 $0xF60, s16;
	[dreg:$0xb] =	wrdreg s11  }
0x1d: {  	s10 =	simm.s32 $0x13980;
	s11 =	sadd.s32 s14, s25;
	[dreg:$0x12] =	wrdreg s23  }
0x1e: {  	s14 =	sadd.s32 $0x400, s13;
	s20 =	sadd.s32 $0x20, s16;
	[dreg:$0x13] =	wrdreg s26  }
.Ltmp0:
0x1f: {  	s16 =	simm.s32 $0x4;
	[dreg:$0xe] =	wrdreg s11;
	(pc) =	sbr.rel .LBB2_1-.Ltmp0, $4  }
0x20: {  	s13 =	simm.s32 $0x28;
	s0 =	sshrl.u32 s14, $0x3;
	[dreg:$0x10] =	wrdreg s20  }
0x21: {  	v2 =	vlaneseq.u32;
	s11 =	simm.s32 $0x1CA80;
	s14 =	simm.s32 $0x1;
	s20 =	simm.s32 $0x13B80  }
0x22: {  	vm0 =	vmmov $0xffff;
	v1 =	vshrl.u32 v2, $0x3;
	s21 =	sadd.s32 s0, s9;
	s0 =	sshrl.u32 s19, $0x3;
	s19 =	simm.s32 $0x5  }
0x23: {  	v0 =	vand.u32 $0x7, v2;
	v2 =	vor.u32 $0x8, v2;
	v1 =	vmul.u32 $0x8, v1;
	s9 =	simm.s32 $0x18E80;
	s25 =	sadd.s32 s0, s7;
	s0 =	simm.s32 $0x1A280  }
.LBB2_6:
0x24: {  	_ =	swait.ge [sflag:s17], $0x2800  }
0x25: {  	[sflag:s17] =	ssyncset.done $0x0  }
0x26: {  	[sflag:s17] =	ssyncadd.s32 $0xFFFFD800  }
0x27: {  	_ =	swait.ge [sflag:s12], $0x1400  }
0x28: {  	[sflag:s12] =	ssyncset.done $0x0  }
0x29: {  	[sflag:s12] =	ssyncadd.s32 $0xFFFFEC00  }
0x2a: {  	[spmem:s1] =	stream.indirect.scatter.add.f32 [tilespmem:s11], [sflag:$0x5], $0x80, s20, s13, $0xb8;
	[tilespmem:$0x1F280] =	vst v63  }
0x2b: {  	_ =	swait.ge [sflag:s16], $0x1400  }
0x2c: {  	[sflag:s16] =	ssyncset.done $0x0  }
0x2d: {  	[sflag:s16] =	ssyncadd.s32 $0xFFFFEC00  }
0x2e: {  	_ =	swait.ge [sflag:s19], $0x1400  }
0x2f: {  	[sflag:s19] =	ssyncset.done $0x0  }
0x30: {  	[sflag:s19] =	ssyncadd.s32 $0xFFFFEC00  }
0x31: {  	[bflag:$0x0] =	sbarrier.arrive $0xFFFF  }
0x32: {  	s24 =	rddreg [dreg:$0x5]  }
0x33: {  	s23 =	rddreg [dreg:$0xd]  }
0x34: {  	s26 =	rddreg [dreg:$0x15]  }
0x35: {  	[hbm:s23], [sflag:s24] =	dma.local [spmem:s26], $0x2700  }
0x36: {  	_ =	swait.ge [sflag:s29], $0x2700  }
0x37: {  	[sflag:s29] =	ssyncset.done $0x0;
	s23 =	rddreg [dreg:$0xe]  }
0x38: {  	s26 =	rddreg [dreg:$0x16];
	[sflag:s29] =	ssyncadd.s32 $0xFFFFD900  }
0x39: {  	[hbm:s23], [sflag:s24] =	dma.local @!p0 [spmem:s26], $0x100  }
0x3a: {  	s23 =	simm.s32 @!p0 $0x6  }
0x3b: {  	_ =	swait.ge @!p0 [sflag:s23], $0x100  }
0x3c: {  	s28 =	rddreg [dreg:$0x14]  }
0x3d: {  	s8 =	rddreg [dreg:$0xf];
	s28 =	sadd.s32 $0x1, s28  }
0x3e: {  	p1 =	sne.s32 s28, s8  }
.Ltmp1:
0x3f: {  	_ = 	snop;
	(pc) =	sbr.rel @!p1 .LBB2_7-.Ltmp1, $3  }
0x40: {  	_ =	sdelay $0x1  }
0x41: {  	[sflag:s23] =	ssyncset.done @!p0 $0x0  }
0x42: {  	[sflag:s23] =	ssyncadd.s32 @!p0 $0xFFFFFF00  }
.LBB2_1:
0x43: {  	[dreg:$0x14] =	wrdreg s28  }
0x44: {  	s23 =	rddreg [dreg:$0x3]  }
0x45: {  	s8 =	rddreg [dreg:$0x4];
	s26 =	sshrl.u32 s23, $0x3  }
0x46: {  	[dreg:$0x15] =	wrdreg s26  }
0x47: {  	[spmem:s26], [sflag:s24] =	dma.local [hbm:s8], $0x2700  }
0x48: {  	_ =	swait.ge [sflag:s29], $0x2700  }
0x49: {  	s23 =	rddreg [dreg:$0x6]  }
0x4a: {  	[sflag:s29] =	ssyncset.done $0x0;
	s8 =	rddreg [dreg:$0x8];
	s23 =	sshrl.u32 @!p0 s23, $0x3  }
0x4b: {  	[sflag:s29] =	ssyncadd.s32 $0xFFFFD900;
	[dreg:$0x16] =	wrdreg s23  }
0x4c: {  	[spmem:s23], [sflag:s24] =	dma.local @!p0 [hbm:s8], $0x100  }
0x4d: {  	s23 =	simm.s32 @!p0 $0x6  }
0x4e: {  	_ =	swait.ge @!p0 [sflag:s23], $0x100  }
0x4f: {  	[sflag:s23] =	ssyncset.done @!p0 $0x0  }
0x50: {  	[sflag:s23] =	ssyncadd.s32 @!p0 $0xFFFFFF00  }
0x51: {  	[bflag:$0x0] =	sbarrier.arrive $0xFFFF  }
0x52: {  	s28 =	rddreg [dreg:$0x7]  }
0x53: {  	[tilespmem:s30], [sflag:$0x6] =	stream.linear.gather [hbm4b:s28+s3], $0x100, $0x38;
	[tilespmem:$0x1F280] =	vst v63  }
0x54: {  	_ =	swait.ge [sflag:s29], $0x100  }
0x55: {  	[sflag:s29] =	ssyncset.done $0x0  }
0x56: {  	[sflag:s29] =	ssyncadd.s32 $0xFFFFFF00  }
0x57: {  	[tilespmem:s0], [sflag:$0x1] =	stream.indirect.gather [hbm4b:s4+s31], $0x80, s30, s31, $0xb8;
	[tilespmem:$0x1F280] =	vst v63  }
0x58: {  	s8 =	rddreg [dreg:$0x10]  }
0x59: {  	[tilespmem:s2], [sflag:$0x6] =	stream.linear.gather [hbm4b:s8+s3], $0x100, $0x38;
	[tilespmem:$0x1F280] =	vst v63  }
0x5a: {  	_ =	swait.ge [sflag:s29], $0x100  }
0x5b: {  	[sflag:s29] =	ssyncset.done $0x0  }
0x5c: {  	[sflag:s29] =	ssyncadd.s32 $0xFFFFFF00  }
0x5d: {  	[tilespmem:s11], [sflag:$0x2] =	stream.indirect.gather [hbm4b:s4+s31], $0x80, s2, s31, $0xb8;
	[tilespmem:$0x1F280] =	vst v63  }
0x5e: {  	_ =	swait.ge [sflag:s14], $0x2800  }
0x5f: {  	[sflag:s14] =	ssyncset.done $0x0  }
0x60: {  	[sflag:s14] =	ssyncadd.s32 $0xFFFFD800  }
0x61: {  	[spmem:s1] =	stream.indirect.scatter.add.f32 [tilespmem:s0], [sflag:$0x4], $0x80, s15, s31, $0xb8;
	[tilespmem:$0x1F280] =	vst v63  }
0x62: {  	_ =	swait.ge [sflag:s16], $0x2800  }
0x63: {  	[sflag:s16] =	ssyncset.done $0x0  }
0x64: {  	s24 =	rddreg [dreg:$0x12];
	[sflag:s16] =	ssyncadd.s32 $0xFFFFD800  }
0x65: {  	[tilespmem:s30], [sflag:$0x6] =	stream.linear.gather [hbm4b:s24+s3], $0x100, $0x38;
	[tilespmem:$0x1F280] =	vst v63  }
0x66: {  	_ =	swait.ge [sflag:s29], $0x100  }
0x67: {  	[sflag:s29] =	ssyncset.done $0x0  }
0x68: {  	[sflag:s29] =	ssyncadd.s32 $0xFFFFFF00  }
0x69: {  	[tilespmem:s0], [sflag:$0x1] =	stream.indirect.gather [hbm4b:s4+s31], $0x80, s30, s31, $0xb8;
	[tilespmem:$0x1F280] =	vst v63  }
0x6a: {  	_ =	swait.ge [sflag:s17], $0x2800  }
0x6b: {  	[sflag:s17] =	ssyncset.done $0x0  }
0x6c: {  	[sflag:s17] =	ssyncadd.s32 $0xFFFFD800  }
0x6d: {  	[spmem:s1] =	stream.indirect.scatter.add.f32 [tilespmem:s11], [sflag:$0x5], $0x80, s18, s31, $0xb8;
	[tilespmem:$0x1F280] =	vst v63  }
0x6e: {  	_ =	swait.ge [sflag:s19], $0x2800  }
0x6f: {  	[sflag:s19] =	ssyncset.done $0x0  }
0x70: {  	s26 =	sadd.s32 $0x0, s22;
	[sflag:s19] =	ssyncadd.s32 $0xFFFFD800  }
0x71: {  	[tilespmem:s2], [sflag:$0x6] =	stream.linear.gather [hbm4b:s26+s3], $0x100, $0x38;
	[tilespmem:$0x1F280] =	vst v63  }
0x72: {  	_ =	swait.ge [sflag:s29], $0x100  }
0x73: {  	[sflag:s29] =	ssyncset.done $0x0  }
0x74: {  	[sflag:s29] =	ssyncadd.s32 $0xFFFFFF00  }
0x75: {  	[tilespmem:s11], [sflag:$0x2] =	stream.indirect.gather [hbm4b:s4+s31], $0x80, s2, s31, $0xb8;
	[tilespmem:$0x1F280] =	vst v63  }
0x76: {  	_ =	swait.ge [sflag:s14], $0x2800  }
0x77: {  	[sflag:s14] =	ssyncset.done $0x0  }
0x78: {  	[sflag:s14] =	ssyncadd.s32 $0xFFFFD800  }
0x79: {  	[spmem:s1] =	stream.indirect.scatter.add.f32 [tilespmem:s0], [sflag:$0x4], $0x80, s15, s31, $0xb8;
	[tilespmem:$0x1F280] =	vst v63  }
0x7a: {  	_ =	swait.ge [sflag:s16], $0x2800  }
0x7b: {  	[sflag:s16] =	ssyncset.done $0x0  }
0x7c: {  	s28 =	sadd.s32 $0x0, s21;
	[sflag:s16] =	ssyncadd.s32 $0xFFFFD800  }
0x7d: {  	[tilespmem:s30], [sflag:$0x6] =	stream.linear.gather [hbm4b:s28+s3], $0x100, $0x38;
	[tilespmem:$0x1F280] =	vst v63  }
0x7e: {  	_ =	swait.ge [sflag:s29], $0x100  }
0x7f: {  	[sflag:s29] =	ssyncset.done $0x0  }
0x80: {  	[sflag:s29] =	ssyncadd.s32 $0xFFFFFF00  }
0x81: {  	[tilespmem:s0], [sflag:$0x1] =	stream.indirect.gather [hbm4b:s4+s31], $0x80, s30, s31, $0xb8;
	[tilespmem:$0x1F280] =	vst v63  }
0x82: {  	_ =	swait.ge [sflag:s17], $0x2800  }
0x83: {  	[sflag:s17] =	ssyncset.done $0x0  }
0x84: {  	s23 =	simm.s32 $0x40;
	[sflag:s17] =	ssyncadd.s32 $0xFFFFD800  }
.LBB2_2:
0x85: {  	[spmem:s1] =	stream.indirect.scatter.add.f32 [tilespmem:s11], [sflag:$0x5], $0x80, s18, s31, $0xb8;
	[tilespmem:$0x1F280] =	vst v63  }
0x86: {  	s26 =	smov.u32 s23  }
0x87: {  	p1 =	sne.s32 s23, $0xEC0;
	s23 =	sadd.s32 $0x40, s23;
	_ =	swait.ge [sflag:s19], $0x2800  }
0x88: {  	[sflag:s19] =	ssyncset.done $0x0  }
0x89: {  	s24 =	sadd.s32 s26, s22;
	[sflag:s19] =	ssyncadd.s32 $0xFFFFD800  }
0x8a: {  	[tilespmem:s2], [sflag:$0x6] =	stream.linear.gather [hbm4b:s24+s3], $0x100, $0x38;
	[tilespmem:$0x1F280] =	vst v63  }
0x8b: {  	_ =	swait.ge [sflag:s29], $0x100  }
0x8c: {  	[sflag:s29] =	ssyncset.done $0x0  }
0x8d: {  	[sflag:s29] =	ssyncadd.s32 $0xFFFFFF00  }
0x8e: {  	[tilespmem:s11], [sflag:$0x2] =	stream.indirect.gather [hbm4b:s4+s31], $0x80, s2, s31, $0xb8;
	[tilespmem:$0x1F280] =	vst v63  }
0x8f: {  	_ =	swait.ge [sflag:s14], $0x2800  }
0x90: {  	[sflag:s14] =	ssyncset.done $0x0  }
0x91: {  	[sflag:s14] =	ssyncadd.s32 $0xFFFFD800  }
0x92: {  	[spmem:s1] =	stream.indirect.scatter.add.f32 [tilespmem:s0], [sflag:$0x4], $0x80, s15, s31, $0xb8;
	[tilespmem:$0x1F280] =	vst v63  }
0x93: {  	_ =	swait.ge [sflag:s16], $0x2800  }
0x94: {  	[sflag:s16] =	ssyncset.done $0x0  }
0x95: {  	s24 =	sadd.s32 s26, s21;
	[sflag:s16] =	ssyncadd.s32 $0xFFFFD800  }
0x96: {  	[tilespmem:s30], [sflag:$0x6] =	stream.linear.gather [hbm4b:s24+s3], $0x100, $0x38;
	[tilespmem:$0x1F280] =	vst v63  }
0x97: {  	_ =	swait.ge [sflag:s29], $0x100  }
0x98: {  	[sflag:s29] =	ssyncset.done $0x0  }
.Ltmp2:
0x99: {  	[sflag:s29] =	ssyncadd.s32 $0xFFFFFF00;
	(pc) =	sbr.rel @p1 .LBB2_2-.Ltmp2, $4  }
0x9a: {  	[tilespmem:s0], [sflag:$0x1] =	stream.indirect.gather [hbm4b:s4+s31], $0x80, s30, s31, $0xb8;
	[tilespmem:$0x1F280] =	vst v63  }
0x9b: {  	_ =	swait.ge [sflag:s17], $0x2800  }
0x9c: {  	[sflag:s17] =	ssyncset.done $0x0  }
0x9d: {  	[sflag:s17] =	ssyncadd.s32 $0xFFFFD800  }
0x9e: {  	[spmem:s1] =	stream.indirect.scatter.add.f32 [tilespmem:s11], [sflag:$0x5], $0x80, s18, s31, $0xb8;
	[tilespmem:$0x1F280] =	vst v63  }
0x9f: {  	_ =	swait.ge [sflag:s19], $0x2800  }
0xa0: {  	[sflag:s19] =	ssyncset.done $0x0  }
0xa1: {  	s23 =	rddreg [dreg:$0x13];
	[sflag:s19] =	ssyncadd.s32 $0xFFFFD800  }
0xa2: {  	[tilespmem:s2], [sflag:$0x6] =	stream.linear.gather [hbm4b:s23+s3], $0x100, $0x38;
	[tilespmem:$0x1F280] =	vst v63  }
0xa3: {  	_ =	swait.ge [sflag:s29], $0x100  }
0xa4: {  	[sflag:s29] =	ssyncset.done $0x0  }
0xa5: {  	[sflag:s29] =	ssyncadd.s32 $0xFFFFFF00  }
0xa6: {  	[tilespmem:s11], [sflag:$0x2] =	stream.indirect.gather [hbm4b:s4+s31], $0x80, s2, s31, $0xb8;
	[tilespmem:$0x1F280] =	vst v63  }
0xa7: {  	_ =	swait.ge [sflag:s14], $0x2800  }
0xa8: {  	[sflag:s14] =	ssyncset.done $0x0  }
0xa9: {  	[sflag:s14] =	ssyncadd.s32 $0xFFFFD800  }
0xaa: {  	[spmem:s1] =	stream.indirect.scatter.add.f32 [tilespmem:s0], [sflag:$0x4], $0x80, s15, s31, $0xb8;
	[tilespmem:$0x1F280] =	vst v63  }
0xab: {  	_ =	swait.ge [sflag:s17], $0x2800  }
0xac: {  	[sflag:s17] =	ssyncset.done $0x0  }
0xad: {  	[sflag:s17] =	ssyncadd.s32 $0xFFFFD800  }
0xae: {  	[spmem:s1] =	stream.indirect.scatter.add.f32 [tilespmem:s11], [sflag:$0x5], $0x80, s18, s31, $0xb8;
	[tilespmem:$0x1F280] =	vst v63  }
0xaf: {  	_ =	swait.ge [sflag:s16], $0x2800  }
0xb0: {  	[sflag:s16] =	ssyncset.done $0x0  }
0xb1: {  	s28 =	rddreg [dreg:$0x9];
	[sflag:s16] =	ssyncadd.s32 $0xFFFFD800  }
0xb2: {  	[tilespmem:s30], [sflag:$0x6] =	stream.linear.gather [hbm4b:s28+s3], $0x100, $0x38;
	[tilespmem:$0x1F280] =	vst v63  }
0xb3: {  	_ =	swait.ge [sflag:s29], $0x100  }
0xb4: {  	[sflag:s29] =	ssyncset.done $0x0  }
0xb5: {  	[sflag:s29] =	ssyncadd.s32 $0xFFFFFF00  }
0xb6: {  	[tilespmem:s0], [sflag:$0x1] =	stream.indirect.gather [hbm4b:s4+s31], $0x80, s30, s31, $0xb8;
	[tilespmem:$0x1F280] =	vst v63  }
0xb7: {  	_ =	swait.ge [sflag:s14], $0x2800  }
0xb8: {  	[sflag:s14] =	ssyncset.done $0x0  }
0xb9: {  	[sflag:s14] =	ssyncadd.s32 $0xFFFFD800  }
0xba: {  	[spmem:s1] =	stream.indirect.scatter.add.f32 [tilespmem:s0], [sflag:$0x4], $0x80, s15, s31, $0xb8;
	[tilespmem:$0x1F280] =	vst v63  }
0xbb: {  	_ =	swait.ge [sflag:s16], $0x2800  }
0xbc: {  	[sflag:s16] =	ssyncset.done $0x0  }
0xbd: {  	[sflag:s16] =	ssyncadd.s32 $0xFFFFD800  }
0xbe: {  	_ =	swait.ge [sflag:s19], $0x2800  }
0xbf: {  	[sflag:s19] =	ssyncset.done $0x0  }
0xc0: {  	[sflag:s19] =	ssyncadd.s32 $0xFFFFD800  }
0xc1: {  	[bflag:$0x0] =	sbarrier.arrive $0xFFFF  }
0xc2: {  	s28 =	rddreg [dreg:$0x5]  }
0xc3: {  	s8 =	rddreg [dreg:$0xa]  }
0xc4: {  	s24 =	rddreg [dreg:$0x15]  }
0xc5: {  	[hbm:s8], [sflag:s28] =	dma.local [spmem:s24], $0x2700  }
0xc6: {  	_ =	swait.ge [sflag:s29], $0x2700  }
0xc7: {  	[sflag:s29] =	ssyncset.done $0x0;
	s24 =	rddreg [dreg:$0x3]  }
0xc8: {  	s26 =	rddreg [dreg:$0x4];
	[sflag:s29] =	ssyncadd.s32 $0xFFFFD900;
	s23 =	sshrl.u32 @p0 s24, $0x3  }
0xc9: {  	[spmem:s23], [sflag:s28] =	dma.local @p0 [hbm:s26], $0x2700  }
0xca: {  	s23 =	simm.s32 @p0 $0x6  }
0xcb: {  	_ =	swait.ge @p0 [sflag:s23], $0x2700  }
0xcc: {  	[sflag:s23] =	ssyncset.done @p0 $0x0;
	s8 =	rddreg [dreg:$0x16]  }
0xcd: {  	[sflag:s23] =	ssyncadd.s32 @p0 $0xFFFFD900;
	s23 =	rddreg [dreg:$0xb]  }
0xce: {  	[hbm:s23], [sflag:s28] =	dma.local @!p0 [spmem:s8], $0x100  }
0xcf: {  	s23 =	simm.s32 @!p0 $0x6  }
0xd0: {  	_ =	swait.ge @!p0 [sflag:s23], $0x100  }
0xd1: {  	[sflag:s23] =	ssyncset.done @!p0 $0x0  }
0xd2: {  	s24 =	sshrl.u32 @!p0 s24, $0x3;
	[sflag:s23] =	ssyncadd.s32 @!p0 $0xFFFFFF00  }
0xd3: {  	[spmem:s24], [sflag:s28] =	dma.local @!p0 [hbm:s26], $0x2700  }
0xd4: {  	_ =	swait.ge @!p0 [sflag:s23], $0x2700  }
0xd5: {  	[sflag:s23] =	ssyncset.done @!p0 $0x0  }
0xd6: {  	s24 =	rddreg [dreg:$0x8];
	[sflag:s23] =	ssyncadd.s32 @!p0 $0xFFFFD900  }
0xd7: {  	[spmem:s8], [sflag:s28] =	dma.local @!p0 [hbm:s24], $0x100  }
0xd8: {  	_ =	swait.ge @!p0 [sflag:s23], $0x100  }
0xd9: {  	[sflag:s23] =	ssyncset.done @!p0 $0x0  }
0xda: {  	[sflag:s23] =	ssyncadd.s32 @!p0 $0xFFFFFF00  }
0xdb: {  	[bflag:$0x0] =	sbarrier.arrive $0xFFFF  }
0xdc: {  	s28 =	simm.s32 $0x13880;
	s23 =	simm.s32 $0x0;
	s26 =	rddreg [dreg:$0xc]  }
0xdd: {  	[tilespmem:s28], [sflag:$0x6] =	stream.linear.gather [hbm4b:s26+s23], $0x180, $0x38;
	[tilespmem:$0x1F280] =	vst v63  }
0xde: {  	_ =	swait.ge [sflag:s29], $0x180  }
0xdf: {  	[sflag:s29] =	ssyncset.done $0x0  }
0xe0: {  	[sflag:s29] =	ssyncadd.s32 $0xFFFFFE80  }
0xe1: {  	v3 =	vld [tilespmem:$0x13880];
	_ =	sdelay $0x4  }
0xe2: {  	v4 =	vshll.u32 v3, $0x1  }
0xe3: {  	v3 =	vand.u32 $0x7, v3;
	v4 =	vand.u32 $0xFFFFFFF0, v4  }
0xe4: {  	v3 =	vor.u32 v3, v4  }
0xe5: {  	v4 =	vperm.xlane v3, v0;
	_ =	sdelay $0x1  }
0xe6: {  	v3 =	vperm.xlane v3, v2;
	v4 =	vadd.s32 v1, v4;
	_ =	sdelay $0x1  }
0xe7: {  	v3 =	vadd.s32 v1, v3;
	_ =	sdelay $0x1  }
0xe8: {  	s8 =	simm.s32 $0x13E80  }
0xe9: {  	[tilespmem:s8], [sflag:$0x1] =	stream.indirect_vreg.gather [hbm4b:s5+s23], $0x80, v4, vm0, $0xb8;
	[tilespmem:$0x1F280] =	vst v63  }
0xea: {  	s26 =	simm.s32 $0x14680  }
0xeb: {  	[tilespmem:s26], [sflag:$0x1] =	stream.indirect_vreg.gather [hbm4b:s5+s23], $0x80, v3, vm0, $0xb8;
	[tilespmem:$0x1F280] =	vst v63  }
0xec: {  	v3 =	vld [tilespmem:$0x13890];
	_ =	sdelay $0x4  }
0xed: {  	v62 =	vshll.u32 v3, $0x1  }
0xee: {  	v3 =	vand.u32 $0x7, v3;
	v4 =	vand.u32 $0xFFFFFFF0, v62  }
0xef: {  	v3 =	vor.u32 v3, v4  }
0xf0: {  	v4 =	vperm.xlane v3, v0;
	_ =	sdelay $0x1  }
0xf1: {  	v3 =	vperm.xlane v3, v2;
	v4 =	vadd.s32 v1, v4;
	_ =	sdelay $0x1  }
0xf2: {  	v3 =	vadd.s32 v1, v3;
	_ =	sdelay $0x1  }
0xf3: {  	s28 =	simm.s32 $0x14E80  }
0xf4: {  	[tilespmem:s28], [sflag:$0x1] =	stream.indirect_vreg.gather [hbm4b:s5+s23], $0x80, v4, vm0, $0xb8;
	[tilespmem:$0x1F280] =	vst v63  }
0xf5: {  	s8 =	simm.s32 $0x15680  }
0xf6: {  	[tilespmem:s8], [sflag:$0x1] =	stream.indirect_vreg.gather [hbm4b:s5+s23], $0x80, v3, vm0, $0xb8;
	[tilespmem:$0x1F280] =	vst v63  }
0xf7: {  	v3 =	vld.msk [tilespmem:$0x138A0], $0xff;
	_ =	sdelay $0x4  }
0xf8: {  	v63 =	vshll.u32 v3, $0x1  }
0xf9: {  	v3 =	vand.u32 $0x7, v3;
	v4 =	vand.u32 $0xFFFFFFF0, v63  }
0xfa: {  	v3 =	vor.u32 v3, v4  }
0xfb: {  	v3 =	vperm.xlane v3, v0;
	_ =	sdelay $0x1  }
0xfc: {  	v3 =	vadd.s32 v1, v3;
	_ =	sdelay $0x3  }
0xfd: {  	s26 =	simm.s32 $0x15E80  }
0xfe: {  	[tilespmem:s26], [sflag:$0x1] =	stream.indirect_vreg.gather [hbm4b:s5+s23], $0x80, v3, vm0, $0xb8;
	[tilespmem:$0x1F280] =	vst v63  }
0xff: {  	s28 =	simm.s32 $0x13900;
	s8 =	simm.s32 $0x13B00;
	s26 =	rddreg [dreg:$0x11]  }
0x100: {  	[tilespmem:s9], [sflag:$0x3] =	stream.indirect.gather [hbm4b:s6+s13], $0x80, s28, s13, $0xb8;
	[tilespmem:$0x1F280] =	vst v63  }
.LBB2_4:
0x101: {  	p1 =	seq.s32 s23, $0x0  }
0x102: {  	s24 =	simm.s32 @!p1 $0x5  }
0x103: {  	_ =	swait.ge @!p1 [sflag:s24], $0x1400  }
0x104: {  	[sflag:s24] =	ssyncset.done @!p1 $0x0  }
0x105: {  	s28 =	simm.s32 $0x13A80;
	[sflag:s24] =	ssyncadd.s32 @!p1 $0xFFFFEC00;
	s24 =	sadd.s32 s23, s25  }
0x106: {  	[tilespmem:s28], [sflag:$0x6] =	stream.linear.gather [hbm4b:s24+s3], $0x180, $0x38;
	[tilespmem:$0x1F280] =	vst v63  }
0x107: {  	_ =	swait.ge [sflag:s29], $0x180  }
0x108: {  	[sflag:s29] =	ssyncset.done $0x0  }
0x109: {  	[sflag:s29] =	ssyncadd.s32 $0xFFFFFE80  }
0x10a: {  	v3 =	vld [tilespmem:$0x13A80];
	_ =	sdelay $0x4  }
0x10b: {  	v4 =	vshll.u32 v3, $0x1  }
0x10c: {  	v3 =	vand.u32 $0x7, v3;
	v4 =	vand.u32 $0xFFFFFFF0, v4  }
0x10d: {  	v3 =	vor.u32 v3, v4  }
0x10e: {  	v4 =	vperm.xlane v3, v0;
	_ =	sdelay $0x1  }
0x10f: {  	v3 =	vperm.xlane v3, v2;
	v4 =	vadd.s32 v1, v4;
	_ =	sdelay $0x1  }
0x110: {  	v3 =	vadd.s32 v1, v3;
	_ =	sdelay $0x1  }
0x111: {  	s28 =	simm.s32 $0x16680  }
0x112: {  	[tilespmem:s28], [sflag:$0x2] =	stream.indirect_vreg.gather [hbm4b:s5+s3], $0x80, v4, vm0, $0xb8;
	[tilespmem:$0x1F280] =	vst v63  }
0x113: {  	s28 =	simm.s32 $0x16E80  }
0x114: {  	[tilespmem:s28], [sflag:$0x2] =	stream.indirect_vreg.gather [hbm4b:s5+s3], $0x80, v3, vm0, $0xb8;
	[tilespmem:$0x1F280] =	vst v63  }
0x115: {  	v3 =	vld [tilespmem:$0x13A90];
	_ =	sdelay $0x4  }
0x116: {  	v62 =	vshll.u32 v3, $0x1  }
0x117: {  	v3 =	vand.u32 $0x7, v3;
	v4 =	vand.u32 $0xFFFFFFF0, v62  }
0x118: {  	v3 =	vor.u32 v3, v4  }
0x119: {  	v4 =	vperm.xlane v3, v0;
	_ =	sdelay $0x1  }
0x11a: {  	v3 =	vperm.xlane v3, v2;
	v4 =	vadd.s32 v1, v4;
	_ =	sdelay $0x1  }
0x11b: {  	v3 =	vadd.s32 v1, v3;
	_ =	sdelay $0x1  }
0x11c: {  	s28 =	simm.s32 $0x17680  }
0x11d: {  	[tilespmem:s28], [sflag:$0x2] =	stream.indirect_vreg.gather [hbm4b:s5+s3], $0x80, v4, vm0, $0xb8;
	[tilespmem:$0x1F280] =	vst v63  }
0x11e: {  	s28 =	simm.s32 $0x17E80  }
0x11f: {  	[tilespmem:s28], [sflag:$0x2] =	stream.indirect_vreg.gather [hbm4b:s5+s3], $0x80, v3, vm0, $0xb8;
	[tilespmem:$0x1F280] =	vst v63  }
0x120: {  	v3 =	vld.msk [tilespmem:$0x13AA0], $0xff;
	_ =	sdelay $0x4  }
0x121: {  	v63 =	vshll.u32 v3, $0x1  }
0x122: {  	v3 =	vand.u32 $0x7, v3;
	v4 =	vand.u32 $0xFFFFFFF0, v63  }
0x123: {  	v3 =	vor.u32 v3, v4  }
0x124: {  	v3 =	vperm.xlane v3, v0;
	_ =	sdelay $0x1  }
0x125: {  	v3 =	vadd.s32 v1, v3;
	_ =	sdelay $0x3  }
0x126: {  	s28 =	simm.s32 $0x18680  }
0x127: {  	[tilespmem:s28], [sflag:$0x2] =	stream.indirect_vreg.gather [hbm4b:s5+s3], $0x80, v3, vm0, $0xb8;
	[tilespmem:$0x1F280] =	vst v63  }
0x128: {  	_ =	swait.ge [sflag:s14], $0x2800  }
0x129: {  	[sflag:s14] =	ssyncset.done $0x0  }
0x12a: {  	[sflag:s14] =	ssyncadd.s32 $0xFFFFD800  }
0x12b: {  	p1 =	seq.s32 s23, $0x3E00;
	_ =	swait.ge [sflag:s12], $0x1400  }
.Ltmp3:
0x12c: {  	[sflag:s12] =	ssyncset.done $0x0;
	(pc) =	sbr.rel @p1 .LBB2_6-.Ltmp3, $4  }
0x12d: {  	[sflag:s12] =	ssyncadd.s32 $0xFFFFEC00  }
0x12e: {  	[tilespmem:s9], [sflag:$0x3] =	stream.indirect.gather [hbm4b:s6+s13], $0x80, s8, s13, $0xb8;
	[tilespmem:$0x1F280] =	vst v63  }
0x12f: {  	_ = 	snop  }
0x130: {  	[spmem:s1] =	stream.indirect.scatter.add.f32 [tilespmem:s0], [sflag:$0x4], $0x80, s10, s13, $0xb8;
	[tilespmem:$0x1F280] =	vst v63  }
0x131: {  	_ =	swait.ge [sflag:s16], $0x1400  }
0x132: {  	s24 =	sshrl.u32 s26, $0x3;
	[sflag:s16] =	ssyncset.done $0x0  }
0x133: {  	s28 =	simm.s32 $0x13880;
	s24 =	sadd.s32 s7, s24;
	[sflag:s16] =	ssyncadd.s32 $0xFFFFEC00  }
0x134: {  	[tilespmem:s28], [sflag:$0x6] =	stream.linear.gather [hbm4b:s24+s3], $0x180, $0x38;
	[tilespmem:$0x1F280] =	vst v63  }
0x135: {  	_ =	swait.ge [sflag:s29], $0x180  }
0x136: {  	[sflag:s29] =	ssyncset.done $0x0  }
0x137: {  	[sflag:s29] =	ssyncadd.s32 $0xFFFFFE80  }
0x138: {  	v3 =	vld [tilespmem:$0x13880];
	_ =	sdelay $0x4  }
0x139: {  	v4 =	vshll.u32 v3, $0x1  }
0x13a: {  	v3 =	vand.u32 $0x7, v3;
	v4 =	vand.u32 $0xFFFFFFF0, v4  }
0x13b: {  	v3 =	vor.u32 v3, v4  }
0x13c: {  	v4 =	vperm.xlane v3, v0;
	_ =	sdelay $0x1  }
0x13d: {  	v3 =	vperm.xlane v3, v2;
	v4 =	vadd.s32 v1, v4;
	_ =	sdelay $0x1  }
0x13e: {  	v3 =	vadd.s32 v1, v3;
	_ =	sdelay $0x1  }
0x13f: {  	s28 =	simm.s32 $0x13E80  }
0x140: {  	[tilespmem:s28], [sflag:$0x1] =	stream.indirect_vreg.gather [hbm4b:s5+s3], $0x80, v4, vm0, $0xb8;
	[tilespmem:$0x1F280] =	vst v63  }
0x141: {  	s28 =	simm.s32 $0x14680  }
0x142: {  	[tilespmem:s28], [sflag:$0x1] =	stream.indirect_vreg.gather [hbm4b:s5+s3], $0x80, v3, vm0, $0xb8;
	[tilespmem:$0x1F280] =	vst v63  }
0x143: {  	v3 =	vld [tilespmem:$0x13890];
	_ =	sdelay $0x4  }
0x144: {  	v62 =	vshll.u32 v3, $0x1  }
0x145: {  	v3 =	vand.u32 $0x7, v3;
	v4 =	vand.u32 $0xFFFFFFF0, v62  }
0x146: {  	v3 =	vor.u32 v3, v4  }
0x147: {  	v4 =	vperm.xlane v3, v0;
	_ =	sdelay $0x1  }
0x148: {  	v3 =	vperm.xlane v3, v2;
	v4 =	vadd.s32 v1, v4;
	_ =	sdelay $0x1  }
0x149: {  	v3 =	vadd.s32 v1, v3;
	_ =	sdelay $0x1  }
0x14a: {  	s28 =	simm.s32 $0x14E80  }
0x14b: {  	[tilespmem:s28], [sflag:$0x1] =	stream.indirect_vreg.gather [hbm4b:s5+s3], $0x80, v4, vm0, $0xb8;
	[tilespmem:$0x1F280] =	vst v63  }
0x14c: {  	s28 =	simm.s32 $0x15680  }
0x14d: {  	[tilespmem:s28], [sflag:$0x1] =	stream.indirect_vreg.gather [hbm4b:s5+s3], $0x80, v3, vm0, $0xb8;
	[tilespmem:$0x1F280] =	vst v63  }
0x14e: {  	v3 =	vld.msk [tilespmem:$0x138A0], $0xff;
	_ =	sdelay $0x4  }
0x14f: {  	v63 =	vshll.u32 v3, $0x1  }
0x150: {  	v3 =	vand.u32 $0x7, v3;
	v4 =	vand.u32 $0xFFFFFFF0, v63  }
0x151: {  	v3 =	vor.u32 v3, v4  }
0x152: {  	v3 =	vperm.xlane v3, v0;
	_ =	sdelay $0x1  }
0x153: {  	v3 =	vadd.s32 v1, v3;
	_ =	sdelay $0x3  }
0x154: {  	s28 =	simm.s32 $0x15E80  }
0x155: {  	[tilespmem:s28], [sflag:$0x1] =	stream.indirect_vreg.gather [hbm4b:s5+s3], $0x80, v3, vm0, $0xb8;
	[tilespmem:$0x1F280] =	vst v63  }
0x156: {  	_ =	swait.ge [sflag:s17], $0x2800  }
0x157: {  	[sflag:s17] =	ssyncset.done $0x0  }
0x158: {  	[sflag:s17] =	ssyncadd.s32 $0xFFFFD800  }
0x159: {  	_ =	swait.ge [sflag:s12], $0x1400  }
.Ltmp4:
0x15a: {  	[sflag:s12] =	ssyncset.done $0x0;
	(pc) =	sbr.rel .LBB2_4-.Ltmp4, $4  }
0x15b: {  	s28 =	simm.s32 $0x13900;
	[sflag:s12] =	ssyncadd.s32 $0xFFFFEC00  }
0x15c: {  	[tilespmem:s9], [sflag:$0x3] =	stream.indirect.gather [hbm4b:s6+s13], $0x80, s28, s13, $0xb8;
	[tilespmem:$0x1F280] =	vst v63  }
0x15d: {  	s23 =	sadd.s32 $0x80, s23;
	s26 =	sadd.s32 $0x400, s26  }
0x15e: {  	[spmem:s1] =	stream.indirect.scatter.add.f32 [tilespmem:s11], [sflag:$0x5], $0x80, s20, s13, $0xb8;
	[tilespmem:$0x1F280] =	vst v63  }
.LBB2_7:
0x15f: {  	_ =	sfence.sel $0x180000  }
0x160: {  	[bflag:$0x0] =	sbarrier.arrive $0xFFFF  }
0x161: {  	_ =	strace $0x9000004D  }
0x162: {  	s0 =	stileid.u32;
	[bflag:$0x2] =	sbarrier.arrive $0xFFFF  }
0x163: {  	p0 =	sne.s32 s0, $0x0;
	s0 =	rddreg [dreg:$0x2]  }
0x164: {  	s0 =	sadd.s32 @!p0 $0x100000, s0  }
0x165: {  	[sflag:s0] =	ssyncadd.tile.s32 @!p0 $0x1;
	_ =	shalt  }
.Lfunc_end2:
_tile_overlayer_lowered:
.L_overlay_start_2:
0x166: {  	(tag) =	ssettag $0x2  }
0x167: {  	s0 =	rddreg [dreg:$0x0];
	s2 =	stileid.u32  }
0x168: {  	s1 =	rddreg [dreg:$0x1];
	p0 =	sne.s32 s2, $0x0  }
0x169: {  	s3 =	rddreg [dreg:$0x2];
	[bflag:$0x3] =	sbarrier.arrive $0xFFFF;
	s2 =	simm.s32 @!p0 $0x1C06  }
0x16a: {  	[timem:s3], [sflag:s2] =	dma.local @!p0 [hbm:s0], s1  }
0x16b: {  	s0 =	simm.s32 @!p0 $0x6  }
0x16c: {  	_ =	swait.ge @!p0 [sflag:s0], s1  }
0x16d: {  	s1 =	ssub.s32 @!p0 $0x0, s1;
	[sflag:s0] =	ssyncset.done @!p0 $0x0  }
0x16e: {  	[sflag:s0] =	ssyncadd.s32 @!p0 s1  }
0x16f: {  	[bflag:$0x3] =	sbarrier.arrive $0xFFFF  }
0x170: {  	_ =	shalt  }

// kernel: kernel.19.cloned.1.call-start
scs
__scs_entry_jumppad:
0x0: {  	(pc) =	sbr.rel $0x88, $3  }
0x1: {  	(tag) =	ssettag $0x0;
	lr =	simm.s32 $0x1  }
0x2: {  	[smem:$0x3F95] =	sst lr;
	_ =	strace $0xD0000000  }
0x3: {  	_ = 	snop  }
0x4: {  	_ = 	snop  }
0x5: {  	_ = 	snop  }
0x6: {  	_ = 	snop  }
0x7: {  	_ = 	snop  }
__scs_overlays_trampoline_lowered:
0x8: {  	[smem:$0x3FA4] =	sst s0  }
0x9: {  	[smem:$0x3FA5] =	sst s1  }
0xa: {  	[smem:$0x3FA6] =	sst s2  }
0xb: {  	[smem:$0x3FA7] =	sst s3  }
0xc: {  	[smem:$0x3FA8] =	sst s4  }
0xd: {  	[smem:$0x3FA9] =	sst s5  }
0xe: {  	[smem:$0x3FAA] =	sst s6  }
0xf: {  	[smem:$0x3FAB] =	sst s7  }
0x10: {  	[smem:$0x3FAC] =	sst s8  }
0x11: {  	[smem:$0x3FAD] =	sst s9;
	s0 =	simm.s32 @!p0 $0x0  }
0x12: {  	s1 =	sld [smem:$0x3F93];
	s0 =	simm.s32 @p0 $0x1  }
0x13: {  	[smem:$0x3FAE] =	sst s0;
	s0 =	simm.s32 @!p1 $0x0  }
0x14: {  	s2 =	sld [smem:$0x3F92];
	s0 =	simm.s32 @p1 $0x1  }
0x15: {  	[smem:$0x3FAF] =	sst s0;
	s0 =	simm.s32 @!p2 $0x0  }
0x16: {  	s3 =	sld [smem:$0x3FDB];
	s0 =	simm.s32 @p2 $0x1  }
0x17: {  	s4 =	simm.s32 $0x1BF5;
	[smem:$0x3FB1] =	sst s0  }
0x18: {  	s0 =	sld [smem:$0x3F94];
	_ =	swait.ge [sflag:s4], $0x0  }
0x19: {  	s7 =	sld [smem:$0x3F95]  }
0x1a: {  	s8 =	sadd.s32 $0xFFFFE003, lr  }
0x1b: {  	s9 =	sadd.s32 $0xFFFFFEF7, lr;
	s5 =	simm.s32 $0xFFFFFFFF;
	p2 =	slt.u32 s8, $0xFFFFF086  }
0x1c: {  	p1 =	slt.u32 s9, $0xF7A;
	s5 =	simm.s32 @!p2 $0x0  }
0x1d: {  	s5 =	simm.s32 @p1 $0x1;
	p0 =	seq.s32 s7, s2  }
0x1e: {  	s7 =	smul.u32 @!p0 $0xF7A, s2;
	p2 =	seq.s32 @!p0 s5, $0x0  }
0x1f: {  	s9 =	smul.u32 $0xF7A, s1;
	s8 =	simm.s32 @!p0 $0x1BF5;
	p2 =	por !p2, p0  }
0x20: {  	[sflag:s8] =	ssyncset.s32 @!p0 $0xFFFFF086;
	s6 =	sadd.s32 @!p0 s3, s7;
	s7 =	simm.s32 @!p0 $0x108  }
0x21: {  	s3 =	sadd.s32 s3, s9;
	s6 =	sadd.s32 @!p0 $0x88, s6;
	s7 =	simm.s32 @p2 $0x1082  }
0x22: {  	[simem:s7], [sflag:s8] =	dma.local @!p0 [hbm:s6], $0xF7A  }
0x23: {  	s9 =	sor.u32 $0xD0000000, s2;
	s6 =	simm.s32 $0x108;
	_ =	swait.ge @!p0 [sflag:s8], $0x0  }
0x24: {  	s3 =	sadd.s32 $0x88, s3;
	s6 =	simm.s32 @!p1 $0x1082;
	[sflag:s4] =	ssyncset.s32 $0xFFFFF086  }
0x25: {  	[simem:s6], [sflag:s4] =	dma.local [hbm:s3], $0xF7A  }
0x26: {  	[smem:$0x3F95] =	sst s1;
	(tag) =	ssettag s2;
	_ =	strace s9  }
0x27: {  	s1 =	sld [smem:$0x3FA5]  }
0x28: {  	s2 =	sld [smem:$0x3FA6]  }
0x29: {  	s4 =	sld [smem:$0x3FA8]  }
0x2a: {  	p0 =	seq.s32 s5, $0x0;
	s5 =	sld [smem:$0x3FA9]  }
0x2b: {  	s6 =	sld [smem:$0x3FAA]  }
0x2c: {  	s7 =	sld [smem:$0x3FAB]  }
0x2d: {  	s3 =	simm.s32 $0x108;
	s8 =	sld [smem:$0x3FAC]  }
0x2e: {  	s3 =	simm.s32 @!p0 $0x1082;
	s9 =	sld [smem:$0x3FAD]  }
0x2f: {  	lr =	sadd.s32 s0, s3;
	s0 =	sld [smem:$0x3FA4]  }
0x30: {  	s3 =	sld [smem:$0x3FA7]  }
0x31: {  	[smem:$0x3FB0] =	sst s10  }
0x32: {  	s10 =	sld [smem:$0x3FAE];
	_ =	sdelay $0x3  }
0x33: {  	p0 =	seq.s32 s10, $0x1;
	s10 =	sld [smem:$0x3FB0];
	_ =	sdelay $0x3  }
0x34: {  	[smem:$0x3FB0] =	sst s10  }
0x35: {  	s10 =	sld [smem:$0x3FAF];
	_ =	sdelay $0x3  }
0x36: {  	p1 =	seq.s32 s10, $0x1;
	s10 =	sld [smem:$0x3FB0];
	_ =	sdelay $0x3  }
0x37: {  	[smem:$0x3FB0] =	sst s10  }
0x38: {  	s10 =	sld [smem:$0x3FB1]  }
0x39: {  	_ = 	snop;
	(pc) =	sbr.ind lr, $3  }
0x3a: {  	_ = 	snop  }
0x3b: {  	_ = 	snop  }
0x3c: {  	p2 =	seq.s32 s10, $0x1;
	s10 =	sld [smem:$0x3FB0]  }
0x3d: {  	_ =	shalt  }
0x3e: {  	_ =	shalt  }
0x3f: {  	_ =	shalt  }
0x40: {  	_ =	shalt  }
0x41: {  	_ =	shalt  }
0x42: {  	_ =	shalt  }
0x43: {  	_ =	shalt  }
0x44: {  	_ =	shalt  }
0x45: {  	_ =	shalt  }
0x46: {  	_ =	shalt  }
0x47: {  	_ =	shalt  }
0x48: {  	_ =	shalt  }
0x49: {  	_ =	shalt  }
0x4a: {  	_ =	shalt  }
0x4b: {  	_ =	shalt  }
0x4c: {  	_ =	shalt  }
0x4d: {  	_ =	shalt  }
0x4e: {  	_ =	shalt  }
0x4f: {  	_ =	shalt  }
0x50: {  	_ =	shalt  }
0x51: {  	_ =	shalt  }
0x52: {  	_ =	shalt  }
0x53: {  	_ =	shalt  }
0x54: {  	_ =	shalt  }
0x55: {  	_ =	shalt  }
0x56: {  	_ =	shalt  }
0x57: {  	_ =	shalt  }
0x58: {  	_ =	shalt  }
0x59: {  	_ =	shalt  }
0x5a: {  	_ =	shalt  }
0x5b: {  	_ =	shalt  }
0x5c: {  	_ =	shalt  }
0x5d: {  	_ =	shalt  }
0x5e: {  	_ =	shalt  }
0x5f: {  	_ =	shalt  }
0x60: {  	_ =	shalt  }
0x61: {  	_ =	shalt  }
0x62: {  	_ =	shalt  }
0x63: {  	_ =	shalt  }
0x64: {  	_ =	shalt  }
0x65: {  	_ =	shalt  }
0x66: {  	_ =	shalt  }
0x67: {  	_ =	shalt  }
0x68: {  	_ =	shalt  }
0x69: {  	_ =	shalt  }
0x6a: {  	_ =	shalt  }
0x6b: {  	_ =	shalt  }
0x6c: {  	_ =	shalt  }
0x6d: {  	_ =	shalt  }
0x6e: {  	_ =	shalt  }
0x6f: {  	_ =	shalt  }
0x70: {  	_ =	shalt  }
0x71: {  	_ =	shalt  }
0x72: {  	_ =	shalt  }
0x73: {  	_ =	shalt  }
0x74: {  	_ =	shalt  }
0x75: {  	_ =	shalt  }
0x76: {  	_ =	shalt  }
0x77: {  	_ =	shalt  }
0x78: {  	_ =	shalt  }
0x79: {  	_ =	shalt  }
0x7a: {  	_ =	shalt  }
0x7b: {  	_ =	shalt  }
0x7c: {  	_ =	shalt  }
0x7d: {  	_ =	shalt  }
0x7e: {  	_ =	shalt  }
0x7f: {  	_ =	shalt  }
0x80: {  	_ =	shalt  }
0x81: {  	_ =	shalt  }
0x82: {  	_ =	shalt  }
0x83: {  	_ =	shalt  }
0x84: {  	_ =	shalt  }
0x85: {  	_ =	shalt  }
0x86: {  	_ =	shalt  }
0x87: {  	_ =	shalt  }
.Lfunc_end0:
.L_simem_size_0:
called_computation.3_lowered:
.L_overlay_start_0:
0x88: {  	s2 =	sld [smem:$0x3FD9]  }
0x89: {  	s3 =	sld [smem:$0x3FFE];
	_ =	sdelay $0x1  }
0x8a: {  	s1 =	srdreg.scid  }
0x8b: {  	s0 =	sand.u32 $0x1, s1  }
0x8c: {  	s16 =	sshll.u32 s0, $0xA;
	s2 =	sadd.s32 s3, s2  }
0x8d: {  	s2 =	sadd.s32 s2, s16  }
0x8e: {  	[smem:$0x3FBC] =	sst s2  }
0x8f: {  	_ = 	snop  }
0x90: {  	(tm) =	ssettm $0x1  }
0x91: {  	s17 =	sld [smem:$0x3FFB];
	_ =	sdelay $0x3  }
0x92: {  	_ =	strace s17  }
0x93: {  	s2 =	sld [smem:$0x3FFC];
	_ =	sdelay $0x3  }
0x94: {  	_ =	strace s2  }
0x95: {  	s2 =	sld [smem:$0x3FFD];
	_ =	sdelay $0x3  }
0x96: {  	_ =	strace s2  }
0x97: {  	_ =	strace $0x8FFFFFFF  }
0x98: {  	s18 =	sld [smem:$0x3FDB];
	_ =	sdelay $0x1  }
0x99: {  	s19 =	simm.s32 $_scs_section_size  }
0x9a: {  	s4 =	simm.s32 $_size__tile_overlayer_lowered;
	s5 =	simm.s32 $_tile_overlayer_lowered  }
0x9b: {  	s22 =	simm.s32 $0x1BFF;
	s21 =	sshll.u32 s5, $0x1;
	s2 =	sadd.s32 s19, s18  }
0x9c: {  	s6 =	simm.s32 $0x0;
	s20 =	sshll.u32 s4, $0x1;
	s4 =	sadd.s32 s21, s2  }
0x9d: {  	[timem:s6], [sflag:s22] =	dma.local [hbm:s4], s20  }
0x9e: {  	_ =	swait.ge [sflag:s22], s20  }
0x9f: {  	s3 =	ssub.s32 $0x0, s20;
	[sflag:s22] =	ssyncset.done $0x0  }
0xa0: {  	[sflag:s22] =	ssyncadd.s32 s3;
	_ =	sdelay $0x1  }
0xa1: {  	s23 =	simm.s32 $0x1B8B  }
0xa2: {  	_ =	swait.ge [sflag:s23], $0x1  }
0xa3: {  	[sflag:s23] =	ssyncset.done $0x0  }
0xa4: {  	s25 =	simm.s32 $0x1B8E;
	s24 =	sld [smem:$0x3FFE];
	[sflag:s23] =	ssyncadd.s32 $0xFFFFFFFF  }
0xa5: {  	s26 =	simm.s32 $execute0_lowered;
	[smem:$0x3FD2] =	sst s25  }
0xa6: {  	s4 =	sshll.u32 s26, $0x1;
	_ =	strace $0x8000004F;
	[dreg:$0x1] =	wrdreg $0xFFFFFFFF  }
0xa7: {  	s28 =	simm.s32 $_size_execute0_lowered;
	s2 =	sadd.s32 s2, s4;
	[dreg:$0x0] =	wrdreg $0x0  }
0xa8: {  	s4 =	sshll.u32 s28, $0x1;
	[dreg:$0x2] =	wrdreg s2  }
0xa9: {  	[dreg:$0x3] =	wrdreg s4  }
0xaa: {  	[dreg:$0x4] =	wrdreg $0xC0  }
0xab: {  	_ =	task [dreg:s6], $0x5FFFF  }
0xac: {  	[dreg:$0x1] =	wrdreg $0xFFFFFFFF  }
0xad: {  	[dreg:$0x0] =	wrdreg $0x60  }
0xae: {  	[dreg:$0x2] =	wrdreg s24  }
0xaf: {  	[dreg:$0x3] =	wrdreg $0x0  }
0xb0: {  	[dreg:$0x4] =	wrdreg $0x9  }
0xb1: {  	_ =	task.clear_ibuf [dreg:s6], $0x5FFFF;
	_ =	strace $0x9000004F  }
0xb2: {  	s29 =	simm.s32 $0x9;
	_ =	strace $0x80000051  }
0xb3: {  	_ =	swait.ge [sflag:s29], $0x1  }
0xb4: {  	[sflag:s29] =	ssyncadd.s32 $0xFFFFFFFF  }
0xb5: {  	_ =	strace $0x90000051  }
0xb6: {  	_ =	sfence  }
0xb7: {  	s30 =	sld [smem:$0x0];
	_ =	sdelay $0x2  }
0xb8: {  	s31 =	sshll.u32 s1, $0xD;
	s1 =	sshrl.u32 s1, $0x2  }
0xb9: {  	s3 =	sand.u32 $0x4000, s31;
	s1 =	sadd.s32 s1, s30  }
0xba: {  	s0 =	sor.u32 s3, s0;
	s1 =	sshll.u32 s1, $0x11  }
0xbb: {  	s0 =	sor.u32 s1, s0  }
0xbc: {  	s0 =	sadd.s32 $0x8F2B, s0  }
0xbd: {  	[sflag:s0] =	ssyncadd.remote.s32 $0x1  }
0xbe: {  	_ =	sfence.sel $0xFFFF  }
0xbf: {  	[dreg:$0x0] =	wrdreg $0xFFFFFFFF;
	(pc) =	sbr.abs _section_cstart, $3  }
0xc0: {  	[dreg:$0x1] =	wrdreg $0xFFFFFFFF  }
0xc1: {  	_ =	task.clear_ibuf [dreg:s6], $0x2FFFF;
	_ =	strace $0x9FFFFFFF  }
0xc2: {  	(tm) =	ssettm $0x7FFFFFFF  }
0xc3: {  	_ =	shalt  }
tec
execute0_lowered:
.L_overlay_start_1:
0x0: {  	(tag) =	ssettag $0x1  }
0x1: {  	s0 =	rddreg [dreg:$0x0]  }
0x2: {  	s1 =	rddreg [dreg:$0x1]  }
0x3: {  	s3 =	simm.s32 $0x0;
	s18 =	stileid.u32;
	s8 =	srdreg.scid  }
0x4: {  	s29 =	simm.s32 $0x6;
	s30 =	simm.s32 $0x13C80;
	s31 =	simm.s32 $0x50  }
0x5: {  	s28 =	simm.s32 $0x0;
	[smem:$0x7FF] =	sst s3;
	s2 =	smul.u32 $0x2700, s18  }
0x6: {  	s4 =	sadd.s32 $0x277200, s0;
	s5 =	sadd.s32 $0xF0800, s0;
	s13 =	smul.u32 $0x4E000, s18  }
0x7: {  	s6 =	sadd.s32 $0x3E00, s0;
	s7 =	sadd.s32 $0x54400, s0;
	s21 =	smul.u32 $0x7D00, s18  }
0x8: {  	s8 =	sand.u32 $0x1, s8;
	s11 =	sadd.s32 $0x2EC600, s0;
	s17 =	smul.u32 $0x270, s18  }
0x9: {  	s9 =	sadd.s32 $0xD1400, s0;
	s14 =	sadd.s32 $0x33A800, s0;
	s19 =	smul.u32 $0x1F400, s18  }
0xa: {  	s22 =	sshll.u32 s18, $0x6;
	s26 =	sadd.s32 $0x138000, s1;
	s10 =	smul.u32 $0x2710, s8  }
0xb: {  	p0 =	sne.s32 s18, $0xF;
	s18 =	simm.s32 $0x13E00;
	s16 =	smul.u32 $0x7D000, s8  }
0xc: {  	_ =	strace $0x80000050;
	s12 =	ssub.s32 $0x2, s8;
	s23 =	smul.u32 $0x138800, s8  }
0xd: {  	s24 =	sor.u32 $0x1C06, s22;
	[dreg:$0x6] =	wrdreg s26;
	s2 =	sadd.s32 s2, s0  }
0xe: {  	s13 =	sshrl.u32 s13, $0x2;
	s0 =	sadd.s32 $0x2EC400, s0;
	[dreg:$0x5] =	wrdreg s24  }
0xf: {  	s8 =	smul.u32 $0x1F4000, s8;
	s13 =	sadd.s32 s13, s1;
	[dreg:$0x8] =	wrdreg s0  }
0x10: {  	s15 =	sshrl.u32 s12, $0x1;
	s2 =	sadd.s32 $0x2C5400, s2;
	[dreg:$0x3] =	wrdreg s13  }
0x11: {  	s12 =	ssub.s32 s12, s15;
	s22 =	sshrl.u32 s23, $0x3;
	[dreg:$0x4] =	wrdreg s2  }
0x12: {  	s13 =	sadd.s32 s21, s16;
	s21 =	sadd.s32 s17, s10;
	s2 =	sadd.s32 s19, s8  }
0x13: {  	s17 =	smax.u32 s12, $0x1;
	s12 =	simm.s32 $0x3;
	s25 =	sshrl.u32 s13, $0x3  }
0x14: {  	s0 =	sshll.u32 s21, $0x4;
	s26 =	sshrl.u32 s2, $0x3;
	s15 =	sadd.s32 $0x300, s13  }
0x15: {  	[dreg:$0xf] =	wrdreg s17;
	s19 =	sor.u32 $0x200, s2;
	s2 =	sadd.s32 $0x400, s2  }
0x16: {  	s17 =	simm.s32 $0x2;
	s23 =	sadd.s32 s11, s0;
	[dreg:$0x11] =	wrdreg s2  }
0x17: {  	s16 =	sadd.s32 s9, s25;
	s10 =	sadd.s32 s7, s26;
	[dreg:$0xa] =	wrdreg s23  }
0x18: {  	s25 =	sadd.s32 $0x27000, s22;
	s0 =	sadd.s32 s14, s0;
	[dreg:$0xc] =	wrdreg s10  }
0x19: {  	s8 =	sshrl.u32 s15, $0x3;
	s2 =	simm.s32 $0x13D80;
	[dreg:$0xd] =	wrdreg s0  }
0x1a: {  	s15 =	simm.s32 $0x13D00;
	s20 =	sadd.s32 $0xF80, s16;
	[dreg:$0x7] =	wrdreg s16  }
0x1b: {  	s11 =	sadd.s32 s11, s25;
	s22 =	sadd.s32 s8, s9;
	[dreg:$0x9] =	wrdreg s20  }
0x1c: {  	s23 =	sadd.s32 $0x40, s16;
	s26 =	sadd.s32 $0xF60, s16;
	[dreg:$0xb] =	wrdreg s11  }
0x1d: {  	s10 =	simm.s32 $0x13980;
	s11 =	sadd.s32 s14, s25;
	[dreg:$0x12] =	wrdreg s23  }
0x1e: {  	s14 =	sadd.s32 $0x400, s13;
	s20 =	sadd.s32 $0x20, s16;
	[dreg:$0x13] =	wrdreg s26  }
.Ltmp0:
0x1f: {  	s16 =	simm.s32 $0x4;
	[dreg:$0xe] =	wrdreg s11;
	(pc) =	sbr.rel .LBB2_1-.Ltmp0, $4  }
0x20: {  	s13 =	simm.s32 $0x28;
	s0 =	sshrl.u32 s14, $0x3;
	[dreg:$0x10] =	wrdreg s20  }
0x21: {  	v2 =	vlaneseq.u32;
	s11 =	simm.s32 $0x1CA80;
	s14 =	simm.s32 $0x1;
	s20 =	simm.s32 $0x13B80  }
0x22: {  	vm0 =	vmmov $0xffff;
	v1 =	vshrl.u32 v2, $0x3;
	s21 =	sadd.s32 s0, s9;
	s0 =	sshrl.u32 s19, $0x3;
	s19 =	simm.s32 $0x5  }
0x23: {  	v0 =	vand.u32 $0x7, v2;
	v2 =	vor.u32 $0x8, v2;
	v1 =	vmul.u32 $0x8, v1;
	s9 =	simm.s32 $0x18E80;
	s25 =	sadd.s32 s0, s7;
	s0 =	simm.s32 $0x1A280  }
.LBB2_6:
0x24: {  	_ =	swait.ge [sflag:s17], $0x2800  }
0x25: {  	[sflag:s17] =	ssyncset.done $0x0  }
0x26: {  	[sflag:s17] =	ssyncadd.s32 $0xFFFFD800  }
0x27: {  	_ =	swait.ge [sflag:s12], $0x1400  }
0x28: {  	[sflag:s12] =	ssyncset.done $0x0  }
0x29: {  	[sflag:s12] =	ssyncadd.s32 $0xFFFFEC00  }
0x2a: {  	[spmem:s1] =	stream.indirect.scatter.add.f32 [tilespmem:s11], [sflag:$0x5], $0x80, s20, s13, $0xb8;
	[tilespmem:$0x1F280] =	vst v63  }
0x2b: {  	_ =	swait.ge [sflag:s16], $0x1400  }
0x2c: {  	[sflag:s16] =	ssyncset.done $0x0  }
0x2d: {  	[sflag:s16] =	ssyncadd.s32 $0xFFFFEC00  }
0x2e: {  	_ =	swait.ge [sflag:s19], $0x1400  }
0x2f: {  	[sflag:s19] =	ssyncset.done $0x0  }
0x30: {  	[sflag:s19] =	ssyncadd.s32 $0xFFFFEC00  }
0x31: {  	[bflag:$0x0] =	sbarrier.arrive $0xFFFF  }
0x32: {  	s24 =	rddreg [dreg:$0x5]  }
0x33: {  	s23 =	rddreg [dreg:$0xd]  }
0x34: {  	s26 =	rddreg [dreg:$0x15]  }
0x35: {  	[hbm:s23], [sflag:s24] =	dma.local [spmem:s26], $0x2700  }
0x36: {  	_ =	swait.ge [sflag:s29], $0x2700  }
0x37: {  	[sflag:s29] =	ssyncset.done $0x0;
	s23 =	rddreg [dreg:$0xe]  }
0x38: {  	s26 =	rddreg [dreg:$0x16];
	[sflag:s29] =	ssyncadd.s32 $0xFFFFD900  }
0x39: {  	[hbm:s23], [sflag:s24] =	dma.local @!p0 [spmem:s26], $0x100  }
0x3a: {  	s23 =	simm.s32 @!p0 $0x6  }
0x3b: {  	_ =	swait.ge @!p0 [sflag:s23], $0x100  }
0x3c: {  	s28 =	rddreg [dreg:$0x14]  }
0x3d: {  	s8 =	rddreg [dreg:$0xf];
	s28 =	sadd.s32 $0x1, s28  }
0x3e: {  	p1 =	sne.s32 s28, s8  }
.Ltmp1:
0x3f: {  	_ = 	snop;
	(pc) =	sbr.rel @!p1 .LBB2_7-.Ltmp1, $3  }
0x40: {  	_ =	sdelay $0x1  }
0x41: {  	[sflag:s23] =	ssyncset.done @!p0 $0x0  }
0x42: {  	[sflag:s23] =	ssyncadd.s32 @!p0 $0xFFFFFF00  }
.LBB2_1:
0x43: {  	[dreg:$0x14] =	wrdreg s28  }
0x44: {  	s23 =	rddreg [dreg:$0x3]  }
0x45: {  	s8 =	rddreg [dreg:$0x4];
	s26 =	sshrl.u32 s23, $0x3  }
0x46: {  	[dreg:$0x15] =	wrdreg s26  }
0x47: {  	[spmem:s26], [sflag:s24] =	dma.local [hbm:s8], $0x2700  }
0x48: {  	_ =	swait.ge [sflag:s29], $0x2700  }
0x49: {  	s23 =	rddreg [dreg:$0x6]  }
0x4a: {  	[sflag:s29] =	ssyncset.done $0x0;
	s8 =	rddreg [dreg:$0x8];
	s23 =	sshrl.u32 @!p0 s23, $0x3  }
0x4b: {  	[sflag:s29] =	ssyncadd.s32 $0xFFFFD900;
	[dreg:$0x16] =	wrdreg s23  }
0x4c: {  	[spmem:s23], [sflag:s24] =	dma.local @!p0 [hbm:s8], $0x100  }
0x4d: {  	s23 =	simm.s32 @!p0 $0x6  }
0x4e: {  	_ =	swait.ge @!p0 [sflag:s23], $0x100  }
0x4f: {  	[sflag:s23] =	ssyncset.done @!p0 $0x0  }
0x50: {  	[sflag:s23] =	ssyncadd.s32 @!p0 $0xFFFFFF00  }
0x51: {  	[bflag:$0x0] =	sbarrier.arrive $0xFFFF  }
0x52: {  	s28 =	rddreg [dreg:$0x7]  }
0x53: {  	[tilespmem:s30], [sflag:$0x6] =	stream.linear.gather [hbm4b:s28+s3], $0x100, $0x38;
	[tilespmem:$0x1F280] =	vst v63  }
0x54: {  	_ =	swait.ge [sflag:s29], $0x100  }
0x55: {  	[sflag:s29] =	ssyncset.done $0x0  }
0x56: {  	[sflag:s29] =	ssyncadd.s32 $0xFFFFFF00  }
0x57: {  	[tilespmem:s0], [sflag:$0x1] =	stream.indirect.gather [hbm4b:s4+s31], $0x80, s30, s31, $0xb8;
	[tilespmem:$0x1F280] =	vst v63  }
0x58: {  	s8 =	rddreg [dreg:$0x10]  }
0x59: {  	[tilespmem:s2], [sflag:$0x6] =	stream.linear.gather [hbm4b:s8+s3], $0x100, $0x38;
	[tilespmem:$0x1F280] =	vst v63  }
0x5a: {  	_ =	swait.ge [sflag:s29], $0x100  }
0x5b: {  	[sflag:s29] =	ssyncset.done $0x0  }
0x5c: {  	[sflag:s29] =	ssyncadd.s32 $0xFFFFFF00  }
0x5d: {  	[tilespmem:s11], [sflag:$0x2] =	stream.indirect.gather [hbm4b:s4+s31], $0x80, s2, s31, $0xb8;
	[tilespmem:$0x1F280] =	vst v63  }
0x5e: {  	_ =	swait.ge [sflag:s14], $0x2800  }
0x5f: {  	[sflag:s14] =	ssyncset.done $0x0  }
0x60: {  	[sflag:s14] =	ssyncadd.s32 $0xFFFFD800  }
0x61: {  	[spmem:s1] =	stream.indirect.scatter.add.f32 [tilespmem:s0], [sflag:$0x4], $0x80, s15, s31, $0xb8;
	[tilespmem:$0x1F280] =	vst v63  }
0x62: {  	_ =	swait.ge [sflag:s16], $0x2800  }
0x63: {  	[sflag:s16] =	ssyncset.done $0x0  }
0x64: {  	s24 =	rddreg [dreg:$0x12];
	[sflag:s16] =	ssyncadd.s32 $0xFFFFD800  }
0x65: {  	[tilespmem:s30], [sflag:$0x6] =	stream.linear.gather [hbm4b:s24+s3], $0x100, $0x38;
	[tilespmem:$0x1F280] =	vst v63  }
0x66: {  	_ =	swait.ge [sflag:s29], $0x100  }
0x67: {  	[sflag:s29] =	ssyncset.done $0x0  }
0x68: {  	[sflag:s29] =	ssyncadd.s32 $0xFFFFFF00  }
0x69: {  	[tilespmem:s0], [sflag:$0x1] =	stream.indirect.gather [hbm4b:s4+s31], $0x80, s30, s31, $0xb8;
	[tilespmem:$0x1F280] =	vst v63  }
0x6a: {  	_ =	swait.ge [sflag:s17], $0x2800  }
0x6b: {  	[sflag:s17] =	ssyncset.done $0x0  }
0x6c: {  	[sflag:s17] =	ssyncadd.s32 $0xFFFFD800  }
0x6d: {  	[spmem:s1] =	stream.indirect.scatter.add.f32 [tilespmem:s11], [sflag:$0x5], $0x80, s18, s31, $0xb8;
	[tilespmem:$0x1F280] =	vst v63  }
0x6e: {  	_ =	swait.ge [sflag:s19], $0x2800  }
0x6f: {  	[sflag:s19] =	ssyncset.done $0x0  }
0x70: {  	s26 =	sadd.s32 $0x0, s22;
	[sflag:s19] =	ssyncadd.s32 $0xFFFFD800  }
0x71: {  	[tilespmem:s2], [sflag:$0x6] =	stream.linear.gather [hbm4b:s26+s3], $0x100, $0x38;
	[tilespmem:$0x1F280] =	vst v63  }
0x72: {  	_ =	swait.ge [sflag:s29], $0x100  }
0x73: {  	[sflag:s29] =	ssyncset.done $0x0  }
0x74: {  	[sflag:s29] =	ssyncadd.s32 $0xFFFFFF00  }
0x75: {  	[tilespmem:s11], [sflag:$0x2] =	stream.indirect.gather [hbm4b:s4+s31], $0x80, s2, s31, $0xb8;
	[tilespmem:$0x1F280] =	vst v63  }
0x76: {  	_ =	swait.ge [sflag:s14], $0x2800  }
0x77: {  	[sflag:s14] =	ssyncset.done $0x0  }
0x78: {  	[sflag:s14] =	ssyncadd.s32 $0xFFFFD800  }
0x79: {  	[spmem:s1] =	stream.indirect.scatter.add.f32 [tilespmem:s0], [sflag:$0x4], $0x80, s15, s31, $0xb8;
	[tilespmem:$0x1F280] =	vst v63  }
0x7a: {  	_ =	swait.ge [sflag:s16], $0x2800  }
0x7b: {  	[sflag:s16] =	ssyncset.done $0x0  }
0x7c: {  	s28 =	sadd.s32 $0x0, s21;
	[sflag:s16] =	ssyncadd.s32 $0xFFFFD800  }
0x7d: {  	[tilespmem:s30], [sflag:$0x6] =	stream.linear.gather [hbm4b:s28+s3], $0x100, $0x38;
	[tilespmem:$0x1F280] =	vst v63  }
0x7e: {  	_ =	swait.ge [sflag:s29], $0x100  }
0x7f: {  	[sflag:s29] =	ssyncset.done $0x0  }
0x80: {  	[sflag:s29] =	ssyncadd.s32 $0xFFFFFF00  }
0x81: {  	[tilespmem:s0], [sflag:$0x1] =	stream.indirect.gather [hbm4b:s4+s31], $0x80, s30, s31, $0xb8;
	[tilespmem:$0x1F280] =	vst v63  }
0x82: {  	_ =	swait.ge [sflag:s17], $0x2800  }
0x83: {  	[sflag:s17] =	ssyncset.done $0x0  }
0x84: {  	s23 =	simm.s32 $0x40;
	[sflag:s17] =	ssyncadd.s32 $0xFFFFD800  }
.LBB2_2:
0x85: {  	[spmem:s1] =	stream.indirect.scatter.add.f32 [tilespmem:s11], [sflag:$0x5], $0x80, s18, s31, $0xb8;
	[tilespmem:$0x1F280] =	vst v63  }
0x86: {  	s26 =	smov.u32 s23  }
0x87: {  	p1 =	sne.s32 s23, $0xEC0;
	s23 =	sadd.s32 $0x40, s23;
	_ =	swait.ge [sflag:s19], $0x2800  }
0x88: {  	[sflag:s19] =	ssyncset.done $0x0  }
0x89: {  	s24 =	sadd.s32 s26, s22;
	[sflag:s19] =	ssyncadd.s32 $0xFFFFD800  }
0x8a: {  	[tilespmem:s2], [sflag:$0x6] =	stream.linear.gather [hbm4b:s24+s3], $0x100, $0x38;
	[tilespmem:$0x1F280] =	vst v63  }
0x8b: {  	_ =	swait.ge [sflag:s29], $0x100  }
0x8c: {  	[sflag:s29] =	ssyncset.done $0x0  }
0x8d: {  	[sflag:s29] =	ssyncadd.s32 $0xFFFFFF00  }
0x8e: {  	[tilespmem:s11], [sflag:$0x2] =	stream.indirect.gather [hbm4b:s4+s31], $0x80, s2, s31, $0xb8;
	[tilespmem:$0x1F280] =	vst v63  }
0x8f: {  	_ =	swait.ge [sflag:s14], $0x2800  }
0x90: {  	[sflag:s14] =	ssyncset.done $0x0  }
0x91: {  	[sflag:s14] =	ssyncadd.s32 $0xFFFFD800  }
0x92: {  	[spmem:s1] =	stream.indirect.scatter.add.f32 [tilespmem:s0], [sflag:$0x4], $0x80, s15, s31, $0xb8;
	[tilespmem:$0x1F280] =	vst v63  }
0x93: {  	_ =	swait.ge [sflag:s16], $0x2800  }
0x94: {  	[sflag:s16] =	ssyncset.done $0x0  }
0x95: {  	s24 =	sadd.s32 s26, s21;
	[sflag:s16] =	ssyncadd.s32 $0xFFFFD800  }
0x96: {  	[tilespmem:s30], [sflag:$0x6] =	stream.linear.gather [hbm4b:s24+s3], $0x100, $0x38;
	[tilespmem:$0x1F280] =	vst v63  }
0x97: {  	_ =	swait.ge [sflag:s29], $0x100  }
0x98: {  	[sflag:s29] =	ssyncset.done $0x0  }
.Ltmp2:
0x99: {  	[sflag:s29] =	ssyncadd.s32 $0xFFFFFF00;
	(pc) =	sbr.rel @p1 .LBB2_2-.Ltmp2, $4  }
0x9a: {  	[tilespmem:s0], [sflag:$0x1] =	stream.indirect.gather [hbm4b:s4+s31], $0x80, s30, s31, $0xb8;
	[tilespmem:$0x1F280] =	vst v63  }
0x9b: {  	_ =	swait.ge [sflag:s17], $0x2800  }
0x9c: {  	[sflag:s17] =	ssyncset.done $0x0  }
0x9d: {  	[sflag:s17] =	ssyncadd.s32 $0xFFFFD800  }
0x9e: {  	[spmem:s1] =	stream.indirect.scatter.add.f32 [tilespmem:s11], [sflag:$0x5], $0x80, s18, s31, $0xb8;
	[tilespmem:$0x1F280] =	vst v63  }
0x9f: {  	_ =	swait.ge [sflag:s19], $0x2800  }
0xa0: {  	[sflag:s19] =	ssyncset.done $0x0  }
0xa1: {  	s23 =	rddreg [dreg:$0x13];
	[sflag:s19] =	ssyncadd.s32 $0xFFFFD800  }
0xa2: {  	[tilespmem:s2], [sflag:$0x6] =	stream.linear.gather [hbm4b:s23+s3], $0x100, $0x38;
	[tilespmem:$0x1F280] =	vst v63  }
0xa3: {  	_ =	swait.ge [sflag:s29], $0x100  }
0xa4: {  	[sflag:s29] =	ssyncset.done $0x0  }
0xa5: {  	[sflag:s29] =	ssyncadd.s32 $0xFFFFFF00  }
0xa6: {  	[tilespmem:s11], [sflag:$0x2] =	stream.indirect.gather [hbm4b:s4+s31], $0x80, s2, s31, $0xb8;
	[tilespmem:$0x1F280] =	vst v63  }
0xa7: {  	_ =	swait.ge [sflag:s14], $0x2800  }
0xa8: {  	[sflag:s14] =	ssyncset.done $0x0  }
0xa9: {  	[sflag:s14] =	ssyncadd.s32 $0xFFFFD800  }
0xaa: {  	[spmem:s1] =	stream.indirect.scatter.add.f32 [tilespmem:s0], [sflag:$0x4], $0x80, s15, s31, $0xb8;
	[tilespmem:$0x1F280] =	vst v63  }
0xab: {  	_ =	swait.ge [sflag:s17], $0x2800  }
0xac: {  	[sflag:s17] =	ssyncset.done $0x0  }
0xad: {  	[sflag:s17] =	ssyncadd.s32 $0xFFFFD800  }
0xae: {  	[spmem:s1] =	stream.indirect.scatter.add.f32 [tilespmem:s11], [sflag:$0x5], $0x80, s18, s31, $0xb8;
	[tilespmem:$0x1F280] =	vst v63  }
0xaf: {  	_ =	swait.ge [sflag:s16], $0x2800  }
0xb0: {  	[sflag:s16] =	ssyncset.done $0x0  }
0xb1: {  	s28 =	rddreg [dreg:$0x9];
	[sflag:s16] =	ssyncadd.s32 $0xFFFFD800  }
0xb2: {  	[tilespmem:s30], [sflag:$0x6] =	stream.linear.gather [hbm4b:s28+s3], $0x100, $0x38;
	[tilespmem:$0x1F280] =	vst v63  }
0xb3: {  	_ =	swait.ge [sflag:s29], $0x100  }
0xb4: {  	[sflag:s29] =	ssyncset.done $0x0  }
0xb5: {  	[sflag:s29] =	ssyncadd.s32 $0xFFFFFF00  }
0xb6: {  	[tilespmem:s0], [sflag:$0x1] =	stream.indirect.gather [hbm4b:s4+s31], $0x80, s30, s31, $0xb8;
	[tilespmem:$0x1F280] =	vst v63  }
0xb7: {  	_ =	swait.ge [sflag:s14], $0x2800  }
0xb8: {  	[sflag:s14] =	ssyncset.done $0x0  }
0xb9: {  	[sflag:s14] =	ssyncadd.s32 $0xFFFFD800  }
0xba: {  	[spmem:s1] =	stream.indirect.scatter.add.f32 [tilespmem:s0], [sflag:$0x4], $0x80, s15, s31, $0xb8;
	[tilespmem:$0x1F280] =	vst v63  }
0xbb: {  	_ =	swait.ge [sflag:s16], $0x2800  }
0xbc: {  	[sflag:s16] =	ssyncset.done $0x0  }
0xbd: {  	[sflag:s16] =	ssyncadd.s32 $0xFFFFD800  }
0xbe: {  	_ =	swait.ge [sflag:s19], $0x2800  }
0xbf: {  	[sflag:s19] =	ssyncset.done $0x0  }
0xc0: {  	[sflag:s19] =	ssyncadd.s32 $0xFFFFD800  }
0xc1: {  	[bflag:$0x0] =	sbarrier.arrive $0xFFFF  }
0xc2: {  	s28 =	rddreg [dreg:$0x5]  }
0xc3: {  	s8 =	rddreg [dreg:$0xa]  }
0xc4: {  	s24 =	rddreg [dreg:$0x15]  }
0xc5: {  	[hbm:s8], [sflag:s28] =	dma.local [spmem:s24], $0x2700  }
0xc6: {  	_ =	swait.ge [sflag:s29], $0x2700  }
0xc7: {  	[sflag:s29] =	ssyncset.done $0x0;
	s24 =	rddreg [dreg:$0x3]  }
0xc8: {  	s26 =	rddreg [dreg:$0x4];
	[sflag:s29] =	ssyncadd.s32 $0xFFFFD900;
	s23 =	sshrl.u32 @p0 s24, $0x3  }
0xc9: {  	[spmem:s23], [sflag:s28] =	dma.local @p0 [hbm:s26], $0x2700  }
0xca: {  	s23 =	simm.s32 @p0 $0x6  }
0xcb: {  	_ =	swait.ge @p0 [sflag:s23], $0x2700  }
0xcc: {  	[sflag:s23] =	ssyncset.done @p0 $0x0;
	s8 =	rddreg [dreg:$0x16]  }
0xcd: {  	[sflag:s23] =	ssyncadd.s32 @p0 $0xFFFFD900;
	s23 =	rddreg [dreg:$0xb]  }
0xce: {  	[hbm:s23], [sflag:s28] =	dma.local @!p0 [spmem:s8], $0x100  }
0xcf: {  	s23 =	simm.s32 @!p0 $0x6  }
0xd0: {  	_ =	swait.ge @!p0 [sflag:s23], $0x100  }
0xd1: {  	[sflag:s23] =	ssyncset.done @!p0 $0x0  }
0xd2: {  	s24 =	sshrl.u32 @!p0 s24, $0x3;
	[sflag:s23] =	ssyncadd.s32 @!p0 $0xFFFFFF00  }
0xd3: {  	[spmem:s24], [sflag:s28] =	dma.local @!p0 [hbm:s26], $0x2700  }
0xd4: {  	_ =	swait.ge @!p0 [sflag:s23], $0x2700  }
0xd5: {  	[sflag:s23] =	ssyncset.done @!p0 $0x0  }
0xd6: {  	s24 =	rddreg [dreg:$0x8];
	[sflag:s23] =	ssyncadd.s32 @!p0 $0xFFFFD900  }
0xd7: {  	[spmem:s8], [sflag:s28] =	dma.local @!p0 [hbm:s24], $0x100  }
0xd8: {  	_ =	swait.ge @!p0 [sflag:s23], $0x100  }
0xd9: {  	[sflag:s23] =	ssyncset.done @!p0 $0x0  }
0xda: {  	[sflag:s23] =	ssyncadd.s32 @!p0 $0xFFFFFF00  }
0xdb: {  	[bflag:$0x0] =	sbarrier.arrive $0xFFFF  }
0xdc: {  	s28 =	simm.s32 $0x13880;
	s23 =	simm.s32 $0x0;
	s26 =	rddreg [dreg:$0xc]  }
0xdd: {  	[tilespmem:s28], [sflag:$0x6] =	stream.linear.gather [hbm4b:s26+s23], $0x180, $0x38;
	[tilespmem:$0x1F280] =	vst v63  }
0xde: {  	_ =	swait.ge [sflag:s29], $0x180  }
0xdf: {  	[sflag:s29] =	ssyncset.done $0x0  }
0xe0: {  	[sflag:s29] =	ssyncadd.s32 $0xFFFFFE80  }
0xe1: {  	v3 =	vld [tilespmem:$0x13880];
	_ =	sdelay $0x4  }
0xe2: {  	v4 =	vshll.u32 v3, $0x1  }
0xe3: {  	v3 =	vand.u32 $0x7, v3;
	v4 =	vand.u32 $0xFFFFFFF0, v4  }
0xe4: {  	v3 =	vor.u32 v3, v4  }
0xe5: {  	v4 =	vperm.xlane v3, v0;
	_ =	sdelay $0x1  }
0xe6: {  	v3 =	vperm.xlane v3, v2;
	v4 =	vadd.s32 v1, v4;
	_ =	sdelay $0x1  }
0xe7: {  	v3 =	vadd.s32 v1, v3;
	_ =	sdelay $0x1  }
0xe8: {  	s8 =	simm.s32 $0x13E80  }
0xe9: {  	[tilespmem:s8], [sflag:$0x1] =	stream.indirect_vreg.gather [hbm4b:s5+s23], $0x80, v4, vm0, $0xb8;
	[tilespmem:$0x1F280] =	vst v63  }
0xea: {  	s26 =	simm.s32 $0x14680  }
0xeb: {  	[tilespmem:s26], [sflag:$0x1] =	stream.indirect_vreg.gather [hbm4b:s5+s23], $0x80, v3, vm0, $0xb8;
	[tilespmem:$0x1F280] =	vst v63  }
0xec: {  	v3 =	vld [tilespmem:$0x13890];
	_ =	sdelay $0x4  }
0xed: {  	v62 =	vshll.u32 v3, $0x1  }
0xee: {  	v3 =	vand.u32 $0x7, v3;
	v4 =	vand.u32 $0xFFFFFFF0, v62  }
0xef: {  	v3 =	vor.u32 v3, v4  }
0xf0: {  	v4 =	vperm.xlane v3, v0;
	_ =	sdelay $0x1  }
0xf1: {  	v3 =	vperm.xlane v3, v2;
	v4 =	vadd.s32 v1, v4;
	_ =	sdelay $0x1  }
0xf2: {  	v3 =	vadd.s32 v1, v3;
	_ =	sdelay $0x1  }
0xf3: {  	s28 =	simm.s32 $0x14E80  }
0xf4: {  	[tilespmem:s28], [sflag:$0x1] =	stream.indirect_vreg.gather [hbm4b:s5+s23], $0x80, v4, vm0, $0xb8;
	[tilespmem:$0x1F280] =	vst v63  }
0xf5: {  	s8 =	simm.s32 $0x15680  }
0xf6: {  	[tilespmem:s8], [sflag:$0x1] =	stream.indirect_vreg.gather [hbm4b:s5+s23], $0x80, v3, vm0, $0xb8;
	[tilespmem:$0x1F280] =	vst v63  }
0xf7: {  	v3 =	vld.msk [tilespmem:$0x138A0], $0xff;
	_ =	sdelay $0x4  }
0xf8: {  	v63 =	vshll.u32 v3, $0x1  }
0xf9: {  	v3 =	vand.u32 $0x7, v3;
	v4 =	vand.u32 $0xFFFFFFF0, v63  }
0xfa: {  	v3 =	vor.u32 v3, v4  }
0xfb: {  	v3 =	vperm.xlane v3, v0;
	_ =	sdelay $0x1  }
0xfc: {  	v3 =	vadd.s32 v1, v3;
	_ =	sdelay $0x3  }
0xfd: {  	s26 =	simm.s32 $0x15E80  }
0xfe: {  	[tilespmem:s26], [sflag:$0x1] =	stream.indirect_vreg.gather [hbm4b:s5+s23], $0x80, v3, vm0, $0xb8;
	[tilespmem:$0x1F280] =	vst v63  }
0xff: {  	s28 =	simm.s32 $0x13900;
	s8 =	simm.s32 $0x13B00;
	s26 =	rddreg [dreg:$0x11]  }
0x100: {  	[tilespmem:s9], [sflag:$0x3] =	stream.indirect.gather [hbm4b:s6+s13], $0x80, s28, s13, $0xb8;
	[tilespmem:$0x1F280] =	vst v63  }
.LBB2_4:
0x101: {  	p1 =	seq.s32 s23, $0x0  }
0x102: {  	s24 =	simm.s32 @!p1 $0x5  }
0x103: {  	_ =	swait.ge @!p1 [sflag:s24], $0x1400  }
0x104: {  	[sflag:s24] =	ssyncset.done @!p1 $0x0  }
0x105: {  	s28 =	simm.s32 $0x13A80;
	[sflag:s24] =	ssyncadd.s32 @!p1 $0xFFFFEC00;
	s24 =	sadd.s32 s23, s25  }
0x106: {  	[tilespmem:s28], [sflag:$0x6] =	stream.linear.gather [hbm4b:s24+s3], $0x180, $0x38;
	[tilespmem:$0x1F280] =	vst v63  }
0x107: {  	_ =	swait.ge [sflag:s29], $0x180  }
0x108: {  	[sflag:s29] =	ssyncset.done $0x0  }
0x109: {  	[sflag:s29] =	ssyncadd.s32 $0xFFFFFE80  }
0x10a: {  	v3 =	vld [tilespmem:$0x13A80];
	_ =	sdelay $0x4  }
0x10b: {  	v4 =	vshll.u32 v3, $0x1  }
0x10c: {  	v3 =	vand.u32 $0x7, v3;
	v4 =	vand.u32 $0xFFFFFFF0, v4  }
0x10d: {  	v3 =	vor.u32 v3, v4  }
0x10e: {  	v4 =	vperm.xlane v3, v0;
	_ =	sdelay $0x1  }
0x10f: {  	v3 =	vperm.xlane v3, v2;
	v4 =	vadd.s32 v1, v4;
	_ =	sdelay $0x1  }
0x110: {  	v3 =	vadd.s32 v1, v3;
	_ =	sdelay $0x1  }
0x111: {  	s28 =	simm.s32 $0x16680  }
0x112: {  	[tilespmem:s28], [sflag:$0x2] =	stream.indirect_vreg.gather [hbm4b:s5+s3], $0x80, v4, vm0, $0xb8;
	[tilespmem:$0x1F280] =	vst v63  }
0x113: {  	s28 =	simm.s32 $0x16E80  }
0x114: {  	[tilespmem:s28], [sflag:$0x2] =	stream.indirect_vreg.gather [hbm4b:s5+s3], $0x80, v3, vm0, $0xb8;
	[tilespmem:$0x1F280] =	vst v63  }
0x115: {  	v3 =	vld [tilespmem:$0x13A90];
	_ =	sdelay $0x4  }
0x116: {  	v62 =	vshll.u32 v3, $0x1  }
0x117: {  	v3 =	vand.u32 $0x7, v3;
	v4 =	vand.u32 $0xFFFFFFF0, v62  }
0x118: {  	v3 =	vor.u32 v3, v4  }
0x119: {  	v4 =	vperm.xlane v3, v0;
	_ =	sdelay $0x1  }
0x11a: {  	v3 =	vperm.xlane v3, v2;
	v4 =	vadd.s32 v1, v4;
	_ =	sdelay $0x1  }
0x11b: {  	v3 =	vadd.s32 v1, v3;
	_ =	sdelay $0x1  }
0x11c: {  	s28 =	simm.s32 $0x17680  }
0x11d: {  	[tilespmem:s28], [sflag:$0x2] =	stream.indirect_vreg.gather [hbm4b:s5+s3], $0x80, v4, vm0, $0xb8;
	[tilespmem:$0x1F280] =	vst v63  }
0x11e: {  	s28 =	simm.s32 $0x17E80  }
0x11f: {  	[tilespmem:s28], [sflag:$0x2] =	stream.indirect_vreg.gather [hbm4b:s5+s3], $0x80, v3, vm0, $0xb8;
	[tilespmem:$0x1F280] =	vst v63  }
0x120: {  	v3 =	vld.msk [tilespmem:$0x13AA0], $0xff;
	_ =	sdelay $0x4  }
0x121: {  	v63 =	vshll.u32 v3, $0x1  }
0x122: {  	v3 =	vand.u32 $0x7, v3;
	v4 =	vand.u32 $0xFFFFFFF0, v63  }
0x123: {  	v3 =	vor.u32 v3, v4  }
0x124: {  	v3 =	vperm.xlane v3, v0;
	_ =	sdelay $0x1  }
0x125: {  	v3 =	vadd.s32 v1, v3;
	_ =	sdelay $0x3  }
0x126: {  	s28 =	simm.s32 $0x18680  }
0x127: {  	[tilespmem:s28], [sflag:$0x2] =	stream.indirect_vreg.gather [hbm4b:s5+s3], $0x80, v3, vm0, $0xb8;
	[tilespmem:$0x1F280] =	vst v63  }
0x128: {  	_ =	swait.ge [sflag:s14], $0x2800  }
0x129: {  	[sflag:s14] =	ssyncset.done $0x0  }
0x12a: {  	[sflag:s14] =	ssyncadd.s32 $0xFFFFD800  }
0x12b: {  	p1 =	seq.s32 s23, $0x3E00;
	_ =	swait.ge [sflag:s12], $0x1400  }
.Ltmp3:
0x12c: {  	[sflag:s12] =	ssyncset.done $0x0;
	(pc) =	sbr.rel @p1 .LBB2_6-.Ltmp3, $4  }
0x12d: {  	[sflag:s12] =	ssyncadd.s32 $0xFFFFEC00  }
0x12e: {  	[tilespmem:s9], [sflag:$0x3] =	stream.indirect.gather [hbm4b:s6+s13], $0x80, s8, s13, $0xb8;
	[tilespmem:$0x1F280] =	vst v63  }
0x12f: {  	_ = 	snop  }
0x130: {  	[spmem:s1] =	stream.indirect.scatter.add.f32 [tilespmem:s0], [sflag:$0x4], $0x80, s10, s13, $0xb8;
	[tilespmem:$0x1F280] =	vst v63  }
0x131: {  	_ =	swait.ge [sflag:s16], $0x1400  }
0x132: {  	s24 =	sshrl.u32 s26, $0x3;
	[sflag:s16] =	ssyncset.done $0x0  }
0x133: {  	s28 =	simm.s32 $0x13880;
	s24 =	sadd.s32 s7, s24;
	[sflag:s16] =	ssyncadd.s32 $0xFFFFEC00  }
0x134: {  	[tilespmem:s28], [sflag:$0x6] =	stream.linear.gather [hbm4b:s24+s3], $0x180, $0x38;
	[tilespmem:$0x1F280] =	vst v63  }
0x135: {  	_ =	swait.ge [sflag:s29], $0x180  }
0x136: {  	[sflag:s29] =	ssyncset.done $0x0  }
0x137: {  	[sflag:s29] =	ssyncadd.s32 $0xFFFFFE80  }
0x138: {  	v3 =	vld [tilespmem:$0x13880];
	_ =	sdelay $0x4  }
0x139: {  	v4 =	vshll.u32 v3, $0x1  }
0x13a: {  	v3 =	vand.u32 $0x7, v3;
	v4 =	vand.u32 $0xFFFFFFF0, v4  }
0x13b: {  	v3 =	vor.u32 v3, v4  }
0x13c: {  	v4 =	vperm.xlane v3, v0;
	_ =	sdelay $0x1  }
0x13d: {  	v3 =	vperm.xlane v3, v2;
	v4 =	vadd.s32 v1, v4;
	_ =	sdelay $0x1  }
0x13e: {  	v3 =	vadd.s32 v1, v3;
	_ =	sdelay $0x1  }
0x13f: {  	s28 =	simm.s32 $0x13E80  }
0x140: {  	[tilespmem:s28], [sflag:$0x1] =	stream.indirect_vreg.gather [hbm4b:s5+s3], $0x80, v4, vm0, $0xb8;
	[tilespmem:$0x1F280] =	vst v63  }
0x141: {  	s28 =	simm.s32 $0x14680  }
0x142: {  	[tilespmem:s28], [sflag:$0x1] =	stream.indirect_vreg.gather [hbm4b:s5+s3], $0x80, v3, vm0, $0xb8;
	[tilespmem:$0x1F280] =	vst v63  }
0x143: {  	v3 =	vld [tilespmem:$0x13890];
	_ =	sdelay $0x4  }
0x144: {  	v62 =	vshll.u32 v3, $0x1  }
0x145: {  	v3 =	vand.u32 $0x7, v3;
	v4 =	vand.u32 $0xFFFFFFF0, v62  }
0x146: {  	v3 =	vor.u32 v3, v4  }
0x147: {  	v4 =	vperm.xlane v3, v0;
	_ =	sdelay $0x1  }
0x148: {  	v3 =	vperm.xlane v3, v2;
	v4 =	vadd.s32 v1, v4;
	_ =	sdelay $0x1  }
0x149: {  	v3 =	vadd.s32 v1, v3;
	_ =	sdelay $0x1  }
0x14a: {  	s28 =	simm.s32 $0x14E80  }
0x14b: {  	[tilespmem:s28], [sflag:$0x1] =	stream.indirect_vreg.gather [hbm4b:s5+s3], $0x80, v4, vm0, $0xb8;
	[tilespmem:$0x1F280] =	vst v63  }
0x14c: {  	s28 =	simm.s32 $0x15680  }
0x14d: {  	[tilespmem:s28], [sflag:$0x1] =	stream.indirect_vreg.gather [hbm4b:s5+s3], $0x80, v3, vm0, $0xb8;
	[tilespmem:$0x1F280] =	vst v63  }
0x14e: {  	v3 =	vld.msk [tilespmem:$0x138A0], $0xff;
	_ =	sdelay $0x4  }
0x14f: {  	v63 =	vshll.u32 v3, $0x1  }
0x150: {  	v3 =	vand.u32 $0x7, v3;
	v4 =	vand.u32 $0xFFFFFFF0, v63  }
0x151: {  	v3 =	vor.u32 v3, v4  }
0x152: {  	v3 =	vperm.xlane v3, v0;
	_ =	sdelay $0x1  }
0x153: {  	v3 =	vadd.s32 v1, v3;
	_ =	sdelay $0x3  }
0x154: {  	s28 =	simm.s32 $0x15E80  }
0x155: {  	[tilespmem:s28], [sflag:$0x1] =	stream.indirect_vreg.gather [hbm4b:s5+s3], $0x80, v3, vm0, $0xb8;
	[tilespmem:$0x1F280] =	vst v63  }
0x156: {  	_ =	swait.ge [sflag:s17], $0x2800  }
0x157: {  	[sflag:s17] =	ssyncset.done $0x0  }
0x158: {  	[sflag:s17] =	ssyncadd.s32 $0xFFFFD800  }
0x159: {  	_ =	swait.ge [sflag:s12], $0x1400  }
.Ltmp4:
0x15a: {  	[sflag:s12] =	ssyncset.done $0x0;
	(pc) =	sbr.rel .LBB2_4-.Ltmp4, $4  }
0x15b: {  	s28 =	simm.s32 $0x13900;
	[sflag:s12] =	ssyncadd.s32 $0xFFFFEC00  }
0x15c: {  	[tilespmem:s9], [sflag:$0x3] =	stream.indirect.gather [hbm4b:s6+s13], $0x80, s28, s13, $0xb8;
	[tilespmem:$0x1F280] =	vst v63  }
0x15d: {  	s23 =	sadd.s32 $0x80, s23;
	s26 =	sadd.s32 $0x400, s26  }
0x15e: {  	[spmem:s1] =	stream.indirect.scatter.add.f32 [tilespmem:s11], [sflag:$0x5], $0x80, s20, s13, $0xb8;
	[tilespmem:$0x1F280] =	vst v63  }
.LBB2_7:
0x15f: {  	_ =	sfence.sel $0x180000  }
0x160: {  	[bflag:$0x0] =	sbarrier.arrive $0xFFFF  }
0x161: {  	_ =	strace $0x90000050  }
0x162: {  	s0 =	stileid.u32;
	[bflag:$0x2] =	sbarrier.arrive $0xFFFF  }
0x163: {  	p0 =	sne.s32 s0, $0x0;
	s0 =	rddreg [dreg:$0x2]  }
0x164: {  	s0 =	sadd.s32 @!p0 $0x100000, s0  }
0x165: {  	[sflag:s0] =	ssyncadd.tile.s32 @!p0 $0x1;
	_ =	shalt  }
.Lfunc_end2:
_tile_overlayer_lowered:
.L_overlay_start_2:
0x166: {  	(tag) =	ssettag $0x2  }
0x167: {  	s0 =	rddreg [dreg:$0x0];
	s2 =	stileid.u32  }
0x168: {  	s1 =	rddreg [dreg:$0x1];
	p0 =	sne.s32 s2, $0x0  }
0x169: {  	s3 =	rddreg [dreg:$0x2];
	[bflag:$0x3] =	sbarrier.arrive $0xFFFF;
	s2 =	simm.s32 @!p0 $0x1C06  }
0x16a: {  	[timem:s3], [sflag:s2] =	dma.local @!p0 [hbm:s0], s1  }
0x16b: {  	s0 =	simm.s32 @!p0 $0x6  }
0x16c: {  	_ =	swait.ge @!p0 [sflag:s0], s1  }
0x16d: {  	s1 =	ssub.s32 @!p0 $0x0, s1;
	[sflag:s0] =	ssyncset.done @!p0 $0x0  }
0x16e: {  	[sflag:s0] =	ssyncadd.s32 @!p0 s1  }
0x16f: {  	[bflag:$0x3] =	sbarrier.arrive $0xFFFF  }
0x170: {  	_ =	shalt  }

</sc_bundles>
